<compile_context>
chip_gen: v7x
topology: tpu7x:2x2x1
jax: 0.10.2.dev20260603
libtpu: 0.0.44.dev20260713+nightly
codegen_flags: <defaults>
</compile_context>

<pallas_src>
import functools
import jax
import jax.numpy as jnp
from jax import lax
from jax.experimental import pallas as pl
from jax.experimental.pallas import tpu as pltpu
from jax.experimental.pallas import tpu_sc as plsc

_K = 8
_ROWS = 128
_COLS = 32768
_L = 16
_NC = 2
_NS = 16
_NW = _NC * _NS
_RPW = _ROWS // _NW
_VPR = _COLS // _L
_CHUNK = 16
_NCHUNK = _VPR // _CHUNK
_NEG = float("-inf")


def _sort16(x):
    r = plsc.sort_key_val(x, x, descending=True)
    return r[0] if isinstance(r, (tuple, list)) else r


def _merge16(C, x):
    xs = _sort16(x)
    y = jnp.maximum(xs, lax.rev(C, (0,)))
    return _sort16(y)


def _sc_body(in_hbm, out_hbm, buf0, buf1, cmax, hitlist, cand, stage,
             sem0, sem1):
    wid = lax.axis_index("s") * _NC + lax.axis_index("c")
    base = wid * _RPW
    bufs = [buf0, buf1]
    sems = [sem0, sem1]
    lane = lax.broadcasted_iota(jnp.int32, (_L,), 0)
    neg = jnp.full((_L,), _NEG, jnp.float32)
    zero_i = jnp.zeros((_L,), jnp.int32)
    copies = [None, None]

    def start(r):
        b = r % 2
        copies[b] = pltpu.async_copy(in_hbm.at[base + r], bufs[b], sems[b])

    start(0)
    for r in range(_RPW):
        b = r % 2
        copies[b].wait()
        if r + 1 < _RPW:
            start(r + 1)
        buf = bufs[b]

        @plsc.parallel_loop(0, _NCHUNK, 1, unroll=4, carry=neg)
        def m(c, acc):
            off = c * (_CHUNK * _L)
            a0, a1, a2, a3 = neg, neg, neg, neg
            for j in range(0, _CHUNK, 4):
                a0 = jnp.maximum(a0, buf[pl.ds(off + j * _L, _L)])
                a1 = jnp.maximum(a1, buf[pl.ds(off + (j + 1) * _L, _L)])
                a2 = jnp.maximum(a2, buf[pl.ds(off + (j + 2) * _L, _L)])
                a3 = jnp.maximum(a3, buf[pl.ds(off + (j + 3) * _L, _L)])
            mc = jnp.maximum(jnp.maximum(a0, a1), jnp.maximum(a2, a3))
            cm = plsc.cummax(mc)
            plsc.store_scatter(cmax, [jnp.full((_L,), c, jnp.int32)], cm,
                               mask=lane == _L - 1)
            return jnp.maximum(acc, mc)

        tau = jnp.full((_L,), _sort16(m)[_K - 1], jnp.float32)

        n = zero_i
        for g in range(_NCHUNK // _L):
            hc = cmax[pl.ds(g * _L, _L)]
            hit = hc >= tau
            cs = plsc.cumsum(hit.astype(jnp.int32))
            plsc.store_scatter(hitlist, [n + cs - 1], g * _L + lane, mask=hit)
            n = n + plsc.all_reduce_population_count(hit)
        nh = n[0]

        def compact(i, nc):
            cid = hitlist[pl.ds(i, _L)][0]
            off = cid * (_CHUNK * _L)
            for j in range(_CHUNK):
                x = buf[pl.ds(off + j * _L, _L)]
                hit = x >= tau
                cs = plsc.cumsum(hit.astype(jnp.int32))
                plsc.store_scatter(cand, [nc + cs - 1], x, mask=hit)
                nc = nc + plsc.all_reduce_population_count(hit)
            return nc

        nc = lax.fori_loop(0, nh, compact, zero_i)
        plsc.store_scatter(cand, [nc + lane], neg)

        nv = (nc[0] + _L - 1) // _L

        def merge_step(i, C):
            return _merge16(C, cand[pl.ds(i * _L, _L)])

        C = lax.fori_loop(0, nv, merge_step, neg)

        plsc.store_compressed(stage.at[pl.ds(r * _K, _L)], C, mask=lane < _K)

    pltpu.sync_copy(stage.at[pl.ds(0, _RPW * _K)],
                    out_hbm.at[pl.ds(base * _K, _RPW * _K)])


def kernel(inputs):
    mesh = plsc.VectorSubcoreMesh(core_axis_name="c", subcore_axis_name="s",
                                  num_cores=_NC, num_subcores=_NS)
    out = pl.kernel(
        _sc_body,
        out_type=jax.ShapeDtypeStruct((_ROWS * _K,), jnp.float32),
        mesh=mesh,
        compiler_params=pltpu.CompilerParams(needs_layout_passes=False),
        scratch_types=[
            pltpu.VMEM((_COLS,), jnp.float32),
            pltpu.VMEM((_COLS,), jnp.float32),
            pltpu.VMEM((_NCHUNK,), jnp.float32),
            pltpu.VMEM((_NCHUNK + _L,), jnp.int32),
            pltpu.VMEM((_COLS + _L,), jnp.float32),
            pltpu.VMEM((48,), jnp.float32),
            pltpu.SemaphoreType.DMA,
            pltpu.SemaphoreType.DMA,
        ],
    )(inputs)
    return out.reshape(_ROWS, _K)

# --- scband reference (transcript-rebuilt; emitter-appended) ---
"""Pipeline reference for scband-kmax-pooling-61993557951020 (READ-ONLY COPY).

The authoritative reference and input builder live on the scoring server;
editing this copy changes nothing except your own understanding.
"""

import jax, jax.numpy as jnp
import numpy as np

K = 8

def setup_inputs(seed: int = 0) -> dict:
    key = jax.random.key(seed)
    inputs = jax.random.normal(key, (128, 32768), dtype=jnp.float32)
    return {"inputs": inputs}

def reference(inputs):
    # KMaxPooling: k highest activations along axis 1, sorted descending
    top_vals, _ = jax.lax.top_k(inputs, K)
    return top_vals

if __name__ == "__main__":
    import jax
    _d = setup_inputs()
    print(jax.jit(kernel)(*tuple(_d.values())))

</pallas_src>

<mosaic_0001>
#map = affine_map<(d0, d1) -> (0, 0)>
#map1 = affine_map<(d0, d1) -> (0)>
module attributes {stable_mosaic.version = 14 : i64} {
  func.func @_sc_body(%arg0: i32, %arg1: i32, %arg2: memref<128x32768xf32, #tpu.memory_space<hbm>>, %arg3: memref<1024xf32, #tpu.memory_space<hbm>>, %arg4: memref<32768xf32, #tpu.memory_space<vmem>>, %arg5: memref<32768xf32, #tpu.memory_space<vmem>>, %arg6: memref<128xf32, #tpu.memory_space<vmem>>, %arg7: memref<144xi32, #tpu.memory_space<vmem>>, %arg8: memref<32784xf32, #tpu.memory_space<vmem>>, %arg9: memref<48xf32, #tpu.memory_space<vmem>>, %arg10: memref<!tpu.dma_semaphore, #tpu.memory_space<semaphore_mem>>, %arg11: memref<!tpu.dma_semaphore, #tpu.memory_space<semaphore_mem>>) attributes {dimension_semantics = [#tpu.dimension_semantics<core_parallel>, #tpu.dimension_semantics<subcore_parallel>], iteration_bounds = array<i64: 2, 16>, scalar_prefetch = 0 : i64, scratch_operands = 8 : i64, tpu.core_type = #tpu.core_type<sc_vector_subcore>, window_params = [{transform_indices = #map}, {transform_indices = #map1}]} {
    %mul3A = arith.constant 2 : i32
    %mul3A_0 = arith.muli %arg1, %mul3A : i32
    %add3A = arith.addi %mul3A_0, %arg0 : i32
    %mul3A_1 = arith.constant 4 : i32
    %mul3A_2 = arith.muli %add3A, %mul3A_1 : i32
    %iota3A = tpu.iota {dimensions = array<i32: 0>} : vector<16xi32>
    %broadcast_in_dim3A = arith.constant 0xFF800000 : f32
    %broadcast_in_dim3A_3 = vector.broadcast %broadcast_in_dim3A : f32 to vector<16xf32>
    %broadcast_in_dim3A_4 = arith.constant 0 : i32
    %broadcast_in_dim3A_5 = vector.broadcast %broadcast_in_dim3A_4 : i32 to vector<16xi32>
    %add3A_6 = arith.constant 0 : i32
    %add3A_7 = arith.addi %mul3A_2, %add3A_6 : i32
    %dma_start3A = arith.constant 0 : i32
    %dma_start3A_8 = tpu.memref_slice %arg2[%add3A_7, %dma_start3A] : memref<128x32768xf32, #tpu.memory_space<hbm>> -> memref<1x32768xf32, #tpu.memory_space<hbm>>
    %dma_start3A_9 = tpu.memref_squeeze %dma_start3A_8 : memref<1x32768xf32, #tpu.memory_space<hbm>> -> memref<32768xf32, #tpu.memory_space<hbm>>
    %dma_start3A_10 = arith.constant 0 : i32
    %dma_start3A_11 = tpu.memref_slice %arg2[%add3A_7, %dma_start3A_10] : memref<128x32768xf32, #tpu.memory_space<hbm>> -> memref<1x32768xf32, #tpu.memory_space<hbm>>
    %dma_start3A_12 = tpu.memref_squeeze %dma_start3A_11 : memref<1x32768xf32, #tpu.memory_space<hbm>> -> memref<32768xf32, #tpu.memory_space<hbm>>
    tpu.enqueue_dma source(%dma_start3A_12 : memref<32768xf32, #tpu.memory_space<hbm>>) target(%arg4 : memref<32768xf32, #tpu.memory_space<vmem>>) target_semaphore(%arg10 : memref<!tpu.dma_semaphore, #tpu.memory_space<semaphore_mem>>)
    %dma_wait3A = arith.constant 0 : i32
    %dma_wait3A_13 = tpu.memref_slice %arg2[%add3A_7, %dma_wait3A] : memref<128x32768xf32, #tpu.memory_space<hbm>> -> memref<1x32768xf32, #tpu.memory_space<hbm>>
    %dma_wait3A_14 = tpu.memref_squeeze %dma_wait3A_13 : memref<1x32768xf32, #tpu.memory_space<hbm>> -> memref<32768xf32, #tpu.memory_space<hbm>>
    %dma_wait3A_15 = arith.constant 0 : i32
    %dma_wait3A_16 = tpu.memref_slice %arg2[%add3A_7, %dma_wait3A_15] : memref<128x32768xf32, #tpu.memory_space<hbm>> -> memref<1x32768xf32, #tpu.memory_space<hbm>>
    %dma_wait3A_17 = tpu.memref_squeeze %dma_wait3A_16 : memref<1x32768xf32, #tpu.memory_space<hbm>> -> memref<32768xf32, #tpu.memory_space<hbm>>
    tpu.wait_dma2 semaphore(%arg10 : memref<!tpu.dma_semaphore, #tpu.memory_space<semaphore_mem>>) src(%dma_wait3A_17 : memref<32768xf32, #tpu.memory_space<hbm>>) dst(%arg4 : memref<32768xf32, #tpu.memory_space<vmem>>)
    %add3A_18 = arith.constant 1 : i32
    %add3A_19 = arith.addi %mul3A_2, %add3A_18 : i32
    %dma_start3A_20 = arith.constant 0 : i32
    %dma_start3A_21 = tpu.memref_slice %arg2[%add3A_19, %dma_start3A_20] : memref<128x32768xf32, #tpu.memory_space<hbm>> -> memref<1x32768xf32, #tpu.memory_space<hbm>>
    %dma_start3A_22 = tpu.memref_squeeze %dma_start3A_21 : memref<1x32768xf32, #tpu.memory_space<hbm>> -> memref<32768xf32, #tpu.memory_space<hbm>>
    %dma_start3A_23 = arith.constant 0 : i32
    %dma_start3A_24 = tpu.memref_slice %arg2[%add3A_19, %dma_start3A_23] : memref<128x32768xf32, #tpu.memory_space<hbm>> -> memref<1x32768xf32, #tpu.memory_space<hbm>>
    %dma_start3A_25 = tpu.memref_squeeze %dma_start3A_24 : memref<1x32768xf32, #tpu.memory_space<hbm>> -> memref<32768xf32, #tpu.memory_space<hbm>>
    tpu.enqueue_dma source(%dma_start3A_25 : memref<32768xf32, #tpu.memory_space<hbm>>) target(%arg5 : memref<32768xf32, #tpu.memory_space<vmem>>) target_semaphore(%arg11 : memref<!tpu.dma_semaphore, #tpu.memory_space<semaphore_mem>>)
    %parallel_loop3A = arith.constant 0 : i32
    %parallel_loop3A_26 = arith.constant 128 : i32
    %parallel_loop3A_27 = arith.constant 1 : i32
    %parallel_loop3A_28 = scf.for %parallel_loop3A_838 = %parallel_loop3A to %parallel_loop3A_26 step %parallel_loop3A_27 iter_args(%parallel_loop3A_839 = %broadcast_in_dim3A_3) -> (vector<16xf32>)  : i32 {
      %parallel_loop3A_840 = arith.constant 256 : i32
      %parallel_loop3A_841 = arith.muli %parallel_loop3A_838, %parallel_loop3A_840 : i32
      %parallel_loop3A_842 = arith.constant 0 : i32
      %parallel_loop3A_843 = arith.addi %parallel_loop3A_841, %parallel_loop3A_842 : i32
      %parallel_loop3A_844 = arith.index_cast %parallel_loop3A_843 : i32 to index
      %parallel_loop3A_845 = tpu.vector_load %arg4[%parallel_loop3A_844] {strides = array<i32>} : memref<32768xf32, #tpu.memory_space<vmem>>, vector<16xf32>,
      %parallel_loop3A_846 = arith.maximumf %broadcast_in_dim3A_3, %parallel_loop3A_845 : vector<16xf32>
      %parallel_loop3A_847 = arith.constant 16 : i32
      %parallel_loop3A_848 = arith.addi %parallel_loop3A_841, %parallel_loop3A_847 : i32
      %parallel_loop3A_849 = arith.index_cast %parallel_loop3A_848 : i32 to index
      %parallel_loop3A_850 = tpu.vector_load %arg4[%parallel_loop3A_849] {strides = array<i32>} : memref<32768xf32, #tpu.memory_space<vmem>>, vector<16xf32>,
      %parallel_loop3A_851 = arith.maximumf %broadcast_in_dim3A_3, %parallel_loop3A_850 : vector<16xf32>
      %parallel_loop3A_852 = arith.constant 32 : i32
      %parallel_loop3A_853 = arith.addi %parallel_loop3A_841, %parallel_loop3A_852 : i32
      %parallel_loop3A_854 = arith.index_cast %parallel_loop3A_853 : i32 to index
      %parallel_loop3A_855 = tpu.vector_load %arg4[%parallel_loop3A_854] {strides = array<i32>} : memref<32768xf32, #tpu.memory_space<vmem>>, vector<16xf32>,
      %parallel_loop3A_856 = arith.maximumf %broadcast_in_dim3A_3, %parallel_loop3A_855 : vector<16xf32>
      %parallel_loop3A_857 = arith.constant 48 : i32
      %parallel_loop3A_858 = arith.addi %parallel_loop3A_841, %parallel_loop3A_857 : i32
      %parallel_loop3A_859 = arith.index_cast %parallel_loop3A_858 : i32 to index
      %parallel_loop3A_860 = tpu.vector_load %arg4[%parallel_loop3A_859] {strides = array<i32>} : memref<32768xf32, #tpu.memory_space<vmem>>, vector<16xf32>,
      %parallel_loop3A_861 = arith.maximumf %broadcast_in_dim3A_3, %parallel_loop3A_860 : vector<16xf32>
      %parallel_loop3A_862 = arith.constant 64 : i32
      %parallel_loop3A_863 = arith.addi %parallel_loop3A_841, %parallel_loop3A_862 : i32
      %parallel_loop3A_864 = arith.index_cast %parallel_loop3A_863 : i32 to index
      %parallel_loop3A_865 = tpu.vector_load %arg4[%parallel_loop3A_864] {strides = array<i32>} : memref<32768xf32, #tpu.memory_space<vmem>>, vector<16xf32>,
      %parallel_loop3A_866 = arith.maximumf %parallel_loop3A_846, %parallel_loop3A_865 : vector<16xf32>
      %parallel_loop3A_867 = arith.constant 80 : i32
      %parallel_loop3A_868 = arith.addi %parallel_loop3A_841, %parallel_loop3A_867 : i32
      %parallel_loop3A_869 = arith.index_cast %parallel_loop3A_868 : i32 to index
      %parallel_loop3A_870 = tpu.vector_load %arg4[%parallel_loop3A_869] {strides = array<i32>} : memref<32768xf32, #tpu.memory_space<vmem>>, vector<16xf32>,
      %parallel_loop3A_871 = arith.maximumf %parallel_loop3A_851, %parallel_loop3A_870 : vector<16xf32>
      %parallel_loop3A_872 = arith.constant 96 : i32
      %parallel_loop3A_873 = arith.addi %parallel_loop3A_841, %parallel_loop3A_872 : i32
      %parallel_loop3A_874 = arith.index_cast %parallel_loop3A_873 : i32 to index
      %parallel_loop3A_875 = tpu.vector_load %arg4[%parallel_loop3A_874] {strides = array<i32>} : memref<32768xf32, #tpu.memory_space<vmem>>, vector<16xf32>,
      %parallel_loop3A_876 = arith.maximumf %parallel_loop3A_856, %parallel_loop3A_875 : vector<16xf32>
      %parallel_loop3A_877 = arith.constant 112 : i32
      %parallel_loop3A_878 = arith.addi %parallel_loop3A_841, %parallel_loop3A_877 : i32
      %parallel_loop3A_879 = arith.index_cast %parallel_loop3A_878 : i32 to index
      %parallel_loop3A_880 = tpu.vector_load %arg4[%parallel_loop3A_879] {strides = array<i32>} : memref<32768xf32, #tpu.memory_space<vmem>>, vector<16xf32>,
      %parallel_loop3A_881 = arith.maximumf %parallel_loop3A_861, %parallel_loop3A_880 : vector<16xf32>
      %parallel_loop3A_882 = arith.constant 128 : i32
      %parallel_loop3A_883 = arith.addi %parallel_loop3A_841, %parallel_loop3A_882 : i32
      %parallel_loop3A_884 = arith.index_cast %parallel_loop3A_883 : i32 to index
      %parallel_loop3A_885 = tpu.vector_load %arg4[%parallel_loop3A_884] {strides = array<i32>} : memref<32768xf32, #tpu.memory_space<vmem>>, vector<16xf32>,
      %parallel_loop3A_886 = arith.maximumf %parallel_loop3A_866, %parallel_loop3A_885 : vector<16xf32>
      %parallel_loop3A_887 = arith.constant 144 : i32
      %parallel_loop3A_888 = arith.addi %parallel_loop3A_841, %parallel_loop3A_887 : i32
      %parallel_loop3A_889 = arith.index_cast %parallel_loop3A_888 : i32 to index
      %parallel_loop3A_890 = tpu.vector_load %arg4[%parallel_loop3A_889] {strides = array<i32>} : memref<32768xf32, #tpu.memory_space<vmem>>, vector<16xf32>,
      %parallel_loop3A_891 = arith.maximumf %parallel_loop3A_871, %parallel_loop3A_890 : vector<16xf32>
      %parallel_loop3A_892 = arith.constant 160 : i32
      %parallel_loop3A_893 = arith.addi %parallel_loop3A_841, %parallel_loop3A_892 : i32
      %parallel_loop3A_894 = arith.index_cast %parallel_loop3A_893 : i32 to index
      %parallel_loop3A_895 = tpu.vector_load %arg4[%parallel_loop3A_894] {strides = array<i32>} : memref<32768xf32, #tpu.memory_space<vmem>>, vector<16xf32>,
      %parallel_loop3A_896 = arith.maximumf %parallel_loop3A_876, %parallel_loop3A_895 : vector<16xf32>
      %parallel_loop3A_897 = arith.constant 176 : i32
      %parallel_loop3A_898 = arith.addi %parallel_loop3A_841, %parallel_loop3A_897 : i32
      %parallel_loop3A_899 = arith.index_cast %parallel_loop3A_898 : i32 to index
      %parallel_loop3A_900 = tpu.vector_load %arg4[%parallel_loop3A_899] {strides = array<i32>} : memref<32768xf32, #tpu.memory_space<vmem>>, vector<16xf32>,
      %parallel_loop3A_901 = arith.maximumf %parallel_loop3A_881, %parallel_loop3A_900 : vector<16xf32>
      %parallel_loop3A_902 = arith.constant 192 : i32
      %parallel_loop3A_903 = arith.addi %parallel_loop3A_841, %parallel_loop3A_902 : i32
      %parallel_loop3A_904 = arith.index_cast %parallel_loop3A_903 : i32 to index
      %parallel_loop3A_905 = tpu.vector_load %arg4[%parallel_loop3A_904] {strides = array<i32>} : memref<32768xf32, #tpu.memory_space<vmem>>, vector<16xf32>,
      %parallel_loop3A_906 = arith.maximumf %parallel_loop3A_886, %parallel_loop3A_905 : vector<16xf32>
      %parallel_loop3A_907 = arith.constant 208 : i32
      %parallel_loop3A_908 = arith.addi %parallel_loop3A_841, %parallel_loop3A_907 : i32
      %parallel_loop3A_909 = arith.index_cast %parallel_loop3A_908 : i32 to index
      %parallel_loop3A_910 = tpu.vector_load %arg4[%parallel_loop3A_909] {strides = array<i32>} : memref<32768xf32, #tpu.memory_space<vmem>>, vector<16xf32>,
      %parallel_loop3A_911 = arith.maximumf %parallel_loop3A_891, %parallel_loop3A_910 : vector<16xf32>
      %parallel_loop3A_912 = arith.constant 224 : i32
      %parallel_loop3A_913 = arith.addi %parallel_loop3A_841, %parallel_loop3A_912 : i32
      %parallel_loop3A_914 = arith.index_cast %parallel_loop3A_913 : i32 to index
      %parallel_loop3A_915 = tpu.vector_load %arg4[%parallel_loop3A_914] {strides = array<i32>} : memref<32768xf32, #tpu.memory_space<vmem>>, vector<16xf32>,
      %parallel_loop3A_916 = arith.maximumf %parallel_loop3A_896, %parallel_loop3A_915 : vector<16xf32>
      %parallel_loop3A_917 = arith.constant 240 : i32
      %parallel_loop3A_918 = arith.addi %parallel_loop3A_841, %parallel_loop3A_917 : i32
      %parallel_loop3A_919 = arith.index_cast %parallel_loop3A_918 : i32 to index
      %parallel_loop3A_920 = tpu.vector_load %arg4[%parallel_loop3A_919] {strides = array<i32>} : memref<32768xf32, #tpu.memory_space<vmem>>, vector<16xf32>,
      %parallel_loop3A_921 = arith.maximumf %parallel_loop3A_901, %parallel_loop3A_920 : vector<16xf32>
      %parallel_loop3A_922 = arith.maximumf %parallel_loop3A_906, %parallel_loop3A_911 : vector<16xf32>
      %parallel_loop3A_923 = arith.maximumf %parallel_loop3A_916, %parallel_loop3A_921 : vector<16xf32>
      %parallel_loop3A_924 = arith.maximumf %parallel_loop3A_922, %parallel_loop3A_923 : vector<16xf32>
      %parallel_loop3A_925 = arith.constant true
      %parallel_loop3A_926 = vector.broadcast %parallel_loop3A_925 : i1 to vector<16xi1>
      %parallel_loop3A_927 = tpu.scan <max>, %parallel_loop3A_924 masked %parallel_loop3A_926 : vector<16xf32>, vector<16xi1> -> vector<16xf32>
      %parallel_loop3A_928 = vector.broadcast %parallel_loop3A_838 : i32 to vector<16xi32>
      %parallel_loop3A_929 = arith.constant 15 : i32
      %parallel_loop3A_930 = vector.broadcast %parallel_loop3A_929 : i32 to vector<16xi32>
      %parallel_loop3A_931 = arith.cmpi eq, %iota3A, %parallel_loop3A_930 : vector<16xi32>
      tpu.vector_store_idx %arg6[%parallel_loop3A_928], %parallel_loop3A_927 masked %parallel_loop3A_931 : memref<128xf32, #tpu.memory_space<vmem>>[vector<16xi32>], vector<16xf32>, vector<16xi1>
      %parallel_loop3A_932 = arith.maximumf %parallel_loop3A_839, %parallel_loop3A_924 : vector<16xf32>
      scf.yield %parallel_loop3A_932 : vector<16xf32>
    } {sc.loop_unroll_factor = 4 : i64, sc.parallel_access}
    %masked_sort3A = arith.constant dense<true> : vector<16xi1>
    %masked_sort3A_29, %masked_sort3A_30, %masked_sort3A_31 = tpu.sort %parallel_loop3A_28, %parallel_loop3A_28 masked %masked_sort3A {descending = true} : (vector<16xf32>, vector<16xf32>, vector<16xi1>) -> (vector<16xi1>, vector<16xf32>, vector<16xf32>)
    %slice3A = vector.extract_strided_slice %masked_sort3A_30 {offsets = [7], sizes = [1], strides = [1]} : vector<16xf32> to vector<1xf32>
    %squeeze3A = vector.extract %slice3A[0] : f32 from vector<1xf32>
    %broadcast_in_dim3A_32 = vector.broadcast %squeeze3A : f32 to vector<16xf32>
    %get3A = arith.constant 0 : index
    %get3A_33 = tpu.vector_load %arg6[%get3A] {strides = array<i32>} : memref<128xf32, #tpu.memory_space<vmem>>, vector<16xf32>,
    %ge3A = arith.cmpf oge, %get3A_33, %broadcast_in_dim3A_32 : vector<16xf32>
    %convert_element_type3A = arith.extui %ge3A : vector<16xi1> to vector<16xi32>
    %broadcast_in_dim3A_34 = arith.constant true
    %broadcast_in_dim3A_35 = vector.broadcast %broadcast_in_dim3A_34 : i1 to vector<16xi1>
    %masked_cumsum3A = tpu.scan <sum>, %convert_element_type3A masked %broadcast_in_dim3A_35 : vector<16xi32>, vector<16xi1> -> vector<16xi32>
    %add3A_36 = arith.addi %broadcast_in_dim3A_5, %masked_cumsum3A : vector<16xi32>
    %sub3A = arith.constant 1 : i32
    %sub3A_37 = vector.broadcast %sub3A : i32 to vector<16xi32>
    %sub3A_38 = arith.subi %add3A_36, %sub3A_37 : vector<16xi32>
    %add3A_39 = arith.constant 0 : i32
    %add3A_40 = vector.broadcast %add3A_39 : i32 to vector<16xi32>
    %add3A_41 = arith.addi %add3A_40, %iota3A : vector<16xi32>
    tpu.vector_store_idx %arg7[%sub3A_38], %add3A_41 masked %ge3A : memref<144xi32, #tpu.memory_space<vmem>>[vector<16xi32>], vector<16xi32>, vector<16xi1>
    %all_reduce_population_count3A = tpu.all_reduce %ge3A {dim = 0 : i64, kind = #tpu.reduction_kind<sum>} : vector<16xi1> -> vector<16xi32>
    %add3A_42 = arith.addi %broadcast_in_dim3A_5, %all_reduce_population_count3A : vector<16xi32>
    %get3A_43 = arith.constant 16 : index
    %get3A_44 = tpu.vector_load %arg6[%get3A_43] {strides = array<i32>} : memref<128xf32, #tpu.memory_space<vmem>>, vector<16xf32>,
    %ge3A_45 = arith.cmpf oge, %get3A_44, %broadcast_in_dim3A_32 : vector<16xf32>
    %convert_element_type3A_46 = arith.extui %ge3A_45 : vector<16xi1> to vector<16xi32>
    %broadcast_in_dim3A_47 = arith.constant true
    %broadcast_in_dim3A_48 = vector.broadcast %broadcast_in_dim3A_47 : i1 to vector<16xi1>
    %masked_cumsum3A_49 = tpu.scan <sum>, %convert_element_type3A_46 masked %broadcast_in_dim3A_48 : vector<16xi32>, vector<16xi1> -> vector<16xi32>
    %add3A_50 = arith.addi %add3A_42, %masked_cumsum3A_49 : vector<16xi32>
    %sub3A_51 = arith.constant 1 : i32
    %sub3A_52 = vector.broadcast %sub3A_51 : i32 to vector<16xi32>
    %sub3A_53 = arith.subi %add3A_50, %sub3A_52 : vector<16xi32>
    %add3A_54 = arith.constant 16 : i32
    %add3A_55 = vector.broadcast %add3A_54 : i32 to vector<16xi32>
    %add3A_56 = arith.addi %add3A_55, %iota3A : vector<16xi32>
    tpu.vector_store_idx %arg7[%sub3A_53], %add3A_56 masked %ge3A_45 : memref<144xi32, #tpu.memory_space<vmem>>[vector<16xi32>], vector<16xi32>, vector<16xi1>
    %all_reduce_population_count3A_57 = tpu.all_reduce %ge3A_45 {dim = 0 : i64, kind = #tpu.reduction_kind<sum>} : vector<16xi1> -> vector<16xi32>
    %add3A_58 = arith.addi %add3A_42, %all_reduce_population_count3A_57 : vector<16xi32>
    %get3A_59 = arith.constant 32 : index
    %get3A_60 = tpu.vector_load %arg6[%get3A_59] {strides = array<i32>} : memref<128xf32, #tpu.memory_space<vmem>>, vector<16xf32>,
    %ge3A_61 = arith.cmpf oge, %get3A_60, %broadcast_in_dim3A_32 : vector<16xf32>
    %convert_element_type3A_62 = arith.extui %ge3A_61 : vector<16xi1> to vector<16xi32>
    %broadcast_in_dim3A_63 = arith.constant true
    %broadcast_in_dim3A_64 = vector.broadcast %broadcast_in_dim3A_63 : i1 to vector<16xi1>
    %masked_cumsum3A_65 = tpu.scan <sum>, %convert_element_type3A_62 masked %broadcast_in_dim3A_64 : vector<16xi32>, vector<16xi1> -> vector<16xi32>
    %add3A_66 = arith.addi %add3A_58, %masked_cumsum3A_65 : vector<16xi32>
    %sub3A_67 = arith.constant 1 : i32
    %sub3A_68 = vector.broadcast %sub3A_67 : i32 to vector<16xi32>
    %sub3A_69 = arith.subi %add3A_66, %sub3A_68 : vector<16xi32>
    %add3A_70 = arith.constant 32 : i32
    %add3A_71 = vector.broadcast %add3A_70 : i32 to vector<16xi32>
    %add3A_72 = arith.addi %add3A_71, %iota3A : vector<16xi32>
    tpu.vector_store_idx %arg7[%sub3A_69], %add3A_72 masked %ge3A_61 : memref<144xi32, #tpu.memory_space<vmem>>[vector<16xi32>], vector<16xi32>, vector<16xi1>
    %all_reduce_population_count3A_73 = tpu.all_reduce %ge3A_61 {dim = 0 : i64, kind = #tpu.reduction_kind<sum>} : vector<16xi1> -> vector<16xi32>
    %add3A_74 = arith.addi %add3A_58, %all_reduce_population_count3A_73 : vector<16xi32>
    %get3A_75 = arith.constant 48 : index
    %get3A_76 = tpu.vector_load %arg6[%get3A_75] {strides = array<i32>} : memref<128xf32, #tpu.memory_space<vmem>>, vector<16xf32>,
    %ge3A_77 = arith.cmpf oge, %get3A_76, %broadcast_in_dim3A_32 : vector<16xf32>
    %convert_element_type3A_78 = arith.extui %ge3A_77 : vector<16xi1> to vector<16xi32>
    %broadcast_in_dim3A_79 = arith.constant true
    %broadcast_in_dim3A_80 = vector.broadcast %broadcast_in_dim3A_79 : i1 to vector<16xi1>
    %masked_cumsum3A_81 = tpu.scan <sum>, %convert_element_type3A_78 masked %broadcast_in_dim3A_80 : vector<16xi32>, vector<16xi1> -> vector<16xi32>
    %add3A_82 = arith.addi %add3A_74, %masked_cumsum3A_81 : vector<16xi32>
    %sub3A_83 = arith.constant 1 : i32
    %sub3A_84 = vector.broadcast %sub3A_83 : i32 to vector<16xi32>
    %sub3A_85 = arith.subi %add3A_82, %sub3A_84 : vector<16xi32>
    %add3A_86 = arith.constant 48 : i32
    %add3A_87 = vector.broadcast %add3A_86 : i32 to vector<16xi32>
    %add3A_88 = arith.addi %add3A_87, %iota3A : vector<16xi32>
    tpu.vector_store_idx %arg7[%sub3A_85], %add3A_88 masked %ge3A_77 : memref<144xi32, #tpu.memory_space<vmem>>[vector<16xi32>], vector<16xi32>, vector<16xi1>
    %all_reduce_population_count3A_89 = tpu.all_reduce %ge3A_77 {dim = 0 : i64, kind = #tpu.reduction_kind<sum>} : vector<16xi1> -> vector<16xi32>
    %add3A_90 = arith.addi %add3A_74, %all_reduce_population_count3A_89 : vector<16xi32>
    %get3A_91 = arith.constant 64 : index
    %get3A_92 = tpu.vector_load %arg6[%get3A_91] {strides = array<i32>} : memref<128xf32, #tpu.memory_space<vmem>>, vector<16xf32>,
    %ge3A_93 = arith.cmpf oge, %get3A_92, %broadcast_in_dim3A_32 : vector<16xf32>
    %convert_element_type3A_94 = arith.extui %ge3A_93 : vector<16xi1> to vector<16xi32>
    %broadcast_in_dim3A_95 = arith.constant true
    %broadcast_in_dim3A_96 = vector.broadcast %broadcast_in_dim3A_95 : i1 to vector<16xi1>
    %masked_cumsum3A_97 = tpu.scan <sum>, %convert_element_type3A_94 masked %broadcast_in_dim3A_96 : vector<16xi32>, vector<16xi1> -> vector<16xi32>
    %add3A_98 = arith.addi %add3A_90, %masked_cumsum3A_97 : vector<16xi32>
    %sub3A_99 = arith.constant 1 : i32
    %sub3A_100 = vector.broadcast %sub3A_99 : i32 to vector<16xi32>
    %sub3A_101 = arith.subi %add3A_98, %sub3A_100 : vector<16xi32>
    %add3A_102 = arith.constant 64 : i32
    %add3A_103 = vector.broadcast %add3A_102 : i32 to vector<16xi32>
    %add3A_104 = arith.addi %add3A_103, %iota3A : vector<16xi32>
    tpu.vector_store_idx %arg7[%sub3A_101], %add3A_104 masked %ge3A_93 : memref<144xi32, #tpu.memory_space<vmem>>[vector<16xi32>], vector<16xi32>, vector<16xi1>
    %all_reduce_population_count3A_105 = tpu.all_reduce %ge3A_93 {dim = 0 : i64, kind = #tpu.reduction_kind<sum>} : vector<16xi1> -> vector<16xi32>
    %add3A_106 = arith.addi %add3A_90, %all_reduce_population_count3A_105 : vector<16xi32>
    %get3A_107 = arith.constant 80 : index
    %get3A_108 = tpu.vector_load %arg6[%get3A_107] {strides = array<i32>} : memref<128xf32, #tpu.memory_space<vmem>>, vector<16xf32>,
    %ge3A_109 = arith.cmpf oge, %get3A_108, %broadcast_in_dim3A_32 : vector<16xf32>
    %convert_element_type3A_110 = arith.extui %ge3A_109 : vector<16xi1> to vector<16xi32>
    %broadcast_in_dim3A_111 = arith.constant true
    %broadcast_in_dim3A_112 = vector.broadcast %broadcast_in_dim3A_111 : i1 to vector<16xi1>
    %masked_cumsum3A_113 = tpu.scan <sum>, %convert_element_type3A_110 masked %broadcast_in_dim3A_112 : vector<16xi32>, vector<16xi1> -> vector<16xi32>
    %add3A_114 = arith.addi %add3A_106, %masked_cumsum3A_113 : vector<16xi32>
    %sub3A_115 = arith.constant 1 : i32
    %sub3A_116 = vector.broadcast %sub3A_115 : i32 to vector<16xi32>
    %sub3A_117 = arith.subi %add3A_114, %sub3A_116 : vector<16xi32>
    %add3A_118 = arith.constant 80 : i32
    %add3A_119 = vector.broadcast %add3A_118 : i32 to vector<16xi32>
    %add3A_120 = arith.addi %add3A_119, %iota3A : vector<16xi32>
    tpu.vector_store_idx %arg7[%sub3A_117], %add3A_120 masked %ge3A_109 : memref<144xi32, #tpu.memory_space<vmem>>[vector<16xi32>], vector<16xi32>, vector<16xi1>
    %all_reduce_population_count3A_121 = tpu.all_reduce %ge3A_109 {dim = 0 : i64, kind = #tpu.reduction_kind<sum>} : vector<16xi1> -> vector<16xi32>
    %add3A_122 = arith.addi %add3A_106, %all_reduce_population_count3A_121 : vector<16xi32>
    %get3A_123 = arith.constant 96 : index
    %get3A_124 = tpu.vector_load %arg6[%get3A_123] {strides = array<i32>} : memref<128xf32, #tpu.memory_space<vmem>>, vector<16xf32>,
    %ge3A_125 = arith.cmpf oge, %get3A_124, %broadcast_in_dim3A_32 : vector<16xf32>
    %convert_element_type3A_126 = arith.extui %ge3A_125 : vector<16xi1> to vector<16xi32>
    %broadcast_in_dim3A_127 = arith.constant true
    %broadcast_in_dim3A_128 = vector.broadcast %broadcast_in_dim3A_127 : i1 to vector<16xi1>
    %masked_cumsum3A_129 = tpu.scan <sum>, %convert_element_type3A_126 masked %broadcast_in_dim3A_128 : vector<16xi32>, vector<16xi1> -> vector<16xi32>
    %add3A_130 = arith.addi %add3A_122, %masked_cumsum3A_129 : vector<16xi32>
    %sub3A_131 = arith.constant 1 : i32
    %sub3A_132 = vector.broadcast %sub3A_131 : i32 to vector<16xi32>
    %sub3A_133 = arith.subi %add3A_130, %sub3A_132 : vector<16xi32>
    %add3A_134 = arith.constant 96 : i32
    %add3A_135 = vector.broadcast %add3A_134 : i32 to vector<16xi32>
    %add3A_136 = arith.addi %add3A_135, %iota3A : vector<16xi32>
    tpu.vector_store_idx %arg7[%sub3A_133], %add3A_136 masked %ge3A_125 : memref<144xi32, #tpu.memory_space<vmem>>[vector<16xi32>], vector<16xi32>, vector<16xi1>
    %all_reduce_population_count3A_137 = tpu.all_reduce %ge3A_125 {dim = 0 : i64, kind = #tpu.reduction_kind<sum>} : vector<16xi1> -> vector<16xi32>
    %add3A_138 = arith.addi %add3A_122, %all_reduce_population_count3A_137 : vector<16xi32>
    %get3A_139 = arith.constant 112 : index
    %get3A_140 = tpu.vector_load %arg6[%get3A_139] {strides = array<i32>} : memref<128xf32, #tpu.memory_space<vmem>>, vector<16xf32>,
    %ge3A_141 = arith.cmpf oge, %get3A_140, %broadcast_in_dim3A_32 : vector<16xf32>
    %convert_element_type3A_142 = arith.extui %ge3A_141 : vector<16xi1> to vector<16xi32>
    %broadcast_in_dim3A_143 = arith.constant true
    %broadcast_in_dim3A_144 = vector.broadcast %broadcast_in_dim3A_143 : i1 to vector<16xi1>
    %masked_cumsum3A_145 = tpu.scan <sum>, %convert_element_type3A_142 masked %broadcast_in_dim3A_144 : vector<16xi32>, vector<16xi1> -> vector<16xi32>
    %add3A_146 = arith.addi %add3A_138, %masked_cumsum3A_145 : vector<16xi32>
    %sub3A_147 = arith.constant 1 : i32
    %sub3A_148 = vector.broadcast %sub3A_147 : i32 to vector<16xi32>
    %sub3A_149 = arith.subi %add3A_146, %sub3A_148 : vector<16xi32>
    %add3A_150 = arith.constant 112 : i32
    %add3A_151 = vector.broadcast %add3A_150 : i32 to vector<16xi32>
    %add3A_152 = arith.addi %add3A_151, %iota3A : vector<16xi32>
    tpu.vector_store_idx %arg7[%sub3A_149], %add3A_152 masked %ge3A_141 : memref<144xi32, #tpu.memory_space<vmem>>[vector<16xi32>], vector<16xi32>, vector<16xi1>
    %all_reduce_population_count3A_153 = tpu.all_reduce %ge3A_141 {dim = 0 : i64, kind = #tpu.reduction_kind<sum>} : vector<16xi1> -> vector<16xi32>
    %add3A_154 = arith.addi %add3A_138, %all_reduce_population_count3A_153 : vector<16xi32>
    %slice3A_155 = vector.extract_strided_slice %add3A_154 {offsets = [0], sizes = [1], strides = [1]} : vector<16xi32> to vector<1xi32>
    %squeeze3A_156 = vector.extract %slice3A_155[0] : i32 from vector<1xi32>
    %while3A = arith.constant 0 : i32
    %while3A_157 = arith.subi %squeeze3A_156, %while3A : i32
    %while3A_158 = arith.addi %while3A, %while3A_157 : i32
    %while3A_159 = arith.constant 1 : i32
    %while3A_160 = arith.divsi %while3A_157, %while3A_159 : i32
    %while3A_161 = arith.muli %while3A_160, %while3A_159 : i32
    %while3A_162 = arith.addi %while3A, %while3A_161 : i32
    %while3A_163 = arith.constant 1 : i32
    %while3A_164 = scf.for %while3A_838 = %while3A to %while3A_162 step %while3A_163 iter_args(%while3A_839 = %broadcast_in_dim3A_5) -> (vector<16xi32>)  : i32 {
      %get3A_840 = arith.index_cast %while3A_838 : i32 to index
      %get3A_841 = tpu.vector_load %arg7[%get3A_840] {strides = array<i32>} : memref<144xi32, #tpu.memory_space<vmem>>, vector<16xi32>,
      %slice3A_842 = vector.extract_strided_slice %get3A_841 {offsets = [0], sizes = [1], strides = [1]} : vector<16xi32> to vector<1xi32>
      %squeeze3A_843 = vector.extract %slice3A_842[0] : i32 from vector<1xi32>
      %mul3A_844 = arith.constant 256 : i32
      %mul3A_845 = arith.muli %squeeze3A_843, %mul3A_844 : i32
      %add3A_846 = arith.constant 0 : i32
      %add3A_847 = arith.addi %mul3A_845, %add3A_846 : i32
      %get3A_848 = arith.index_cast %add3A_847 : i32 to index
      %get3A_849 = tpu.vector_load %arg4[%get3A_848] {strides = array<i32>} : memref<32768xf32, #tpu.memory_space<vmem>>, vector<16xf32>,
      %ge3A_850 = arith.cmpf oge, %get3A_849, %broadcast_in_dim3A_32 : vector<16xf32>
      %convert_element_type3A_851 = arith.extui %ge3A_850 : vector<16xi1> to vector<16xi32>
      %broadcast_in_dim3A_852 = arith.constant true
      %broadcast_in_dim3A_853 = vector.broadcast %broadcast_in_dim3A_852 : i1 to vector<16xi1>
      %masked_cumsum3A_854 = tpu.scan <sum>, %convert_element_type3A_851 masked %broadcast_in_dim3A_853 : vector<16xi32>, vector<16xi1> -> vector<16xi32>
      %add3A_855 = arith.addi %while3A_839, %masked_cumsum3A_854 : vector<16xi32>
      %sub3A_856 = arith.constant 1 : i32
      %sub3A_857 = vector.broadcast %sub3A_856 : i32 to vector<16xi32>
      %sub3A_858 = arith.subi %add3A_855, %sub3A_857 : vector<16xi32>
      tpu.vector_store_idx %arg8[%sub3A_858], %get3A_849 masked %ge3A_850 : memref<32784xf32, #tpu.memory_space<vmem>>[vector<16xi32>], vector<16xf32>, vector<16xi1>
      %all_reduce_population_count3A_859 = tpu.all_reduce %ge3A_850 {dim = 0 : i64, kind = #tpu.reduction_kind<sum>} : vector<16xi1> -> vector<16xi32>
      %add3A_860 = arith.addi %while3A_839, %all_reduce_population_count3A_859 : vector<16xi32>
      %add3A_861 = arith.constant 16 : i32
      %add3A_862 = arith.addi %mul3A_845, %add3A_861 : i32
      %get3A_863 = arith.index_cast %add3A_862 : i32 to index
      %get3A_864 = tpu.vector_load %arg4[%get3A_863] {strides = array<i32>} : memref<32768xf32, #tpu.memory_space<vmem>>, vector<16xf32>,
      %ge3A_865 = arith.cmpf oge, %get3A_864, %broadcast_in_dim3A_32 : vector<16xf32>
      %convert_element_type3A_866 = arith.extui %ge3A_865 : vector<16xi1> to vector<16xi32>
      %broadcast_in_dim3A_867 = arith.constant true
      %broadcast_in_dim3A_868 = vector.broadcast %broadcast_in_dim3A_867 : i1 to vector<16xi1>
      %masked_cumsum3A_869 = tpu.scan <sum>, %convert_element_type3A_866 masked %broadcast_in_dim3A_868 : vector<16xi32>, vector<16xi1> -> vector<16xi32>
      %add3A_870 = arith.addi %add3A_860, %masked_cumsum3A_869 : vector<16xi32>
      %sub3A_871 = arith.constant 1 : i32
      %sub3A_872 = vector.broadcast %sub3A_871 : i32 to vector<16xi32>
      %sub3A_873 = arith.subi %add3A_870, %sub3A_872 : vector<16xi32>
      tpu.vector_store_idx %arg8[%sub3A_873], %get3A_864 masked %ge3A_865 : memref<32784xf32, #tpu.memory_space<vmem>>[vector<16xi32>], vector<16xf32>, vector<16xi1>
      %all_reduce_population_count3A_874 = tpu.all_reduce %ge3A_865 {dim = 0 : i64, kind = #tpu.reduction_kind<sum>} : vector<16xi1> -> vector<16xi32>
      %add3A_875 = arith.addi %add3A_860, %all_reduce_population_count3A_874 : vector<16xi32>
      %add3A_876 = arith.constant 32 : i32
      %add3A_877 = arith.addi %mul3A_845, %add3A_876 : i32
      %get3A_878 = arith.index_cast %add3A_877 : i32 to index
      %get3A_879 = tpu.vector_load %arg4[%get3A_878] {strides = array<i32>} : memref<32768xf32, #tpu.memory_space<vmem>>, vector<16xf32>,
      %ge3A_880 = arith.cmpf oge, %get3A_879, %broadcast_in_dim3A_32 : vector<16xf32>
      %convert_element_type3A_881 = arith.extui %ge3A_880 : vector<16xi1> to vector<16xi32>
      %broadcast_in_dim3A_882 = arith.constant true
      %broadcast_in_dim3A_883 = vector.broadcast %broadcast_in_dim3A_882 : i1 to vector<16xi1>
      %masked_cumsum3A_884 = tpu.scan <sum>, %convert_element_type3A_881 masked %broadcast_in_dim3A_883 : vector<16xi32>, vector<16xi1> -> vector<16xi32>
      %add3A_885 = arith.addi %add3A_875, %masked_cumsum3A_884 : vector<16xi32>
      %sub3A_886 = arith.constant 1 : i32
      %sub3A_887 = vector.broadcast %sub3A_886 : i32 to vector<16xi32>
      %sub3A_888 = arith.subi %add3A_885, %sub3A_887 : vector<16xi32>
      tpu.vector_store_idx %arg8[%sub3A_888], %get3A_879 masked %ge3A_880 : memref<32784xf32, #tpu.memory_space<vmem>>[vector<16xi32>], vector<16xf32>, vector<16xi1>
      %all_reduce_population_count3A_889 = tpu.all_reduce %ge3A_880 {dim = 0 : i64, kind = #tpu.reduction_kind<sum>} : vector<16xi1> -> vector<16xi32>
      %add3A_890 = arith.addi %add3A_875, %all_reduce_population_count3A_889 : vector<16xi32>
      %add3A_891 = arith.constant 48 : i32
      %add3A_892 = arith.addi %mul3A_845, %add3A_891 : i32
      %get3A_893 = arith.index_cast %add3A_892 : i32 to index
      %get3A_894 = tpu.vector_load %arg4[%get3A_893] {strides = array<i32>} : memref<32768xf32, #tpu.memory_space<vmem>>, vector<16xf32>,
      %ge3A_895 = arith.cmpf oge, %get3A_894, %broadcast_in_dim3A_32 : vector<16xf32>
      %convert_element_type3A_896 = arith.extui %ge3A_895 : vector<16xi1> to vector<16xi32>
      %broadcast_in_dim3A_897 = arith.constant true
      %broadcast_in_dim3A_898 = vector.broadcast %broadcast_in_dim3A_897 : i1 to vector<16xi1>
      %masked_cumsum3A_899 = tpu.scan <sum>, %convert_element_type3A_896 masked %broadcast_in_dim3A_898 : vector<16xi32>, vector<16xi1> -> vector<16xi32>
      %add3A_900 = arith.addi %add3A_890, %masked_cumsum3A_899 : vector<16xi32>
      %sub3A_901 = arith.constant 1 : i32
      %sub3A_902 = vector.broadcast %sub3A_901 : i32 to vector<16xi32>
      %sub3A_903 = arith.subi %add3A_900, %sub3A_902 : vector<16xi32>
      tpu.vector_store_idx %arg8[%sub3A_903], %get3A_894 masked %ge3A_895 : memref<32784xf32, #tpu.memory_space<vmem>>[vector<16xi32>], vector<16xf32>, vector<16xi1>
      %all_reduce_population_count3A_904 = tpu.all_reduce %ge3A_895 {dim = 0 : i64, kind = #tpu.reduction_kind<sum>} : vector<16xi1> -> vector<16xi32>
      %add3A_905 = arith.addi %add3A_890, %all_reduce_population_count3A_904 : vector<16xi32>
      %add3A_906 = arith.constant 64 : i32
      %add3A_907 = arith.addi %mul3A_845, %add3A_906 : i32
      %get3A_908 = arith.index_cast %add3A_907 : i32 to index
      %get3A_909 = tpu.vector_load %arg4[%get3A_908] {strides = array<i32>} : memref<32768xf32, #tpu.memory_space<vmem>>, vector<16xf32>,
      %ge3A_910 = arith.cmpf oge, %get3A_909, %broadcast_in_dim3A_32 : vector<16xf32>
      %convert_element_type3A_911 = arith.extui %ge3A_910 : vector<16xi1> to vector<16xi32>
      %broadcast_in_dim3A_912 = arith.constant true
      %broadcast_in_dim3A_913 = vector.broadcast %broadcast_in_dim3A_912 : i1 to vector<16xi1>
      %masked_cumsum3A_914 = tpu.scan <sum>, %convert_element_type3A_911 masked %broadcast_in_dim3A_913 : vector<16xi32>, vector<16xi1> -> vector<16xi32>
      %add3A_915 = arith.addi %add3A_905, %masked_cumsum3A_914 : vector<16xi32>
      %sub3A_916 = arith.constant 1 : i32
      %sub3A_917 = vector.broadcast %sub3A_916 : i32 to vector<16xi32>
      %sub3A_918 = arith.subi %add3A_915, %sub3A_917 : vector<16xi32>
      tpu.vector_store_idx %arg8[%sub3A_918], %get3A_909 masked %ge3A_910 : memref<32784xf32, #tpu.memory_space<vmem>>[vector<16xi32>], vector<16xf32>, vector<16xi1>
      %all_reduce_population_count3A_919 = tpu.all_reduce %ge3A_910 {dim = 0 : i64, kind = #tpu.reduction_kind<sum>} : vector<16xi1> -> vector<16xi32>
      %add3A_920 = arith.addi %add3A_905, %all_reduce_population_count3A_919 : vector<16xi32>
      %add3A_921 = arith.constant 80 : i32
      %add3A_922 = arith.addi %mul3A_845, %add3A_921 : i32
      %get3A_923 = arith.index_cast %add3A_922 : i32 to index
      %get3A_924 = tpu.vector_load %arg4[%get3A_923] {strides = array<i32>} : memref<32768xf32, #tpu.memory_space<vmem>>, vector<16xf32>,
      %ge3A_925 = arith.cmpf oge, %get3A_924, %broadcast_in_dim3A_32 : vector<16xf32>
      %convert_element_type3A_926 = arith.extui %ge3A_925 : vector<16xi1> to vector<16xi32>
      %broadcast_in_dim3A_927 = arith.constant true
      %broadcast_in_dim3A_928 = vector.broadcast %broadcast_in_dim3A_927 : i1 to vector<16xi1>
      %masked_cumsum3A_929 = tpu.scan <sum>, %convert_element_type3A_926 masked %broadcast_in_dim3A_928 : vector<16xi32>, vector<16xi1> -> vector<16xi32>
      %add3A_930 = arith.addi %add3A_920, %masked_cumsum3A_929 : vector<16xi32>
      %sub3A_931 = arith.constant 1 : i32
      %sub3A_932 = vector.broadcast %sub3A_931 : i32 to vector<16xi32>
      %sub3A_933 = arith.subi %add3A_930, %sub3A_932 : vector<16xi32>
      tpu.vector_store_idx %arg8[%sub3A_933], %get3A_924 masked %ge3A_925 : memref<32784xf32, #tpu.memory_space<vmem>>[vector<16xi32>], vector<16xf32>, vector<16xi1>
      %all_reduce_population_count3A_934 = tpu.all_reduce %ge3A_925 {dim = 0 : i64, kind = #tpu.reduction_kind<sum>} : vector<16xi1> -> vector<16xi32>
      %add3A_935 = arith.addi %add3A_920, %all_reduce_population_count3A_934 : vector<16xi32>
      %add3A_936 = arith.constant 96 : i32
      %add3A_937 = arith.addi %mul3A_845, %add3A_936 : i32
      %get3A_938 = arith.index_cast %add3A_937 : i32 to index
      %get3A_939 = tpu.vector_load %arg4[%get3A_938] {strides = array<i32>} : memref<32768xf32, #tpu.memory_space<vmem>>, vector<16xf32>,
      %ge3A_940 = arith.cmpf oge, %get3A_939, %broadcast_in_dim3A_32 : vector<16xf32>
      %convert_element_type3A_941 = arith.extui %ge3A_940 : vector<16xi1> to vector<16xi32>
      %broadcast_in_dim3A_942 = arith.constant true
      %broadcast_in_dim3A_943 = vector.broadcast %broadcast_in_dim3A_942 : i1 to vector<16xi1>
      %masked_cumsum3A_944 = tpu.scan <sum>, %convert_element_type3A_941 masked %broadcast_in_dim3A_943 : vector<16xi32>, vector<16xi1> -> vector<16xi32>
      %add3A_945 = arith.addi %add3A_935, %masked_cumsum3A_944 : vector<16xi32>
      %sub3A_946 = arith.constant 1 : i32
      %sub3A_947 = vector.broadcast %sub3A_946 : i32 to vector<16xi32>
      %sub3A_948 = arith.subi %add3A_945, %sub3A_947 : vector<16xi32>
      tpu.vector_store_idx %arg8[%sub3A_948], %get3A_939 masked %ge3A_940 : memref<32784xf32, #tpu.memory_space<vmem>>[vector<16xi32>], vector<16xf32>, vector<16xi1>
      %all_reduce_population_count3A_949 = tpu.all_reduce %ge3A_940 {dim = 0 : i64, kind = #tpu.reduction_kind<sum>} : vector<16xi1> -> vector<16xi32>
      %add3A_950 = arith.addi %add3A_935, %all_reduce_population_count3A_949 : vector<16xi32>
      %add3A_951 = arith.constant 112 : i32
      %add3A_952 = arith.addi %mul3A_845, %add3A_951 : i32
      %get3A_953 = arith.index_cast %add3A_952 : i32 to index
      %get3A_954 = tpu.vector_load %arg4[%get3A_953] {strides = array<i32>} : memref<32768xf32, #tpu.memory_space<vmem>>, vector<16xf32>,
      %ge3A_955 = arith.cmpf oge, %get3A_954, %broadcast_in_dim3A_32 : vector<16xf32>
      %convert_element_type3A_956 = arith.extui %ge3A_955 : vector<16xi1> to vector<16xi32>
      %broadcast_in_dim3A_957 = arith.constant true
      %broadcast_in_dim3A_958 = vector.broadcast %broadcast_in_dim3A_957 : i1 to vector<16xi1>
      %masked_cumsum3A_959 = tpu.scan <sum>, %convert_element_type3A_956 masked %broadcast_in_dim3A_958 : vector<16xi32>, vector<16xi1> -> vector<16xi32>
      %add3A_960 = arith.addi %add3A_950, %masked_cumsum3A_959 : vector<16xi32>
      %sub3A_961 = arith.constant 1 : i32
      %sub3A_962 = vector.broadcast %sub3A_961 : i32 to vector<16xi32>
      %sub3A_963 = arith.subi %add3A_960, %sub3A_962 : vector<16xi32>
      tpu.vector_store_idx %arg8[%sub3A_963], %get3A_954 masked %ge3A_955 : memref<32784xf32, #tpu.memory_space<vmem>>[vector<16xi32>], vector<16xf32>, vector<16xi1>
      %all_reduce_population_count3A_964 = tpu.all_reduce %ge3A_955 {dim = 0 : i64, kind = #tpu.reduction_kind<sum>} : vector<16xi1> -> vector<16xi32>
      %add3A_965 = arith.addi %add3A_950, %all_reduce_population_count3A_964 : vector<16xi32>
      %add3A_966 = arith.constant 128 : i32
      %add3A_967 = arith.addi %mul3A_845, %add3A_966 : i32
      %get3A_968 = arith.index_cast %add3A_967 : i32 to index
      %get3A_969 = tpu.vector_load %arg4[%get3A_968] {strides = array<i32>} : memref<32768xf32, #tpu.memory_space<vmem>>, vector<16xf32>,
      %ge3A_970 = arith.cmpf oge, %get3A_969, %broadcast_in_dim3A_32 : vector<16xf32>
      %convert_element_type3A_971 = arith.extui %ge3A_970 : vector<16xi1> to vector<16xi32>
      %broadcast_in_dim3A_972 = arith.constant true
      %broadcast_in_dim3A_973 = vector.broadcast %broadcast_in_dim3A_972 : i1 to vector<16xi1>
      %masked_cumsum3A_974 = tpu.scan <sum>, %convert_element_type3A_971 masked %broadcast_in_dim3A_973 : vector<16xi32>, vector<16xi1> -> vector<16xi32>
      %add3A_975 = arith.addi %add3A_965, %masked_cumsum3A_974 : vector<16xi32>
      %sub3A_976 = arith.constant 1 : i32
      %sub3A_977 = vector.broadcast %sub3A_976 : i32 to vector<16xi32>
      %sub3A_978 = arith.subi %add3A_975, %sub3A_977 : vector<16xi32>
      tpu.vector_store_idx %arg8[%sub3A_978], %get3A_969 masked %ge3A_970 : memref<32784xf32, #tpu.memory_space<vmem>>[vector<16xi32>], vector<16xf32>, vector<16xi1>
      %all_reduce_population_count3A_979 = tpu.all_reduce %ge3A_970 {dim = 0 : i64, kind = #tpu.reduction_kind<sum>} : vector<16xi1> -> vector<16xi32>
      %add3A_980 = arith.addi %add3A_965, %all_reduce_population_count3A_979 : vector<16xi32>
      %add3A_981 = arith.constant 144 : i32
      %add3A_982 = arith.addi %mul3A_845, %add3A_981 : i32
      %get3A_983 = arith.index_cast %add3A_982 : i32 to index
      %get3A_984 = tpu.vector_load %arg4[%get3A_983] {strides = array<i32>} : memref<32768xf32, #tpu.memory_space<vmem>>, vector<16xf32>,
      %ge3A_985 = arith.cmpf oge, %get3A_984, %broadcast_in_dim3A_32 : vector<16xf32>
      %convert_element_type3A_986 = arith.extui %ge3A_985 : vector<16xi1> to vector<16xi32>
      %broadcast_in_dim3A_987 = arith.constant true
      %broadcast_in_dim3A_988 = vector.broadcast %broadcast_in_dim3A_987 : i1 to vector<16xi1>
      %masked_cumsum3A_989 = tpu.scan <sum>, %convert_element_type3A_986 masked %broadcast_in_dim3A_988 : vector<16xi32>, vector<16xi1> -> vector<16xi32>
      %add3A_990 = arith.addi %add3A_980, %masked_cumsum3A_989 : vector<16xi32>
      %sub3A_991 = arith.constant 1 : i32
      %sub3A_992 = vector.broadcast %sub3A_991 : i32 to vector<16xi32>
      %sub3A_993 = arith.subi %add3A_990, %sub3A_992 : vector<16xi32>
      tpu.vector_store_idx %arg8[%sub3A_993], %get3A_984 masked %ge3A_985 : memref<32784xf32, #tpu.memory_space<vmem>>[vector<16xi32>], vector<16xf32>, vector<16xi1>
      %all_reduce_population_count3A_994 = tpu.all_reduce %ge3A_985 {dim = 0 : i64, kind = #tpu.reduction_kind<sum>} : vector<16xi1> -> vector<16xi32>
      %add3A_995 = arith.addi %add3A_980, %all_reduce_population_count3A_994 : vector<16xi32>
      %add3A_996 = arith.constant 160 : i32
      %add3A_997 = arith.addi %mul3A_845, %add3A_996 : i32
      %get3A_998 = arith.index_cast %add3A_997 : i32 to index
      %get3A_999 = tpu.vector_load %arg4[%get3A_998] {strides = array<i32>} : memref<32768xf32, #tpu.memory_space<vmem>>, vector<16xf32>,
      %ge3A_1000 = arith.cmpf oge, %get3A_999, %broadcast_in_dim3A_32 : vector<16xf32>
      %convert_element_type3A_1001 = arith.extui %ge3A_1000 : vector<16xi1> to vector<16xi32>
      %broadcast_in_dim3A_1002 = arith.constant true
      %broadcast_in_dim3A_1003 = vector.broadcast %broadcast_in_dim3A_1002 : i1 to vector<16xi1>
      %masked_cumsum3A_1004 = tpu.scan <sum>, %convert_element_type3A_1001 masked %broadcast_in_dim3A_1003 : vector<16xi32>, vector<16xi1> -> vector<16xi32>
      %add3A_1005 = arith.addi %add3A_995, %masked_cumsum3A_1004 : vector<16xi32>
      %sub3A_1006 = arith.constant 1 : i32
      %sub3A_1007 = vector.broadcast %sub3A_1006 : i32 to vector<16xi32>
      %sub3A_1008 = arith.subi %add3A_1005, %sub3A_1007 : vector<16xi32>
      tpu.vector_store_idx %arg8[%sub3A_1008], %get3A_999 masked %ge3A_1000 : memref<32784xf32, #tpu.memory_space<vmem>>[vector<16xi32>], vector<16xf32>, vector<16xi1>
      %all_reduce_population_count3A_1009 = tpu.all_reduce %ge3A_1000 {dim = 0 : i64, kind = #tpu.reduction_kind<sum>} : vector<16xi1> -> vector<16xi32>
      %add3A_1010 = arith.addi %add3A_995, %all_reduce_population_count3A_1009 : vector<16xi32>
      %add3A_1011 = arith.constant 176 : i32
      %add3A_1012 = arith.addi %mul3A_845, %add3A_1011 : i32
      %get3A_1013 = arith.index_cast %add3A_1012 : i32 to index
      %get3A_1014 = tpu.vector_load %arg4[%get3A_1013] {strides = array<i32>} : memref<32768xf32, #tpu.memory_space<vmem>>, vector<16xf32>,
      %ge3A_1015 = arith.cmpf oge, %get3A_1014, %broadcast_in_dim3A_32 : vector<16xf32>
      %convert_element_type3A_1016 = arith.extui %ge3A_1015 : vector<16xi1> to vector<16xi32>
      %broadcast_in_dim3A_1017 = arith.constant true
      %broadcast_in_dim3A_1018 = vector.broadcast %broadcast_in_dim3A_1017 : i1 to vector<16xi1>
      %masked_cumsum3A_1019 = tpu.scan <sum>, %convert_element_type3A_1016 masked %broadcast_in_dim3A_1018 : vector<16xi32>, vector<16xi1> -> vector<16xi32>
      %add3A_1020 = arith.addi %add3A_1010, %masked_cumsum3A_1019 : vector<16xi32>
      %sub3A_1021 = arith.constant 1 : i32
      %sub3A_1022 = vector.broadcast %sub3A_1021 : i32 to vector<16xi32>
      %sub3A_1023 = arith.subi %add3A_1020, %sub3A_1022 : vector<16xi32>
      tpu.vector_store_idx %arg8[%sub3A_1023], %get3A_1014 masked %ge3A_1015 : memref<32784xf32, #tpu.memory_space<vmem>>[vector<16xi32>], vector<16xf32>, vector<16xi1>
      %all_reduce_population_count3A_1024 = tpu.all_reduce %ge3A_1015 {dim = 0 : i64, kind = #tpu.reduction_kind<sum>} : vector<16xi1> -> vector<16xi32>
      %add3A_1025 = arith.addi %add3A_1010, %all_reduce_population_count3A_1024 : vector<16xi32>
      %add3A_1026 = arith.constant 192 : i32
      %add3A_1027 = arith.addi %mul3A_845, %add3A_1026 : i32
      %get3A_1028 = arith.index_cast %add3A_1027 : i32 to index
      %get3A_1029 = tpu.vector_load %arg4[%get3A_1028] {strides = array<i32>} : memref<32768xf32, #tpu.memory_space<vmem>>, vector<16xf32>,
      %ge3A_1030 = arith.cmpf oge, %get3A_1029, %broadcast_in_dim3A_32 : vector<16xf32>
      %convert_element_type3A_1031 = arith.extui %ge3A_1030 : vector<16xi1> to vector<16xi32>
      %broadcast_in_dim3A_1032 = arith.constant true
      %broadcast_in_dim3A_1033 = vector.broadcast %broadcast_in_dim3A_1032 : i1 to vector<16xi1>
      %masked_cumsum3A_1034 = tpu.scan <sum>, %convert_element_type3A_1031 masked %broadcast_in_dim3A_1033 : vector<16xi32>, vector<16xi1> -> vector<16xi32>
      %add3A_1035 = arith.addi %add3A_1025, %masked_cumsum3A_1034 : vector<16xi32>
      %sub3A_1036 = arith.constant 1 : i32
      %sub3A_1037 = vector.broadcast %sub3A_1036 : i32 to vector<16xi32>
      %sub3A_1038 = arith.subi %add3A_1035, %sub3A_1037 : vector<16xi32>
      tpu.vector_store_idx %arg8[%sub3A_1038], %get3A_1029 masked %ge3A_1030 : memref<32784xf32, #tpu.memory_space<vmem>>[vector<16xi32>], vector<16xf32>, vector<16xi1>
      %all_reduce_population_count3A_1039 = tpu.all_reduce %ge3A_1030 {dim = 0 : i64, kind = #tpu.reduction_kind<sum>} : vector<16xi1> -> vector<16xi32>
      %add3A_1040 = arith.addi %add3A_1025, %all_reduce_population_count3A_1039 : vector<16xi32>
      %add3A_1041 = arith.constant 208 : i32
      %add3A_1042 = arith.addi %mul3A_845, %add3A_1041 : i32
      %get3A_1043 = arith.index_cast %add3A_1042 : i32 to index
      %get3A_1044 = tpu.vector_load %arg4[%get3A_1043] {strides = array<i32>} : memref<32768xf32, #tpu.memory_space<vmem>>, vector<16xf32>,
      %ge3A_1045 = arith.cmpf oge, %get3A_1044, %broadcast_in_dim3A_32 : vector<16xf32>
      %convert_element_type3A_1046 = arith.extui %ge3A_1045 : vector<16xi1> to vector<16xi32>
      %broadcast_in_dim3A_1047 = arith.constant true
      %broadcast_in_dim3A_1048 = vector.broadcast %broadcast_in_dim3A_1047 : i1 to vector<16xi1>
      %masked_cumsum3A_1049 = tpu.scan <sum>, %convert_element_type3A_1046 masked %broadcast_in_dim3A_1048 : vector<16xi32>, vector<16xi1> -> vector<16xi32>
      %add3A_1050 = arith.addi %add3A_1040, %masked_cumsum3A_1049 : vector<16xi32>
      %sub3A_1051 = arith.constant 1 : i32
      %sub3A_1052 = vector.broadcast %sub3A_1051 : i32 to vector<16xi32>
      %sub3A_1053 = arith.subi %add3A_1050, %sub3A_1052 : vector<16xi32>
      tpu.vector_store_idx %arg8[%sub3A_1053], %get3A_1044 masked %ge3A_1045 : memref<32784xf32, #tpu.memory_space<vmem>>[vector<16xi32>], vector<16xf32>, vector<16xi1>
      %all_reduce_population_count3A_1054 = tpu.all_reduce %ge3A_1045 {dim = 0 : i64, kind = #tpu.reduction_kind<sum>} : vector<16xi1> -> vector<16xi32>
      %add3A_1055 = arith.addi %add3A_1040, %all_reduce_population_count3A_1054 : vector<16xi32>
      %add3A_1056 = arith.constant 224 : i32
      %add3A_1057 = arith.addi %mul3A_845, %add3A_1056 : i32
      %get3A_1058 = arith.index_cast %add3A_1057 : i32 to index
      %get3A_1059 = tpu.vector_load %arg4[%get3A_1058] {strides = array<i32>} : memref<32768xf32, #tpu.memory_space<vmem>>, vector<16xf32>,
      %ge3A_1060 = arith.cmpf oge, %get3A_1059, %broadcast_in_dim3A_32 : vector<16xf32>
      %convert_element_type3A_1061 = arith.extui %ge3A_1060 : vector<16xi1> to vector<16xi32>
      %broadcast_in_dim3A_1062 = arith.constant true
      %broadcast_in_dim3A_1063 = vector.broadcast %broadcast_in_dim3A_1062 : i1 to vector<16xi1>
      %masked_cumsum3A_1064 = tpu.scan <sum>, %convert_element_type3A_1061 masked %broadcast_in_dim3A_1063 : vector<16xi32>, vector<16xi1> -> vector<16xi32>
      %add3A_1065 = arith.addi %add3A_1055, %masked_cumsum3A_1064 : vector<16xi32>
      %sub3A_1066 = arith.constant 1 : i32
      %sub3A_1067 = vector.broadcast %sub3A_1066 : i32 to vector<16xi32>
      %sub3A_1068 = arith.subi %add3A_1065, %sub3A_1067 : vector<16xi32>
      tpu.vector_store_idx %arg8[%sub3A_1068], %get3A_1059 masked %ge3A_1060 : memref<32784xf32, #tpu.memory_space<vmem>>[vector<16xi32>], vector<16xf32>, vector<16xi1>
      %all_reduce_population_count3A_1069 = tpu.all_reduce %ge3A_1060 {dim = 0 : i64, kind = #tpu.reduction_kind<sum>} : vector<16xi1> -> vector<16xi32>
      %add3A_1070 = arith.addi %add3A_1055, %all_reduce_population_count3A_1069 : vector<16xi32>
      %add3A_1071 = arith.constant 240 : i32
      %add3A_1072 = arith.addi %mul3A_845, %add3A_1071 : i32
      %get3A_1073 = arith.index_cast %add3A_1072 : i32 to index
      %get3A_1074 = tpu.vector_load %arg4[%get3A_1073] {strides = array<i32>} : memref<32768xf32, #tpu.memory_space<vmem>>, vector<16xf32>,
      %ge3A_1075 = arith.cmpf oge, %get3A_1074, %broadcast_in_dim3A_32 : vector<16xf32>
      %convert_element_type3A_1076 = arith.extui %ge3A_1075 : vector<16xi1> to vector<16xi32>
      %broadcast_in_dim3A_1077 = arith.constant true
      %broadcast_in_dim3A_1078 = vector.broadcast %broadcast_in_dim3A_1077 : i1 to vector<16xi1>
      %masked_cumsum3A_1079 = tpu.scan <sum>, %convert_element_type3A_1076 masked %broadcast_in_dim3A_1078 : vector<16xi32>, vector<16xi1> -> vector<16xi32>
      %add3A_1080 = arith.addi %add3A_1070, %masked_cumsum3A_1079 : vector<16xi32>
      %sub3A_1081 = arith.constant 1 : i32
      %sub3A_1082 = vector.broadcast %sub3A_1081 : i32 to vector<16xi32>
      %sub3A_1083 = arith.subi %add3A_1080, %sub3A_1082 : vector<16xi32>
      tpu.vector_store_idx %arg8[%sub3A_1083], %get3A_1074 masked %ge3A_1075 : memref<32784xf32, #tpu.memory_space<vmem>>[vector<16xi32>], vector<16xf32>, vector<16xi1>
      %all_reduce_population_count3A_1084 = tpu.all_reduce %ge3A_1075 {dim = 0 : i64, kind = #tpu.reduction_kind<sum>} : vector<16xi1> -> vector<16xi32>
      %add3A_1085 = arith.addi %add3A_1070, %all_reduce_population_count3A_1084 : vector<16xi32>
      scf.yield %add3A_1085 : vector<16xi32>
    }
    %while3A_165 = arith.constant 1 : i32
    %while3A_166 = scf.for %while3A_838 = %while3A_162 to %while3A_158 step %while3A_165 iter_args(%while3A_839 = %while3A_164) -> (vector<16xi32>)  : i32 {
      %get3A_840 = arith.index_cast %while3A_838 : i32 to index
      %get3A_841 = tpu.vector_load %arg7[%get3A_840] {strides = array<i32>} : memref<144xi32, #tpu.memory_space<vmem>>, vector<16xi32>,
      %slice3A_842 = vector.extract_strided_slice %get3A_841 {offsets = [0], sizes = [1], strides = [1]} : vector<16xi32> to vector<1xi32>
      %squeeze3A_843 = vector.extract %slice3A_842[0] : i32 from vector<1xi32>
      %mul3A_844 = arith.constant 256 : i32
      %mul3A_845 = arith.muli %squeeze3A_843, %mul3A_844 : i32
      %add3A_846 = arith.constant 0 : i32
      %add3A_847 = arith.addi %mul3A_845, %add3A_846 : i32
      %get3A_848 = arith.index_cast %add3A_847 : i32 to index
      %get3A_849 = tpu.vector_load %arg4[%get3A_848] {strides = array<i32>} : memref<32768xf32, #tpu.memory_space<vmem>>, vector<16xf32>,
      %ge3A_850 = arith.cmpf oge, %get3A_849, %broadcast_in_dim3A_32 : vector<16xf32>
      %convert_element_type3A_851 = arith.extui %ge3A_850 : vector<16xi1> to vector<16xi32>
      %broadcast_in_dim3A_852 = arith.constant true
      %broadcast_in_dim3A_853 = vector.broadcast %broadcast_in_dim3A_852 : i1 to vector<16xi1>
      %masked_cumsum3A_854 = tpu.scan <sum>, %convert_element_type3A_851 masked %broadcast_in_dim3A_853 : vector<16xi32>, vector<16xi1> -> vector<16xi32>
      %add3A_855 = arith.addi %while3A_839, %masked_cumsum3A_854 : vector<16xi32>
      %sub3A_856 = arith.constant 1 : i32
      %sub3A_857 = vector.broadcast %sub3A_856 : i32 to vector<16xi32>
      %sub3A_858 = arith.subi %add3A_855, %sub3A_857 : vector<16xi32>
      tpu.vector_store_idx %arg8[%sub3A_858], %get3A_849 masked %ge3A_850 : memref<32784xf32, #tpu.memory_space<vmem>>[vector<16xi32>], vector<16xf32>, vector<16xi1>
      %all_reduce_population_count3A_859 = tpu.all_reduce %ge3A_850 {dim = 0 : i64, kind = #tpu.reduction_kind<sum>} : vector<16xi1> -> vector<16xi32>
      %add3A_860 = arith.addi %while3A_839, %all_reduce_population_count3A_859 : vector<16xi32>
      %add3A_861 = arith.constant 16 : i32
      %add3A_862 = arith.addi %mul3A_845, %add3A_861 : i32
      %get3A_863 = arith.index_cast %add3A_862 : i32 to index
      %get3A_864 = tpu.vector_load %arg4[%get3A_863] {strides = array<i32>} : memref<32768xf32, #tpu.memory_space<vmem>>, vector<16xf32>,
      %ge3A_865 = arith.cmpf oge, %get3A_864, %broadcast_in_dim3A_32 : vector<16xf32>
      %convert_element_type3A_866 = arith.extui %ge3A_865 : vector<16xi1> to vector<16xi32>
      %broadcast_in_dim3A_867 = arith.constant true
      %broadcast_in_dim3A_868 = vector.broadcast %broadcast_in_dim3A_867 : i1 to vector<16xi1>
      %masked_cumsum3A_869 = tpu.scan <sum>, %convert_element_type3A_866 masked %broadcast_in_dim3A_868 : vector<16xi32>, vector<16xi1> -> vector<16xi32>
      %add3A_870 = arith.addi %add3A_860, %masked_cumsum3A_869 : vector<16xi32>
      %sub3A_871 = arith.constant 1 : i32
      %sub3A_872 = vector.broadcast %sub3A_871 : i32 to vector<16xi32>
      %sub3A_873 = arith.subi %add3A_870, %sub3A_872 : vector<16xi32>
      tpu.vector_store_idx %arg8[%sub3A_873], %get3A_864 masked %ge3A_865 : memref<32784xf32, #tpu.memory_space<vmem>>[vector<16xi32>], vector<16xf32>, vector<16xi1>
      %all_reduce_population_count3A_874 = tpu.all_reduce %ge3A_865 {dim = 0 : i64, kind = #tpu.reduction_kind<sum>} : vector<16xi1> -> vector<16xi32>
      %add3A_875 = arith.addi %add3A_860, %all_reduce_population_count3A_874 : vector<16xi32>
      %add3A_876 = arith.constant 32 : i32
      %add3A_877 = arith.addi %mul3A_845, %add3A_876 : i32
      %get3A_878 = arith.index_cast %add3A_877 : i32 to index
      %get3A_879 = tpu.vector_load %arg4[%get3A_878] {strides = array<i32>} : memref<32768xf32, #tpu.memory_space<vmem>>, vector<16xf32>,
      %ge3A_880 = arith.cmpf oge, %get3A_879, %broadcast_in_dim3A_32 : vector<16xf32>
      %convert_element_type3A_881 = arith.extui %ge3A_880 : vector<16xi1> to vector<16xi32>
      %broadcast_in_dim3A_882 = arith.constant true
      %broadcast_in_dim3A_883 = vector.broadcast %broadcast_in_dim3A_882 : i1 to vector<16xi1>
      %masked_cumsum3A_884 = tpu.scan <sum>, %convert_element_type3A_881 masked %broadcast_in_dim3A_883 : vector<16xi32>, vector<16xi1> -> vector<16xi32>
      %add3A_885 = arith.addi %add3A_875, %masked_cumsum3A_884 : vector<16xi32>
      %sub3A_886 = arith.constant 1 : i32
      %sub3A_887 = vector.broadcast %sub3A_886 : i32 to vector<16xi32>
      %sub3A_888 = arith.subi %add3A_885, %sub3A_887 : vector<16xi32>
      tpu.vector_store_idx %arg8[%sub3A_888], %get3A_879 masked %ge3A_880 : memref<32784xf32, #tpu.memory_space<vmem>>[vector<16xi32>], vector<16xf32>, vector<16xi1>
      %all_reduce_population_count3A_889 = tpu.all_reduce %ge3A_880 {dim = 0 : i64, kind = #tpu.reduction_kind<sum>} : vector<16xi1> -> vector<16xi32>
      %add3A_890 = arith.addi %add3A_875, %all_reduce_population_count3A_889 : vector<16xi32>
      %add3A_891 = arith.constant 48 : i32
      %add3A_892 = arith.addi %mul3A_845, %add3A_891 : i32
      %get3A_893 = arith.index_cast %add3A_892 : i32 to index
      %get3A_894 = tpu.vector_load %arg4[%get3A_893] {strides = array<i32>} : memref<32768xf32, #tpu.memory_space<vmem>>, vector<16xf32>,
      %ge3A_895 = arith.cmpf oge, %get3A_894, %broadcast_in_dim3A_32 : vector<16xf32>
      %convert_element_type3A_896 = arith.extui %ge3A_895 : vector<16xi1> to vector<16xi32>
      %broadcast_in_dim3A_897 = arith.constant true
      %broadcast_in_dim3A_898 = vector.broadcast %broadcast_in_dim3A_897 : i1 to vector<16xi1>
      %masked_cumsum3A_899 = tpu.scan <sum>, %convert_element_type3A_896 masked %broadcast_in_dim3A_898 : vector<16xi32>, vector<16xi1> -> vector<16xi32>
      %add3A_900 = arith.addi %add3A_890, %masked_cumsum3A_899 : vector<16xi32>
      %sub3A_901 = arith.constant 1 : i32
      %sub3A_902 = vector.broadcast %sub3A_901 : i32 to vector<16xi32>
      %sub3A_903 = arith.subi %add3A_900, %sub3A_902 : vector<16xi32>
      tpu.vector_store_idx %arg8[%sub3A_903], %get3A_894 masked %ge3A_895 : memref<32784xf32, #tpu.memory_space<vmem>>[vector<16xi32>], vector<16xf32>, vector<16xi1>
      %all_reduce_population_count3A_904 = tpu.all_reduce %ge3A_895 {dim = 0 : i64, kind = #tpu.reduction_kind<sum>} : vector<16xi1> -> vector<16xi32>
      %add3A_905 = arith.addi %add3A_890, %all_reduce_population_count3A_904 : vector<16xi32>
      %add3A_906 = arith.constant 64 : i32
      %add3A_907 = arith.addi %mul3A_845, %add3A_906 : i32
      %get3A_908 = arith.index_cast %add3A_907 : i32 to index
      %get3A_909 = tpu.vector_load %arg4[%get3A_908] {strides = array<i32>} : memref<32768xf32, #tpu.memory_space<vmem>>, vector<16xf32>,
      %ge3A_910 = arith.cmpf oge, %get3A_909, %broadcast_in_dim3A_32 : vector<16xf32>
      %convert_element_type3A_911 = arith.extui %ge3A_910 : vector<16xi1> to vector<16xi32>
      %broadcast_in_dim3A_912 = arith.constant true
      %broadcast_in_dim3A_913 = vector.broadcast %broadcast_in_dim3A_912 : i1 to vector<16xi1>
      %masked_cumsum3A_914 = tpu.scan <sum>, %convert_element_type3A_911 masked %broadcast_in_dim3A_913 : vector<16xi32>, vector<16xi1> -> vector<16xi32>
      %add3A_915 = arith.addi %add3A_905, %masked_cumsum3A_914 : vector<16xi32>
      %sub3A_916 = arith.constant 1 : i32
      %sub3A_917 = vector.broadcast %sub3A_916 : i32 to vector<16xi32>
      %sub3A_918 = arith.subi %add3A_915, %sub3A_917 : vector<16xi32>
      tpu.vector_store_idx %arg8[%sub3A_918], %get3A_909 masked %ge3A_910 : memref<32784xf32, #tpu.memory_space<vmem>>[vector<16xi32>], vector<16xf32>, vector<16xi1>
      %all_reduce_population_count3A_919 = tpu.all_reduce %ge3A_910 {dim = 0 : i64, kind = #tpu.reduction_kind<sum>} : vector<16xi1> -> vector<16xi32>
      %add3A_920 = arith.addi %add3A_905, %all_reduce_population_count3A_919 : vector<16xi32>
      %add3A_921 = arith.constant 80 : i32
      %add3A_922 = arith.addi %mul3A_845, %add3A_921 : i32
      %get3A_923 = arith.index_cast %add3A_922 : i32 to index
      %get3A_924 = tpu.vector_load %arg4[%get3A_923] {strides = array<i32>} : memref<32768xf32, #tpu.memory_space<vmem>>, vector<16xf32>,
      %ge3A_925 = arith.cmpf oge, %get3A_924, %broadcast_in_dim3A_32 : vector<16xf32>
      %convert_element_type3A_926 = arith.extui %ge3A_925 : vector<16xi1> to vector<16xi32>
      %broadcast_in_dim3A_927 = arith.constant true
      %broadcast_in_dim3A_928 = vector.broadcast %broadcast_in_dim3A_927 : i1 to vector<16xi1>
      %masked_cumsum3A_929 = tpu.scan <sum>, %convert_element_type3A_926 masked %broadcast_in_dim3A_928 : vector<16xi32>, vector<16xi1> -> vector<16xi32>
      %add3A_930 = arith.addi %add3A_920, %masked_cumsum3A_929 : vector<16xi32>
      %sub3A_931 = arith.constant 1 : i32
      %sub3A_932 = vector.broadcast %sub3A_931 : i32 to vector<16xi32>
      %sub3A_933 = arith.subi %add3A_930, %sub3A_932 : vector<16xi32>
      tpu.vector_store_idx %arg8[%sub3A_933], %get3A_924 masked %ge3A_925 : memref<32784xf32, #tpu.memory_space<vmem>>[vector<16xi32>], vector<16xf32>, vector<16xi1>
      %all_reduce_population_count3A_934 = tpu.all_reduce %ge3A_925 {dim = 0 : i64, kind = #tpu.reduction_kind<sum>} : vector<16xi1> -> vector<16xi32>
      %add3A_935 = arith.addi %add3A_920, %all_reduce_population_count3A_934 : vector<16xi32>
      %add3A_936 = arith.constant 96 : i32
      %add3A_937 = arith.addi %mul3A_845, %add3A_936 : i32
      %get3A_938 = arith.index_cast %add3A_937 : i32 to index
      %get3A_939 = tpu.vector_load %arg4[%get3A_938] {strides = array<i32>} : memref<32768xf32, #tpu.memory_space<vmem>>, vector<16xf32>,
      %ge3A_940 = arith.cmpf oge, %get3A_939, %broadcast_in_dim3A_32 : vector<16xf32>
      %convert_element_type3A_941 = arith.extui %ge3A_940 : vector<16xi1> to vector<16xi32>
      %broadcast_in_dim3A_942 = arith.constant true
      %broadcast_in_dim3A_943 = vector.broadcast %broadcast_in_dim3A_942 : i1 to vector<16xi1>
      %masked_cumsum3A_944 = tpu.scan <sum>, %convert_element_type3A_941 masked %broadcast_in_dim3A_943 : vector<16xi32>, vector<16xi1> -> vector<16xi32>
      %add3A_945 = arith.addi %add3A_935, %masked_cumsum3A_944 : vector<16xi32>
      %sub3A_946 = arith.constant 1 : i32
      %sub3A_947 = vector.broadcast %sub3A_946 : i32 to vector<16xi32>
      %sub3A_948 = arith.subi %add3A_945, %sub3A_947 : vector<16xi32>
      tpu.vector_store_idx %arg8[%sub3A_948], %get3A_939 masked %ge3A_940 : memref<32784xf32, #tpu.memory_space<vmem>>[vector<16xi32>], vector<16xf32>, vector<16xi1>
      %all_reduce_population_count3A_949 = tpu.all_reduce %ge3A_940 {dim = 0 : i64, kind = #tpu.reduction_kind<sum>} : vector<16xi1> -> vector<16xi32>
      %add3A_950 = arith.addi %add3A_935, %all_reduce_population_count3A_949 : vector<16xi32>
      %add3A_951 = arith.constant 112 : i32
      %add3A_952 = arith.addi %mul3A_845, %add3A_951 : i32
      %get3A_953 = arith.index_cast %add3A_952 : i32 to index
      %get3A_954 = tpu.vector_load %arg4[%get3A_953] {strides = array<i32>} : memref<32768xf32, #tpu.memory_space<vmem>>, vector<16xf32>,
      %ge3A_955 = arith.cmpf oge, %get3A_954, %broadcast_in_dim3A_32 : vector<16xf32>
      %convert_element_type3A_956 = arith.extui %ge3A_955 : vector<16xi1> to vector<16xi32>
      %broadcast_in_dim3A_957 = arith.constant true
      %broadcast_in_dim3A_958 = vector.broadcast %broadcast_in_dim3A_957 : i1 to vector<16xi1>
      %masked_cumsum3A_959 = tpu.scan <sum>, %convert_element_type3A_956 masked %broadcast_in_dim3A_958 : vector<16xi32>, vector<16xi1> -> vector<16xi32>
      %add3A_960 = arith.addi %add3A_950, %masked_cumsum3A_959 : vector<16xi32>
      %sub3A_961 = arith.constant 1 : i32
      %sub3A_962 = vector.broadcast %sub3A_961 : i32 to vector<16xi32>
      %sub3A_963 = arith.subi %add3A_960, %sub3A_962 : vector<16xi32>
      tpu.vector_store_idx %arg8[%sub3A_963], %get3A_954 masked %ge3A_955 : memref<32784xf32, #tpu.memory_space<vmem>>[vector<16xi32>], vector<16xf32>, vector<16xi1>
      %all_reduce_population_count3A_964 = tpu.all_reduce %ge3A_955 {dim = 0 : i64, kind = #tpu.reduction_kind<sum>} : vector<16xi1> -> vector<16xi32>
      %add3A_965 = arith.addi %add3A_950, %all_reduce_population_count3A_964 : vector<16xi32>
      %add3A_966 = arith.constant 128 : i32
      %add3A_967 = arith.addi %mul3A_845, %add3A_966 : i32
      %get3A_968 = arith.index_cast %add3A_967 : i32 to index
      %get3A_969 = tpu.vector_load %arg4[%get3A_968] {strides = array<i32>} : memref<32768xf32, #tpu.memory_space<vmem>>, vector<16xf32>,
      %ge3A_970 = arith.cmpf oge, %get3A_969, %broadcast_in_dim3A_32 : vector<16xf32>
      %convert_element_type3A_971 = arith.extui %ge3A_970 : vector<16xi1> to vector<16xi32>
      %broadcast_in_dim3A_972 = arith.constant true
      %broadcast_in_dim3A_973 = vector.broadcast %broadcast_in_dim3A_972 : i1 to vector<16xi1>
      %masked_cumsum3A_974 = tpu.scan <sum>, %convert_element_type3A_971 masked %broadcast_in_dim3A_973 : vector<16xi32>, vector<16xi1> -> vector<16xi32>
      %add3A_975 = arith.addi %add3A_965, %masked_cumsum3A_974 : vector<16xi32>
      %sub3A_976 = arith.constant 1 : i32
      %sub3A_977 = vector.broadcast %sub3A_976 : i32 to vector<16xi32>
      %sub3A_978 = arith.subi %add3A_975, %sub3A_977 : vector<16xi32>
      tpu.vector_store_idx %arg8[%sub3A_978], %get3A_969 masked %ge3A_970 : memref<32784xf32, #tpu.memory_space<vmem>>[vector<16xi32>], vector<16xf32>, vector<16xi1>
      %all_reduce_population_count3A_979 = tpu.all_reduce %ge3A_970 {dim = 0 : i64, kind = #tpu.reduction_kind<sum>} : vector<16xi1> -> vector<16xi32>
      %add3A_980 = arith.addi %add3A_965, %all_reduce_population_count3A_979 : vector<16xi32>
      %add3A_981 = arith.constant 144 : i32
      %add3A_982 = arith.addi %mul3A_845, %add3A_981 : i32
      %get3A_983 = arith.index_cast %add3A_982 : i32 to index
      %get3A_984 = tpu.vector_load %arg4[%get3A_983] {strides = array<i32>} : memref<32768xf32, #tpu.memory_space<vmem>>, vector<16xf32>,
      %ge3A_985 = arith.cmpf oge, %get3A_984, %broadcast_in_dim3A_32 : vector<16xf32>
      %convert_element_type3A_986 = arith.extui %ge3A_985 : vector<16xi1> to vector<16xi32>
      %broadcast_in_dim3A_987 = arith.constant true
      %broadcast_in_dim3A_988 = vector.broadcast %broadcast_in_dim3A_987 : i1 to vector<16xi1>
      %masked_cumsum3A_989 = tpu.scan <sum>, %convert_element_type3A_986 masked %broadcast_in_dim3A_988 : vector<16xi32>, vector<16xi1> -> vector<16xi32>
      %add3A_990 = arith.addi %add3A_980, %masked_cumsum3A_989 : vector<16xi32>
      %sub3A_991 = arith.constant 1 : i32
      %sub3A_992 = vector.broadcast %sub3A_991 : i32 to vector<16xi32>
      %sub3A_993 = arith.subi %add3A_990, %sub3A_992 : vector<16xi32>
      tpu.vector_store_idx %arg8[%sub3A_993], %get3A_984 masked %ge3A_985 : memref<32784xf32, #tpu.memory_space<vmem>>[vector<16xi32>], vector<16xf32>, vector<16xi1>
      %all_reduce_population_count3A_994 = tpu.all_reduce %ge3A_985 {dim = 0 : i64, kind = #tpu.reduction_kind<sum>} : vector<16xi1> -> vector<16xi32>
      %add3A_995 = arith.addi %add3A_980, %all_reduce_population_count3A_994 : vector<16xi32>
      %add3A_996 = arith.constant 160 : i32
      %add3A_997 = arith.addi %mul3A_845, %add3A_996 : i32
      %get3A_998 = arith.index_cast %add3A_997 : i32 to index
      %get3A_999 = tpu.vector_load %arg4[%get3A_998] {strides = array<i32>} : memref<32768xf32, #tpu.memory_space<vmem>>, vector<16xf32>,
      %ge3A_1000 = arith.cmpf oge, %get3A_999, %broadcast_in_dim3A_32 : vector<16xf32>
      %convert_element_type3A_1001 = arith.extui %ge3A_1000 : vector<16xi1> to vector<16xi32>
      %broadcast_in_dim3A_1002 = arith.constant true
      %broadcast_in_dim3A_1003 = vector.broadcast %broadcast_in_dim3A_1002 : i1 to vector<16xi1>
      %masked_cumsum3A_1004 = tpu.scan <sum>, %convert_element_type3A_1001 masked %broadcast_in_dim3A_1003 : vector<16xi32>, vector<16xi1> -> vector<16xi32>
      %add3A_1005 = arith.addi %add3A_995, %masked_cumsum3A_1004 : vector<16xi32>
      %sub3A_1006 = arith.constant 1 : i32
      %sub3A_1007 = vector.broadcast %sub3A_1006 : i32 to vector<16xi32>
      %sub3A_1008 = arith.subi %add3A_1005, %sub3A_1007 : vector<16xi32>
      tpu.vector_store_idx %arg8[%sub3A_1008], %get3A_999 masked %ge3A_1000 : memref<32784xf32, #tpu.memory_space<vmem>>[vector<16xi32>], vector<16xf32>, vector<16xi1>
      %all_reduce_population_count3A_1009 = tpu.all_reduce %ge3A_1000 {dim = 0 : i64, kind = #tpu.reduction_kind<sum>} : vector<16xi1> -> vector<16xi32>
      %add3A_1010 = arith.addi %add3A_995, %all_reduce_population_count3A_1009 : vector<16xi32>
      %add3A_1011 = arith.constant 176 : i32
      %add3A_1012 = arith.addi %mul3A_845, %add3A_1011 : i32
      %get3A_1013 = arith.index_cast %add3A_1012 : i32 to index
      %get3A_1014 = tpu.vector_load %arg4[%get3A_1013] {strides = array<i32>} : memref<32768xf32, #tpu.memory_space<vmem>>, vector<16xf32>,
      %ge3A_1015 = arith.cmpf oge, %get3A_1014, %broadcast_in_dim3A_32 : vector<16xf32>
      %convert_element_type3A_1016 = arith.extui %ge3A_1015 : vector<16xi1> to vector<16xi32>
      %broadcast_in_dim3A_1017 = arith.constant true
      %broadcast_in_dim3A_1018 = vector.broadcast %broadcast_in_dim3A_1017 : i1 to vector<16xi1>
      %masked_cumsum3A_1019 = tpu.scan <sum>, %convert_element_type3A_1016 masked %broadcast_in_dim3A_1018 : vector<16xi32>, vector<16xi1> -> vector<16xi32>
      %add3A_1020 = arith.addi %add3A_1010, %masked_cumsum3A_1019 : vector<16xi32>
      %sub3A_1021 = arith.constant 1 : i32
      %sub3A_1022 = vector.broadcast %sub3A_1021 : i32 to vector<16xi32>
      %sub3A_1023 = arith.subi %add3A_1020, %sub3A_1022 : vector<16xi32>
      tpu.vector_store_idx %arg8[%sub3A_1023], %get3A_1014 masked %ge3A_1015 : memref<32784xf32, #tpu.memory_space<vmem>>[vector<16xi32>], vector<16xf32>, vector<16xi1>
      %all_reduce_population_count3A_1024 = tpu.all_reduce %ge3A_1015 {dim = 0 : i64, kind = #tpu.reduction_kind<sum>} : vector<16xi1> -> vector<16xi32>
      %add3A_1025 = arith.addi %add3A_1010, %all_reduce_population_count3A_1024 : vector<16xi32>
      %add3A_1026 = arith.constant 192 : i32
      %add3A_1027 = arith.addi %mul3A_845, %add3A_1026 : i32
      %get3A_1028 = arith.index_cast %add3A_1027 : i32 to index
      %get3A_1029 = tpu.vector_load %arg4[%get3A_1028] {strides = array<i32>} : memref<32768xf32, #tpu.memory_space<vmem>>, vector<16xf32>,
      %ge3A_1030 = arith.cmpf oge, %get3A_1029, %broadcast_in_dim3A_32 : vector<16xf32>
      %convert_element_type3A_1031 = arith.extui %ge3A_1030 : vector<16xi1> to vector<16xi32>
      %broadcast_in_dim3A_1032 = arith.constant true
      %broadcast_in_dim3A_1033 = vector.broadcast %broadcast_in_dim3A_1032 : i1 to vector<16xi1>
      %masked_cumsum3A_1034 = tpu.scan <sum>, %convert_element_type3A_1031 masked %broadcast_in_dim3A_1033 : vector<16xi32>, vector<16xi1> -> vector<16xi32>
      %add3A_1035 = arith.addi %add3A_1025, %masked_cumsum3A_1034 : vector<16xi32>
      %sub3A_1036 = arith.constant 1 : i32
      %sub3A_1037 = vector.broadcast %sub3A_1036 : i32 to vector<16xi32>
      %sub3A_1038 = arith.subi %add3A_1035, %sub3A_1037 : vector<16xi32>
      tpu.vector_store_idx %arg8[%sub3A_1038], %get3A_1029 masked %ge3A_1030 : memref<32784xf32, #tpu.memory_space<vmem>>[vector<16xi32>], vector<16xf32>, vector<16xi1>
      %all_reduce_population_count3A_1039 = tpu.all_reduce %ge3A_1030 {dim = 0 : i64, kind = #tpu.reduction_kind<sum>} : vector<16xi1> -> vector<16xi32>
      %add3A_1040 = arith.addi %add3A_1025, %all_reduce_population_count3A_1039 : vector<16xi32>
      %add3A_1041 = arith.constant 208 : i32
      %add3A_1042 = arith.addi %mul3A_845, %add3A_1041 : i32
      %get3A_1043 = arith.index_cast %add3A_1042 : i32 to index
      %get3A_1044 = tpu.vector_load %arg4[%get3A_1043] {strides = array<i32>} : memref<32768xf32, #tpu.memory_space<vmem>>, vector<16xf32>,
      %ge3A_1045 = arith.cmpf oge, %get3A_1044, %broadcast_in_dim3A_32 : vector<16xf32>
      %convert_element_type3A_1046 = arith.extui %ge3A_1045 : vector<16xi1> to vector<16xi32>
      %broadcast_in_dim3A_1047 = arith.constant true
      %broadcast_in_dim3A_1048 = vector.broadcast %broadcast_in_dim3A_1047 : i1 to vector<16xi1>
      %masked_cumsum3A_1049 = tpu.scan <sum>, %convert_element_type3A_1046 masked %broadcast_in_dim3A_1048 : vector<16xi32>, vector<16xi1> -> vector<16xi32>
      %add3A_1050 = arith.addi %add3A_1040, %masked_cumsum3A_1049 : vector<16xi32>
      %sub3A_1051 = arith.constant 1 : i32
      %sub3A_1052 = vector.broadcast %sub3A_1051 : i32 to vector<16xi32>
      %sub3A_1053 = arith.subi %add3A_1050, %sub3A_1052 : vector<16xi32>
      tpu.vector_store_idx %arg8[%sub3A_1053], %get3A_1044 masked %ge3A_1045 : memref<32784xf32, #tpu.memory_space<vmem>>[vector<16xi32>], vector<16xf32>, vector<16xi1>
      %all_reduce_population_count3A_1054 = tpu.all_reduce %ge3A_1045 {dim = 0 : i64, kind = #tpu.reduction_kind<sum>} : vector<16xi1> -> vector<16xi32>
      %add3A_1055 = arith.addi %add3A_1040, %all_reduce_population_count3A_1054 : vector<16xi32>
      %add3A_1056 = arith.constant 224 : i32
      %add3A_1057 = arith.addi %mul3A_845, %add3A_1056 : i32
      %get3A_1058 = arith.index_cast %add3A_1057 : i32 to index
      %get3A_1059 = tpu.vector_load %arg4[%get3A_1058] {strides = array<i32>} : memref<32768xf32, #tpu.memory_space<vmem>>, vector<16xf32>,
      %ge3A_1060 = arith.cmpf oge, %get3A_1059, %broadcast_in_dim3A_32 : vector<16xf32>
      %convert_element_type3A_1061 = arith.extui %ge3A_1060 : vector<16xi1> to vector<16xi32>
      %broadcast_in_dim3A_1062 = arith.constant true
      %broadcast_in_dim3A_1063 = vector.broadcast %broadcast_in_dim3A_1062 : i1 to vector<16xi1>
      %masked_cumsum3A_1064 = tpu.scan <sum>, %convert_element_type3A_1061 masked %broadcast_in_dim3A_1063 : vector<16xi32>, vector<16xi1> -> vector<16xi32>
      %add3A_1065 = arith.addi %add3A_1055, %masked_cumsum3A_1064 : vector<16xi32>
      %sub3A_1066 = arith.constant 1 : i32
      %sub3A_1067 = vector.broadcast %sub3A_1066 : i32 to vector<16xi32>
      %sub3A_1068 = arith.subi %add3A_1065, %sub3A_1067 : vector<16xi32>
      tpu.vector_store_idx %arg8[%sub3A_1068], %get3A_1059 masked %ge3A_1060 : memref<32784xf32, #tpu.memory_space<vmem>>[vector<16xi32>], vector<16xf32>, vector<16xi1>
      %all_reduce_population_count3A_1069 = tpu.all_reduce %ge3A_1060 {dim = 0 : i64, kind = #tpu.reduction_kind<sum>} : vector<16xi1> -> vector<16xi32>
      %add3A_1070 = arith.addi %add3A_1055, %all_reduce_population_count3A_1069 : vector<16xi32>
      %add3A_1071 = arith.constant 240 : i32
      %add3A_1072 = arith.addi %mul3A_845, %add3A_1071 : i32
      %get3A_1073 = arith.index_cast %add3A_1072 : i32 to index
      %get3A_1074 = tpu.vector_load %arg4[%get3A_1073] {strides = array<i32>} : memref<32768xf32, #tpu.memory_space<vmem>>, vector<16xf32>,
      %ge3A_1075 = arith.cmpf oge, %get3A_1074, %broadcast_in_dim3A_32 : vector<16xf32>
      %convert_element_type3A_1076 = arith.extui %ge3A_1075 : vector<16xi1> to vector<16xi32>
      %broadcast_in_dim3A_1077 = arith.constant true
      %broadcast_in_dim3A_1078 = vector.broadcast %broadcast_in_dim3A_1077 : i1 to vector<16xi1>
      %masked_cumsum3A_1079 = tpu.scan <sum>, %convert_element_type3A_1076 masked %broadcast_in_dim3A_1078 : vector<16xi32>, vector<16xi1> -> vector<16xi32>
      %add3A_1080 = arith.addi %add3A_1070, %masked_cumsum3A_1079 : vector<16xi32>
      %sub3A_1081 = arith.constant 1 : i32
      %sub3A_1082 = vector.broadcast %sub3A_1081 : i32 to vector<16xi32>
      %sub3A_1083 = arith.subi %add3A_1080, %sub3A_1082 : vector<16xi32>
      tpu.vector_store_idx %arg8[%sub3A_1083], %get3A_1074 masked %ge3A_1075 : memref<32784xf32, #tpu.memory_space<vmem>>[vector<16xi32>], vector<16xf32>, vector<16xi1>
      %all_reduce_population_count3A_1084 = tpu.all_reduce %ge3A_1075 {dim = 0 : i64, kind = #tpu.reduction_kind<sum>} : vector<16xi1> -> vector<16xi32>
      %add3A_1085 = arith.addi %add3A_1070, %all_reduce_population_count3A_1084 : vector<16xi32>
      scf.yield %add3A_1085 : vector<16xi32>
    }
    %add3A_167 = arith.addi %while3A_166, %iota3A : vector<16xi32>
    tpu.vector_store_idx %arg8[%add3A_167], %broadcast_in_dim3A_3 : memref<32784xf32, #tpu.memory_space<vmem>>[vector<16xi32>], vector<16xf32>,
    %slice3A_168 = vector.extract_strided_slice %while3A_166 {offsets = [0], sizes = [1], strides = [1]} : vector<16xi32> to vector<1xi32>
    %squeeze3A_169 = vector.extract %slice3A_168[0] : i32 from vector<1xi32>
    %add3A_170 = arith.constant 16 : i32
    %add3A_171 = arith.addi %squeeze3A_169, %add3A_170 : i32
    %sub3A_172 = arith.constant 1 : i32
    %sub3A_173 = arith.subi %add3A_171, %sub3A_172 : i32
    %jit3A = arith.constant 16 : i32
    %div3A = arith.divsi %sub3A_173, %jit3A : i32
    %sign3A = arith.constant 0 : i32
    %sign3A_174 = arith.cmpi sgt, %sub3A_173, %sign3A : i32
    %sign3A_175 = arith.extui %sign3A_174 : i1 to i32
    %sign3A_176 = arith.constant 0 : i32
    %sign3A_177 = arith.cmpi slt, %sub3A_173, %sign3A_176 : i32
    %sign3A_178 = arith.extui %sign3A_177 : i1 to i32
    %sign3A_179 = arith.subi %sign3A_175, %sign3A_178 : i32
    %sign3A_180 = arith.constant 0 : i32
    %sign3A_181 = arith.cmpi sgt, %jit3A, %sign3A_180 : i32
    %sign3A_182 = arith.extui %sign3A_181 : i1 to i32
    %sign3A_183 = arith.constant 0 : i32
    %sign3A_184 = arith.cmpi slt, %jit3A, %sign3A_183 : i32
    %sign3A_185 = arith.extui %sign3A_184 : i1 to i32
    %sign3A_186 = arith.subi %sign3A_182, %sign3A_185 : i32
    %ne3A = arith.cmpi ne, %sign3A_179, %sign3A_186 : i32
    %rem3A = arith.remsi %sub3A_173, %jit3A : i32
    %ne3A_187 = arith.constant 0 : i32
    %ne3A_188 = arith.cmpi ne, %rem3A, %ne3A_187 : i32
    %and3A = arith.andi %ne3A, %ne3A_188 : i1
    %sub3A_189 = arith.constant 1 : i32
    %sub3A_190 = arith.subi %div3A, %sub3A_189 : i32
    %select_n3A = arith.select %and3A, %sub3A_190, %div3A : i32
    %while3A_191 = arith.constant 0 : i32
    %while3A_192 = arith.subi %select_n3A, %while3A_191 : i32
    %while3A_193 = arith.addi %while3A_191, %while3A_192 : i32
    %while3A_194 = arith.constant 1 : i32
    %while3A_195 = arith.divsi %while3A_192, %while3A_194 : i32
    %while3A_196 = arith.muli %while3A_195, %while3A_194 : i32
    %while3A_197 = arith.addi %while3A_191, %while3A_196 : i32
    %while3A_198 = arith.constant 1 : i32
    %while3A_199 = scf.for %while3A_838 = %while3A_191 to %while3A_197 step %while3A_198 iter_args(%while3A_839 = %broadcast_in_dim3A_3) -> (vector<16xf32>)  : i32 {
      %mul3A_840 = arith.constant 16 : i32
      %mul3A_841 = arith.muli %while3A_838, %mul3A_840 : i32
      %get3A_842 = arith.index_cast %mul3A_841 : i32 to index
      %get3A_843 = tpu.vector_load %arg8[%get3A_842] {strides = array<i32>} : memref<32784xf32, #tpu.memory_space<vmem>>, vector<16xf32>,
      %masked_sort3A_844 = arith.constant dense<true> : vector<16xi1>
      %masked_sort3A_845, %masked_sort3A_846, %masked_sort3A_847 = tpu.sort %get3A_843, %get3A_843 masked %masked_sort3A_844 {descending = true} : (vector<16xf32>, vector<16xf32>, vector<16xi1>) -> (vector<16xi1>, vector<16xf32>, vector<16xf32>)
      %rev3A = arith.constant 15 : i32
      %rev3A_848 = vector.broadcast %rev3A : i32 to vector<16xi32>
      %rev3A_849 = tpu.iota {dimensions = array<i32: 0>} : vector<16xi32>
      %rev3A_850 = arith.subi %rev3A_848, %rev3A_849 : vector<16xi32>
      %rev3A_851 = tpu.dynamic_gather %while3A_839[%rev3A_850] in [0] : vector<16xf32>, vector<16xi32> -> vector<16xf32>
      %max3A = arith.maximumf %masked_sort3A_846, %rev3A_851 : vector<16xf32>
      %masked_sort3A_852 = arith.constant dense<true> : vector<16xi1>
      %masked_sort3A_853, %masked_sort3A_854, %masked_sort3A_855 = tpu.sort %max3A, %max3A masked %masked_sort3A_852 {descending = true} : (vector<16xf32>, vector<16xf32>, vector<16xi1>) -> (vector<16xi1>, vector<16xf32>, vector<16xf32>)
      scf.yield %masked_sort3A_854 : vector<16xf32>
    }
    %while3A_200 = arith.constant 1 : i32
    %while3A_201 = scf.for %while3A_838 = %while3A_197 to %while3A_193 step %while3A_200 iter_args(%while3A_839 = %while3A_199) -> (vector<16xf32>)  : i32 {
      %mul3A_840 = arith.constant 16 : i32
      %mul3A_841 = arith.muli %while3A_838, %mul3A_840 : i32
      %get3A_842 = arith.index_cast %mul3A_841 : i32 to index
      %get3A_843 = tpu.vector_load %arg8[%get3A_842] {strides = array<i32>} : memref<32784xf32, #tpu.memory_space<vmem>>, vector<16xf32>,
      %masked_sort3A_844 = arith.constant dense<true> : vector<16xi1>
      %masked_sort3A_845, %masked_sort3A_846, %masked_sort3A_847 = tpu.sort %get3A_843, %get3A_843 masked %masked_sort3A_844 {descending = true} : (vector<16xf32>, vector<16xf32>, vector<16xi1>) -> (vector<16xi1>, vector<16xf32>, vector<16xf32>)
      %rev3A = arith.constant 15 : i32
      %rev3A_848 = vector.broadcast %rev3A : i32 to vector<16xi32>
      %rev3A_849 = tpu.iota {dimensions = array<i32: 0>} : vector<16xi32>
      %rev3A_850 = arith.subi %rev3A_848, %rev3A_849 : vector<16xi32>
      %rev3A_851 = tpu.dynamic_gather %while3A_839[%rev3A_850] in [0] : vector<16xf32>, vector<16xi32> -> vector<16xf32>
      %max3A = arith.maximumf %masked_sort3A_846, %rev3A_851 : vector<16xf32>
      %masked_sort3A_852 = arith.constant dense<true> : vector<16xi1>
      %masked_sort3A_853, %masked_sort3A_854, %masked_sort3A_855 = tpu.sort %max3A, %max3A masked %masked_sort3A_852 {descending = true} : (vector<16xf32>, vector<16xf32>, vector<16xi1>) -> (vector<16xi1>, vector<16xf32>, vector<16xf32>)
      scf.yield %masked_sort3A_854 : vector<16xf32>
    }
    %lt3A = arith.constant 8 : i32
    %lt3A_202 = vector.broadcast %lt3A : i32 to vector<16xi32>
    %lt3A_203 = arith.cmpi slt, %iota3A, %lt3A_202 : vector<16xi32>
    %swap3A = arith.constant 0 : index
    %swap3A_204 = tpu.vector_load %arg9[%swap3A] masked %lt3A_203 {strides = array<i32>} : memref<48xf32, #tpu.memory_space<vmem>>, vector<16xf32>, vector<16xi1>
    tpu.vector_store %arg9[%swap3A], %while3A_201 masked %lt3A_203 {strides = array<i32>} : memref<48xf32, #tpu.memory_space<vmem>>, vector<16xf32>, vector<16xi1>
    %dma_wait3A_205 = arith.constant 0 : i32
    %dma_wait3A_206 = tpu.memref_slice %arg2[%add3A_19, %dma_wait3A_205] : memref<128x32768xf32, #tpu.memory_space<hbm>> -> memref<1x32768xf32, #tpu.memory_space<hbm>>
    %dma_wait3A_207 = tpu.memref_squeeze %dma_wait3A_206 : memref<1x32768xf32, #tpu.memory_space<hbm>> -> memref<32768xf32, #tpu.memory_space<hbm>>
    %dma_wait3A_208 = arith.constant 0 : i32
    %dma_wait3A_209 = tpu.memref_slice %arg2[%add3A_19, %dma_wait3A_208] : memref<128x32768xf32, #tpu.memory_space<hbm>> -> memref<1x32768xf32, #tpu.memory_space<hbm>>
    %dma_wait3A_210 = tpu.memref_squeeze %dma_wait3A_209 : memref<1x32768xf32, #tpu.memory_space<hbm>> -> memref<32768xf32, #tpu.memory_space<hbm>>
    tpu.wait_dma2 semaphore(%arg11 : memref<!tpu.dma_semaphore, #tpu.memory_space<semaphore_mem>>) src(%dma_wait3A_210 : memref<32768xf32, #tpu.memory_space<hbm>>) dst(%arg5 : memref<32768xf32, #tpu.memory_space<vmem>>)
    %add3A_211 = arith.constant 2 : i32
    %add3A_212 = arith.addi %mul3A_2, %add3A_211 : i32
    %dma_start3A_213 = arith.constant 0 : i32
    %dma_start3A_214 = tpu.memref_slice %arg2[%add3A_212, %dma_start3A_213] : memref<128x32768xf32, #tpu.memory_space<hbm>> -> memref<1x32768xf32, #tpu.memory_space<hbm>>
    %dma_start3A_215 = tpu.memref_squeeze %dma_start3A_214 : memref<1x32768xf32, #tpu.memory_space<hbm>> -> memref<32768xf32, #tpu.memory_space<hbm>>
    %dma_start3A_216 = arith.constant 0 : i32
    %dma_start3A_217 = tpu.memref_slice %arg2[%add3A_212, %dma_start3A_216] : memref<128x32768xf32, #tpu.memory_space<hbm>> -> memref<1x32768xf32, #tpu.memory_space<hbm>>
    %dma_start3A_218 = tpu.memref_squeeze %dma_start3A_217 : memref<1x32768xf32, #tpu.memory_space<hbm>> -> memref<32768xf32, #tpu.memory_space<hbm>>
    tpu.enqueue_dma source(%dma_start3A_218 : memref<32768xf32, #tpu.memory_space<hbm>>) target(%arg4 : memref<32768xf32, #tpu.memory_space<vmem>>) target_semaphore(%arg10 : memref<!tpu.dma_semaphore, #tpu.memory_space<semaphore_mem>>)
    %parallel_loop3A_219 = arith.constant 0 : i32
    %parallel_loop3A_220 = arith.constant 128 : i32
    %parallel_loop3A_221 = arith.constant 1 : i32
    %parallel_loop3A_222 = scf.for %parallel_loop3A_838 = %parallel_loop3A_219 to %parallel_loop3A_220 step %parallel_loop3A_221 iter_args(%parallel_loop3A_839 = %broadcast_in_dim3A_3) -> (vector<16xf32>)  : i32 {
      %parallel_loop3A_840 = arith.constant 256 : i32
      %parallel_loop3A_841 = arith.muli %parallel_loop3A_838, %parallel_loop3A_840 : i32
      %parallel_loop3A_842 = arith.constant 0 : i32
      %parallel_loop3A_843 = arith.addi %parallel_loop3A_841, %parallel_loop3A_842 : i32
      %parallel_loop3A_844 = arith.index_cast %parallel_loop3A_843 : i32 to index
      %parallel_loop3A_845 = tpu.vector_load %arg5[%parallel_loop3A_844] {strides = array<i32>} : memref<32768xf32, #tpu.memory_space<vmem>>, vector<16xf32>,
      %parallel_loop3A_846 = arith.maximumf %broadcast_in_dim3A_3, %parallel_loop3A_845 : vector<16xf32>
      %parallel_loop3A_847 = arith.constant 16 : i32
      %parallel_loop3A_848 = arith.addi %parallel_loop3A_841, %parallel_loop3A_847 : i32
      %parallel_loop3A_849 = arith.index_cast %parallel_loop3A_848 : i32 to index
      %parallel_loop3A_850 = tpu.vector_load %arg5[%parallel_loop3A_849] {strides = array<i32>} : memref<32768xf32, #tpu.memory_space<vmem>>, vector<16xf32>,
      %parallel_loop3A_851 = arith.maximumf %broadcast_in_dim3A_3, %parallel_loop3A_850 : vector<16xf32>
      %parallel_loop3A_852 = arith.constant 32 : i32
      %parallel_loop3A_853 = arith.addi %parallel_loop3A_841, %parallel_loop3A_852 : i32
      %parallel_loop3A_854 = arith.index_cast %parallel_loop3A_853 : i32 to index
      %parallel_loop3A_855 = tpu.vector_load %arg5[%parallel_loop3A_854] {strides = array<i32>} : memref<32768xf32, #tpu.memory_space<vmem>>, vector<16xf32>,
      %parallel_loop3A_856 = arith.maximumf %broadcast_in_dim3A_3, %parallel_loop3A_855 : vector<16xf32>
      %parallel_loop3A_857 = arith.constant 48 : i32
      %parallel_loop3A_858 = arith.addi %parallel_loop3A_841, %parallel_loop3A_857 : i32
      %parallel_loop3A_859 = arith.index_cast %parallel_loop3A_858 : i32 to index
      %parallel_loop3A_860 = tpu.vector_load %arg5[%parallel_loop3A_859] {strides = array<i32>} : memref<32768xf32, #tpu.memory_space<vmem>>, vector<16xf32>,
      %parallel_loop3A_861 = arith.maximumf %broadcast_in_dim3A_3, %parallel_loop3A_860 : vector<16xf32>
      %parallel_loop3A_862 = arith.constant 64 : i32
      %parallel_loop3A_863 = arith.addi %parallel_loop3A_841, %parallel_loop3A_862 : i32
      %parallel_loop3A_864 = arith.index_cast %parallel_loop3A_863 : i32 to index
      %parallel_loop3A_865 = tpu.vector_load %arg5[%parallel_loop3A_864] {strides = array<i32>} : memref<32768xf32, #tpu.memory_space<vmem>>, vector<16xf32>,
      %parallel_loop3A_866 = arith.maximumf %parallel_loop3A_846, %parallel_loop3A_865 : vector<16xf32>
      %parallel_loop3A_867 = arith.constant 80 : i32
      %parallel_loop3A_868 = arith.addi %parallel_loop3A_841, %parallel_loop3A_867 : i32
      %parallel_loop3A_869 = arith.index_cast %parallel_loop3A_868 : i32 to index
      %parallel_loop3A_870 = tpu.vector_load %arg5[%parallel_loop3A_869] {strides = array<i32>} : memref<32768xf32, #tpu.memory_space<vmem>>, vector<16xf32>,
      %parallel_loop3A_871 = arith.maximumf %parallel_loop3A_851, %parallel_loop3A_870 : vector<16xf32>
      %parallel_loop3A_872 = arith.constant 96 : i32
      %parallel_loop3A_873 = arith.addi %parallel_loop3A_841, %parallel_loop3A_872 : i32
      %parallel_loop3A_874 = arith.index_cast %parallel_loop3A_873 : i32 to index
      %parallel_loop3A_875 = tpu.vector_load %arg5[%parallel_loop3A_874] {strides = array<i32>} : memref<32768xf32, #tpu.memory_space<vmem>>, vector<16xf32>,
      %parallel_loop3A_876 = arith.maximumf %parallel_loop3A_856, %parallel_loop3A_875 : vector<16xf32>
      %parallel_loop3A_877 = arith.constant 112 : i32
      %parallel_loop3A_878 = arith.addi %parallel_loop3A_841, %parallel_loop3A_877 : i32
      %parallel_loop3A_879 = arith.index_cast %parallel_loop3A_878 : i32 to index
      %parallel_loop3A_880 = tpu.vector_load %arg5[%parallel_loop3A_879] {strides = array<i32>} : memref<32768xf32, #tpu.memory_space<vmem>>, vector<16xf32>,
      %parallel_loop3A_881 = arith.maximumf %parallel_loop3A_861, %parallel_loop3A_880 : vector<16xf32>
      %parallel_loop3A_882 = arith.constant 128 : i32
      %parallel_loop3A_883 = arith.addi %parallel_loop3A_841, %parallel_loop3A_882 : i32
      %parallel_loop3A_884 = arith.index_cast %parallel_loop3A_883 : i32 to index
      %parallel_loop3A_885 = tpu.vector_load %arg5[%parallel_loop3A_884] {strides = array<i32>} : memref<32768xf32, #tpu.memory_space<vmem>>, vector<16xf32>,
      %parallel_loop3A_886 = arith.maximumf %parallel_loop3A_866, %parallel_loop3A_885 : vector<16xf32>
      %parallel_loop3A_887 = arith.constant 144 : i32
      %parallel_loop3A_888 = arith.addi %parallel_loop3A_841, %parallel_loop3A_887 : i32
      %parallel_loop3A_889 = arith.index_cast %parallel_loop3A_888 : i32 to index
      %parallel_loop3A_890 = tpu.vector_load %arg5[%parallel_loop3A_889] {strides = array<i32>} : memref<32768xf32, #tpu.memory_space<vmem>>, vector<16xf32>,
      %parallel_loop3A_891 = arith.maximumf %parallel_loop3A_871, %parallel_loop3A_890 : vector<16xf32>
      %parallel_loop3A_892 = arith.constant 160 : i32
      %parallel_loop3A_893 = arith.addi %parallel_loop3A_841, %parallel_loop3A_892 : i32
      %parallel_loop3A_894 = arith.index_cast %parallel_loop3A_893 : i32 to index
      %parallel_loop3A_895 = tpu.vector_load %arg5[%parallel_loop3A_894] {strides = array<i32>} : memref<32768xf32, #tpu.memory_space<vmem>>, vector<16xf32>,
      %parallel_loop3A_896 = arith.maximumf %parallel_loop3A_876, %parallel_loop3A_895 : vector<16xf32>
      %parallel_loop3A_897 = arith.constant 176 : i32
      %parallel_loop3A_898 = arith.addi %parallel_loop3A_841, %parallel_loop3A_897 : i32
      %parallel_loop3A_899 = arith.index_cast %parallel_loop3A_898 : i32 to index
      %parallel_loop3A_900 = tpu.vector_load %arg5[%parallel_loop3A_899] {strides = array<i32>} : memref<32768xf32, #tpu.memory_space<vmem>>, vector<16xf32>,
      %parallel_loop3A_901 = arith.maximumf %parallel_loop3A_881, %parallel_loop3A_900 : vector<16xf32>
      %parallel_loop3A_902 = arith.constant 192 : i32
      %parallel_loop3A_903 = arith.addi %parallel_loop3A_841, %parallel_loop3A_902 : i32
      %parallel_loop3A_904 = arith.index_cast %parallel_loop3A_903 : i32 to index
      %parallel_loop3A_905 = tpu.vector_load %arg5[%parallel_loop3A_904] {strides = array<i32>} : memref<32768xf32, #tpu.memory_space<vmem>>, vector<16xf32>,
      %parallel_loop3A_906 = arith.maximumf %parallel_loop3A_886, %parallel_loop3A_905 : vector<16xf32>
      %parallel_loop3A_907 = arith.constant 208 : i32
      %parallel_loop3A_908 = arith.addi %parallel_loop3A_841, %parallel_loop3A_907 : i32
      %parallel_loop3A_909 = arith.index_cast %parallel_loop3A_908 : i32 to index
      %parallel_loop3A_910 = tpu.vector_load %arg5[%parallel_loop3A_909] {strides = array<i32>} : memref<32768xf32, #tpu.memory_space<vmem>>, vector<16xf32>,
      %parallel_loop3A_911 = arith.maximumf %parallel_loop3A_891, %parallel_loop3A_910 : vector<16xf32>
      %parallel_loop3A_912 = arith.constant 224 : i32
      %parallel_loop3A_913 = arith.addi %parallel_loop3A_841, %parallel_loop3A_912 : i32
      %parallel_loop3A_914 = arith.index_cast %parallel_loop3A_913 : i32 to index
      %parallel_loop3A_915 = tpu.vector_load %arg5[%parallel_loop3A_914] {strides = array<i32>} : memref<32768xf32, #tpu.memory_space<vmem>>, vector<16xf32>,
      %parallel_loop3A_916 = arith.maximumf %parallel_loop3A_896, %parallel_loop3A_915 : vector<16xf32>
      %parallel_loop3A_917 = arith.constant 240 : i32
      %parallel_loop3A_918 = arith.addi %parallel_loop3A_841, %parallel_loop3A_917 : i32
      %parallel_loop3A_919 = arith.index_cast %parallel_loop3A_918 : i32 to index
      %parallel_loop3A_920 = tpu.vector_load %arg5[%parallel_loop3A_919] {strides = array<i32>} : memref<32768xf32, #tpu.memory_space<vmem>>, vector<16xf32>,
      %parallel_loop3A_921 = arith.maximumf %parallel_loop3A_901, %parallel_loop3A_920 : vector<16xf32>
      %parallel_loop3A_922 = arith.maximumf %parallel_loop3A_906, %parallel_loop3A_911 : vector<16xf32>
      %parallel_loop3A_923 = arith.maximumf %parallel_loop3A_916, %parallel_loop3A_921 : vector<16xf32>
      %parallel_loop3A_924 = arith.maximumf %parallel_loop3A_922, %parallel_loop3A_923 : vector<16xf32>
      %parallel_loop3A_925 = arith.constant true
      %parallel_loop3A_926 = vector.broadcast %parallel_loop3A_925 : i1 to vector<16xi1>
      %parallel_loop3A_927 = tpu.scan <max>, %parallel_loop3A_924 masked %parallel_loop3A_926 : vector<16xf32>, vector<16xi1> -> vector<16xf32>
      %parallel_loop3A_928 = vector.broadcast %parallel_loop3A_838 : i32 to vector<16xi32>
      %parallel_loop3A_929 = arith.constant 15 : i32
      %parallel_loop3A_930 = vector.broadcast %parallel_loop3A_929 : i32 to vector<16xi32>
      %parallel_loop3A_931 = arith.cmpi eq, %iota3A, %parallel_loop3A_930 : vector<16xi32>
      tpu.vector_store_idx %arg6[%parallel_loop3A_928], %parallel_loop3A_927 masked %parallel_loop3A_931 : memref<128xf32, #tpu.memory_space<vmem>>[vector<16xi32>], vector<16xf32>, vector<16xi1>
      %parallel_loop3A_932 = arith.maximumf %parallel_loop3A_839, %parallel_loop3A_924 : vector<16xf32>
      scf.yield %parallel_loop3A_932 : vector<16xf32>
    } {sc.loop_unroll_factor = 4 : i64, sc.parallel_access}
    %masked_sort3A_223 = arith.constant dense<true> : vector<16xi1>
    %masked_sort3A_224, %masked_sort3A_225, %masked_sort3A_226 = tpu.sort %parallel_loop3A_222, %parallel_loop3A_222 masked %masked_sort3A_223 {descending = true} : (vector<16xf32>, vector<16xf32>, vector<16xi1>) -> (vector<16xi1>, vector<16xf32>, vector<16xf32>)
    %slice3A_227 = vector.extract_strided_slice %masked_sort3A_225 {offsets = [7], sizes = [1], strides = [1]} : vector<16xf32> to vector<1xf32>
    %squeeze3A_228 = vector.extract %slice3A_227[0] : f32 from vector<1xf32>
    %broadcast_in_dim3A_229 = vector.broadcast %squeeze3A_228 : f32 to vector<16xf32>
    %get3A_230 = arith.constant 0 : index
    %get3A_231 = tpu.vector_load %arg6[%get3A_230] {strides = array<i32>} : memref<128xf32, #tpu.memory_space<vmem>>, vector<16xf32>,
    %ge3A_232 = arith.cmpf oge, %get3A_231, %broadcast_in_dim3A_229 : vector<16xf32>
    %convert_element_type3A_233 = arith.extui %ge3A_232 : vector<16xi1> to vector<16xi32>
    %broadcast_in_dim3A_234 = arith.constant true
    %broadcast_in_dim3A_235 = vector.broadcast %broadcast_in_dim3A_234 : i1 to vector<16xi1>
    %masked_cumsum3A_236 = tpu.scan <sum>, %convert_element_type3A_233 masked %broadcast_in_dim3A_235 : vector<16xi32>, vector<16xi1> -> vector<16xi32>
    %add3A_237 = arith.addi %broadcast_in_dim3A_5, %masked_cumsum3A_236 : vector<16xi32>
    %sub3A_238 = arith.constant 1 : i32
    %sub3A_239 = vector.broadcast %sub3A_238 : i32 to vector<16xi32>
    %sub3A_240 = arith.subi %add3A_237, %sub3A_239 : vector<16xi32>
    %add3A_241 = arith.constant 0 : i32
    %add3A_242 = vector.broadcast %add3A_241 : i32 to vector<16xi32>
    %add3A_243 = arith.addi %add3A_242, %iota3A : vector<16xi32>
    tpu.vector_store_idx %arg7[%sub3A_240], %add3A_243 masked %ge3A_232 : memref<144xi32, #tpu.memory_space<vmem>>[vector<16xi32>], vector<16xi32>, vector<16xi1>
    %all_reduce_population_count3A_244 = tpu.all_reduce %ge3A_232 {dim = 0 : i64, kind = #tpu.reduction_kind<sum>} : vector<16xi1> -> vector<16xi32>
    %add3A_245 = arith.addi %broadcast_in_dim3A_5, %all_reduce_population_count3A_244 : vector<16xi32>
    %get3A_246 = arith.constant 16 : index
    %get3A_247 = tpu.vector_load %arg6[%get3A_246] {strides = array<i32>} : memref<128xf32, #tpu.memory_space<vmem>>, vector<16xf32>,
    %ge3A_248 = arith.cmpf oge, %get3A_247, %broadcast_in_dim3A_229 : vector<16xf32>
    %convert_element_type3A_249 = arith.extui %ge3A_248 : vector<16xi1> to vector<16xi32>
    %broadcast_in_dim3A_250 = arith.constant true
    %broadcast_in_dim3A_251 = vector.broadcast %broadcast_in_dim3A_250 : i1 to vector<16xi1>
    %masked_cumsum3A_252 = tpu.scan <sum>, %convert_element_type3A_249 masked %broadcast_in_dim3A_251 : vector<16xi32>, vector<16xi1> -> vector<16xi32>
    %add3A_253 = arith.addi %add3A_245, %masked_cumsum3A_252 : vector<16xi32>
    %sub3A_254 = arith.constant 1 : i32
    %sub3A_255 = vector.broadcast %sub3A_254 : i32 to vector<16xi32>
    %sub3A_256 = arith.subi %add3A_253, %sub3A_255 : vector<16xi32>
    %add3A_257 = arith.constant 16 : i32
    %add3A_258 = vector.broadcast %add3A_257 : i32 to vector<16xi32>
    %add3A_259 = arith.addi %add3A_258, %iota3A : vector<16xi32>
    tpu.vector_store_idx %arg7[%sub3A_256], %add3A_259 masked %ge3A_248 : memref<144xi32, #tpu.memory_space<vmem>>[vector<16xi32>], vector<16xi32>, vector<16xi1>
    %all_reduce_population_count3A_260 = tpu.all_reduce %ge3A_248 {dim = 0 : i64, kind = #tpu.reduction_kind<sum>} : vector<16xi1> -> vector<16xi32>
    %add3A_261 = arith.addi %add3A_245, %all_reduce_population_count3A_260 : vector<16xi32>
    %get3A_262 = arith.constant 32 : index
    %get3A_263 = tpu.vector_load %arg6[%get3A_262] {strides = array<i32>} : memref<128xf32, #tpu.memory_space<vmem>>, vector<16xf32>,
    %ge3A_264 = arith.cmpf oge, %get3A_263, %broadcast_in_dim3A_229 : vector<16xf32>
    %convert_element_type3A_265 = arith.extui %ge3A_264 : vector<16xi1> to vector<16xi32>
    %broadcast_in_dim3A_266 = arith.constant true
    %broadcast_in_dim3A_267 = vector.broadcast %broadcast_in_dim3A_266 : i1 to vector<16xi1>
    %masked_cumsum3A_268 = tpu.scan <sum>, %convert_element_type3A_265 masked %broadcast_in_dim3A_267 : vector<16xi32>, vector<16xi1> -> vector<16xi32>
    %add3A_269 = arith.addi %add3A_261, %masked_cumsum3A_268 : vector<16xi32>
    %sub3A_270 = arith.constant 1 : i32
    %sub3A_271 = vector.broadcast %sub3A_270 : i32 to vector<16xi32>
    %sub3A_272 = arith.subi %add3A_269, %sub3A_271 : vector<16xi32>
    %add3A_273 = arith.constant 32 : i32
    %add3A_274 = vector.broadcast %add3A_273 : i32 to vector<16xi32>
    %add3A_275 = arith.addi %add3A_274, %iota3A : vector<16xi32>
    tpu.vector_store_idx %arg7[%sub3A_272], %add3A_275 masked %ge3A_264 : memref<144xi32, #tpu.memory_space<vmem>>[vector<16xi32>], vector<16xi32>, vector<16xi1>
    %all_reduce_population_count3A_276 = tpu.all_reduce %ge3A_264 {dim = 0 : i64, kind = #tpu.reduction_kind<sum>} : vector<16xi1> -> vector<16xi32>
    %add3A_277 = arith.addi %add3A_261, %all_reduce_population_count3A_276 : vector<16xi32>
    %get3A_278 = arith.constant 48 : index
    %get3A_279 = tpu.vector_load %arg6[%get3A_278] {strides = array<i32>} : memref<128xf32, #tpu.memory_space<vmem>>, vector<16xf32>,
    %ge3A_280 = arith.cmpf oge, %get3A_279, %broadcast_in_dim3A_229 : vector<16xf32>
    %convert_element_type3A_281 = arith.extui %ge3A_280 : vector<16xi1> to vector<16xi32>
    %broadcast_in_dim3A_282 = arith.constant true
    %broadcast_in_dim3A_283 = vector.broadcast %broadcast_in_dim3A_282 : i1 to vector<16xi1>
    %masked_cumsum3A_284 = tpu.scan <sum>, %convert_element_type3A_281 masked %broadcast_in_dim3A_283 : vector<16xi32>, vector<16xi1> -> vector<16xi32>
    %add3A_285 = arith.addi %add3A_277, %masked_cumsum3A_284 : vector<16xi32>
    %sub3A_286 = arith.constant 1 : i32
    %sub3A_287 = vector.broadcast %sub3A_286 : i32 to vector<16xi32>
    %sub3A_288 = arith.subi %add3A_285, %sub3A_287 : vector<16xi32>
    %add3A_289 = arith.constant 48 : i32
    %add3A_290 = vector.broadcast %add3A_289 : i32 to vector<16xi32>
    %add3A_291 = arith.addi %add3A_290, %iota3A : vector<16xi32>
    tpu.vector_store_idx %arg7[%sub3A_288], %add3A_291 masked %ge3A_280 : memref<144xi32, #tpu.memory_space<vmem>>[vector<16xi32>], vector<16xi32>, vector<16xi1>
    %all_reduce_population_count3A_292 = tpu.all_reduce %ge3A_280 {dim = 0 : i64, kind = #tpu.reduction_kind<sum>} : vector<16xi1> -> vector<16xi32>
    %add3A_293 = arith.addi %add3A_277, %all_reduce_population_count3A_292 : vector<16xi32>
    %get3A_294 = arith.constant 64 : index
    %get3A_295 = tpu.vector_load %arg6[%get3A_294] {strides = array<i32>} : memref<128xf32, #tpu.memory_space<vmem>>, vector<16xf32>,
    %ge3A_296 = arith.cmpf oge, %get3A_295, %broadcast_in_dim3A_229 : vector<16xf32>
    %convert_element_type3A_297 = arith.extui %ge3A_296 : vector<16xi1> to vector<16xi32>
    %broadcast_in_dim3A_298 = arith.constant true
    %broadcast_in_dim3A_299 = vector.broadcast %broadcast_in_dim3A_298 : i1 to vector<16xi1>
    %masked_cumsum3A_300 = tpu.scan <sum>, %convert_element_type3A_297 masked %broadcast_in_dim3A_299 : vector<16xi32>, vector<16xi1> -> vector<16xi32>
    %add3A_301 = arith.addi %add3A_293, %masked_cumsum3A_300 : vector<16xi32>
    %sub3A_302 = arith.constant 1 : i32
    %sub3A_303 = vector.broadcast %sub3A_302 : i32 to vector<16xi32>
    %sub3A_304 = arith.subi %add3A_301, %sub3A_303 : vector<16xi32>
    %add3A_305 = arith.constant 64 : i32
    %add3A_306 = vector.broadcast %add3A_305 : i32 to vector<16xi32>
    %add3A_307 = arith.addi %add3A_306, %iota3A : vector<16xi32>
    tpu.vector_store_idx %arg7[%sub3A_304], %add3A_307 masked %ge3A_296 : memref<144xi32, #tpu.memory_space<vmem>>[vector<16xi32>], vector<16xi32>, vector<16xi1>
    %all_reduce_population_count3A_308 = tpu.all_reduce %ge3A_296 {dim = 0 : i64, kind = #tpu.reduction_kind<sum>} : vector<16xi1> -> vector<16xi32>
    %add3A_309 = arith.addi %add3A_293, %all_reduce_population_count3A_308 : vector<16xi32>
    %get3A_310 = arith.constant 80 : index
    %get3A_311 = tpu.vector_load %arg6[%get3A_310] {strides = array<i32>} : memref<128xf32, #tpu.memory_space<vmem>>, vector<16xf32>,
    %ge3A_312 = arith.cmpf oge, %get3A_311, %broadcast_in_dim3A_229 : vector<16xf32>
    %convert_element_type3A_313 = arith.extui %ge3A_312 : vector<16xi1> to vector<16xi32>
    %broadcast_in_dim3A_314 = arith.constant true
    %broadcast_in_dim3A_315 = vector.broadcast %broadcast_in_dim3A_314 : i1 to vector<16xi1>
    %masked_cumsum3A_316 = tpu.scan <sum>, %convert_element_type3A_313 masked %broadcast_in_dim3A_315 : vector<16xi32>, vector<16xi1> -> vector<16xi32>
    %add3A_317 = arith.addi %add3A_309, %masked_cumsum3A_316 : vector<16xi32>
    %sub3A_318 = arith.constant 1 : i32
    %sub3A_319 = vector.broadcast %sub3A_318 : i32 to vector<16xi32>
    %sub3A_320 = arith.subi %add3A_317, %sub3A_319 : vector<16xi32>
    %add3A_321 = arith.constant 80 : i32
    %add3A_322 = vector.broadcast %add3A_321 : i32 to vector<16xi32>
    %add3A_323 = arith.addi %add3A_322, %iota3A : vector<16xi32>
    tpu.vector_store_idx %arg7[%sub3A_320], %add3A_323 masked %ge3A_312 : memref<144xi32, #tpu.memory_space<vmem>>[vector<16xi32>], vector<16xi32>, vector<16xi1>
    %all_reduce_population_count3A_324 = tpu.all_reduce %ge3A_312 {dim = 0 : i64, kind = #tpu.reduction_kind<sum>} : vector<16xi1> -> vector<16xi32>
    %add3A_325 = arith.addi %add3A_309, %all_reduce_population_count3A_324 : vector<16xi32>
    %get3A_326 = arith.constant 96 : index
    %get3A_327 = tpu.vector_load %arg6[%get3A_326] {strides = array<i32>} : memref<128xf32, #tpu.memory_space<vmem>>, vector<16xf32>,
    %ge3A_328 = arith.cmpf oge, %get3A_327, %broadcast_in_dim3A_229 : vector<16xf32>
    %convert_element_type3A_329 = arith.extui %ge3A_328 : vector<16xi1> to vector<16xi32>
    %broadcast_in_dim3A_330 = arith.constant true
    %broadcast_in_dim3A_331 = vector.broadcast %broadcast_in_dim3A_330 : i1 to vector<16xi1>
    %masked_cumsum3A_332 = tpu.scan <sum>, %convert_element_type3A_329 masked %broadcast_in_dim3A_331 : vector<16xi32>, vector<16xi1> -> vector<16xi32>
    %add3A_333 = arith.addi %add3A_325, %masked_cumsum3A_332 : vector<16xi32>
    %sub3A_334 = arith.constant 1 : i32
    %sub3A_335 = vector.broadcast %sub3A_334 : i32 to vector<16xi32>
    %sub3A_336 = arith.subi %add3A_333, %sub3A_335 : vector<16xi32>
    %add3A_337 = arith.constant 96 : i32
    %add3A_338 = vector.broadcast %add3A_337 : i32 to vector<16xi32>
    %add3A_339 = arith.addi %add3A_338, %iota3A : vector<16xi32>
    tpu.vector_store_idx %arg7[%sub3A_336], %add3A_339 masked %ge3A_328 : memref<144xi32, #tpu.memory_space<vmem>>[vector<16xi32>], vector<16xi32>, vector<16xi1>
    %all_reduce_population_count3A_340 = tpu.all_reduce %ge3A_328 {dim = 0 : i64, kind = #tpu.reduction_kind<sum>} : vector<16xi1> -> vector<16xi32>
    %add3A_341 = arith.addi %add3A_325, %all_reduce_population_count3A_340 : vector<16xi32>
    %get3A_342 = arith.constant 112 : index
    %get3A_343 = tpu.vector_load %arg6[%get3A_342] {strides = array<i32>} : memref<128xf32, #tpu.memory_space<vmem>>, vector<16xf32>,
    %ge3A_344 = arith.cmpf oge, %get3A_343, %broadcast_in_dim3A_229 : vector<16xf32>
    %convert_element_type3A_345 = arith.extui %ge3A_344 : vector<16xi1> to vector<16xi32>
    %broadcast_in_dim3A_346 = arith.constant true
    %broadcast_in_dim3A_347 = vector.broadcast %broadcast_in_dim3A_346 : i1 to vector<16xi1>
    %masked_cumsum3A_348 = tpu.scan <sum>, %convert_element_type3A_345 masked %broadcast_in_dim3A_347 : vector<16xi32>, vector<16xi1> -> vector<16xi32>
    %add3A_349 = arith.addi %add3A_341, %masked_cumsum3A_348 : vector<16xi32>
    %sub3A_350 = arith.constant 1 : i32
    %sub3A_351 = vector.broadcast %sub3A_350 : i32 to vector<16xi32>
    %sub3A_352 = arith.subi %add3A_349, %sub3A_351 : vector<16xi32>
    %add3A_353 = arith.constant 112 : i32
    %add3A_354 = vector.broadcast %add3A_353 : i32 to vector<16xi32>
    %add3A_355 = arith.addi %add3A_354, %iota3A : vector<16xi32>
    tpu.vector_store_idx %arg7[%sub3A_352], %add3A_355 masked %ge3A_344 : memref<144xi32, #tpu.memory_space<vmem>>[vector<16xi32>], vector<16xi32>, vector<16xi1>
    %all_reduce_population_count3A_356 = tpu.all_reduce %ge3A_344 {dim = 0 : i64, kind = #tpu.reduction_kind<sum>} : vector<16xi1> -> vector<16xi32>
    %add3A_357 = arith.addi %add3A_341, %all_reduce_population_count3A_356 : vector<16xi32>
    %slice3A_358 = vector.extract_strided_slice %add3A_357 {offsets = [0], sizes = [1], strides = [1]} : vector<16xi32> to vector<1xi32>
    %squeeze3A_359 = vector.extract %slice3A_358[0] : i32 from vector<1xi32>
    %while3A_360 = arith.constant 0 : i32
    %while3A_361 = arith.subi %squeeze3A_359, %while3A_360 : i32
    %while3A_362 = arith.addi %while3A_360, %while3A_361 : i32
    %while3A_363 = arith.constant 1 : i32
    %while3A_364 = arith.divsi %while3A_361, %while3A_363 : i32
    %while3A_365 = arith.muli %while3A_364, %while3A_363 : i32
    %while3A_366 = arith.addi %while3A_360, %while3A_365 : i32
    %while3A_367 = arith.constant 1 : i32
    %while3A_368 = scf.for %while3A_838 = %while3A_360 to %while3A_366 step %while3A_367 iter_args(%while3A_839 = %broadcast_in_dim3A_5) -> (vector<16xi32>)  : i32 {
      %get3A_840 = arith.index_cast %while3A_838 : i32 to index
      %get3A_841 = tpu.vector_load %arg7[%get3A_840] {strides = array<i32>} : memref<144xi32, #tpu.memory_space<vmem>>, vector<16xi32>,
      %slice3A_842 = vector.extract_strided_slice %get3A_841 {offsets = [0], sizes = [1], strides = [1]} : vector<16xi32> to vector<1xi32>
      %squeeze3A_843 = vector.extract %slice3A_842[0] : i32 from vector<1xi32>
      %mul3A_844 = arith.constant 256 : i32
      %mul3A_845 = arith.muli %squeeze3A_843, %mul3A_844 : i32
      %add3A_846 = arith.constant 0 : i32
      %add3A_847 = arith.addi %mul3A_845, %add3A_846 : i32
      %get3A_848 = arith.index_cast %add3A_847 : i32 to index
      %get3A_849 = tpu.vector_load %arg5[%get3A_848] {strides = array<i32>} : memref<32768xf32, #tpu.memory_space<vmem>>, vector<16xf32>,
      %ge3A_850 = arith.cmpf oge, %get3A_849, %broadcast_in_dim3A_229 : vector<16xf32>
      %convert_element_type3A_851 = arith.extui %ge3A_850 : vector<16xi1> to vector<16xi32>
      %broadcast_in_dim3A_852 = arith.constant true
      %broadcast_in_dim3A_853 = vector.broadcast %broadcast_in_dim3A_852 : i1 to vector<16xi1>
      %masked_cumsum3A_854 = tpu.scan <sum>, %convert_element_type3A_851 masked %broadcast_in_dim3A_853 : vector<16xi32>, vector<16xi1> -> vector<16xi32>
      %add3A_855 = arith.addi %while3A_839, %masked_cumsum3A_854 : vector<16xi32>
      %sub3A_856 = arith.constant 1 : i32
      %sub3A_857 = vector.broadcast %sub3A_856 : i32 to vector<16xi32>
      %sub3A_858 = arith.subi %add3A_855, %sub3A_857 : vector<16xi32>
      tpu.vector_store_idx %arg8[%sub3A_858], %get3A_849 masked %ge3A_850 : memref<32784xf32, #tpu.memory_space<vmem>>[vector<16xi32>], vector<16xf32>, vector<16xi1>
      %all_reduce_population_count3A_859 = tpu.all_reduce %ge3A_850 {dim = 0 : i64, kind = #tpu.reduction_kind<sum>} : vector<16xi1> -> vector<16xi32>
      %add3A_860 = arith.addi %while3A_839, %all_reduce_population_count3A_859 : vector<16xi32>
      %add3A_861 = arith.constant 16 : i32
      %add3A_862 = arith.addi %mul3A_845, %add3A_861 : i32
      %get3A_863 = arith.index_cast %add3A_862 : i32 to index
      %get3A_864 = tpu.vector_load %arg5[%get3A_863] {strides = array<i32>} : memref<32768xf32, #tpu.memory_space<vmem>>, vector<16xf32>,
      %ge3A_865 = arith.cmpf oge, %get3A_864, %broadcast_in_dim3A_229 : vector<16xf32>
      %convert_element_type3A_866 = arith.extui %ge3A_865 : vector<16xi1> to vector<16xi32>
      %broadcast_in_dim3A_867 = arith.constant true
      %broadcast_in_dim3A_868 = vector.broadcast %broadcast_in_dim3A_867 : i1 to vector<16xi1>
      %masked_cumsum3A_869 = tpu.scan <sum>, %convert_element_type3A_866 masked %broadcast_in_dim3A_868 : vector<16xi32>, vector<16xi1> -> vector<16xi32>
      %add3A_870 = arith.addi %add3A_860, %masked_cumsum3A_869 : vector<16xi32>
      %sub3A_871 = arith.constant 1 : i32
      %sub3A_872 = vector.broadcast %sub3A_871 : i32 to vector<16xi32>
      %sub3A_873 = arith.subi %add3A_870, %sub3A_872 : vector<16xi32>
      tpu.vector_store_idx %arg8[%sub3A_873], %get3A_864 masked %ge3A_865 : memref<32784xf32, #tpu.memory_space<vmem>>[vector<16xi32>], vector<16xf32>, vector<16xi1>
      %all_reduce_population_count3A_874 = tpu.all_reduce %ge3A_865 {dim = 0 : i64, kind = #tpu.reduction_kind<sum>} : vector<16xi1> -> vector<16xi32>
      %add3A_875 = arith.addi %add3A_860, %all_reduce_population_count3A_874 : vector<16xi32>
      %add3A_876 = arith.constant 32 : i32
      %add3A_877 = arith.addi %mul3A_845, %add3A_876 : i32
      %get3A_878 = arith.index_cast %add3A_877 : i32 to index
      %get3A_879 = tpu.vector_load %arg5[%get3A_878] {strides = array<i32>} : memref<32768xf32, #tpu.memory_space<vmem>>, vector<16xf32>,
      %ge3A_880 = arith.cmpf oge, %get3A_879, %broadcast_in_dim3A_229 : vector<16xf32>
      %convert_element_type3A_881 = arith.extui %ge3A_880 : vector<16xi1> to vector<16xi32>
      %broadcast_in_dim3A_882 = arith.constant true
      %broadcast_in_dim3A_883 = vector.broadcast %broadcast_in_dim3A_882 : i1 to vector<16xi1>
      %masked_cumsum3A_884 = tpu.scan <sum>, %convert_element_type3A_881 masked %broadcast_in_dim3A_883 : vector<16xi32>, vector<16xi1> -> vector<16xi32>
      %add3A_885 = arith.addi %add3A_875, %masked_cumsum3A_884 : vector<16xi32>
      %sub3A_886 = arith.constant 1 : i32
      %sub3A_887 = vector.broadcast %sub3A_886 : i32 to vector<16xi32>
      %sub3A_888 = arith.subi %add3A_885, %sub3A_887 : vector<16xi32>
      tpu.vector_store_idx %arg8[%sub3A_888], %get3A_879 masked %ge3A_880 : memref<32784xf32, #tpu.memory_space<vmem>>[vector<16xi32>], vector<16xf32>, vector<16xi1>
      %all_reduce_population_count3A_889 = tpu.all_reduce %ge3A_880 {dim = 0 : i64, kind = #tpu.reduction_kind<sum>} : vector<16xi1> -> vector<16xi32>
      %add3A_890 = arith.addi %add3A_875, %all_reduce_population_count3A_889 : vector<16xi32>
      %add3A_891 = arith.constant 48 : i32
      %add3A_892 = arith.addi %mul3A_845, %add3A_891 : i32
      %get3A_893 = arith.index_cast %add3A_892 : i32 to index
      %get3A_894 = tpu.vector_load %arg5[%get3A_893] {strides = array<i32>} : memref<32768xf32, #tpu.memory_space<vmem>>, vector<16xf32>,
      %ge3A_895 = arith.cmpf oge, %get3A_894, %broadcast_in_dim3A_229 : vector<16xf32>
      %convert_element_type3A_896 = arith.extui %ge3A_895 : vector<16xi1> to vector<16xi32>
      %broadcast_in_dim3A_897 = arith.constant true
      %broadcast_in_dim3A_898 = vector.broadcast %broadcast_in_dim3A_897 : i1 to vector<16xi1>
      %masked_cumsum3A_899 = tpu.scan <sum>, %convert_element_type3A_896 masked %broadcast_in_dim3A_898 : vector<16xi32>, vector<16xi1> -> vector<16xi32>
      %add3A_900 = arith.addi %add3A_890, %masked_cumsum3A_899 : vector<16xi32>
      %sub3A_901 = arith.constant 1 : i32
      %sub3A_902 = vector.broadcast %sub3A_901 : i32 to vector<16xi32>
      %sub3A_903 = arith.subi %add3A_900, %sub3A_902 : vector<16xi32>
      tpu.vector_store_idx %arg8[%sub3A_903], %get3A_894 masked %ge3A_895 : memref<32784xf32, #tpu.memory_space<vmem>>[vector<16xi32>], vector<16xf32>, vector<16xi1>
      %all_reduce_population_count3A_904 = tpu.all_reduce %ge3A_895 {dim = 0 : i64, kind = #tpu.reduction_kind<sum>} : vector<16xi1> -> vector<16xi32>
      %add3A_905 = arith.addi %add3A_890, %all_reduce_population_count3A_904 : vector<16xi32>
      %add3A_906 = arith.constant 64 : i32
      %add3A_907 = arith.addi %mul3A_845, %add3A_906 : i32
      %get3A_908 = arith.index_cast %add3A_907 : i32 to index
      %get3A_909 = tpu.vector_load %arg5[%get3A_908] {strides = array<i32>} : memref<32768xf32, #tpu.memory_space<vmem>>, vector<16xf32>,
      %ge3A_910 = arith.cmpf oge, %get3A_909, %broadcast_in_dim3A_229 : vector<16xf32>
      %convert_element_type3A_911 = arith.extui %ge3A_910 : vector<16xi1> to vector<16xi32>
      %broadcast_in_dim3A_912 = arith.constant true
      %broadcast_in_dim3A_913 = vector.broadcast %broadcast_in_dim3A_912 : i1 to vector<16xi1>
      %masked_cumsum3A_914 = tpu.scan <sum>, %convert_element_type3A_911 masked %broadcast_in_dim3A_913 : vector<16xi32>, vector<16xi1> -> vector<16xi32>
      %add3A_915 = arith.addi %add3A_905, %masked_cumsum3A_914 : vector<16xi32>
      %sub3A_916 = arith.constant 1 : i32
      %sub3A_917 = vector.broadcast %sub3A_916 : i32 to vector<16xi32>
      %sub3A_918 = arith.subi %add3A_915, %sub3A_917 : vector<16xi32>
      tpu.vector_store_idx %arg8[%sub3A_918], %get3A_909 masked %ge3A_910 : memref<32784xf32, #tpu.memory_space<vmem>>[vector<16xi32>], vector<16xf32>, vector<16xi1>
      %all_reduce_population_count3A_919 = tpu.all_reduce %ge3A_910 {dim = 0 : i64, kind = #tpu.reduction_kind<sum>} : vector<16xi1> -> vector<16xi32>
      %add3A_920 = arith.addi %add3A_905, %all_reduce_population_count3A_919 : vector<16xi32>
      %add3A_921 = arith.constant 80 : i32
      %add3A_922 = arith.addi %mul3A_845, %add3A_921 : i32
      %get3A_923 = arith.index_cast %add3A_922 : i32 to index
      %get3A_924 = tpu.vector_load %arg5[%get3A_923] {strides = array<i32>} : memref<32768xf32, #tpu.memory_space<vmem>>, vector<16xf32>,
      %ge3A_925 = arith.cmpf oge, %get3A_924, %broadcast_in_dim3A_229 : vector<16xf32>
      %convert_element_type3A_926 = arith.extui %ge3A_925 : vector<16xi1> to vector<16xi32>
      %broadcast_in_dim3A_927 = arith.constant true
      %broadcast_in_dim3A_928 = vector.broadcast %broadcast_in_dim3A_927 : i1 to vector<16xi1>
      %masked_cumsum3A_929 = tpu.scan <sum>, %convert_element_type3A_926 masked %broadcast_in_dim3A_928 : vector<16xi32>, vector<16xi1> -> vector<16xi32>
      %add3A_930 = arith.addi %add3A_920, %masked_cumsum3A_929 : vector<16xi32>
      %sub3A_931 = arith.constant 1 : i32
      %sub3A_932 = vector.broadcast %sub3A_931 : i32 to vector<16xi32>
      %sub3A_933 = arith.subi %add3A_930, %sub3A_932 : vector<16xi32>
      tpu.vector_store_idx %arg8[%sub3A_933], %get3A_924 masked %ge3A_925 : memref<32784xf32, #tpu.memory_space<vmem>>[vector<16xi32>], vector<16xf32>, vector<16xi1>
      %all_reduce_population_count3A_934 = tpu.all_reduce %ge3A_925 {dim = 0 : i64, kind = #tpu.reduction_kind<sum>} : vector<16xi1> -> vector<16xi32>
      %add3A_935 = arith.addi %add3A_920, %all_reduce_population_count3A_934 : vector<16xi32>
      %add3A_936 = arith.constant 96 : i32
      %add3A_937 = arith.addi %mul3A_845, %add3A_936 : i32
      %get3A_938 = arith.index_cast %add3A_937 : i32 to index
      %get3A_939 = tpu.vector_load %arg5[%get3A_938] {strides = array<i32>} : memref<32768xf32, #tpu.memory_space<vmem>>, vector<16xf32>,
      %ge3A_940 = arith.cmpf oge, %get3A_939, %broadcast_in_dim3A_229 : vector<16xf32>
      %convert_element_type3A_941 = arith.extui %ge3A_940 : vector<16xi1> to vector<16xi32>
      %broadcast_in_dim3A_942 = arith.constant true
      %broadcast_in_dim3A_943 = vector.broadcast %broadcast_in_dim3A_942 : i1 to vector<16xi1>
      %masked_cumsum3A_944 = tpu.scan <sum>, %convert_element_type3A_941 masked %broadcast_in_dim3A_943 : vector<16xi32>, vector<16xi1> -> vector<16xi32>
      %add3A_945 = arith.addi %add3A_935, %masked_cumsum3A_944 : vector<16xi32>
      %sub3A_946 = arith.constant 1 : i32
      %sub3A_947 = vector.broadcast %sub3A_946 : i32 to vector<16xi32>
      %sub3A_948 = arith.subi %add3A_945, %sub3A_947 : vector<16xi32>
      tpu.vector_store_idx %arg8[%sub3A_948], %get3A_939 masked %ge3A_940 : memref<32784xf32, #tpu.memory_space<vmem>>[vector<16xi32>], vector<16xf32>, vector<16xi1>
      %all_reduce_population_count3A_949 = tpu.all_reduce %ge3A_940 {dim = 0 : i64, kind = #tpu.reduction_kind<sum>} : vector<16xi1> -> vector<16xi32>
      %add3A_950 = arith.addi %add3A_935, %all_reduce_population_count3A_949 : vector<16xi32>
      %add3A_951 = arith.constant 112 : i32
      %add3A_952 = arith.addi %mul3A_845, %add3A_951 : i32
      %get3A_953 = arith.index_cast %add3A_952 : i32 to index
      %get3A_954 = tpu.vector_load %arg5[%get3A_953] {strides = array<i32>} : memref<32768xf32, #tpu.memory_space<vmem>>, vector<16xf32>,
      %ge3A_955 = arith.cmpf oge, %get3A_954, %broadcast_in_dim3A_229 : vector<16xf32>
      %convert_element_type3A_956 = arith.extui %ge3A_955 : vector<16xi1> to vector<16xi32>
      %broadcast_in_dim3A_957 = arith.constant true
      %broadcast_in_dim3A_958 = vector.broadcast %broadcast_in_dim3A_957 : i1 to vector<16xi1>
      %masked_cumsum3A_959 = tpu.scan <sum>, %convert_element_type3A_956 masked %broadcast_in_dim3A_958 : vector<16xi32>, vector<16xi1> -> vector<16xi32>
      %add3A_960 = arith.addi %add3A_950, %masked_cumsum3A_959 : vector<16xi32>
      %sub3A_961 = arith.constant 1 : i32
      %sub3A_962 = vector.broadcast %sub3A_961 : i32 to vector<16xi32>
      %sub3A_963 = arith.subi %add3A_960, %sub3A_962 : vector<16xi32>
      tpu.vector_store_idx %arg8[%sub3A_963], %get3A_954 masked %ge3A_955 : memref<32784xf32, #tpu.memory_space<vmem>>[vector<16xi32>], vector<16xf32>, vector<16xi1>
      %all_reduce_population_count3A_964 = tpu.all_reduce %ge3A_955 {dim = 0 : i64, kind = #tpu.reduction_kind<sum>} : vector<16xi1> -> vector<16xi32>
      %add3A_965 = arith.addi %add3A_950, %all_reduce_population_count3A_964 : vector<16xi32>
      %add3A_966 = arith.constant 128 : i32
      %add3A_967 = arith.addi %mul3A_845, %add3A_966 : i32
      %get3A_968 = arith.index_cast %add3A_967 : i32 to index
      %get3A_969 = tpu.vector_load %arg5[%get3A_968] {strides = array<i32>} : memref<32768xf32, #tpu.memory_space<vmem>>, vector<16xf32>,
      %ge3A_970 = arith.cmpf oge, %get3A_969, %broadcast_in_dim3A_229 : vector<16xf32>
      %convert_element_type3A_971 = arith.extui %ge3A_970 : vector<16xi1> to vector<16xi32>
      %broadcast_in_dim3A_972 = arith.constant true
      %broadcast_in_dim3A_973 = vector.broadcast %broadcast_in_dim3A_972 : i1 to vector<16xi1>
      %masked_cumsum3A_974 = tpu.scan <sum>, %convert_element_type3A_971 masked %broadcast_in_dim3A_973 : vector<16xi32>, vector<16xi1> -> vector<16xi32>
      %add3A_975 = arith.addi %add3A_965, %masked_cumsum3A_974 : vector<16xi32>
      %sub3A_976 = arith.constant 1 : i32
      %sub3A_977 = vector.broadcast %sub3A_976 : i32 to vector<16xi32>
      %sub3A_978 = arith.subi %add3A_975, %sub3A_977 : vector<16xi32>
      tpu.vector_store_idx %arg8[%sub3A_978], %get3A_969 masked %ge3A_970 : memref<32784xf32, #tpu.memory_space<vmem>>[vector<16xi32>], vector<16xf32>, vector<16xi1>
      %all_reduce_population_count3A_979 = tpu.all_reduce %ge3A_970 {dim = 0 : i64, kind = #tpu.reduction_kind<sum>} : vector<16xi1> -> vector<16xi32>
      %add3A_980 = arith.addi %add3A_965, %all_reduce_population_count3A_979 : vector<16xi32>
      %add3A_981 = arith.constant 144 : i32
      %add3A_982 = arith.addi %mul3A_845, %add3A_981 : i32
      %get3A_983 = arith.index_cast %add3A_982 : i32 to index
      %get3A_984 = tpu.vector_load %arg5[%get3A_983] {strides = array<i32>} : memref<32768xf32, #tpu.memory_space<vmem>>, vector<16xf32>,
      %ge3A_985 = arith.cmpf oge, %get3A_984, %broadcast_in_dim3A_229 : vector<16xf32>
      %convert_element_type3A_986 = arith.extui %ge3A_985 : vector<16xi1> to vector<16xi32>
      %broadcast_in_dim3A_987 = arith.constant true
      %broadcast_in_dim3A_988 = vector.broadcast %broadcast_in_dim3A_987 : i1 to vector<16xi1>
      %masked_cumsum3A_989 = tpu.scan <sum>, %convert_element_type3A_986 masked %broadcast_in_dim3A_988 : vector<16xi32>, vector<16xi1> -> vector<16xi32>
      %add3A_990 = arith.addi %add3A_980, %masked_cumsum3A_989 : vector<16xi32>
      %sub3A_991 = arith.constant 1 : i32
      %sub3A_992 = vector.broadcast %sub3A_991 : i32 to vector<16xi32>
      %sub3A_993 = arith.subi %add3A_990, %sub3A_992 : vector<16xi32>
      tpu.vector_store_idx %arg8[%sub3A_993], %get3A_984 masked %ge3A_985 : memref<32784xf32, #tpu.memory_space<vmem>>[vector<16xi32>], vector<16xf32>, vector<16xi1>
      %all_reduce_population_count3A_994 = tpu.all_reduce %ge3A_985 {dim = 0 : i64, kind = #tpu.reduction_kind<sum>} : vector<16xi1> -> vector<16xi32>
      %add3A_995 = arith.addi %add3A_980, %all_reduce_population_count3A_994 : vector<16xi32>
      %add3A_996 = arith.constant 160 : i32
      %add3A_997 = arith.addi %mul3A_845, %add3A_996 : i32
      %get3A_998 = arith.index_cast %add3A_997 : i32 to index
      %get3A_999 = tpu.vector_load %arg5[%get3A_998] {strides = array<i32>} : memref<32768xf32, #tpu.memory_space<vmem>>, vector<16xf32>,
      %ge3A_1000 = arith.cmpf oge, %get3A_999, %broadcast_in_dim3A_229 : vector<16xf32>
      %convert_element_type3A_1001 = arith.extui %ge3A_1000 : vector<16xi1> to vector<16xi32>
      %broadcast_in_dim3A_1002 = arith.constant true
      %broadcast_in_dim3A_1003 = vector.broadcast %broadcast_in_dim3A_1002 : i1 to vector<16xi1>
      %masked_cumsum3A_1004 = tpu.scan <sum>, %convert_element_type3A_1001 masked %broadcast_in_dim3A_1003 : vector<16xi32>, vector<16xi1> -> vector<16xi32>
      %add3A_1005 = arith.addi %add3A_995, %masked_cumsum3A_1004 : vector<16xi32>
      %sub3A_1006 = arith.constant 1 : i32
      %sub3A_1007 = vector.broadcast %sub3A_1006 : i32 to vector<16xi32>
      %sub3A_1008 = arith.subi %add3A_1005, %sub3A_1007 : vector<16xi32>
      tpu.vector_store_idx %arg8[%sub3A_1008], %get3A_999 masked %ge3A_1000 : memref<32784xf32, #tpu.memory_space<vmem>>[vector<16xi32>], vector<16xf32>, vector<16xi1>
      %all_reduce_population_count3A_1009 = tpu.all_reduce %ge3A_1000 {dim = 0 : i64, kind = #tpu.reduction_kind<sum>} : vector<16xi1> -> vector<16xi32>
      %add3A_1010 = arith.addi %add3A_995, %all_reduce_population_count3A_1009 : vector<16xi32>
      %add3A_1011 = arith.constant 176 : i32
      %add3A_1012 = arith.addi %mul3A_845, %add3A_1011 : i32
      %get3A_1013 = arith.index_cast %add3A_1012 : i32 to index
      %get3A_1014 = tpu.vector_load %arg5[%get3A_1013] {strides = array<i32>} : memref<32768xf32, #tpu.memory_space<vmem>>, vector<16xf32>,
      %ge3A_1015 = arith.cmpf oge, %get3A_1014, %broadcast_in_dim3A_229 : vector<16xf32>
      %convert_element_type3A_1016 = arith.extui %ge3A_1015 : vector<16xi1> to vector<16xi32>
      %broadcast_in_dim3A_1017 = arith.constant true
      %broadcast_in_dim3A_1018 = vector.broadcast %broadcast_in_dim3A_1017 : i1 to vector<16xi1>
      %masked_cumsum3A_1019 = tpu.scan <sum>, %convert_element_type3A_1016 masked %broadcast_in_dim3A_1018 : vector<16xi32>, vector<16xi1> -> vector<16xi32>
      %add3A_1020 = arith.addi %add3A_1010, %masked_cumsum3A_1019 : vector<16xi32>
      %sub3A_1021 = arith.constant 1 : i32
      %sub3A_1022 = vector.broadcast %sub3A_1021 : i32 to vector<16xi32>
      %sub3A_1023 = arith.subi %add3A_1020, %sub3A_1022 : vector<16xi32>
      tpu.vector_store_idx %arg8[%sub3A_1023], %get3A_1014 masked %ge3A_1015 : memref<32784xf32, #tpu.memory_space<vmem>>[vector<16xi32>], vector<16xf32>, vector<16xi1>
      %all_reduce_population_count3A_1024 = tpu.all_reduce %ge3A_1015 {dim = 0 : i64, kind = #tpu.reduction_kind<sum>} : vector<16xi1> -> vector<16xi32>
      %add3A_1025 = arith.addi %add3A_1010, %all_reduce_population_count3A_1024 : vector<16xi32>
      %add3A_1026 = arith.constant 192 : i32
      %add3A_1027 = arith.addi %mul3A_845, %add3A_1026 : i32
      %get3A_1028 = arith.index_cast %add3A_1027 : i32 to index
      %get3A_1029 = tpu.vector_load %arg5[%get3A_1028] {strides = array<i32>} : memref<32768xf32, #tpu.memory_space<vmem>>, vector<16xf32>,
      %ge3A_1030 = arith.cmpf oge, %get3A_1029, %broadcast_in_dim3A_229 : vector<16xf32>
      %convert_element_type3A_1031 = arith.extui %ge3A_1030 : vector<16xi1> to vector<16xi32>
      %broadcast_in_dim3A_1032 = arith.constant true
      %broadcast_in_dim3A_1033 = vector.broadcast %broadcast_in_dim3A_1032 : i1 to vector<16xi1>
      %masked_cumsum3A_1034 = tpu.scan <sum>, %convert_element_type3A_1031 masked %broadcast_in_dim3A_1033 : vector<16xi32>, vector<16xi1> -> vector<16xi32>
      %add3A_1035 = arith.addi %add3A_1025, %masked_cumsum3A_1034 : vector<16xi32>
      %sub3A_1036 = arith.constant 1 : i32
      %sub3A_1037 = vector.broadcast %sub3A_1036 : i32 to vector<16xi32>
      %sub3A_1038 = arith.subi %add3A_1035, %sub3A_1037 : vector<16xi32>
      tpu.vector_store_idx %arg8[%sub3A_1038], %get3A_1029 masked %ge3A_1030 : memref<32784xf32, #tpu.memory_space<vmem>>[vector<16xi32>], vector<16xf32>, vector<16xi1>
      %all_reduce_population_count3A_1039 = tpu.all_reduce %ge3A_1030 {dim = 0 : i64, kind = #tpu.reduction_kind<sum>} : vector<16xi1> -> vector<16xi32>
      %add3A_1040 = arith.addi %add3A_1025, %all_reduce_population_count3A_1039 : vector<16xi32>
      %add3A_1041 = arith.constant 208 : i32
      %add3A_1042 = arith.addi %mul3A_845, %add3A_1041 : i32
      %get3A_1043 = arith.index_cast %add3A_1042 : i32 to index
      %get3A_1044 = tpu.vector_load %arg5[%get3A_1043] {strides = array<i32>} : memref<32768xf32, #tpu.memory_space<vmem>>, vector<16xf32>,
      %ge3A_1045 = arith.cmpf oge, %get3A_1044, %broadcast_in_dim3A_229 : vector<16xf32>
      %convert_element_type3A_1046 = arith.extui %ge3A_1045 : vector<16xi1> to vector<16xi32>
      %broadcast_in_dim3A_1047 = arith.constant true
      %broadcast_in_dim3A_1048 = vector.broadcast %broadcast_in_dim3A_1047 : i1 to vector<16xi1>
      %masked_cumsum3A_1049 = tpu.scan <sum>, %convert_element_type3A_1046 masked %broadcast_in_dim3A_1048 : vector<16xi32>, vector<16xi1> -> vector<16xi32>
      %add3A_1050 = arith.addi %add3A_1040, %masked_cumsum3A_1049 : vector<16xi32>
      %sub3A_1051 = arith.constant 1 : i32
      %sub3A_1052 = vector.broadcast %sub3A_1051 : i32 to vector<16xi32>
      %sub3A_1053 = arith.subi %add3A_1050, %sub3A_1052 : vector<16xi32>
      tpu.vector_store_idx %arg8[%sub3A_1053], %get3A_1044 masked %ge3A_1045 : memref<32784xf32, #tpu.memory_space<vmem>>[vector<16xi32>], vector<16xf32>, vector<16xi1>
      %all_reduce_population_count3A_1054 = tpu.all_reduce %ge3A_1045 {dim = 0 : i64, kind = #tpu.reduction_kind<sum>} : vector<16xi1> -> vector<16xi32>
      %add3A_1055 = arith.addi %add3A_1040, %all_reduce_population_count3A_1054 : vector<16xi32>
      %add3A_1056 = arith.constant 224 : i32
      %add3A_1057 = arith.addi %mul3A_845, %add3A_1056 : i32
      %get3A_1058 = arith.index_cast %add3A_1057 : i32 to index
      %get3A_1059 = tpu.vector_load %arg5[%get3A_1058] {strides = array<i32>} : memref<32768xf32, #tpu.memory_space<vmem>>, vector<16xf32>,
      %ge3A_1060 = arith.cmpf oge, %get3A_1059, %broadcast_in_dim3A_229 : vector<16xf32>
      %convert_element_type3A_1061 = arith.extui %ge3A_1060 : vector<16xi1> to vector<16xi32>
      %broadcast_in_dim3A_1062 = arith.constant true
      %broadcast_in_dim3A_1063 = vector.broadcast %broadcast_in_dim3A_1062 : i1 to vector<16xi1>
      %masked_cumsum3A_1064 = tpu.scan <sum>, %convert_element_type3A_1061 masked %broadcast_in_dim3A_1063 : vector<16xi32>, vector<16xi1> -> vector<16xi32>
      %add3A_1065 = arith.addi %add3A_1055, %masked_cumsum3A_1064 : vector<16xi32>
      %sub3A_1066 = arith.constant 1 : i32
      %sub3A_1067 = vector.broadcast %sub3A_1066 : i32 to vector<16xi32>
      %sub3A_1068 = arith.subi %add3A_1065, %sub3A_1067 : vector<16xi32>
      tpu.vector_store_idx %arg8[%sub3A_1068], %get3A_1059 masked %ge3A_1060 : memref<32784xf32, #tpu.memory_space<vmem>>[vector<16xi32>], vector<16xf32>, vector<16xi1>
      %all_reduce_population_count3A_1069 = tpu.all_reduce %ge3A_1060 {dim = 0 : i64, kind = #tpu.reduction_kind<sum>} : vector<16xi1> -> vector<16xi32>
      %add3A_1070 = arith.addi %add3A_1055, %all_reduce_population_count3A_1069 : vector<16xi32>
      %add3A_1071 = arith.constant 240 : i32
      %add3A_1072 = arith.addi %mul3A_845, %add3A_1071 : i32
      %get3A_1073 = arith.index_cast %add3A_1072 : i32 to index
      %get3A_1074 = tpu.vector_load %arg5[%get3A_1073] {strides = array<i32>} : memref<32768xf32, #tpu.memory_space<vmem>>, vector<16xf32>,
      %ge3A_1075 = arith.cmpf oge, %get3A_1074, %broadcast_in_dim3A_229 : vector<16xf32>
      %convert_element_type3A_1076 = arith.extui %ge3A_1075 : vector<16xi1> to vector<16xi32>
      %broadcast_in_dim3A_1077 = arith.constant true
      %broadcast_in_dim3A_1078 = vector.broadcast %broadcast_in_dim3A_1077 : i1 to vector<16xi1>
      %masked_cumsum3A_1079 = tpu.scan <sum>, %convert_element_type3A_1076 masked %broadcast_in_dim3A_1078 : vector<16xi32>, vector<16xi1> -> vector<16xi32>
      %add3A_1080 = arith.addi %add3A_1070, %masked_cumsum3A_1079 : vector<16xi32>
      %sub3A_1081 = arith.constant 1 : i32
      %sub3A_1082 = vector.broadcast %sub3A_1081 : i32 to vector<16xi32>
      %sub3A_1083 = arith.subi %add3A_1080, %sub3A_1082 : vector<16xi32>
      tpu.vector_store_idx %arg8[%sub3A_1083], %get3A_1074 masked %ge3A_1075 : memref<32784xf32, #tpu.memory_space<vmem>>[vector<16xi32>], vector<16xf32>, vector<16xi1>
      %all_reduce_population_count3A_1084 = tpu.all_reduce %ge3A_1075 {dim = 0 : i64, kind = #tpu.reduction_kind<sum>} : vector<16xi1> -> vector<16xi32>
      %add3A_1085 = arith.addi %add3A_1070, %all_reduce_population_count3A_1084 : vector<16xi32>
      scf.yield %add3A_1085 : vector<16xi32>
    }
    %while3A_369 = arith.constant 1 : i32
    %while3A_370 = scf.for %while3A_838 = %while3A_366 to %while3A_362 step %while3A_369 iter_args(%while3A_839 = %while3A_368) -> (vector<16xi32>)  : i32 {
      %get3A_840 = arith.index_cast %while3A_838 : i32 to index
      %get3A_841 = tpu.vector_load %arg7[%get3A_840] {strides = array<i32>} : memref<144xi32, #tpu.memory_space<vmem>>, vector<16xi32>,
      %slice3A_842 = vector.extract_strided_slice %get3A_841 {offsets = [0], sizes = [1], strides = [1]} : vector<16xi32> to vector<1xi32>
      %squeeze3A_843 = vector.extract %slice3A_842[0] : i32 from vector<1xi32>
      %mul3A_844 = arith.constant 256 : i32
      %mul3A_845 = arith.muli %squeeze3A_843, %mul3A_844 : i32
      %add3A_846 = arith.constant 0 : i32
      %add3A_847 = arith.addi %mul3A_845, %add3A_846 : i32
      %get3A_848 = arith.index_cast %add3A_847 : i32 to index
      %get3A_849 = tpu.vector_load %arg5[%get3A_848] {strides = array<i32>} : memref<32768xf32, #tpu.memory_space<vmem>>, vector<16xf32>,
      %ge3A_850 = arith.cmpf oge, %get3A_849, %broadcast_in_dim3A_229 : vector<16xf32>
      %convert_element_type3A_851 = arith.extui %ge3A_850 : vector<16xi1> to vector<16xi32>
      %broadcast_in_dim3A_852 = arith.constant true
      %broadcast_in_dim3A_853 = vector.broadcast %broadcast_in_dim3A_852 : i1 to vector<16xi1>
      %masked_cumsum3A_854 = tpu.scan <sum>, %convert_element_type3A_851 masked %broadcast_in_dim3A_853 : vector<16xi32>, vector<16xi1> -> vector<16xi32>
      %add3A_855 = arith.addi %while3A_839, %masked_cumsum3A_854 : vector<16xi32>
      %sub3A_856 = arith.constant 1 : i32
      %sub3A_857 = vector.broadcast %sub3A_856 : i32 to vector<16xi32>
      %sub3A_858 = arith.subi %add3A_855, %sub3A_857 : vector<16xi32>
      tpu.vector_store_idx %arg8[%sub3A_858], %get3A_849 masked %ge3A_850 : memref<32784xf32, #tpu.memory_space<vmem>>[vector<16xi32>], vector<16xf32>, vector<16xi1>
      %all_reduce_population_count3A_859 = tpu.all_reduce %ge3A_850 {dim = 0 : i64, kind = #tpu.reduction_kind<sum>} : vector<16xi1> -> vector<16xi32>
      %add3A_860 = arith.addi %while3A_839, %all_reduce_population_count3A_859 : vector<16xi32>
      %add3A_861 = arith.constant 16 : i32
      %add3A_862 = arith.addi %mul3A_845, %add3A_861 : i32
      %get3A_863 = arith.index_cast %add3A_862 : i32 to index
      %get3A_864 = tpu.vector_load %arg5[%get3A_863] {strides = array<i32>} : memref<32768xf32, #tpu.memory_space<vmem>>, vector<16xf32>,
      %ge3A_865 = arith.cmpf oge, %get3A_864, %broadcast_in_dim3A_229 : vector<16xf32>
      %convert_element_type3A_866 = arith.extui %ge3A_865 : vector<16xi1> to vector<16xi32>
      %broadcast_in_dim3A_867 = arith.constant true
      %broadcast_in_dim3A_868 = vector.broadcast %broadcast_in_dim3A_867 : i1 to vector<16xi1>
      %masked_cumsum3A_869 = tpu.scan <sum>, %convert_element_type3A_866 masked %broadcast_in_dim3A_868 : vector<16xi32>, vector<16xi1> -> vector<16xi32>
      %add3A_870 = arith.addi %add3A_860, %masked_cumsum3A_869 : vector<16xi32>
      %sub3A_871 = arith.constant 1 : i32
      %sub3A_872 = vector.broadcast %sub3A_871 : i32 to vector<16xi32>
      %sub3A_873 = arith.subi %add3A_870, %sub3A_872 : vector<16xi32>
      tpu.vector_store_idx %arg8[%sub3A_873], %get3A_864 masked %ge3A_865 : memref<32784xf32, #tpu.memory_space<vmem>>[vector<16xi32>], vector<16xf32>, vector<16xi1>
      %all_reduce_population_count3A_874 = tpu.all_reduce %ge3A_865 {dim = 0 : i64, kind = #tpu.reduction_kind<sum>} : vector<16xi1> -> vector<16xi32>
      %add3A_875 = arith.addi %add3A_860, %all_reduce_population_count3A_874 : vector<16xi32>
      %add3A_876 = arith.constant 32 : i32
      %add3A_877 = arith.addi %mul3A_845, %add3A_876 : i32
      %get3A_878 = arith.index_cast %add3A_877 : i32 to index
      %get3A_879 = tpu.vector_load %arg5[%get3A_878] {strides = array<i32>} : memref<32768xf32, #tpu.memory_space<vmem>>, vector<16xf32>,
      %ge3A_880 = arith.cmpf oge, %get3A_879, %broadcast_in_dim3A_229 : vector<16xf32>
      %convert_element_type3A_881 = arith.extui %ge3A_880 : vector<16xi1> to vector<16xi32>
      %broadcast_in_dim3A_882 = arith.constant true
      %broadcast_in_dim3A_883 = vector.broadcast %broadcast_in_dim3A_882 : i1 to vector<16xi1>
      %masked_cumsum3A_884 = tpu.scan <sum>, %convert_element_type3A_881 masked %broadcast_in_dim3A_883 : vector<16xi32>, vector<16xi1> -> vector<16xi32>
      %add3A_885 = arith.addi %add3A_875, %masked_cumsum3A_884 : vector<16xi32>
      %sub3A_886 = arith.constant 1 : i32
      %sub3A_887 = vector.broadcast %sub3A_886 : i32 to vector<16xi32>
      %sub3A_888 = arith.subi %add3A_885, %sub3A_887 : vector<16xi32>
      tpu.vector_store_idx %arg8[%sub3A_888], %get3A_879 masked %ge3A_880 : memref<32784xf32, #tpu.memory_space<vmem>>[vector<16xi32>], vector<16xf32>, vector<16xi1>
      %all_reduce_population_count3A_889 = tpu.all_reduce %ge3A_880 {dim = 0 : i64, kind = #tpu.reduction_kind<sum>} : vector<16xi1> -> vector<16xi32>
      %add3A_890 = arith.addi %add3A_875, %all_reduce_population_count3A_889 : vector<16xi32>
      %add3A_891 = arith.constant 48 : i32
      %add3A_892 = arith.addi %mul3A_845, %add3A_891 : i32
      %get3A_893 = arith.index_cast %add3A_892 : i32 to index
      %get3A_894 = tpu.vector_load %arg5[%get3A_893] {strides = array<i32>} : memref<32768xf32, #tpu.memory_space<vmem>>, vector<16xf32>,
      %ge3A_895 = arith.cmpf oge, %get3A_894, %broadcast_in_dim3A_229 : vector<16xf32>
      %convert_element_type3A_896 = arith.extui %ge3A_895 : vector<16xi1> to vector<16xi32>
      %broadcast_in_dim3A_897 = arith.constant true
      %broadcast_in_dim3A_898 = vector.broadcast %broadcast_in_dim3A_897 : i1 to vector<16xi1>
      %masked_cumsum3A_899 = tpu.scan <sum>, %convert_element_type3A_896 masked %broadcast_in_dim3A_898 : vector<16xi32>, vector<16xi1> -> vector<16xi32>
      %add3A_900 = arith.addi %add3A_890, %masked_cumsum3A_899 : vector<16xi32>
      %sub3A_901 = arith.constant 1 : i32
      %sub3A_902 = vector.broadcast %sub3A_901 : i32 to vector<16xi32>
      %sub3A_903 = arith.subi %add3A_900, %sub3A_902 : vector<16xi32>
      tpu.vector_store_idx %arg8[%sub3A_903], %get3A_894 masked %ge3A_895 : memref<32784xf32, #tpu.memory_space<vmem>>[vector<16xi32>], vector<16xf32>, vector<16xi1>
      %all_reduce_population_count3A_904 = tpu.all_reduce %ge3A_895 {dim = 0 : i64, kind = #tpu.reduction_kind<sum>} : vector<16xi1> -> vector<16xi32>
      %add3A_905 = arith.addi %add3A_890, %all_reduce_population_count3A_904 : vector<16xi32>
      %add3A_906 = arith.constant 64 : i32
      %add3A_907 = arith.addi %mul3A_845, %add3A_906 : i32
      %get3A_908 = arith.index_cast %add3A_907 : i32 to index
      %get3A_909 = tpu.vector_load %arg5[%get3A_908] {strides = array<i32>} : memref<32768xf32, #tpu.memory_space<vmem>>, vector<16xf32>,
      %ge3A_910 = arith.cmpf oge, %get3A_909, %broadcast_in_dim3A_229 : vector<16xf32>
      %convert_element_type3A_911 = arith.extui %ge3A_910 : vector<16xi1> to vector<16xi32>
      %broadcast_in_dim3A_912 = arith.constant true
      %broadcast_in_dim3A_913 = vector.broadcast %broadcast_in_dim3A_912 : i1 to vector<16xi1>
      %masked_cumsum3A_914 = tpu.scan <sum>, %convert_element_type3A_911 masked %broadcast_in_dim3A_913 : vector<16xi32>, vector<16xi1> -> vector<16xi32>
      %add3A_915 = arith.addi %add3A_905, %masked_cumsum3A_914 : vector<16xi32>
      %sub3A_916 = arith.constant 1 : i32
      %sub3A_917 = vector.broadcast %sub3A_916 : i32 to vector<16xi32>
      %sub3A_918 = arith.subi %add3A_915, %sub3A_917 : vector<16xi32>
      tpu.vector_store_idx %arg8[%sub3A_918], %get3A_909 masked %ge3A_910 : memref<32784xf32, #tpu.memory_space<vmem>>[vector<16xi32>], vector<16xf32>, vector<16xi1>
      %all_reduce_population_count3A_919 = tpu.all_reduce %ge3A_910 {dim = 0 : i64, kind = #tpu.reduction_kind<sum>} : vector<16xi1> -> vector<16xi32>
      %add3A_920 = arith.addi %add3A_905, %all_reduce_population_count3A_919 : vector<16xi32>
      %add3A_921 = arith.constant 80 : i32
      %add3A_922 = arith.addi %mul3A_845, %add3A_921 : i32
      %get3A_923 = arith.index_cast %add3A_922 : i32 to index
      %get3A_924 = tpu.vector_load %arg5[%get3A_923] {strides = array<i32>} : memref<32768xf32, #tpu.memory_space<vmem>>, vector<16xf32>,
      %ge3A_925 = arith.cmpf oge, %get3A_924, %broadcast_in_dim3A_229 : vector<16xf32>
      %convert_element_type3A_926 = arith.extui %ge3A_925 : vector<16xi1> to vector<16xi32>
      %broadcast_in_dim3A_927 = arith.constant true
      %broadcast_in_dim3A_928 = vector.broadcast %broadcast_in_dim3A_927 : i1 to vector<16xi1>
      %masked_cumsum3A_929 = tpu.scan <sum>, %convert_element_type3A_926 masked %broadcast_in_dim3A_928 : vector<16xi32>, vector<16xi1> -> vector<16xi32>
      %add3A_930 = arith.addi %add3A_920, %masked_cumsum3A_929 : vector<16xi32>
      %sub3A_931 = arith.constant 1 : i32
      %sub3A_932 = vector.broadcast %sub3A_931 : i32 to vector<16xi32>
      %sub3A_933 = arith.subi %add3A_930, %sub3A_932 : vector<16xi32>
      tpu.vector_store_idx %arg8[%sub3A_933], %get3A_924 masked %ge3A_925 : memref<32784xf32, #tpu.memory_space<vmem>>[vector<16xi32>], vector<16xf32>, vector<16xi1>
      %all_reduce_population_count3A_934 = tpu.all_reduce %ge3A_925 {dim = 0 : i64, kind = #tpu.reduction_kind<sum>} : vector<16xi1> -> vector<16xi32>
      %add3A_935 = arith.addi %add3A_920, %all_reduce_population_count3A_934 : vector<16xi32>
      %add3A_936 = arith.constant 96 : i32
      %add3A_937 = arith.addi %mul3A_845, %add3A_936 : i32
      %get3A_938 = arith.index_cast %add3A_937 : i32 to index
      %get3A_939 = tpu.vector_load %arg5[%get3A_938] {strides = array<i32>} : memref<32768xf32, #tpu.memory_space<vmem>>, vector<16xf32>,
      %ge3A_940 = arith.cmpf oge, %get3A_939, %broadcast_in_dim3A_229 : vector<16xf32>
      %convert_element_type3A_941 = arith.extui %ge3A_940 : vector<16xi1> to vector<16xi32>
      %broadcast_in_dim3A_942 = arith.constant true
      %broadcast_in_dim3A_943 = vector.broadcast %broadcast_in_dim3A_942 : i1 to vector<16xi1>
      %masked_cumsum3A_944 = tpu.scan <sum>, %convert_element_type3A_941 masked %broadcast_in_dim3A_943 : vector<16xi32>, vector<16xi1> -> vector<16xi32>
      %add3A_945 = arith.addi %add3A_935, %masked_cumsum3A_944 : vector<16xi32>
      %sub3A_946 = arith.constant 1 : i32
      %sub3A_947 = vector.broadcast %sub3A_946 : i32 to vector<16xi32>
      %sub3A_948 = arith.subi %add3A_945, %sub3A_947 : vector<16xi32>
      tpu.vector_store_idx %arg8[%sub3A_948], %get3A_939 masked %ge3A_940 : memref<32784xf32, #tpu.memory_space<vmem>>[vector<16xi32>], vector<16xf32>, vector<16xi1>
      %all_reduce_population_count3A_949 = tpu.all_reduce %ge3A_940 {dim = 0 : i64, kind = #tpu.reduction_kind<sum>} : vector<16xi1> -> vector<16xi32>
      %add3A_950 = arith.addi %add3A_935, %all_reduce_population_count3A_949 : vector<16xi32>
      %add3A_951 = arith.constant 112 : i32
      %add3A_952 = arith.addi %mul3A_845, %add3A_951 : i32
      %get3A_953 = arith.index_cast %add3A_952 : i32 to index
      %get3A_954 = tpu.vector_load %arg5[%get3A_953] {strides = array<i32>} : memref<32768xf32, #tpu.memory_space<vmem>>, vector<16xf32>,
      %ge3A_955 = arith.cmpf oge, %get3A_954, %broadcast_in_dim3A_229 : vector<16xf32>
      %convert_element_type3A_956 = arith.extui %ge3A_955 : vector<16xi1> to vector<16xi32>
      %broadcast_in_dim3A_957 = arith.constant true
      %broadcast_in_dim3A_958 = vector.broadcast %broadcast_in_dim3A_957 : i1 to vector<16xi1>
      %masked_cumsum3A_959 = tpu.scan <sum>, %convert_element_type3A_956 masked %broadcast_in_dim3A_958 : vector<16xi32>, vector<16xi1> -> vector<16xi32>
      %add3A_960 = arith.addi %add3A_950, %masked_cumsum3A_959 : vector<16xi32>
      %sub3A_961 = arith.constant 1 : i32
      %sub3A_962 = vector.broadcast %sub3A_961 : i32 to vector<16xi32>
      %sub3A_963 = arith.subi %add3A_960, %sub3A_962 : vector<16xi32>
      tpu.vector_store_idx %arg8[%sub3A_963], %get3A_954 masked %ge3A_955 : memref<32784xf32, #tpu.memory_space<vmem>>[vector<16xi32>], vector<16xf32>, vector<16xi1>
      %all_reduce_population_count3A_964 = tpu.all_reduce %ge3A_955 {dim = 0 : i64, kind = #tpu.reduction_kind<sum>} : vector<16xi1> -> vector<16xi32>
      %add3A_965 = arith.addi %add3A_950, %all_reduce_population_count3A_964 : vector<16xi32>
      %add3A_966 = arith.constant 128 : i32
      %add3A_967 = arith.addi %mul3A_845, %add3A_966 : i32
      %get3A_968 = arith.index_cast %add3A_967 : i32 to index
      %get3A_969 = tpu.vector_load %arg5[%get3A_968] {strides = array<i32>} : memref<32768xf32, #tpu.memory_space<vmem>>, vector<16xf32>,
      %ge3A_970 = arith.cmpf oge, %get3A_969, %broadcast_in_dim3A_229 : vector<16xf32>
      %convert_element_type3A_971 = arith.extui %ge3A_970 : vector<16xi1> to vector<16xi32>
      %broadcast_in_dim3A_972 = arith.constant true
      %broadcast_in_dim3A_973 = vector.broadcast %broadcast_in_dim3A_972 : i1 to vector<16xi1>
      %masked_cumsum3A_974 = tpu.scan <sum>, %convert_element_type3A_971 masked %broadcast_in_dim3A_973 : vector<16xi32>, vector<16xi1> -> vector<16xi32>
      %add3A_975 = arith.addi %add3A_965, %masked_cumsum3A_974 : vector<16xi32>
      %sub3A_976 = arith.constant 1 : i32
      %sub3A_977 = vector.broadcast %sub3A_976 : i32 to vector<16xi32>
      %sub3A_978 = arith.subi %add3A_975, %sub3A_977 : vector<16xi32>
      tpu.vector_store_idx %arg8[%sub3A_978], %get3A_969 masked %ge3A_970 : memref<32784xf32, #tpu.memory_space<vmem>>[vector<16xi32>], vector<16xf32>, vector<16xi1>
      %all_reduce_population_count3A_979 = tpu.all_reduce %ge3A_970 {dim = 0 : i64, kind = #tpu.reduction_kind<sum>} : vector<16xi1> -> vector<16xi32>
      %add3A_980 = arith.addi %add3A_965, %all_reduce_population_count3A_979 : vector<16xi32>
      %add3A_981 = arith.constant 144 : i32
      %add3A_982 = arith.addi %mul3A_845, %add3A_981 : i32
      %get3A_983 = arith.index_cast %add3A_982 : i32 to index
      %get3A_984 = tpu.vector_load %arg5[%get3A_983] {strides = array<i32>} : memref<32768xf32, #tpu.memory_space<vmem>>, vector<16xf32>,
      %ge3A_985 = arith.cmpf oge, %get3A_984, %broadcast_in_dim3A_229 : vector<16xf32>
      %convert_element_type3A_986 = arith.extui %ge3A_985 : vector<16xi1> to vector<16xi32>
      %broadcast_in_dim3A_987 = arith.constant true
      %broadcast_in_dim3A_988 = vector.broadcast %broadcast_in_dim3A_987 : i1 to vector<16xi1>
      %masked_cumsum3A_989 = tpu.scan <sum>, %convert_element_type3A_986 masked %broadcast_in_dim3A_988 : vector<16xi32>, vector<16xi1> -> vector<16xi32>
      %add3A_990 = arith.addi %add3A_980, %masked_cumsum3A_989 : vector<16xi32>
      %sub3A_991 = arith.constant 1 : i32
      %sub3A_992 = vector.broadcast %sub3A_991 : i32 to vector<16xi32>
      %sub3A_993 = arith.subi %add3A_990, %sub3A_992 : vector<16xi32>
      tpu.vector_store_idx %arg8[%sub3A_993], %get3A_984 masked %ge3A_985 : memref<32784xf32, #tpu.memory_space<vmem>>[vector<16xi32>], vector<16xf32>, vector<16xi1>
      %all_reduce_population_count3A_994 = tpu.all_reduce %ge3A_985 {dim = 0 : i64, kind = #tpu.reduction_kind<sum>} : vector<16xi1> -> vector<16xi32>
      %add3A_995 = arith.addi %add3A_980, %all_reduce_population_count3A_994 : vector<16xi32>
      %add3A_996 = arith.constant 160 : i32
      %add3A_997 = arith.addi %mul3A_845, %add3A_996 : i32
      %get3A_998 = arith.index_cast %add3A_997 : i32 to index
      %get3A_999 = tpu.vector_load %arg5[%get3A_998] {strides = array<i32>} : memref<32768xf32, #tpu.memory_space<vmem>>, vector<16xf32>,
      %ge3A_1000 = arith.cmpf oge, %get3A_999, %broadcast_in_dim3A_229 : vector<16xf32>
      %convert_element_type3A_1001 = arith.extui %ge3A_1000 : vector<16xi1> to vector<16xi32>
      %broadcast_in_dim3A_1002 = arith.constant true
      %broadcast_in_dim3A_1003 = vector.broadcast %broadcast_in_dim3A_1002 : i1 to vector<16xi1>
      %masked_cumsum3A_1004 = tpu.scan <sum>, %convert_element_type3A_1001 masked %broadcast_in_dim3A_1003 : vector<16xi32>, vector<16xi1> -> vector<16xi32>
      %add3A_1005 = arith.addi %add3A_995, %masked_cumsum3A_1004 : vector<16xi32>
      %sub3A_1006 = arith.constant 1 : i32
      %sub3A_1007 = vector.broadcast %sub3A_1006 : i32 to vector<16xi32>
      %sub3A_1008 = arith.subi %add3A_1005, %sub3A_1007 : vector<16xi32>
      tpu.vector_store_idx %arg8[%sub3A_1008], %get3A_999 masked %ge3A_1000 : memref<32784xf32, #tpu.memory_space<vmem>>[vector<16xi32>], vector<16xf32>, vector<16xi1>
      %all_reduce_population_count3A_1009 = tpu.all_reduce %ge3A_1000 {dim = 0 : i64, kind = #tpu.reduction_kind<sum>} : vector<16xi1> -> vector<16xi32>
      %add3A_1010 = arith.addi %add3A_995, %all_reduce_population_count3A_1009 : vector<16xi32>
      %add3A_1011 = arith.constant 176 : i32
      %add3A_1012 = arith.addi %mul3A_845, %add3A_1011 : i32
      %get3A_1013 = arith.index_cast %add3A_1012 : i32 to index
      %get3A_1014 = tpu.vector_load %arg5[%get3A_1013] {strides = array<i32>} : memref<32768xf32, #tpu.memory_space<vmem>>, vector<16xf32>,
      %ge3A_1015 = arith.cmpf oge, %get3A_1014, %broadcast_in_dim3A_229 : vector<16xf32>
      %convert_element_type3A_1016 = arith.extui %ge3A_1015 : vector<16xi1> to vector<16xi32>
      %broadcast_in_dim3A_1017 = arith.constant true
      %broadcast_in_dim3A_1018 = vector.broadcast %broadcast_in_dim3A_1017 : i1 to vector<16xi1>
      %masked_cumsum3A_1019 = tpu.scan <sum>, %convert_element_type3A_1016 masked %broadcast_in_dim3A_1018 : vector<16xi32>, vector<16xi1> -> vector<16xi32>
      %add3A_1020 = arith.addi %add3A_1010, %masked_cumsum3A_1019 : vector<16xi32>
      %sub3A_1021 = arith.constant 1 : i32
      %sub3A_1022 = vector.broadcast %sub3A_1021 : i32 to vector<16xi32>
      %sub3A_1023 = arith.subi %add3A_1020, %sub3A_1022 : vector<16xi32>
      tpu.vector_store_idx %arg8[%sub3A_1023], %get3A_1014 masked %ge3A_1015 : memref<32784xf32, #tpu.memory_space<vmem>>[vector<16xi32>], vector<16xf32>, vector<16xi1>
      %all_reduce_population_count3A_1024 = tpu.all_reduce %ge3A_1015 {dim = 0 : i64, kind = #tpu.reduction_kind<sum>} : vector<16xi1> -> vector<16xi32>
      %add3A_1025 = arith.addi %add3A_1010, %all_reduce_population_count3A_1024 : vector<16xi32>
      %add3A_1026 = arith.constant 192 : i32
      %add3A_1027 = arith.addi %mul3A_845, %add3A_1026 : i32
      %get3A_1028 = arith.index_cast %add3A_1027 : i32 to index
      %get3A_1029 = tpu.vector_load %arg5[%get3A_1028] {strides = array<i32>} : memref<32768xf32, #tpu.memory_space<vmem>>, vector<16xf32>,
      %ge3A_1030 = arith.cmpf oge, %get3A_1029, %broadcast_in_dim3A_229 : vector<16xf32>
      %convert_element_type3A_1031 = arith.extui %ge3A_1030 : vector<16xi1> to vector<16xi32>
      %broadcast_in_dim3A_1032 = arith.constant true
      %broadcast_in_dim3A_1033 = vector.broadcast %broadcast_in_dim3A_1032 : i1 to vector<16xi1>
      %masked_cumsum3A_1034 = tpu.scan <sum>, %convert_element_type3A_1031 masked %broadcast_in_dim3A_1033 : vector<16xi32>, vector<16xi1> -> vector<16xi32>
      %add3A_1035 = arith.addi %add3A_1025, %masked_cumsum3A_1034 : vector<16xi32>
      %sub3A_1036 = arith.constant 1 : i32
      %sub3A_1037 = vector.broadcast %sub3A_1036 : i32 to vector<16xi32>
      %sub3A_1038 = arith.subi %add3A_1035, %sub3A_1037 : vector<16xi32>
      tpu.vector_store_idx %arg8[%sub3A_1038], %get3A_1029 masked %ge3A_1030 : memref<32784xf32, #tpu.memory_space<vmem>>[vector<16xi32>], vector<16xf32>, vector<16xi1>
      %all_reduce_population_count3A_1039 = tpu.all_reduce %ge3A_1030 {dim = 0 : i64, kind = #tpu.reduction_kind<sum>} : vector<16xi1> -> vector<16xi32>
      %add3A_1040 = arith.addi %add3A_1025, %all_reduce_population_count3A_1039 : vector<16xi32>
      %add3A_1041 = arith.constant 208 : i32
      %add3A_1042 = arith.addi %mul3A_845, %add3A_1041 : i32
      %get3A_1043 = arith.index_cast %add3A_1042 : i32 to index
      %get3A_1044 = tpu.vector_load %arg5[%get3A_1043] {strides = array<i32>} : memref<32768xf32, #tpu.memory_space<vmem>>, vector<16xf32>,
      %ge3A_1045 = arith.cmpf oge, %get3A_1044, %broadcast_in_dim3A_229 : vector<16xf32>
      %convert_element_type3A_1046 = arith.extui %ge3A_1045 : vector<16xi1> to vector<16xi32>
      %broadcast_in_dim3A_1047 = arith.constant true
      %broadcast_in_dim3A_1048 = vector.broadcast %broadcast_in_dim3A_1047 : i1 to vector<16xi1>
      %masked_cumsum3A_1049 = tpu.scan <sum>, %convert_element_type3A_1046 masked %broadcast_in_dim3A_1048 : vector<16xi32>, vector<16xi1> -> vector<16xi32>
      %add3A_1050 = arith.addi %add3A_1040, %masked_cumsum3A_1049 : vector<16xi32>
      %sub3A_1051 = arith.constant 1 : i32
      %sub3A_1052 = vector.broadcast %sub3A_1051 : i32 to vector<16xi32>
      %sub3A_1053 = arith.subi %add3A_1050, %sub3A_1052 : vector<16xi32>
      tpu.vector_store_idx %arg8[%sub3A_1053], %get3A_1044 masked %ge3A_1045 : memref<32784xf32, #tpu.memory_space<vmem>>[vector<16xi32>], vector<16xf32>, vector<16xi1>
      %all_reduce_population_count3A_1054 = tpu.all_reduce %ge3A_1045 {dim = 0 : i64, kind = #tpu.reduction_kind<sum>} : vector<16xi1> -> vector<16xi32>
      %add3A_1055 = arith.addi %add3A_1040, %all_reduce_population_count3A_1054 : vector<16xi32>
      %add3A_1056 = arith.constant 224 : i32
      %add3A_1057 = arith.addi %mul3A_845, %add3A_1056 : i32
      %get3A_1058 = arith.index_cast %add3A_1057 : i32 to index
      %get3A_1059 = tpu.vector_load %arg5[%get3A_1058] {strides = array<i32>} : memref<32768xf32, #tpu.memory_space<vmem>>, vector<16xf32>,
      %ge3A_1060 = arith.cmpf oge, %get3A_1059, %broadcast_in_dim3A_229 : vector<16xf32>
      %convert_element_type3A_1061 = arith.extui %ge3A_1060 : vector<16xi1> to vector<16xi32>
      %broadcast_in_dim3A_1062 = arith.constant true
      %broadcast_in_dim3A_1063 = vector.broadcast %broadcast_in_dim3A_1062 : i1 to vector<16xi1>
      %masked_cumsum3A_1064 = tpu.scan <sum>, %convert_element_type3A_1061 masked %broadcast_in_dim3A_1063 : vector<16xi32>, vector<16xi1> -> vector<16xi32>
      %add3A_1065 = arith.addi %add3A_1055, %masked_cumsum3A_1064 : vector<16xi32>
      %sub3A_1066 = arith.constant 1 : i32
      %sub3A_1067 = vector.broadcast %sub3A_1066 : i32 to vector<16xi32>
      %sub3A_1068 = arith.subi %add3A_1065, %sub3A_1067 : vector<16xi32>
      tpu.vector_store_idx %arg8[%sub3A_1068], %get3A_1059 masked %ge3A_1060 : memref<32784xf32, #tpu.memory_space<vmem>>[vector<16xi32>], vector<16xf32>, vector<16xi1>
      %all_reduce_population_count3A_1069 = tpu.all_reduce %ge3A_1060 {dim = 0 : i64, kind = #tpu.reduction_kind<sum>} : vector<16xi1> -> vector<16xi32>
      %add3A_1070 = arith.addi %add3A_1055, %all_reduce_population_count3A_1069 : vector<16xi32>
      %add3A_1071 = arith.constant 240 : i32
      %add3A_1072 = arith.addi %mul3A_845, %add3A_1071 : i32
      %get3A_1073 = arith.index_cast %add3A_1072 : i32 to index
      %get3A_1074 = tpu.vector_load %arg5[%get3A_1073] {strides = array<i32>} : memref<32768xf32, #tpu.memory_space<vmem>>, vector<16xf32>,
      %ge3A_1075 = arith.cmpf oge, %get3A_1074, %broadcast_in_dim3A_229 : vector<16xf32>
      %convert_element_type3A_1076 = arith.extui %ge3A_1075 : vector<16xi1> to vector<16xi32>
      %broadcast_in_dim3A_1077 = arith.constant true
      %broadcast_in_dim3A_1078 = vector.broadcast %broadcast_in_dim3A_1077 : i1 to vector<16xi1>
      %masked_cumsum3A_1079 = tpu.scan <sum>, %convert_element_type3A_1076 masked %broadcast_in_dim3A_1078 : vector<16xi32>, vector<16xi1> -> vector<16xi32>
      %add3A_1080 = arith.addi %add3A_1070, %masked_cumsum3A_1079 : vector<16xi32>
      %sub3A_1081 = arith.constant 1 : i32
      %sub3A_1082 = vector.broadcast %sub3A_1081 : i32 to vector<16xi32>
      %sub3A_1083 = arith.subi %add3A_1080, %sub3A_1082 : vector<16xi32>
      tpu.vector_store_idx %arg8[%sub3A_1083], %get3A_1074 masked %ge3A_1075 : memref<32784xf32, #tpu.memory_space<vmem>>[vector<16xi32>], vector<16xf32>, vector<16xi1>
      %all_reduce_population_count3A_1084 = tpu.all_reduce %ge3A_1075 {dim = 0 : i64, kind = #tpu.reduction_kind<sum>} : vector<16xi1> -> vector<16xi32>
      %add3A_1085 = arith.addi %add3A_1070, %all_reduce_population_count3A_1084 : vector<16xi32>
      scf.yield %add3A_1085 : vector<16xi32>
    }
    %add3A_371 = arith.addi %while3A_370, %iota3A : vector<16xi32>
    tpu.vector_store_idx %arg8[%add3A_371], %broadcast_in_dim3A_3 : memref<32784xf32, #tpu.memory_space<vmem>>[vector<16xi32>], vector<16xf32>,
    %slice3A_372 = vector.extract_strided_slice %while3A_370 {offsets = [0], sizes = [1], strides = [1]} : vector<16xi32> to vector<1xi32>
    %squeeze3A_373 = vector.extract %slice3A_372[0] : i32 from vector<1xi32>
    %add3A_374 = arith.constant 16 : i32
    %add3A_375 = arith.addi %squeeze3A_373, %add3A_374 : i32
    %sub3A_376 = arith.constant 1 : i32
    %sub3A_377 = arith.subi %add3A_375, %sub3A_376 : i32
    %jit3A_378 = arith.constant 16 : i32
    %div3A_379 = arith.divsi %sub3A_377, %jit3A_378 : i32
    %sign3A_380 = arith.constant 0 : i32
    %sign3A_381 = arith.cmpi sgt, %sub3A_377, %sign3A_380 : i32
    %sign3A_382 = arith.extui %sign3A_381 : i1 to i32
    %sign3A_383 = arith.constant 0 : i32
    %sign3A_384 = arith.cmpi slt, %sub3A_377, %sign3A_383 : i32
    %sign3A_385 = arith.extui %sign3A_384 : i1 to i32
    %sign3A_386 = arith.subi %sign3A_382, %sign3A_385 : i32
    %sign3A_387 = arith.constant 0 : i32
    %sign3A_388 = arith.cmpi sgt, %jit3A_378, %sign3A_387 : i32
    %sign3A_389 = arith.extui %sign3A_388 : i1 to i32
    %sign3A_390 = arith.constant 0 : i32
    %sign3A_391 = arith.cmpi slt, %jit3A_378, %sign3A_390 : i32
    %sign3A_392 = arith.extui %sign3A_391 : i1 to i32
    %sign3A_393 = arith.subi %sign3A_389, %sign3A_392 : i32
    %ne3A_394 = arith.cmpi ne, %sign3A_386, %sign3A_393 : i32
    %rem3A_395 = arith.remsi %sub3A_377, %jit3A_378 : i32
    %ne3A_396 = arith.constant 0 : i32
    %ne3A_397 = arith.cmpi ne, %rem3A_395, %ne3A_396 : i32
    %and3A_398 = arith.andi %ne3A_394, %ne3A_397 : i1
    %sub3A_399 = arith.constant 1 : i32
    %sub3A_400 = arith.subi %div3A_379, %sub3A_399 : i32
    %select_n3A_401 = arith.select %and3A_398, %sub3A_400, %div3A_379 : i32
    %while3A_402 = arith.constant 0 : i32
    %while3A_403 = arith.subi %select_n3A_401, %while3A_402 : i32
    %while3A_404 = arith.addi %while3A_402, %while3A_403 : i32
    %while3A_405 = arith.constant 1 : i32
    %while3A_406 = arith.divsi %while3A_403, %while3A_405 : i32
    %while3A_407 = arith.muli %while3A_406, %while3A_405 : i32
    %while3A_408 = arith.addi %while3A_402, %while3A_407 : i32
    %while3A_409 = arith.constant 1 : i32
    %while3A_410 = scf.for %while3A_838 = %while3A_402 to %while3A_408 step %while3A_409 iter_args(%while3A_839 = %broadcast_in_dim3A_3) -> (vector<16xf32>)  : i32 {
      %mul3A_840 = arith.constant 16 : i32
      %mul3A_841 = arith.muli %while3A_838, %mul3A_840 : i32
      %get3A_842 = arith.index_cast %mul3A_841 : i32 to index
      %get3A_843 = tpu.vector_load %arg8[%get3A_842] {strides = array<i32>} : memref<32784xf32, #tpu.memory_space<vmem>>, vector<16xf32>,
      %masked_sort3A_844 = arith.constant dense<true> : vector<16xi1>
      %masked_sort3A_845, %masked_sort3A_846, %masked_sort3A_847 = tpu.sort %get3A_843, %get3A_843 masked %masked_sort3A_844 {descending = true} : (vector<16xf32>, vector<16xf32>, vector<16xi1>) -> (vector<16xi1>, vector<16xf32>, vector<16xf32>)
      %rev3A = arith.constant 15 : i32
      %rev3A_848 = vector.broadcast %rev3A : i32 to vector<16xi32>
      %rev3A_849 = tpu.iota {dimensions = array<i32: 0>} : vector<16xi32>
      %rev3A_850 = arith.subi %rev3A_848, %rev3A_849 : vector<16xi32>
      %rev3A_851 = tpu.dynamic_gather %while3A_839[%rev3A_850] in [0] : vector<16xf32>, vector<16xi32> -> vector<16xf32>
      %max3A = arith.maximumf %masked_sort3A_846, %rev3A_851 : vector<16xf32>
      %masked_sort3A_852 = arith.constant dense<true> : vector<16xi1>
      %masked_sort3A_853, %masked_sort3A_854, %masked_sort3A_855 = tpu.sort %max3A, %max3A masked %masked_sort3A_852 {descending = true} : (vector<16xf32>, vector<16xf32>, vector<16xi1>) -> (vector<16xi1>, vector<16xf32>, vector<16xf32>)
      scf.yield %masked_sort3A_854 : vector<16xf32>
    }
    %while3A_411 = arith.constant 1 : i32
    %while3A_412 = scf.for %while3A_838 = %while3A_408 to %while3A_404 step %while3A_411 iter_args(%while3A_839 = %while3A_410) -> (vector<16xf32>)  : i32 {
      %mul3A_840 = arith.constant 16 : i32
      %mul3A_841 = arith.muli %while3A_838, %mul3A_840 : i32
      %get3A_842 = arith.index_cast %mul3A_841 : i32 to index
      %get3A_843 = tpu.vector_load %arg8[%get3A_842] {strides = array<i32>} : memref<32784xf32, #tpu.memory_space<vmem>>, vector<16xf32>,
      %masked_sort3A_844 = arith.constant dense<true> : vector<16xi1>
      %masked_sort3A_845, %masked_sort3A_846, %masked_sort3A_847 = tpu.sort %get3A_843, %get3A_843 masked %masked_sort3A_844 {descending = true} : (vector<16xf32>, vector<16xf32>, vector<16xi1>) -> (vector<16xi1>, vector<16xf32>, vector<16xf32>)
      %rev3A = arith.constant 15 : i32
      %rev3A_848 = vector.broadcast %rev3A : i32 to vector<16xi32>
      %rev3A_849 = tpu.iota {dimensions = array<i32: 0>} : vector<16xi32>
      %rev3A_850 = arith.subi %rev3A_848, %rev3A_849 : vector<16xi32>
      %rev3A_851 = tpu.dynamic_gather %while3A_839[%rev3A_850] in [0] : vector<16xf32>, vector<16xi32> -> vector<16xf32>
      %max3A = arith.maximumf %masked_sort3A_846, %rev3A_851 : vector<16xf32>
      %masked_sort3A_852 = arith.constant dense<true> : vector<16xi1>
      %masked_sort3A_853, %masked_sort3A_854, %masked_sort3A_855 = tpu.sort %max3A, %max3A masked %masked_sort3A_852 {descending = true} : (vector<16xf32>, vector<16xf32>, vector<16xi1>) -> (vector<16xi1>, vector<16xf32>, vector<16xf32>)
      scf.yield %masked_sort3A_854 : vector<16xf32>
    }
    %lt3A_413 = arith.constant 8 : i32
    %lt3A_414 = vector.broadcast %lt3A_413 : i32 to vector<16xi32>
    %lt3A_415 = arith.cmpi slt, %iota3A, %lt3A_414 : vector<16xi32>
    %swap3A_416 = arith.constant 8 : index
    %swap3A_417 = tpu.vector_load %arg9[%swap3A_416] masked %lt3A_415 {strides = array<i32>} : memref<48xf32, #tpu.memory_space<vmem>>, vector<16xf32>, vector<16xi1>
    tpu.vector_store %arg9[%swap3A_416], %while3A_412 masked %lt3A_415 {strides = array<i32>} : memref<48xf32, #tpu.memory_space<vmem>>, vector<16xf32>, vector<16xi1>
    %dma_wait3A_418 = arith.constant 0 : i32
    %dma_wait3A_419 = tpu.memref_slice %arg2[%add3A_212, %dma_wait3A_418] : memref<128x32768xf32, #tpu.memory_space<hbm>> -> memref<1x32768xf32, #tpu.memory_space<hbm>>
    %dma_wait3A_420 = tpu.memref_squeeze %dma_wait3A_419 : memref<1x32768xf32, #tpu.memory_space<hbm>> -> memref<32768xf32, #tpu.memory_space<hbm>>
    %dma_wait3A_421 = arith.constant 0 : i32
    %dma_wait3A_422 = tpu.memref_slice %arg2[%add3A_212, %dma_wait3A_421] : memref<128x32768xf32, #tpu.memory_space<hbm>> -> memref<1x32768xf32, #tpu.memory_space<hbm>>
    %dma_wait3A_423 = tpu.memref_squeeze %dma_wait3A_422 : memref<1x32768xf32, #tpu.memory_space<hbm>> -> memref<32768xf32, #tpu.memory_space<hbm>>
    tpu.wait_dma2 semaphore(%arg10 : memref<!tpu.dma_semaphore, #tpu.memory_space<semaphore_mem>>) src(%dma_wait3A_423 : memref<32768xf32, #tpu.memory_space<hbm>>) dst(%arg4 : memref<32768xf32, #tpu.memory_space<vmem>>)
    %add3A_424 = arith.constant 3 : i32
    %add3A_425 = arith.addi %mul3A_2, %add3A_424 : i32
    %dma_start3A_426 = arith.constant 0 : i32
    %dma_start3A_427 = tpu.memref_slice %arg2[%add3A_425, %dma_start3A_426] : memref<128x32768xf32, #tpu.memory_space<hbm>> -> memref<1x32768xf32, #tpu.memory_space<hbm>>
    %dma_start3A_428 = tpu.memref_squeeze %dma_start3A_427 : memref<1x32768xf32, #tpu.memory_space<hbm>> -> memref<32768xf32, #tpu.memory_space<hbm>>
    %dma_start3A_429 = arith.constant 0 : i32
    %dma_start3A_430 = tpu.memref_slice %arg2[%add3A_425, %dma_start3A_429] : memref<128x32768xf32, #tpu.memory_space<hbm>> -> memref<1x32768xf32, #tpu.memory_space<hbm>>
    %dma_start3A_431 = tpu.memref_squeeze %dma_start3A_430 : memref<1x32768xf32, #tpu.memory_space<hbm>> -> memref<32768xf32, #tpu.memory_space<hbm>>
    tpu.enqueue_dma source(%dma_start3A_431 : memref<32768xf32, #tpu.memory_space<hbm>>) target(%arg5 : memref<32768xf32, #tpu.memory_space<vmem>>) target_semaphore(%arg11 : memref<!tpu.dma_semaphore, #tpu.memory_space<semaphore_mem>>)
    %parallel_loop3A_432 = arith.constant 0 : i32
    %parallel_loop3A_433 = arith.constant 128 : i32
    %parallel_loop3A_434 = arith.constant 1 : i32
    %parallel_loop3A_435 = scf.for %parallel_loop3A_838 = %parallel_loop3A_432 to %parallel_loop3A_433 step %parallel_loop3A_434 iter_args(%parallel_loop3A_839 = %broadcast_in_dim3A_3) -> (vector<16xf32>)  : i32 {
      %parallel_loop3A_840 = arith.constant 256 : i32
      %parallel_loop3A_841 = arith.muli %parallel_loop3A_838, %parallel_loop3A_840 : i32
      %parallel_loop3A_842 = arith.constant 0 : i32
      %parallel_loop3A_843 = arith.addi %parallel_loop3A_841, %parallel_loop3A_842 : i32
      %parallel_loop3A_844 = arith.index_cast %parallel_loop3A_843 : i32 to index
      %parallel_loop3A_845 = tpu.vector_load %arg4[%parallel_loop3A_844] {strides = array<i32>} : memref<32768xf32, #tpu.memory_space<vmem>>, vector<16xf32>,
      %parallel_loop3A_846 = arith.maximumf %broadcast_in_dim3A_3, %parallel_loop3A_845 : vector<16xf32>
      %parallel_loop3A_847 = arith.constant 16 : i32
      %parallel_loop3A_848 = arith.addi %parallel_loop3A_841, %parallel_loop3A_847 : i32
      %parallel_loop3A_849 = arith.index_cast %parallel_loop3A_848 : i32 to index
      %parallel_loop3A_850 = tpu.vector_load %arg4[%parallel_loop3A_849] {strides = array<i32>} : memref<32768xf32, #tpu.memory_space<vmem>>, vector<16xf32>,
      %parallel_loop3A_851 = arith.maximumf %broadcast_in_dim3A_3, %parallel_loop3A_850 : vector<16xf32>
      %parallel_loop3A_852 = arith.constant 32 : i32
      %parallel_loop3A_853 = arith.addi %parallel_loop3A_841, %parallel_loop3A_852 : i32
      %parallel_loop3A_854 = arith.index_cast %parallel_loop3A_853 : i32 to index
      %parallel_loop3A_855 = tpu.vector_load %arg4[%parallel_loop3A_854] {strides = array<i32>} : memref<32768xf32, #tpu.memory_space<vmem>>, vector<16xf32>,
      %parallel_loop3A_856 = arith.maximumf %broadcast_in_dim3A_3, %parallel_loop3A_855 : vector<16xf32>
      %parallel_loop3A_857 = arith.constant 48 : i32
      %parallel_loop3A_858 = arith.addi %parallel_loop3A_841, %parallel_loop3A_857 : i32
      %parallel_loop3A_859 = arith.index_cast %parallel_loop3A_858 : i32 to index
      %parallel_loop3A_860 = tpu.vector_load %arg4[%parallel_loop3A_859] {strides = array<i32>} : memref<32768xf32, #tpu.memory_space<vmem>>, vector<16xf32>,
      %parallel_loop3A_861 = arith.maximumf %broadcast_in_dim3A_3, %parallel_loop3A_860 : vector<16xf32>
      %parallel_loop3A_862 = arith.constant 64 : i32
      %parallel_loop3A_863 = arith.addi %parallel_loop3A_841, %parallel_loop3A_862 : i32
      %parallel_loop3A_864 = arith.index_cast %parallel_loop3A_863 : i32 to index
      %parallel_loop3A_865 = tpu.vector_load %arg4[%parallel_loop3A_864] {strides = array<i32>} : memref<32768xf32, #tpu.memory_space<vmem>>, vector<16xf32>,
      %parallel_loop3A_866 = arith.maximumf %parallel_loop3A_846, %parallel_loop3A_865 : vector<16xf32>
      %parallel_loop3A_867 = arith.constant 80 : i32
      %parallel_loop3A_868 = arith.addi %parallel_loop3A_841, %parallel_loop3A_867 : i32
      %parallel_loop3A_869 = arith.index_cast %parallel_loop3A_868 : i32 to index
      %parallel_loop3A_870 = tpu.vector_load %arg4[%parallel_loop3A_869] {strides = array<i32>} : memref<32768xf32, #tpu.memory_space<vmem>>, vector<16xf32>,
      %parallel_loop3A_871 = arith.maximumf %parallel_loop3A_851, %parallel_loop3A_870 : vector<16xf32>
      %parallel_loop3A_872 = arith.constant 96 : i32
      %parallel_loop3A_873 = arith.addi %parallel_loop3A_841, %parallel_loop3A_872 : i32
      %parallel_loop3A_874 = arith.index_cast %parallel_loop3A_873 : i32 to index
      %parallel_loop3A_875 = tpu.vector_load %arg4[%parallel_loop3A_874] {strides = array<i32>} : memref<32768xf32, #tpu.memory_space<vmem>>, vector<16xf32>,
      %parallel_loop3A_876 = arith.maximumf %parallel_loop3A_856, %parallel_loop3A_875 : vector<16xf32>
      %parallel_loop3A_877 = arith.constant 112 : i32
      %parallel_loop3A_878 = arith.addi %parallel_loop3A_841, %parallel_loop3A_877 : i32
      %parallel_loop3A_879 = arith.index_cast %parallel_loop3A_878 : i32 to index
      %parallel_loop3A_880 = tpu.vector_load %arg4[%parallel_loop3A_879] {strides = array<i32>} : memref<32768xf32, #tpu.memory_space<vmem>>, vector<16xf32>,
      %parallel_loop3A_881 = arith.maximumf %parallel_loop3A_861, %parallel_loop3A_880 : vector<16xf32>
      %parallel_loop3A_882 = arith.constant 128 : i32
      %parallel_loop3A_883 = arith.addi %parallel_loop3A_841, %parallel_loop3A_882 : i32
      %parallel_loop3A_884 = arith.index_cast %parallel_loop3A_883 : i32 to index
      %parallel_loop3A_885 = tpu.vector_load %arg4[%parallel_loop3A_884] {strides = array<i32>} : memref<32768xf32, #tpu.memory_space<vmem>>, vector<16xf32>,
      %parallel_loop3A_886 = arith.maximumf %parallel_loop3A_866, %parallel_loop3A_885 : vector<16xf32>
      %parallel_loop3A_887 = arith.constant 144 : i32
      %parallel_loop3A_888 = arith.addi %parallel_loop3A_841, %parallel_loop3A_887 : i32
      %parallel_loop3A_889 = arith.index_cast %parallel_loop3A_888 : i32 to index
      %parallel_loop3A_890 = tpu.vector_load %arg4[%parallel_loop3A_889] {strides = array<i32>} : memref<32768xf32, #tpu.memory_space<vmem>>, vector<16xf32>,
      %parallel_loop3A_891 = arith.maximumf %parallel_loop3A_871, %parallel_loop3A_890 : vector<16xf32>
      %parallel_loop3A_892 = arith.constant 160 : i32
      %parallel_loop3A_893 = arith.addi %parallel_loop3A_841, %parallel_loop3A_892 : i32
      %parallel_loop3A_894 = arith.index_cast %parallel_loop3A_893 : i32 to index
      %parallel_loop3A_895 = tpu.vector_load %arg4[%parallel_loop3A_894] {strides = array<i32>} : memref<32768xf32, #tpu.memory_space<vmem>>, vector<16xf32>,
      %parallel_loop3A_896 = arith.maximumf %parallel_loop3A_876, %parallel_loop3A_895 : vector<16xf32>
      %parallel_loop3A_897 = arith.constant 176 : i32
      %parallel_loop3A_898 = arith.addi %parallel_loop3A_841, %parallel_loop3A_897 : i32
      %parallel_loop3A_899 = arith.index_cast %parallel_loop3A_898 : i32 to index
      %parallel_loop3A_900 = tpu.vector_load %arg4[%parallel_loop3A_899] {strides = array<i32>} : memref<32768xf32, #tpu.memory_space<vmem>>, vector<16xf32>,
      %parallel_loop3A_901 = arith.maximumf %parallel_loop3A_881, %parallel_loop3A_900 : vector<16xf32>
      %parallel_loop3A_902 = arith.constant 192 : i32
      %parallel_loop3A_903 = arith.addi %parallel_loop3A_841, %parallel_loop3A_902 : i32
      %parallel_loop3A_904 = arith.index_cast %parallel_loop3A_903 : i32 to index
      %parallel_loop3A_905 = tpu.vector_load %arg4[%parallel_loop3A_904] {strides = array<i32>} : memref<32768xf32, #tpu.memory_space<vmem>>, vector<16xf32>,
      %parallel_loop3A_906 = arith.maximumf %parallel_loop3A_886, %parallel_loop3A_905 : vector<16xf32>
      %parallel_loop3A_907 = arith.constant 208 : i32
      %parallel_loop3A_908 = arith.addi %parallel_loop3A_841, %parallel_loop3A_907 : i32
      %parallel_loop3A_909 = arith.index_cast %parallel_loop3A_908 : i32 to index
      %parallel_loop3A_910 = tpu.vector_load %arg4[%parallel_loop3A_909] {strides = array<i32>} : memref<32768xf32, #tpu.memory_space<vmem>>, vector<16xf32>,
      %parallel_loop3A_911 = arith.maximumf %parallel_loop3A_891, %parallel_loop3A_910 : vector<16xf32>
      %parallel_loop3A_912 = arith.constant 224 : i32
      %parallel_loop3A_913 = arith.addi %parallel_loop3A_841, %parallel_loop3A_912 : i32
      %parallel_loop3A_914 = arith.index_cast %parallel_loop3A_913 : i32 to index
      %parallel_loop3A_915 = tpu.vector_load %arg4[%parallel_loop3A_914] {strides = array<i32>} : memref<32768xf32, #tpu.memory_space<vmem>>, vector<16xf32>,
      %parallel_loop3A_916 = arith.maximumf %parallel_loop3A_896, %parallel_loop3A_915 : vector<16xf32>
      %parallel_loop3A_917 = arith.constant 240 : i32
      %parallel_loop3A_918 = arith.addi %parallel_loop3A_841, %parallel_loop3A_917 : i32
      %parallel_loop3A_919 = arith.index_cast %parallel_loop3A_918 : i32 to index
      %parallel_loop3A_920 = tpu.vector_load %arg4[%parallel_loop3A_919] {strides = array<i32>} : memref<32768xf32, #tpu.memory_space<vmem>>, vector<16xf32>,
      %parallel_loop3A_921 = arith.maximumf %parallel_loop3A_901, %parallel_loop3A_920 : vector<16xf32>
      %parallel_loop3A_922 = arith.maximumf %parallel_loop3A_906, %parallel_loop3A_911 : vector<16xf32>
      %parallel_loop3A_923 = arith.maximumf %parallel_loop3A_916, %parallel_loop3A_921 : vector<16xf32>
      %parallel_loop3A_924 = arith.maximumf %parallel_loop3A_922, %parallel_loop3A_923 : vector<16xf32>
      %parallel_loop3A_925 = arith.constant true
      %parallel_loop3A_926 = vector.broadcast %parallel_loop3A_925 : i1 to vector<16xi1>
      %parallel_loop3A_927 = tpu.scan <max>, %parallel_loop3A_924 masked %parallel_loop3A_926 : vector<16xf32>, vector<16xi1> -> vector<16xf32>
      %parallel_loop3A_928 = vector.broadcast %parallel_loop3A_838 : i32 to vector<16xi32>
      %parallel_loop3A_929 = arith.constant 15 : i32
      %parallel_loop3A_930 = vector.broadcast %parallel_loop3A_929 : i32 to vector<16xi32>
      %parallel_loop3A_931 = arith.cmpi eq, %iota3A, %parallel_loop3A_930 : vector<16xi32>
      tpu.vector_store_idx %arg6[%parallel_loop3A_928], %parallel_loop3A_927 masked %parallel_loop3A_931 : memref<128xf32, #tpu.memory_space<vmem>>[vector<16xi32>], vector<16xf32>, vector<16xi1>
      %parallel_loop3A_932 = arith.maximumf %parallel_loop3A_839, %parallel_loop3A_924 : vector<16xf32>
      scf.yield %parallel_loop3A_932 : vector<16xf32>
    } {sc.loop_unroll_factor = 4 : i64, sc.parallel_access}
    %masked_sort3A_436 = arith.constant dense<true> : vector<16xi1>
    %masked_sort3A_437, %masked_sort3A_438, %masked_sort3A_439 = tpu.sort %parallel_loop3A_435, %parallel_loop3A_435 masked %masked_sort3A_436 {descending = true} : (vector<16xf32>, vector<16xf32>, vector<16xi1>) -> (vector<16xi1>, vector<16xf32>, vector<16xf32>)
    %slice3A_440 = vector.extract_strided_slice %masked_sort3A_438 {offsets = [7], sizes = [1], strides = [1]} : vector<16xf32> to vector<1xf32>
    %squeeze3A_441 = vector.extract %slice3A_440[0] : f32 from vector<1xf32>
    %broadcast_in_dim3A_442 = vector.broadcast %squeeze3A_441 : f32 to vector<16xf32>
    %get3A_443 = arith.constant 0 : index
    %get3A_444 = tpu.vector_load %arg6[%get3A_443] {strides = array<i32>} : memref<128xf32, #tpu.memory_space<vmem>>, vector<16xf32>,
    %ge3A_445 = arith.cmpf oge, %get3A_444, %broadcast_in_dim3A_442 : vector<16xf32>
    %convert_element_type3A_446 = arith.extui %ge3A_445 : vector<16xi1> to vector<16xi32>
    %broadcast_in_dim3A_447 = arith.constant true
    %broadcast_in_dim3A_448 = vector.broadcast %broadcast_in_dim3A_447 : i1 to vector<16xi1>
    %masked_cumsum3A_449 = tpu.scan <sum>, %convert_element_type3A_446 masked %broadcast_in_dim3A_448 : vector<16xi32>, vector<16xi1> -> vector<16xi32>
    %add3A_450 = arith.addi %broadcast_in_dim3A_5, %masked_cumsum3A_449 : vector<16xi32>
    %sub3A_451 = arith.constant 1 : i32
    %sub3A_452 = vector.broadcast %sub3A_451 : i32 to vector<16xi32>
    %sub3A_453 = arith.subi %add3A_450, %sub3A_452 : vector<16xi32>
    %add3A_454 = arith.constant 0 : i32
    %add3A_455 = vector.broadcast %add3A_454 : i32 to vector<16xi32>
    %add3A_456 = arith.addi %add3A_455, %iota3A : vector<16xi32>
    tpu.vector_store_idx %arg7[%sub3A_453], %add3A_456 masked %ge3A_445 : memref<144xi32, #tpu.memory_space<vmem>>[vector<16xi32>], vector<16xi32>, vector<16xi1>
    %all_reduce_population_count3A_457 = tpu.all_reduce %ge3A_445 {dim = 0 : i64, kind = #tpu.reduction_kind<sum>} : vector<16xi1> -> vector<16xi32>
    %add3A_458 = arith.addi %broadcast_in_dim3A_5, %all_reduce_population_count3A_457 : vector<16xi32>
    %get3A_459 = arith.constant 16 : index
    %get3A_460 = tpu.vector_load %arg6[%get3A_459] {strides = array<i32>} : memref<128xf32, #tpu.memory_space<vmem>>, vector<16xf32>,
    %ge3A_461 = arith.cmpf oge, %get3A_460, %broadcast_in_dim3A_442 : vector<16xf32>
    %convert_element_type3A_462 = arith.extui %ge3A_461 : vector<16xi1> to vector<16xi32>
    %broadcast_in_dim3A_463 = arith.constant true
    %broadcast_in_dim3A_464 = vector.broadcast %broadcast_in_dim3A_463 : i1 to vector<16xi1>
    %masked_cumsum3A_465 = tpu.scan <sum>, %convert_element_type3A_462 masked %broadcast_in_dim3A_464 : vector<16xi32>, vector<16xi1> -> vector<16xi32>
    %add3A_466 = arith.addi %add3A_458, %masked_cumsum3A_465 : vector<16xi32>
    %sub3A_467 = arith.constant 1 : i32
    %sub3A_468 = vector.broadcast %sub3A_467 : i32 to vector<16xi32>
    %sub3A_469 = arith.subi %add3A_466, %sub3A_468 : vector<16xi32>
    %add3A_470 = arith.constant 16 : i32
    %add3A_471 = vector.broadcast %add3A_470 : i32 to vector<16xi32>
    %add3A_472 = arith.addi %add3A_471, %iota3A : vector<16xi32>
    tpu.vector_store_idx %arg7[%sub3A_469], %add3A_472 masked %ge3A_461 : memref<144xi32, #tpu.memory_space<vmem>>[vector<16xi32>], vector<16xi32>, vector<16xi1>
    %all_reduce_population_count3A_473 = tpu.all_reduce %ge3A_461 {dim = 0 : i64, kind = #tpu.reduction_kind<sum>} : vector<16xi1> -> vector<16xi32>
    %add3A_474 = arith.addi %add3A_458, %all_reduce_population_count3A_473 : vector<16xi32>
    %get3A_475 = arith.constant 32 : index
    %get3A_476 = tpu.vector_load %arg6[%get3A_475] {strides = array<i32>} : memref<128xf32, #tpu.memory_space<vmem>>, vector<16xf32>,
    %ge3A_477 = arith.cmpf oge, %get3A_476, %broadcast_in_dim3A_442 : vector<16xf32>
    %convert_element_type3A_478 = arith.extui %ge3A_477 : vector<16xi1> to vector<16xi32>
    %broadcast_in_dim3A_479 = arith.constant true
    %broadcast_in_dim3A_480 = vector.broadcast %broadcast_in_dim3A_479 : i1 to vector<16xi1>
    %masked_cumsum3A_481 = tpu.scan <sum>, %convert_element_type3A_478 masked %broadcast_in_dim3A_480 : vector<16xi32>, vector<16xi1> -> vector<16xi32>
    %add3A_482 = arith.addi %add3A_474, %masked_cumsum3A_481 : vector<16xi32>
    %sub3A_483 = arith.constant 1 : i32
    %sub3A_484 = vector.broadcast %sub3A_483 : i32 to vector<16xi32>
    %sub3A_485 = arith.subi %add3A_482, %sub3A_484 : vector<16xi32>
    %add3A_486 = arith.constant 32 : i32
    %add3A_487 = vector.broadcast %add3A_486 : i32 to vector<16xi32>
    %add3A_488 = arith.addi %add3A_487, %iota3A : vector<16xi32>
    tpu.vector_store_idx %arg7[%sub3A_485], %add3A_488 masked %ge3A_477 : memref<144xi32, #tpu.memory_space<vmem>>[vector<16xi32>], vector<16xi32>, vector<16xi1>
    %all_reduce_population_count3A_489 = tpu.all_reduce %ge3A_477 {dim = 0 : i64, kind = #tpu.reduction_kind<sum>} : vector<16xi1> -> vector<16xi32>
    %add3A_490 = arith.addi %add3A_474, %all_reduce_population_count3A_489 : vector<16xi32>
    %get3A_491 = arith.constant 48 : index
    %get3A_492 = tpu.vector_load %arg6[%get3A_491] {strides = array<i32>} : memref<128xf32, #tpu.memory_space<vmem>>, vector<16xf32>,
    %ge3A_493 = arith.cmpf oge, %get3A_492, %broadcast_in_dim3A_442 : vector<16xf32>
    %convert_element_type3A_494 = arith.extui %ge3A_493 : vector<16xi1> to vector<16xi32>
    %broadcast_in_dim3A_495 = arith.constant true
    %broadcast_in_dim3A_496 = vector.broadcast %broadcast_in_dim3A_495 : i1 to vector<16xi1>
    %masked_cumsum3A_497 = tpu.scan <sum>, %convert_element_type3A_494 masked %broadcast_in_dim3A_496 : vector<16xi32>, vector<16xi1> -> vector<16xi32>
    %add3A_498 = arith.addi %add3A_490, %masked_cumsum3A_497 : vector<16xi32>
    %sub3A_499 = arith.constant 1 : i32
    %sub3A_500 = vector.broadcast %sub3A_499 : i32 to vector<16xi32>
    %sub3A_501 = arith.subi %add3A_498, %sub3A_500 : vector<16xi32>
    %add3A_502 = arith.constant 48 : i32
    %add3A_503 = vector.broadcast %add3A_502 : i32 to vector<16xi32>
    %add3A_504 = arith.addi %add3A_503, %iota3A : vector<16xi32>
    tpu.vector_store_idx %arg7[%sub3A_501], %add3A_504 masked %ge3A_493 : memref<144xi32, #tpu.memory_space<vmem>>[vector<16xi32>], vector<16xi32>, vector<16xi1>
    %all_reduce_population_count3A_505 = tpu.all_reduce %ge3A_493 {dim = 0 : i64, kind = #tpu.reduction_kind<sum>} : vector<16xi1> -> vector<16xi32>
    %add3A_506 = arith.addi %add3A_490, %all_reduce_population_count3A_505 : vector<16xi32>
    %get3A_507 = arith.constant 64 : index
    %get3A_508 = tpu.vector_load %arg6[%get3A_507] {strides = array<i32>} : memref<128xf32, #tpu.memory_space<vmem>>, vector<16xf32>,
    %ge3A_509 = arith.cmpf oge, %get3A_508, %broadcast_in_dim3A_442 : vector<16xf32>
    %convert_element_type3A_510 = arith.extui %ge3A_509 : vector<16xi1> to vector<16xi32>
    %broadcast_in_dim3A_511 = arith.constant true
    %broadcast_in_dim3A_512 = vector.broadcast %broadcast_in_dim3A_511 : i1 to vector<16xi1>
    %masked_cumsum3A_513 = tpu.scan <sum>, %convert_element_type3A_510 masked %broadcast_in_dim3A_512 : vector<16xi32>, vector<16xi1> -> vector<16xi32>
    %add3A_514 = arith.addi %add3A_506, %masked_cumsum3A_513 : vector<16xi32>
    %sub3A_515 = arith.constant 1 : i32
    %sub3A_516 = vector.broadcast %sub3A_515 : i32 to vector<16xi32>
    %sub3A_517 = arith.subi %add3A_514, %sub3A_516 : vector<16xi32>
    %add3A_518 = arith.constant 64 : i32
    %add3A_519 = vector.broadcast %add3A_518 : i32 to vector<16xi32>
    %add3A_520 = arith.addi %add3A_519, %iota3A : vector<16xi32>
    tpu.vector_store_idx %arg7[%sub3A_517], %add3A_520 masked %ge3A_509 : memref<144xi32, #tpu.memory_space<vmem>>[vector<16xi32>], vector<16xi32>, vector<16xi1>
    %all_reduce_population_count3A_521 = tpu.all_reduce %ge3A_509 {dim = 0 : i64, kind = #tpu.reduction_kind<sum>} : vector<16xi1> -> vector<16xi32>
    %add3A_522 = arith.addi %add3A_506, %all_reduce_population_count3A_521 : vector<16xi32>
    %get3A_523 = arith.constant 80 : index
    %get3A_524 = tpu.vector_load %arg6[%get3A_523] {strides = array<i32>} : memref<128xf32, #tpu.memory_space<vmem>>, vector<16xf32>,
    %ge3A_525 = arith.cmpf oge, %get3A_524, %broadcast_in_dim3A_442 : vector<16xf32>
    %convert_element_type3A_526 = arith.extui %ge3A_525 : vector<16xi1> to vector<16xi32>
    %broadcast_in_dim3A_527 = arith.constant true
    %broadcast_in_dim3A_528 = vector.broadcast %broadcast_in_dim3A_527 : i1 to vector<16xi1>
    %masked_cumsum3A_529 = tpu.scan <sum>, %convert_element_type3A_526 masked %broadcast_in_dim3A_528 : vector<16xi32>, vector<16xi1> -> vector<16xi32>
    %add3A_530 = arith.addi %add3A_522, %masked_cumsum3A_529 : vector<16xi32>
    %sub3A_531 = arith.constant 1 : i32
    %sub3A_532 = vector.broadcast %sub3A_531 : i32 to vector<16xi32>
    %sub3A_533 = arith.subi %add3A_530, %sub3A_532 : vector<16xi32>
    %add3A_534 = arith.constant 80 : i32
    %add3A_535 = vector.broadcast %add3A_534 : i32 to vector<16xi32>
    %add3A_536 = arith.addi %add3A_535, %iota3A : vector<16xi32>
    tpu.vector_store_idx %arg7[%sub3A_533], %add3A_536 masked %ge3A_525 : memref<144xi32, #tpu.memory_space<vmem>>[vector<16xi32>], vector<16xi32>, vector<16xi1>
    %all_reduce_population_count3A_537 = tpu.all_reduce %ge3A_525 {dim = 0 : i64, kind = #tpu.reduction_kind<sum>} : vector<16xi1> -> vector<16xi32>
    %add3A_538 = arith.addi %add3A_522, %all_reduce_population_count3A_537 : vector<16xi32>
    %get3A_539 = arith.constant 96 : index
    %get3A_540 = tpu.vector_load %arg6[%get3A_539] {strides = array<i32>} : memref<128xf32, #tpu.memory_space<vmem>>, vector<16xf32>,
    %ge3A_541 = arith.cmpf oge, %get3A_540, %broadcast_in_dim3A_442 : vector<16xf32>
    %convert_element_type3A_542 = arith.extui %ge3A_541 : vector<16xi1> to vector<16xi32>
    %broadcast_in_dim3A_543 = arith.constant true
    %broadcast_in_dim3A_544 = vector.broadcast %broadcast_in_dim3A_543 : i1 to vector<16xi1>
    %masked_cumsum3A_545 = tpu.scan <sum>, %convert_element_type3A_542 masked %broadcast_in_dim3A_544 : vector<16xi32>, vector<16xi1> -> vector<16xi32>
    %add3A_546 = arith.addi %add3A_538, %masked_cumsum3A_545 : vector<16xi32>
    %sub3A_547 = arith.constant 1 : i32
    %sub3A_548 = vector.broadcast %sub3A_547 : i32 to vector<16xi32>
    %sub3A_549 = arith.subi %add3A_546, %sub3A_548 : vector<16xi32>
    %add3A_550 = arith.constant 96 : i32
    %add3A_551 = vector.broadcast %add3A_550 : i32 to vector<16xi32>
    %add3A_552 = arith.addi %add3A_551, %iota3A : vector<16xi32>
    tpu.vector_store_idx %arg7[%sub3A_549], %add3A_552 masked %ge3A_541 : memref<144xi32, #tpu.memory_space<vmem>>[vector<16xi32>], vector<16xi32>, vector<16xi1>
    %all_reduce_population_count3A_553 = tpu.all_reduce %ge3A_541 {dim = 0 : i64, kind = #tpu.reduction_kind<sum>} : vector<16xi1> -> vector<16xi32>
    %add3A_554 = arith.addi %add3A_538, %all_reduce_population_count3A_553 : vector<16xi32>
    %get3A_555 = arith.constant 112 : index
    %get3A_556 = tpu.vector_load %arg6[%get3A_555] {strides = array<i32>} : memref<128xf32, #tpu.memory_space<vmem>>, vector<16xf32>,
    %ge3A_557 = arith.cmpf oge, %get3A_556, %broadcast_in_dim3A_442 : vector<16xf32>
    %convert_element_type3A_558 = arith.extui %ge3A_557 : vector<16xi1> to vector<16xi32>
    %broadcast_in_dim3A_559 = arith.constant true
    %broadcast_in_dim3A_560 = vector.broadcast %broadcast_in_dim3A_559 : i1 to vector<16xi1>
    %masked_cumsum3A_561 = tpu.scan <sum>, %convert_element_type3A_558 masked %broadcast_in_dim3A_560 : vector<16xi32>, vector<16xi1> -> vector<16xi32>
    %add3A_562 = arith.addi %add3A_554, %masked_cumsum3A_561 : vector<16xi32>
    %sub3A_563 = arith.constant 1 : i32
    %sub3A_564 = vector.broadcast %sub3A_563 : i32 to vector<16xi32>
    %sub3A_565 = arith.subi %add3A_562, %sub3A_564 : vector<16xi32>
    %add3A_566 = arith.constant 112 : i32
    %add3A_567 = vector.broadcast %add3A_566 : i32 to vector<16xi32>
    %add3A_568 = arith.addi %add3A_567, %iota3A : vector<16xi32>
    tpu.vector_store_idx %arg7[%sub3A_565], %add3A_568 masked %ge3A_557 : memref<144xi32, #tpu.memory_space<vmem>>[vector<16xi32>], vector<16xi32>, vector<16xi1>
    %all_reduce_population_count3A_569 = tpu.all_reduce %ge3A_557 {dim = 0 : i64, kind = #tpu.reduction_kind<sum>} : vector<16xi1> -> vector<16xi32>
    %add3A_570 = arith.addi %add3A_554, %all_reduce_population_count3A_569 : vector<16xi32>
    %slice3A_571 = vector.extract_strided_slice %add3A_570 {offsets = [0], sizes = [1], strides = [1]} : vector<16xi32> to vector<1xi32>
    %squeeze3A_572 = vector.extract %slice3A_571[0] : i32 from vector<1xi32>
    %while3A_573 = arith.constant 0 : i32
    %while3A_574 = arith.subi %squeeze3A_572, %while3A_573 : i32
    %while3A_575 = arith.addi %while3A_573, %while3A_574 : i32
    %while3A_576 = arith.constant 1 : i32
    %while3A_577 = arith.divsi %while3A_574, %while3A_576 : i32
    %while3A_578 = arith.muli %while3A_577, %while3A_576 : i32
    %while3A_579 = arith.addi %while3A_573, %while3A_578 : i32
    %while3A_580 = arith.constant 1 : i32
    %while3A_581 = scf.for %while3A_838 = %while3A_573 to %while3A_579 step %while3A_580 iter_args(%while3A_839 = %broadcast_in_dim3A_5) -> (vector<16xi32>)  : i32 {
      %get3A_840 = arith.index_cast %while3A_838 : i32 to index
      %get3A_841 = tpu.vector_load %arg7[%get3A_840] {strides = array<i32>} : memref<144xi32, #tpu.memory_space<vmem>>, vector<16xi32>,
      %slice3A_842 = vector.extract_strided_slice %get3A_841 {offsets = [0], sizes = [1], strides = [1]} : vector<16xi32> to vector<1xi32>
      %squeeze3A_843 = vector.extract %slice3A_842[0] : i32 from vector<1xi32>
      %mul3A_844 = arith.constant 256 : i32
      %mul3A_845 = arith.muli %squeeze3A_843, %mul3A_844 : i32
      %add3A_846 = arith.constant 0 : i32
      %add3A_847 = arith.addi %mul3A_845, %add3A_846 : i32
      %get3A_848 = arith.index_cast %add3A_847 : i32 to index
      %get3A_849 = tpu.vector_load %arg4[%get3A_848] {strides = array<i32>} : memref<32768xf32, #tpu.memory_space<vmem>>, vector<16xf32>,
      %ge3A_850 = arith.cmpf oge, %get3A_849, %broadcast_in_dim3A_442 : vector<16xf32>
      %convert_element_type3A_851 = arith.extui %ge3A_850 : vector<16xi1> to vector<16xi32>
      %broadcast_in_dim3A_852 = arith.constant true
      %broadcast_in_dim3A_853 = vector.broadcast %broadcast_in_dim3A_852 : i1 to vector<16xi1>
      %masked_cumsum3A_854 = tpu.scan <sum>, %convert_element_type3A_851 masked %broadcast_in_dim3A_853 : vector<16xi32>, vector<16xi1> -> vector<16xi32>
      %add3A_855 = arith.addi %while3A_839, %masked_cumsum3A_854 : vector<16xi32>
      %sub3A_856 = arith.constant 1 : i32
      %sub3A_857 = vector.broadcast %sub3A_856 : i32 to vector<16xi32>
      %sub3A_858 = arith.subi %add3A_855, %sub3A_857 : vector<16xi32>
      tpu.vector_store_idx %arg8[%sub3A_858], %get3A_849 masked %ge3A_850 : memref<32784xf32, #tpu.memory_space<vmem>>[vector<16xi32>], vector<16xf32>, vector<16xi1>
      %all_reduce_population_count3A_859 = tpu.all_reduce %ge3A_850 {dim = 0 : i64, kind = #tpu.reduction_kind<sum>} : vector<16xi1> -> vector<16xi32>
      %add3A_860 = arith.addi %while3A_839, %all_reduce_population_count3A_859 : vector<16xi32>
      %add3A_861 = arith.constant 16 : i32
      %add3A_862 = arith.addi %mul3A_845, %add3A_861 : i32
      %get3A_863 = arith.index_cast %add3A_862 : i32 to index
      %get3A_864 = tpu.vector_load %arg4[%get3A_863] {strides = array<i32>} : memref<32768xf32, #tpu.memory_space<vmem>>, vector<16xf32>,
      %ge3A_865 = arith.cmpf oge, %get3A_864, %broadcast_in_dim3A_442 : vector<16xf32>
      %convert_element_type3A_866 = arith.extui %ge3A_865 : vector<16xi1> to vector<16xi32>
      %broadcast_in_dim3A_867 = arith.constant true
      %broadcast_in_dim3A_868 = vector.broadcast %broadcast_in_dim3A_867 : i1 to vector<16xi1>
      %masked_cumsum3A_869 = tpu.scan <sum>, %convert_element_type3A_866 masked %broadcast_in_dim3A_868 : vector<16xi32>, vector<16xi1> -> vector<16xi32>
      %add3A_870 = arith.addi %add3A_860, %masked_cumsum3A_869 : vector<16xi32>
      %sub3A_871 = arith.constant 1 : i32
      %sub3A_872 = vector.broadcast %sub3A_871 : i32 to vector<16xi32>
      %sub3A_873 = arith.subi %add3A_870, %sub3A_872 : vector<16xi32>
      tpu.vector_store_idx %arg8[%sub3A_873], %get3A_864 masked %ge3A_865 : memref<32784xf32, #tpu.memory_space<vmem>>[vector<16xi32>], vector<16xf32>, vector<16xi1>
      %all_reduce_population_count3A_874 = tpu.all_reduce %ge3A_865 {dim = 0 : i64, kind = #tpu.reduction_kind<sum>} : vector<16xi1> -> vector<16xi32>
      %add3A_875 = arith.addi %add3A_860, %all_reduce_population_count3A_874 : vector<16xi32>
      %add3A_876 = arith.constant 32 : i32
      %add3A_877 = arith.addi %mul3A_845, %add3A_876 : i32
      %get3A_878 = arith.index_cast %add3A_877 : i32 to index
      %get3A_879 = tpu.vector_load %arg4[%get3A_878] {strides = array<i32>} : memref<32768xf32, #tpu.memory_space<vmem>>, vector<16xf32>,
      %ge3A_880 = arith.cmpf oge, %get3A_879, %broadcast_in_dim3A_442 : vector<16xf32>
      %convert_element_type3A_881 = arith.extui %ge3A_880 : vector<16xi1> to vector<16xi32>
      %broadcast_in_dim3A_882 = arith.constant true
      %broadcast_in_dim3A_883 = vector.broadcast %broadcast_in_dim3A_882 : i1 to vector<16xi1>
      %masked_cumsum3A_884 = tpu.scan <sum>, %convert_element_type3A_881 masked %broadcast_in_dim3A_883 : vector<16xi32>, vector<16xi1> -> vector<16xi32>
      %add3A_885 = arith.addi %add3A_875, %masked_cumsum3A_884 : vector<16xi32>
      %sub3A_886 = arith.constant 1 : i32
      %sub3A_887 = vector.broadcast %sub3A_886 : i32 to vector<16xi32>
      %sub3A_888 = arith.subi %add3A_885, %sub3A_887 : vector<16xi32>
      tpu.vector_store_idx %arg8[%sub3A_888], %get3A_879 masked %ge3A_880 : memref<32784xf32, #tpu.memory_space<vmem>>[vector<16xi32>], vector<16xf32>, vector<16xi1>
      %all_reduce_population_count3A_889 = tpu.all_reduce %ge3A_880 {dim = 0 : i64, kind = #tpu.reduction_kind<sum>} : vector<16xi1> -> vector<16xi32>
      %add3A_890 = arith.addi %add3A_875, %all_reduce_population_count3A_889 : vector<16xi32>
      %add3A_891 = arith.constant 48 : i32
      %add3A_892 = arith.addi %mul3A_845, %add3A_891 : i32
      %get3A_893 = arith.index_cast %add3A_892 : i32 to index
      %get3A_894 = tpu.vector_load %arg4[%get3A_893] {strides = array<i32>} : memref<32768xf32, #tpu.memory_space<vmem>>, vector<16xf32>,
      %ge3A_895 = arith.cmpf oge, %get3A_894, %broadcast_in_dim3A_442 : vector<16xf32>
      %convert_element_type3A_896 = arith.extui %ge3A_895 : vector<16xi1> to vector<16xi32>
      %broadcast_in_dim3A_897 = arith.constant true
      %broadcast_in_dim3A_898 = vector.broadcast %broadcast_in_dim3A_897 : i1 to vector<16xi1>
      %masked_cumsum3A_899 = tpu.scan <sum>, %convert_element_type3A_896 masked %broadcast_in_dim3A_898 : vector<16xi32>, vector<16xi1> -> vector<16xi32>
      %add3A_900 = arith.addi %add3A_890, %masked_cumsum3A_899 : vector<16xi32>
      %sub3A_901 = arith.constant 1 : i32
      %sub3A_902 = vector.broadcast %sub3A_901 : i32 to vector<16xi32>
      %sub3A_903 = arith.subi %add3A_900, %sub3A_902 : vector<16xi32>
      tpu.vector_store_idx %arg8[%sub3A_903], %get3A_894 masked %ge3A_895 : memref<32784xf32, #tpu.memory_space<vmem>>[vector<16xi32>], vector<16xf32>, vector<16xi1>
      %all_reduce_population_count3A_904 = tpu.all_reduce %ge3A_895 {dim = 0 : i64, kind = #tpu.reduction_kind<sum>} : vector<16xi1> -> vector<16xi32>
      %add3A_905 = arith.addi %add3A_890, %all_reduce_population_count3A_904 : vector<16xi32>
      %add3A_906 = arith.constant 64 : i32
      %add3A_907 = arith.addi %mul3A_845, %add3A_906 : i32
      %get3A_908 = arith.index_cast %add3A_907 : i32 to index
      %get3A_909 = tpu.vector_load %arg4[%get3A_908] {strides = array<i32>} : memref<32768xf32, #tpu.memory_space<vmem>>, vector<16xf32>,
      %ge3A_910 = arith.cmpf oge, %get3A_909, %broadcast_in_dim3A_442 : vector<16xf32>
      %convert_element_type3A_911 = arith.extui %ge3A_910 : vector<16xi1> to vector<16xi32>
      %broadcast_in_dim3A_912 = arith.constant true
      %broadcast_in_dim3A_913 = vector.broadcast %broadcast_in_dim3A_912 : i1 to vector<16xi1>
      %masked_cumsum3A_914 = tpu.scan <sum>, %convert_element_type3A_911 masked %broadcast_in_dim3A_913 : vector<16xi32>, vector<16xi1> -> vector<16xi32>
      %add3A_915 = arith.addi %add3A_905, %masked_cumsum3A_914 : vector<16xi32>
      %sub3A_916 = arith.constant 1 : i32
      %sub3A_917 = vector.broadcast %sub3A_916 : i32 to vector<16xi32>
      %sub3A_918 = arith.subi %add3A_915, %sub3A_917 : vector<16xi32>
      tpu.vector_store_idx %arg8[%sub3A_918], %get3A_909 masked %ge3A_910 : memref<32784xf32, #tpu.memory_space<vmem>>[vector<16xi32>], vector<16xf32>, vector<16xi1>
      %all_reduce_population_count3A_919 = tpu.all_reduce %ge3A_910 {dim = 0 : i64, kind = #tpu.reduction_kind<sum>} : vector<16xi1> -> vector<16xi32>
      %add3A_920 = arith.addi %add3A_905, %all_reduce_population_count3A_919 : vector<16xi32>
      %add3A_921 = arith.constant 80 : i32
      %add3A_922 = arith.addi %mul3A_845, %add3A_921 : i32
      %get3A_923 = arith.index_cast %add3A_922 : i32 to index
      %get3A_924 = tpu.vector_load %arg4[%get3A_923] {strides = array<i32>} : memref<32768xf32, #tpu.memory_space<vmem>>, vector<16xf32>,
      %ge3A_925 = arith.cmpf oge, %get3A_924, %broadcast_in_dim3A_442 : vector<16xf32>
      %convert_element_type3A_926 = arith.extui %ge3A_925 : vector<16xi1> to vector<16xi32>
      %broadcast_in_dim3A_927 = arith.constant true
      %broadcast_in_dim3A_928 = vector.broadcast %broadcast_in_dim3A_927 : i1 to vector<16xi1>
      %masked_cumsum3A_929 = tpu.scan <sum>, %convert_element_type3A_926 masked %broadcast_in_dim3A_928 : vector<16xi32>, vector<16xi1> -> vector<16xi32>
      %add3A_930 = arith.addi %add3A_920, %masked_cumsum3A_929 : vector<16xi32>
      %sub3A_931 = arith.constant 1 : i32
      %sub3A_932 = vector.broadcast %sub3A_931 : i32 to vector<16xi32>
      %sub3A_933 = arith.subi %add3A_930, %sub3A_932 : vector<16xi32>
      tpu.vector_store_idx %arg8[%sub3A_933], %get3A_924 masked %ge3A_925 : memref<32784xf32, #tpu.memory_space<vmem>>[vector<16xi32>], vector<16xf32>, vector<16xi1>
      %all_reduce_population_count3A_934 = tpu.all_reduce %ge3A_925 {dim = 0 : i64, kind = #tpu.reduction_kind<sum>} : vector<16xi1> -> vector<16xi32>
      %add3A_935 = arith.addi %add3A_920, %all_reduce_population_count3A_934 : vector<16xi32>
      %add3A_936 = arith.constant 96 : i32
      %add3A_937 = arith.addi %mul3A_845, %add3A_936 : i32
      %get3A_938 = arith.index_cast %add3A_937 : i32 to index
      %get3A_939 = tpu.vector_load %arg4[%get3A_938] {strides = array<i32>} : memref<32768xf32, #tpu.memory_space<vmem>>, vector<16xf32>,
      %ge3A_940 = arith.cmpf oge, %get3A_939, %broadcast_in_dim3A_442 : vector<16xf32>
      %convert_element_type3A_941 = arith.extui %ge3A_940 : vector<16xi1> to vector<16xi32>
      %broadcast_in_dim3A_942 = arith.constant true
      %broadcast_in_dim3A_943 = vector.broadcast %broadcast_in_dim3A_942 : i1 to vector<16xi1>
      %masked_cumsum3A_944 = tpu.scan <sum>, %convert_element_type3A_941 masked %broadcast_in_dim3A_943 : vector<16xi32>, vector<16xi1> -> vector<16xi32>
      %add3A_945 = arith.addi %add3A_935, %masked_cumsum3A_944 : vector<16xi32>
      %sub3A_946 = arith.constant 1 : i32
      %sub3A_947 = vector.broadcast %sub3A_946 : i32 to vector<16xi32>
      %sub3A_948 = arith.subi %add3A_945, %sub3A_947 : vector<16xi32>
      tpu.vector_store_idx %arg8[%sub3A_948], %get3A_939 masked %ge3A_940 : memref<32784xf32, #tpu.memory_space<vmem>>[vector<16xi32>], vector<16xf32>, vector<16xi1>
      %all_reduce_population_count3A_949 = tpu.all_reduce %ge3A_940 {dim = 0 : i64, kind = #tpu.reduction_kind<sum>} : vector<16xi1> -> vector<16xi32>
      %add3A_950 = arith.addi %add3A_935, %all_reduce_population_count3A_949 : vector<16xi32>
      %add3A_951 = arith.constant 112 : i32
      %add3A_952 = arith.addi %mul3A_845, %add3A_951 : i32
      %get3A_953 = arith.index_cast %add3A_952 : i32 to index
      %get3A_954 = tpu.vector_load %arg4[%get3A_953] {strides = array<i32>} : memref<32768xf32, #tpu.memory_space<vmem>>, vector<16xf32>,
      %ge3A_955 = arith.cmpf oge, %get3A_954, %broadcast_in_dim3A_442 : vector<16xf32>
      %convert_element_type3A_956 = arith.extui %ge3A_955 : vector<16xi1> to vector<16xi32>
      %broadcast_in_dim3A_957 = arith.constant true
      %broadcast_in_dim3A_958 = vector.broadcast %broadcast_in_dim3A_957 : i1 to vector<16xi1>
      %masked_cumsum3A_959 = tpu.scan <sum>, %convert_element_type3A_956 masked %broadcast_in_dim3A_958 : vector<16xi32>, vector<16xi1> -> vector<16xi32>
      %add3A_960 = arith.addi %add3A_950, %masked_cumsum3A_959 : vector<16xi32>
      %sub3A_961 = arith.constant 1 : i32
      %sub3A_962 = vector.broadcast %sub3A_961 : i32 to vector<16xi32>
      %sub3A_963 = arith.subi %add3A_960, %sub3A_962 : vector<16xi32>
      tpu.vector_store_idx %arg8[%sub3A_963], %get3A_954 masked %ge3A_955 : memref<32784xf32, #tpu.memory_space<vmem>>[vector<16xi32>], vector<16xf32>, vector<16xi1>
      %all_reduce_population_count3A_964 = tpu.all_reduce %ge3A_955 {dim = 0 : i64, kind = #tpu.reduction_kind<sum>} : vector<16xi1> -> vector<16xi32>
      %add3A_965 = arith.addi %add3A_950, %all_reduce_population_count3A_964 : vector<16xi32>
      %add3A_966 = arith.constant 128 : i32
      %add3A_967 = arith.addi %mul3A_845, %add3A_966 : i32
      %get3A_968 = arith.index_cast %add3A_967 : i32 to index
      %get3A_969 = tpu.vector_load %arg4[%get3A_968] {strides = array<i32>} : memref<32768xf32, #tpu.memory_space<vmem>>, vector<16xf32>,
      %ge3A_970 = arith.cmpf oge, %get3A_969, %broadcast_in_dim3A_442 : vector<16xf32>
      %convert_element_type3A_971 = arith.extui %ge3A_970 : vector<16xi1> to vector<16xi32>
      %broadcast_in_dim3A_972 = arith.constant true
      %broadcast_in_dim3A_973 = vector.broadcast %broadcast_in_dim3A_972 : i1 to vector<16xi1>
      %masked_cumsum3A_974 = tpu.scan <sum>, %convert_element_type3A_971 masked %broadcast_in_dim3A_973 : vector<16xi32>, vector<16xi1> -> vector<16xi32>
      %add3A_975 = arith.addi %add3A_965, %masked_cumsum3A_974 : vector<16xi32>
      %sub3A_976 = arith.constant 1 : i32
      %sub3A_977 = vector.broadcast %sub3A_976 : i32 to vector<16xi32>
      %sub3A_978 = arith.subi %add3A_975, %sub3A_977 : vector<16xi32>
      tpu.vector_store_idx %arg8[%sub3A_978], %get3A_969 masked %ge3A_970 : memref<32784xf32, #tpu.memory_space<vmem>>[vector<16xi32>], vector<16xf32>, vector<16xi1>
      %all_reduce_population_count3A_979 = tpu.all_reduce %ge3A_970 {dim = 0 : i64, kind = #tpu.reduction_kind<sum>} : vector<16xi1> -> vector<16xi32>
      %add3A_980 = arith.addi %add3A_965, %all_reduce_population_count3A_979 : vector<16xi32>
      %add3A_981 = arith.constant 144 : i32
      %add3A_982 = arith.addi %mul3A_845, %add3A_981 : i32
      %get3A_983 = arith.index_cast %add3A_982 : i32 to index
      %get3A_984 = tpu.vector_load %arg4[%get3A_983] {strides = array<i32>} : memref<32768xf32, #tpu.memory_space<vmem>>, vector<16xf32>,
      %ge3A_985 = arith.cmpf oge, %get3A_984, %broadcast_in_dim3A_442 : vector<16xf32>
      %convert_element_type3A_986 = arith.extui %ge3A_985 : vector<16xi1> to vector<16xi32>
      %broadcast_in_dim3A_987 = arith.constant true
      %broadcast_in_dim3A_988 = vector.broadcast %broadcast_in_dim3A_987 : i1 to vector<16xi1>
      %masked_cumsum3A_989 = tpu.scan <sum>, %convert_element_type3A_986 masked %broadcast_in_dim3A_988 : vector<16xi32>, vector<16xi1> -> vector<16xi32>
      %add3A_990 = arith.addi %add3A_980, %masked_cumsum3A_989 : vector<16xi32>
      %sub3A_991 = arith.constant 1 : i32
      %sub3A_992 = vector.broadcast %sub3A_991 : i32 to vector<16xi32>
      %sub3A_993 = arith.subi %add3A_990, %sub3A_992 : vector<16xi32>
      tpu.vector_store_idx %arg8[%sub3A_993], %get3A_984 masked %ge3A_985 : memref<32784xf32, #tpu.memory_space<vmem>>[vector<16xi32>], vector<16xf32>, vector<16xi1>
      %all_reduce_population_count3A_994 = tpu.all_reduce %ge3A_985 {dim = 0 : i64, kind = #tpu.reduction_kind<sum>} : vector<16xi1> -> vector<16xi32>
      %add3A_995 = arith.addi %add3A_980, %all_reduce_population_count3A_994 : vector<16xi32>
      %add3A_996 = arith.constant 160 : i32
      %add3A_997 = arith.addi %mul3A_845, %add3A_996 : i32
      %get3A_998 = arith.index_cast %add3A_997 : i32 to index
      %get3A_999 = tpu.vector_load %arg4[%get3A_998] {strides = array<i32>} : memref<32768xf32, #tpu.memory_space<vmem>>, vector<16xf32>,
      %ge3A_1000 = arith.cmpf oge, %get3A_999, %broadcast_in_dim3A_442 : vector<16xf32>
      %convert_element_type3A_1001 = arith.extui %ge3A_1000 : vector<16xi1> to vector<16xi32>
      %broadcast_in_dim3A_1002 = arith.constant true
      %broadcast_in_dim3A_1003 = vector.broadcast %broadcast_in_dim3A_1002 : i1 to vector<16xi1>
      %masked_cumsum3A_1004 = tpu.scan <sum>, %convert_element_type3A_1001 masked %broadcast_in_dim3A_1003 : vector<16xi32>, vector<16xi1> -> vector<16xi32>
      %add3A_1005 = arith.addi %add3A_995, %masked_cumsum3A_1004 : vector<16xi32>
      %sub3A_1006 = arith.constant 1 : i32
      %sub3A_1007 = vector.broadcast %sub3A_1006 : i32 to vector<16xi32>
      %sub3A_1008 = arith.subi %add3A_1005, %sub3A_1007 : vector<16xi32>
      tpu.vector_store_idx %arg8[%sub3A_1008], %get3A_999 masked %ge3A_1000 : memref<32784xf32, #tpu.memory_space<vmem>>[vector<16xi32>], vector<16xf32>, vector<16xi1>
      %all_reduce_population_count3A_1009 = tpu.all_reduce %ge3A_1000 {dim = 0 : i64, kind = #tpu.reduction_kind<sum>} : vector<16xi1> -> vector<16xi32>
      %add3A_1010 = arith.addi %add3A_995, %all_reduce_population_count3A_1009 : vector<16xi32>
      %add3A_1011 = arith.constant 176 : i32
      %add3A_1012 = arith.addi %mul3A_845, %add3A_1011 : i32
      %get3A_1013 = arith.index_cast %add3A_1012 : i32 to index
      %get3A_1014 = tpu.vector_load %arg4[%get3A_1013] {strides = array<i32>} : memref<32768xf32, #tpu.memory_space<vmem>>, vector<16xf32>,
      %ge3A_1015 = arith.cmpf oge, %get3A_1014, %broadcast_in_dim3A_442 : vector<16xf32>
      %convert_element_type3A_1016 = arith.extui %ge3A_1015 : vector<16xi1> to vector<16xi32>
      %broadcast_in_dim3A_1017 = arith.constant true
      %broadcast_in_dim3A_1018 = vector.broadcast %broadcast_in_dim3A_1017 : i1 to vector<16xi1>
      %masked_cumsum3A_1019 = tpu.scan <sum>, %convert_element_type3A_1016 masked %broadcast_in_dim3A_1018 : vector<16xi32>, vector<16xi1> -> vector<16xi32>
      %add3A_1020 = arith.addi %add3A_1010, %masked_cumsum3A_1019 : vector<16xi32>
      %sub3A_1021 = arith.constant 1 : i32
      %sub3A_1022 = vector.broadcast %sub3A_1021 : i32 to vector<16xi32>
      %sub3A_1023 = arith.subi %add3A_1020, %sub3A_1022 : vector<16xi32>
      tpu.vector_store_idx %arg8[%sub3A_1023], %get3A_1014 masked %ge3A_1015 : memref<32784xf32, #tpu.memory_space<vmem>>[vector<16xi32>], vector<16xf32>, vector<16xi1>
      %all_reduce_population_count3A_1024 = tpu.all_reduce %ge3A_1015 {dim = 0 : i64, kind = #tpu.reduction_kind<sum>} : vector<16xi1> -> vector<16xi32>
      %add3A_1025 = arith.addi %add3A_1010, %all_reduce_population_count3A_1024 : vector<16xi32>
      %add3A_1026 = arith.constant 192 : i32
      %add3A_1027 = arith.addi %mul3A_845, %add3A_1026 : i32
      %get3A_1028 = arith.index_cast %add3A_1027 : i32 to index
      %get3A_1029 = tpu.vector_load %arg4[%get3A_1028] {strides = array<i32>} : memref<32768xf32, #tpu.memory_space<vmem>>, vector<16xf32>,
      %ge3A_1030 = arith.cmpf oge, %get3A_1029, %broadcast_in_dim3A_442 : vector<16xf32>
      %convert_element_type3A_1031 = arith.extui %ge3A_1030 : vector<16xi1> to vector<16xi32>
      %broadcast_in_dim3A_1032 = arith.constant true
      %broadcast_in_dim3A_1033 = vector.broadcast %broadcast_in_dim3A_1032 : i1 to vector<16xi1>
      %masked_cumsum3A_1034 = tpu.scan <sum>, %convert_element_type3A_1031 masked %broadcast_in_dim3A_1033 : vector<16xi32>, vector<16xi1> -> vector<16xi32>
      %add3A_1035 = arith.addi %add3A_1025, %masked_cumsum3A_1034 : vector<16xi32>
      %sub3A_1036 = arith.constant 1 : i32
      %sub3A_1037 = vector.broadcast %sub3A_1036 : i32 to vector<16xi32>
      %sub3A_1038 = arith.subi %add3A_1035, %sub3A_1037 : vector<16xi32>
      tpu.vector_store_idx %arg8[%sub3A_1038], %get3A_1029 masked %ge3A_1030 : memref<32784xf32, #tpu.memory_space<vmem>>[vector<16xi32>], vector<16xf32>, vector<16xi1>
      %all_reduce_population_count3A_1039 = tpu.all_reduce %ge3A_1030 {dim = 0 : i64, kind = #tpu.reduction_kind<sum>} : vector<16xi1> -> vector<16xi32>
      %add3A_1040 = arith.addi %add3A_1025, %all_reduce_population_count3A_1039 : vector<16xi32>
      %add3A_1041 = arith.constant 208 : i32
      %add3A_1042 = arith.addi %mul3A_845, %add3A_1041 : i32
      %get3A_1043 = arith.index_cast %add3A_1042 : i32 to index
      %get3A_1044 = tpu.vector_load %arg4[%get3A_1043] {strides = array<i32>} : memref<32768xf32, #tpu.memory_space<vmem>>, vector<16xf32>,
      %ge3A_1045 = arith.cmpf oge, %get3A_1044, %broadcast_in_dim3A_442 : vector<16xf32>
      %convert_element_type3A_1046 = arith.extui %ge3A_1045 : vector<16xi1> to vector<16xi32>
      %broadcast_in_dim3A_1047 = arith.constant true
      %broadcast_in_dim3A_1048 = vector.broadcast %broadcast_in_dim3A_1047 : i1 to vector<16xi1>
      %masked_cumsum3A_1049 = tpu.scan <sum>, %convert_element_type3A_1046 masked %broadcast_in_dim3A_1048 : vector<16xi32>, vector<16xi1> -> vector<16xi32>
      %add3A_1050 = arith.addi %add3A_1040, %masked_cumsum3A_1049 : vector<16xi32>
      %sub3A_1051 = arith.constant 1 : i32
      %sub3A_1052 = vector.broadcast %sub3A_1051 : i32 to vector<16xi32>
      %sub3A_1053 = arith.subi %add3A_1050, %sub3A_1052 : vector<16xi32>
      tpu.vector_store_idx %arg8[%sub3A_1053], %get3A_1044 masked %ge3A_1045 : memref<32784xf32, #tpu.memory_space<vmem>>[vector<16xi32>], vector<16xf32>, vector<16xi1>
      %all_reduce_population_count3A_1054 = tpu.all_reduce %ge3A_1045 {dim = 0 : i64, kind = #tpu.reduction_kind<sum>} : vector<16xi1> -> vector<16xi32>
      %add3A_1055 = arith.addi %add3A_1040, %all_reduce_population_count3A_1054 : vector<16xi32>
      %add3A_1056 = arith.constant 224 : i32
      %add3A_1057 = arith.addi %mul3A_845, %add3A_1056 : i32
      %get3A_1058 = arith.index_cast %add3A_1057 : i32 to index
      %get3A_1059 = tpu.vector_load %arg4[%get3A_1058] {strides = array<i32>} : memref<32768xf32, #tpu.memory_space<vmem>>, vector<16xf32>,
      %ge3A_1060 = arith.cmpf oge, %get3A_1059, %broadcast_in_dim3A_442 : vector<16xf32>
      %convert_element_type3A_1061 = arith.extui %ge3A_1060 : vector<16xi1> to vector<16xi32>
      %broadcast_in_dim3A_1062 = arith.constant true
      %broadcast_in_dim3A_1063 = vector.broadcast %broadcast_in_dim3A_1062 : i1 to vector<16xi1>
      %masked_cumsum3A_1064 = tpu.scan <sum>, %convert_element_type3A_1061 masked %broadcast_in_dim3A_1063 : vector<16xi32>, vector<16xi1> -> vector<16xi32>
      %add3A_1065 = arith.addi %add3A_1055, %masked_cumsum3A_1064 : vector<16xi32>
      %sub3A_1066 = arith.constant 1 : i32
      %sub3A_1067 = vector.broadcast %sub3A_1066 : i32 to vector<16xi32>
      %sub3A_1068 = arith.subi %add3A_1065, %sub3A_1067 : vector<16xi32>
      tpu.vector_store_idx %arg8[%sub3A_1068], %get3A_1059 masked %ge3A_1060 : memref<32784xf32, #tpu.memory_space<vmem>>[vector<16xi32>], vector<16xf32>, vector<16xi1>
      %all_reduce_population_count3A_1069 = tpu.all_reduce %ge3A_1060 {dim = 0 : i64, kind = #tpu.reduction_kind<sum>} : vector<16xi1> -> vector<16xi32>
      %add3A_1070 = arith.addi %add3A_1055, %all_reduce_population_count3A_1069 : vector<16xi32>
      %add3A_1071 = arith.constant 240 : i32
      %add3A_1072 = arith.addi %mul3A_845, %add3A_1071 : i32
      %get3A_1073 = arith.index_cast %add3A_1072 : i32 to index
      %get3A_1074 = tpu.vector_load %arg4[%get3A_1073] {strides = array<i32>} : memref<32768xf32, #tpu.memory_space<vmem>>, vector<16xf32>,
      %ge3A_1075 = arith.cmpf oge, %get3A_1074, %broadcast_in_dim3A_442 : vector<16xf32>
      %convert_element_type3A_1076 = arith.extui %ge3A_1075 : vector<16xi1> to vector<16xi32>
      %broadcast_in_dim3A_1077 = arith.constant true
      %broadcast_in_dim3A_1078 = vector.broadcast %broadcast_in_dim3A_1077 : i1 to vector<16xi1>
      %masked_cumsum3A_1079 = tpu.scan <sum>, %convert_element_type3A_1076 masked %broadcast_in_dim3A_1078 : vector<16xi32>, vector<16xi1> -> vector<16xi32>
      %add3A_1080 = arith.addi %add3A_1070, %masked_cumsum3A_1079 : vector<16xi32>
      %sub3A_1081 = arith.constant 1 : i32
      %sub3A_1082 = vector.broadcast %sub3A_1081 : i32 to vector<16xi32>
      %sub3A_1083 = arith.subi %add3A_1080, %sub3A_1082 : vector<16xi32>
      tpu.vector_store_idx %arg8[%sub3A_1083], %get3A_1074 masked %ge3A_1075 : memref<32784xf32, #tpu.memory_space<vmem>>[vector<16xi32>], vector<16xf32>, vector<16xi1>
      %all_reduce_population_count3A_1084 = tpu.all_reduce %ge3A_1075 {dim = 0 : i64, kind = #tpu.reduction_kind<sum>} : vector<16xi1> -> vector<16xi32>
      %add3A_1085 = arith.addi %add3A_1070, %all_reduce_population_count3A_1084 : vector<16xi32>
      scf.yield %add3A_1085 : vector<16xi32>
    }
    %while3A_582 = arith.constant 1 : i32
    %while3A_583 = scf.for %while3A_838 = %while3A_579 to %while3A_575 step %while3A_582 iter_args(%while3A_839 = %while3A_581) -> (vector<16xi32>)  : i32 {
      %get3A_840 = arith.index_cast %while3A_838 : i32 to index
      %get3A_841 = tpu.vector_load %arg7[%get3A_840] {strides = array<i32>} : memref<144xi32, #tpu.memory_space<vmem>>, vector<16xi32>,
      %slice3A_842 = vector.extract_strided_slice %get3A_841 {offsets = [0], sizes = [1], strides = [1]} : vector<16xi32> to vector<1xi32>
      %squeeze3A_843 = vector.extract %slice3A_842[0] : i32 from vector<1xi32>
      %mul3A_844 = arith.constant 256 : i32
      %mul3A_845 = arith.muli %squeeze3A_843, %mul3A_844 : i32
      %add3A_846 = arith.constant 0 : i32
      %add3A_847 = arith.addi %mul3A_845, %add3A_846 : i32
      %get3A_848 = arith.index_cast %add3A_847 : i32 to index
      %get3A_849 = tpu.vector_load %arg4[%get3A_848] {strides = array<i32>} : memref<32768xf32, #tpu.memory_space<vmem>>, vector<16xf32>,
      %ge3A_850 = arith.cmpf oge, %get3A_849, %broadcast_in_dim3A_442 : vector<16xf32>
      %convert_element_type3A_851 = arith.extui %ge3A_850 : vector<16xi1> to vector<16xi32>
      %broadcast_in_dim3A_852 = arith.constant true
      %broadcast_in_dim3A_853 = vector.broadcast %broadcast_in_dim3A_852 : i1 to vector<16xi1>
      %masked_cumsum3A_854 = tpu.scan <sum>, %convert_element_type3A_851 masked %broadcast_in_dim3A_853 : vector<16xi32>, vector<16xi1> -> vector<16xi32>
      %add3A_855 = arith.addi %while3A_839, %masked_cumsum3A_854 : vector<16xi32>
      %sub3A_856 = arith.constant 1 : i32
      %sub3A_857 = vector.broadcast %sub3A_856 : i32 to vector<16xi32>
      %sub3A_858 = arith.subi %add3A_855, %sub3A_857 : vector<16xi32>
      tpu.vector_store_idx %arg8[%sub3A_858], %get3A_849 masked %ge3A_850 : memref<32784xf32, #tpu.memory_space<vmem>>[vector<16xi32>], vector<16xf32>, vector<16xi1>
      %all_reduce_population_count3A_859 = tpu.all_reduce %ge3A_850 {dim = 0 : i64, kind = #tpu.reduction_kind<sum>} : vector<16xi1> -> vector<16xi32>
      %add3A_860 = arith.addi %while3A_839, %all_reduce_population_count3A_859 : vector<16xi32>
      %add3A_861 = arith.constant 16 : i32
      %add3A_862 = arith.addi %mul3A_845, %add3A_861 : i32
      %get3A_863 = arith.index_cast %add3A_862 : i32 to index
      %get3A_864 = tpu.vector_load %arg4[%get3A_863] {strides = array<i32>} : memref<32768xf32, #tpu.memory_space<vmem>>, vector<16xf32>,
      %ge3A_865 = arith.cmpf oge, %get3A_864, %broadcast_in_dim3A_442 : vector<16xf32>
      %convert_element_type3A_866 = arith.extui %ge3A_865 : vector<16xi1> to vector<16xi32>
      %broadcast_in_dim3A_867 = arith.constant true
      %broadcast_in_dim3A_868 = vector.broadcast %broadcast_in_dim3A_867 : i1 to vector<16xi1>
      %masked_cumsum3A_869 = tpu.scan <sum>, %convert_element_type3A_866 masked %broadcast_in_dim3A_868 : vector<16xi32>, vector<16xi1> -> vector<16xi32>
      %add3A_870 = arith.addi %add3A_860, %masked_cumsum3A_869 : vector<16xi32>
      %sub3A_871 = arith.constant 1 : i32
      %sub3A_872 = vector.broadcast %sub3A_871 : i32 to vector<16xi32>
      %sub3A_873 = arith.subi %add3A_870, %sub3A_872 : vector<16xi32>
      tpu.vector_store_idx %arg8[%sub3A_873], %get3A_864 masked %ge3A_865 : memref<32784xf32, #tpu.memory_space<vmem>>[vector<16xi32>], vector<16xf32>, vector<16xi1>
      %all_reduce_population_count3A_874 = tpu.all_reduce %ge3A_865 {dim = 0 : i64, kind = #tpu.reduction_kind<sum>} : vector<16xi1> -> vector<16xi32>
      %add3A_875 = arith.addi %add3A_860, %all_reduce_population_count3A_874 : vector<16xi32>
      %add3A_876 = arith.constant 32 : i32
      %add3A_877 = arith.addi %mul3A_845, %add3A_876 : i32
      %get3A_878 = arith.index_cast %add3A_877 : i32 to index
      %get3A_879 = tpu.vector_load %arg4[%get3A_878] {strides = array<i32>} : memref<32768xf32, #tpu.memory_space<vmem>>, vector<16xf32>,
      %ge3A_880 = arith.cmpf oge, %get3A_879, %broadcast_in_dim3A_442 : vector<16xf32>
      %convert_element_type3A_881 = arith.extui %ge3A_880 : vector<16xi1> to vector<16xi32>
      %broadcast_in_dim3A_882 = arith.constant true
      %broadcast_in_dim3A_883 = vector.broadcast %broadcast_in_dim3A_882 : i1 to vector<16xi1>
      %masked_cumsum3A_884 = tpu.scan <sum>, %convert_element_type3A_881 masked %broadcast_in_dim3A_883 : vector<16xi32>, vector<16xi1> -> vector<16xi32>
      %add3A_885 = arith.addi %add3A_875, %masked_cumsum3A_884 : vector<16xi32>
      %sub3A_886 = arith.constant 1 : i32
      %sub3A_887 = vector.broadcast %sub3A_886 : i32 to vector<16xi32>
      %sub3A_888 = arith.subi %add3A_885, %sub3A_887 : vector<16xi32>
      tpu.vector_store_idx %arg8[%sub3A_888], %get3A_879 masked %ge3A_880 : memref<32784xf32, #tpu.memory_space<vmem>>[vector<16xi32>], vector<16xf32>, vector<16xi1>
      %all_reduce_population_count3A_889 = tpu.all_reduce %ge3A_880 {dim = 0 : i64, kind = #tpu.reduction_kind<sum>} : vector<16xi1> -> vector<16xi32>
      %add3A_890 = arith.addi %add3A_875, %all_reduce_population_count3A_889 : vector<16xi32>
      %add3A_891 = arith.constant 48 : i32
      %add3A_892 = arith.addi %mul3A_845, %add3A_891 : i32
      %get3A_893 = arith.index_cast %add3A_892 : i32 to index
      %get3A_894 = tpu.vector_load %arg4[%get3A_893] {strides = array<i32>} : memref<32768xf32, #tpu.memory_space<vmem>>, vector<16xf32>,
      %ge3A_895 = arith.cmpf oge, %get3A_894, %broadcast_in_dim3A_442 : vector<16xf32>
      %convert_element_type3A_896 = arith.extui %ge3A_895 : vector<16xi1> to vector<16xi32>
      %broadcast_in_dim3A_897 = arith.constant true
      %broadcast_in_dim3A_898 = vector.broadcast %broadcast_in_dim3A_897 : i1 to vector<16xi1>
      %masked_cumsum3A_899 = tpu.scan <sum>, %convert_element_type3A_896 masked %broadcast_in_dim3A_898 : vector<16xi32>, vector<16xi1> -> vector<16xi32>
      %add3A_900 = arith.addi %add3A_890, %masked_cumsum3A_899 : vector<16xi32>
      %sub3A_901 = arith.constant 1 : i32
      %sub3A_902 = vector.broadcast %sub3A_901 : i32 to vector<16xi32>
      %sub3A_903 = arith.subi %add3A_900, %sub3A_902 : vector<16xi32>
      tpu.vector_store_idx %arg8[%sub3A_903], %get3A_894 masked %ge3A_895 : memref<32784xf32, #tpu.memory_space<vmem>>[vector<16xi32>], vector<16xf32>, vector<16xi1>
      %all_reduce_population_count3A_904 = tpu.all_reduce %ge3A_895 {dim = 0 : i64, kind = #tpu.reduction_kind<sum>} : vector<16xi1> -> vector<16xi32>
      %add3A_905 = arith.addi %add3A_890, %all_reduce_population_count3A_904 : vector<16xi32>
      %add3A_906 = arith.constant 64 : i32
      %add3A_907 = arith.addi %mul3A_845, %add3A_906 : i32
      %get3A_908 = arith.index_cast %add3A_907 : i32 to index
      %get3A_909 = tpu.vector_load %arg4[%get3A_908] {strides = array<i32>} : memref<32768xf32, #tpu.memory_space<vmem>>, vector<16xf32>,
      %ge3A_910 = arith.cmpf oge, %get3A_909, %broadcast_in_dim3A_442 : vector<16xf32>
      %convert_element_type3A_911 = arith.extui %ge3A_910 : vector<16xi1> to vector<16xi32>
      %broadcast_in_dim3A_912 = arith.constant true
      %broadcast_in_dim3A_913 = vector.broadcast %broadcast_in_dim3A_912 : i1 to vector<16xi1>
      %masked_cumsum3A_914 = tpu.scan <sum>, %convert_element_type3A_911 masked %broadcast_in_dim3A_913 : vector<16xi32>, vector<16xi1> -> vector<16xi32>
      %add3A_915 = arith.addi %add3A_905, %masked_cumsum3A_914 : vector<16xi32>
      %sub3A_916 = arith.constant 1 : i32
      %sub3A_917 = vector.broadcast %sub3A_916 : i32 to vector<16xi32>
      %sub3A_918 = arith.subi %add3A_915, %sub3A_917 : vector<16xi32>
      tpu.vector_store_idx %arg8[%sub3A_918], %get3A_909 masked %ge3A_910 : memref<32784xf32, #tpu.memory_space<vmem>>[vector<16xi32>], vector<16xf32>, vector<16xi1>
      %all_reduce_population_count3A_919 = tpu.all_reduce %ge3A_910 {dim = 0 : i64, kind = #tpu.reduction_kind<sum>} : vector<16xi1> -> vector<16xi32>
      %add3A_920 = arith.addi %add3A_905, %all_reduce_population_count3A_919 : vector<16xi32>
      %add3A_921 = arith.constant 80 : i32
      %add3A_922 = arith.addi %mul3A_845, %add3A_921 : i32
      %get3A_923 = arith.index_cast %add3A_922 : i32 to index
      %get3A_924 = tpu.vector_load %arg4[%get3A_923] {strides = array<i32>} : memref<32768xf32, #tpu.memory_space<vmem>>, vector<16xf32>,
      %ge3A_925 = arith.cmpf oge, %get3A_924, %broadcast_in_dim3A_442 : vector<16xf32>
      %convert_element_type3A_926 = arith.extui %ge3A_925 : vector<16xi1> to vector<16xi32>
      %broadcast_in_dim3A_927 = arith.constant true
      %broadcast_in_dim3A_928 = vector.broadcast %broadcast_in_dim3A_927 : i1 to vector<16xi1>
      %masked_cumsum3A_929 = tpu.scan <sum>, %convert_element_type3A_926 masked %broadcast_in_dim3A_928 : vector<16xi32>, vector<16xi1> -> vector<16xi32>
      %add3A_930 = arith.addi %add3A_920, %masked_cumsum3A_929 : vector<16xi32>
      %sub3A_931 = arith.constant 1 : i32
      %sub3A_932 = vector.broadcast %sub3A_931 : i32 to vector<16xi32>
      %sub3A_933 = arith.subi %add3A_930, %sub3A_932 : vector<16xi32>
      tpu.vector_store_idx %arg8[%sub3A_933], %get3A_924 masked %ge3A_925 : memref<32784xf32, #tpu.memory_space<vmem>>[vector<16xi32>], vector<16xf32>, vector<16xi1>
      %all_reduce_population_count3A_934 = tpu.all_reduce %ge3A_925 {dim = 0 : i64, kind = #tpu.reduction_kind<sum>} : vector<16xi1> -> vector<16xi32>
      %add3A_935 = arith.addi %add3A_920, %all_reduce_population_count3A_934 : vector<16xi32>
      %add3A_936 = arith.constant 96 : i32
      %add3A_937 = arith.addi %mul3A_845, %add3A_936 : i32
      %get3A_938 = arith.index_cast %add3A_937 : i32 to index
      %get3A_939 = tpu.vector_load %arg4[%get3A_938] {strides = array<i32>} : memref<32768xf32, #tpu.memory_space<vmem>>, vector<16xf32>,
      %ge3A_940 = arith.cmpf oge, %get3A_939, %broadcast_in_dim3A_442 : vector<16xf32>
      %convert_element_type3A_941 = arith.extui %ge3A_940 : vector<16xi1> to vector<16xi32>
      %broadcast_in_dim3A_942 = arith.constant true
      %broadcast_in_dim3A_943 = vector.broadcast %broadcast_in_dim3A_942 : i1 to vector<16xi1>
      %masked_cumsum3A_944 = tpu.scan <sum>, %convert_element_type3A_941 masked %broadcast_in_dim3A_943 : vector<16xi32>, vector<16xi1> -> vector<16xi32>
      %add3A_945 = arith.addi %add3A_935, %masked_cumsum3A_944 : vector<16xi32>
      %sub3A_946 = arith.constant 1 : i32
      %sub3A_947 = vector.broadcast %sub3A_946 : i32 to vector<16xi32>
      %sub3A_948 = arith.subi %add3A_945, %sub3A_947 : vector<16xi32>
      tpu.vector_store_idx %arg8[%sub3A_948], %get3A_939 masked %ge3A_940 : memref<32784xf32, #tpu.memory_space<vmem>>[vector<16xi32>], vector<16xf32>, vector<16xi1>
      %all_reduce_population_count3A_949 = tpu.all_reduce %ge3A_940 {dim = 0 : i64, kind = #tpu.reduction_kind<sum>} : vector<16xi1> -> vector<16xi32>
      %add3A_950 = arith.addi %add3A_935, %all_reduce_population_count3A_949 : vector<16xi32>
      %add3A_951 = arith.constant 112 : i32
      %add3A_952 = arith.addi %mul3A_845, %add3A_951 : i32
      %get3A_953 = arith.index_cast %add3A_952 : i32 to index
      %get3A_954 = tpu.vector_load %arg4[%get3A_953] {strides = array<i32>} : memref<32768xf32, #tpu.memory_space<vmem>>, vector<16xf32>,
      %ge3A_955 = arith.cmpf oge, %get3A_954, %broadcast_in_dim3A_442 : vector<16xf32>
      %convert_element_type3A_956 = arith.extui %ge3A_955 : vector<16xi1> to vector<16xi32>
      %broadcast_in_dim3A_957 = arith.constant true
      %broadcast_in_dim3A_958 = vector.broadcast %broadcast_in_dim3A_957 : i1 to vector<16xi1>
      %masked_cumsum3A_959 = tpu.scan <sum>, %convert_element_type3A_956 masked %broadcast_in_dim3A_958 : vector<16xi32>, vector<16xi1> -> vector<16xi32>
      %add3A_960 = arith.addi %add3A_950, %masked_cumsum3A_959 : vector<16xi32>
      %sub3A_961 = arith.constant 1 : i32
      %sub3A_962 = vector.broadcast %sub3A_961 : i32 to vector<16xi32>
      %sub3A_963 = arith.subi %add3A_960, %sub3A_962 : vector<16xi32>
      tpu.vector_store_idx %arg8[%sub3A_963], %get3A_954 masked %ge3A_955 : memref<32784xf32, #tpu.memory_space<vmem>>[vector<16xi32>], vector<16xf32>, vector<16xi1>
      %all_reduce_population_count3A_964 = tpu.all_reduce %ge3A_955 {dim = 0 : i64, kind = #tpu.reduction_kind<sum>} : vector<16xi1> -> vector<16xi32>
      %add3A_965 = arith.addi %add3A_950, %all_reduce_population_count3A_964 : vector<16xi32>
      %add3A_966 = arith.constant 128 : i32
      %add3A_967 = arith.addi %mul3A_845, %add3A_966 : i32
      %get3A_968 = arith.index_cast %add3A_967 : i32 to index
      %get3A_969 = tpu.vector_load %arg4[%get3A_968] {strides = array<i32>} : memref<32768xf32, #tpu.memory_space<vmem>>, vector<16xf32>,
      %ge3A_970 = arith.cmpf oge, %get3A_969, %broadcast_in_dim3A_442 : vector<16xf32>
      %convert_element_type3A_971 = arith.extui %ge3A_970 : vector<16xi1> to vector<16xi32>
      %broadcast_in_dim3A_972 = arith.constant true
      %broadcast_in_dim3A_973 = vector.broadcast %broadcast_in_dim3A_972 : i1 to vector<16xi1>
      %masked_cumsum3A_974 = tpu.scan <sum>, %convert_element_type3A_971 masked %broadcast_in_dim3A_973 : vector<16xi32>, vector<16xi1> -> vector<16xi32>
      %add3A_975 = arith.addi %add3A_965, %masked_cumsum3A_974 : vector<16xi32>
      %sub3A_976 = arith.constant 1 : i32
      %sub3A_977 = vector.broadcast %sub3A_976 : i32 to vector<16xi32>
      %sub3A_978 = arith.subi %add3A_975, %sub3A_977 : vector<16xi32>
      tpu.vector_store_idx %arg8[%sub3A_978], %get3A_969 masked %ge3A_970 : memref<32784xf32, #tpu.memory_space<vmem>>[vector<16xi32>], vector<16xf32>, vector<16xi1>
      %all_reduce_population_count3A_979 = tpu.all_reduce %ge3A_970 {dim = 0 : i64, kind = #tpu.reduction_kind<sum>} : vector<16xi1> -> vector<16xi32>
      %add3A_980 = arith.addi %add3A_965, %all_reduce_population_count3A_979 : vector<16xi32>
      %add3A_981 = arith.constant 144 : i32
      %add3A_982 = arith.addi %mul3A_845, %add3A_981 : i32
      %get3A_983 = arith.index_cast %add3A_982 : i32 to index
      %get3A_984 = tpu.vector_load %arg4[%get3A_983] {strides = array<i32>} : memref<32768xf32, #tpu.memory_space<vmem>>, vector<16xf32>,
      %ge3A_985 = arith.cmpf oge, %get3A_984, %broadcast_in_dim3A_442 : vector<16xf32>
      %convert_element_type3A_986 = arith.extui %ge3A_985 : vector<16xi1> to vector<16xi32>
      %broadcast_in_dim3A_987 = arith.constant true
      %broadcast_in_dim3A_988 = vector.broadcast %broadcast_in_dim3A_987 : i1 to vector<16xi1>
      %masked_cumsum3A_989 = tpu.scan <sum>, %convert_element_type3A_986 masked %broadcast_in_dim3A_988 : vector<16xi32>, vector<16xi1> -> vector<16xi32>
      %add3A_990 = arith.addi %add3A_980, %masked_cumsum3A_989 : vector<16xi32>
      %sub3A_991 = arith.constant 1 : i32
      %sub3A_992 = vector.broadcast %sub3A_991 : i32 to vector<16xi32>
      %sub3A_993 = arith.subi %add3A_990, %sub3A_992 : vector<16xi32>
      tpu.vector_store_idx %arg8[%sub3A_993], %get3A_984 masked %ge3A_985 : memref<32784xf32, #tpu.memory_space<vmem>>[vector<16xi32>], vector<16xf32>, vector<16xi1>
      %all_reduce_population_count3A_994 = tpu.all_reduce %ge3A_985 {dim = 0 : i64, kind = #tpu.reduction_kind<sum>} : vector<16xi1> -> vector<16xi32>
      %add3A_995 = arith.addi %add3A_980, %all_reduce_population_count3A_994 : vector<16xi32>
      %add3A_996 = arith.constant 160 : i32
      %add3A_997 = arith.addi %mul3A_845, %add3A_996 : i32
      %get3A_998 = arith.index_cast %add3A_997 : i32 to index
      %get3A_999 = tpu.vector_load %arg4[%get3A_998] {strides = array<i32>} : memref<32768xf32, #tpu.memory_space<vmem>>, vector<16xf32>,
      %ge3A_1000 = arith.cmpf oge, %get3A_999, %broadcast_in_dim3A_442 : vector<16xf32>
      %convert_element_type3A_1001 = arith.extui %ge3A_1000 : vector<16xi1> to vector<16xi32>
      %broadcast_in_dim3A_1002 = arith.constant true
      %broadcast_in_dim3A_1003 = vector.broadcast %broadcast_in_dim3A_1002 : i1 to vector<16xi1>
      %masked_cumsum3A_1004 = tpu.scan <sum>, %convert_element_type3A_1001 masked %broadcast_in_dim3A_1003 : vector<16xi32>, vector<16xi1> -> vector<16xi32>
      %add3A_1005 = arith.addi %add3A_995, %masked_cumsum3A_1004 : vector<16xi32>
      %sub3A_1006 = arith.constant 1 : i32
      %sub3A_1007 = vector.broadcast %sub3A_1006 : i32 to vector<16xi32>
      %sub3A_1008 = arith.subi %add3A_1005, %sub3A_1007 : vector<16xi32>
      tpu.vector_store_idx %arg8[%sub3A_1008], %get3A_999 masked %ge3A_1000 : memref<32784xf32, #tpu.memory_space<vmem>>[vector<16xi32>], vector<16xf32>, vector<16xi1>
      %all_reduce_population_count3A_1009 = tpu.all_reduce %ge3A_1000 {dim = 0 : i64, kind = #tpu.reduction_kind<sum>} : vector<16xi1> -> vector<16xi32>
      %add3A_1010 = arith.addi %add3A_995, %all_reduce_population_count3A_1009 : vector<16xi32>
      %add3A_1011 = arith.constant 176 : i32
      %add3A_1012 = arith.addi %mul3A_845, %add3A_1011 : i32
      %get3A_1013 = arith.index_cast %add3A_1012 : i32 to index
      %get3A_1014 = tpu.vector_load %arg4[%get3A_1013] {strides = array<i32>} : memref<32768xf32, #tpu.memory_space<vmem>>, vector<16xf32>,
      %ge3A_1015 = arith.cmpf oge, %get3A_1014, %broadcast_in_dim3A_442 : vector<16xf32>
      %convert_element_type3A_1016 = arith.extui %ge3A_1015 : vector<16xi1> to vector<16xi32>
      %broadcast_in_dim3A_1017 = arith.constant true
      %broadcast_in_dim3A_1018 = vector.broadcast %broadcast_in_dim3A_1017 : i1 to vector<16xi1>
      %masked_cumsum3A_1019 = tpu.scan <sum>, %convert_element_type3A_1016 masked %broadcast_in_dim3A_1018 : vector<16xi32>, vector<16xi1> -> vector<16xi32>
      %add3A_1020 = arith.addi %add3A_1010, %masked_cumsum3A_1019 : vector<16xi32>
      %sub3A_1021 = arith.constant 1 : i32
      %sub3A_1022 = vector.broadcast %sub3A_1021 : i32 to vector<16xi32>
      %sub3A_1023 = arith.subi %add3A_1020, %sub3A_1022 : vector<16xi32>
      tpu.vector_store_idx %arg8[%sub3A_1023], %get3A_1014 masked %ge3A_1015 : memref<32784xf32, #tpu.memory_space<vmem>>[vector<16xi32>], vector<16xf32>, vector<16xi1>
      %all_reduce_population_count3A_1024 = tpu.all_reduce %ge3A_1015 {dim = 0 : i64, kind = #tpu.reduction_kind<sum>} : vector<16xi1> -> vector<16xi32>
      %add3A_1025 = arith.addi %add3A_1010, %all_reduce_population_count3A_1024 : vector<16xi32>
      %add3A_1026 = arith.constant 192 : i32
      %add3A_1027 = arith.addi %mul3A_845, %add3A_1026 : i32
      %get3A_1028 = arith.index_cast %add3A_1027 : i32 to index
      %get3A_1029 = tpu.vector_load %arg4[%get3A_1028] {strides = array<i32>} : memref<32768xf32, #tpu.memory_space<vmem>>, vector<16xf32>,
      %ge3A_1030 = arith.cmpf oge, %get3A_1029, %broadcast_in_dim3A_442 : vector<16xf32>
      %convert_element_type3A_1031 = arith.extui %ge3A_1030 : vector<16xi1> to vector<16xi32>
      %broadcast_in_dim3A_1032 = arith.constant true
      %broadcast_in_dim3A_1033 = vector.broadcast %broadcast_in_dim3A_1032 : i1 to vector<16xi1>
      %masked_cumsum3A_1034 = tpu.scan <sum>, %convert_element_type3A_1031 masked %broadcast_in_dim3A_1033 : vector<16xi32>, vector<16xi1> -> vector<16xi32>
      %add3A_1035 = arith.addi %add3A_1025, %masked_cumsum3A_1034 : vector<16xi32>
      %sub3A_1036 = arith.constant 1 : i32
      %sub3A_1037 = vector.broadcast %sub3A_1036 : i32 to vector<16xi32>
      %sub3A_1038 = arith.subi %add3A_1035, %sub3A_1037 : vector<16xi32>
      tpu.vector_store_idx %arg8[%sub3A_1038], %get3A_1029 masked %ge3A_1030 : memref<32784xf32, #tpu.memory_space<vmem>>[vector<16xi32>], vector<16xf32>, vector<16xi1>
      %all_reduce_population_count3A_1039 = tpu.all_reduce %ge3A_1030 {dim = 0 : i64, kind = #tpu.reduction_kind<sum>} : vector<16xi1> -> vector<16xi32>
      %add3A_1040 = arith.addi %add3A_1025, %all_reduce_population_count3A_1039 : vector<16xi32>
      %add3A_1041 = arith.constant 208 : i32
      %add3A_1042 = arith.addi %mul3A_845, %add3A_1041 : i32
      %get3A_1043 = arith.index_cast %add3A_1042 : i32 to index
      %get3A_1044 = tpu.vector_load %arg4[%get3A_1043] {strides = array<i32>} : memref<32768xf32, #tpu.memory_space<vmem>>, vector<16xf32>,
      %ge3A_1045 = arith.cmpf oge, %get3A_1044, %broadcast_in_dim3A_442 : vector<16xf32>
      %convert_element_type3A_1046 = arith.extui %ge3A_1045 : vector<16xi1> to vector<16xi32>
      %broadcast_in_dim3A_1047 = arith.constant true
      %broadcast_in_dim3A_1048 = vector.broadcast %broadcast_in_dim3A_1047 : i1 to vector<16xi1>
      %masked_cumsum3A_1049 = tpu.scan <sum>, %convert_element_type3A_1046 masked %broadcast_in_dim3A_1048 : vector<16xi32>, vector<16xi1> -> vector<16xi32>
      %add3A_1050 = arith.addi %add3A_1040, %masked_cumsum3A_1049 : vector<16xi32>
      %sub3A_1051 = arith.constant 1 : i32
      %sub3A_1052 = vector.broadcast %sub3A_1051 : i32 to vector<16xi32>
      %sub3A_1053 = arith.subi %add3A_1050, %sub3A_1052 : vector<16xi32>
      tpu.vector_store_idx %arg8[%sub3A_1053], %get3A_1044 masked %ge3A_1045 : memref<32784xf32, #tpu.memory_space<vmem>>[vector<16xi32>], vector<16xf32>, vector<16xi1>
      %all_reduce_population_count3A_1054 = tpu.all_reduce %ge3A_1045 {dim = 0 : i64, kind = #tpu.reduction_kind<sum>} : vector<16xi1> -> vector<16xi32>
      %add3A_1055 = arith.addi %add3A_1040, %all_reduce_population_count3A_1054 : vector<16xi32>
      %add3A_1056 = arith.constant 224 : i32
      %add3A_1057 = arith.addi %mul3A_845, %add3A_1056 : i32
      %get3A_1058 = arith.index_cast %add3A_1057 : i32 to index
      %get3A_1059 = tpu.vector_load %arg4[%get3A_1058] {strides = array<i32>} : memref<32768xf32, #tpu.memory_space<vmem>>, vector<16xf32>,
      %ge3A_1060 = arith.cmpf oge, %get3A_1059, %broadcast_in_dim3A_442 : vector<16xf32>
      %convert_element_type3A_1061 = arith.extui %ge3A_1060 : vector<16xi1> to vector<16xi32>
      %broadcast_in_dim3A_1062 = arith.constant true
      %broadcast_in_dim3A_1063 = vector.broadcast %broadcast_in_dim3A_1062 : i1 to vector<16xi1>
      %masked_cumsum3A_1064 = tpu.scan <sum>, %convert_element_type3A_1061 masked %broadcast_in_dim3A_1063 : vector<16xi32>, vector<16xi1> -> vector<16xi32>
      %add3A_1065 = arith.addi %add3A_1055, %masked_cumsum3A_1064 : vector<16xi32>
      %sub3A_1066 = arith.constant 1 : i32
      %sub3A_1067 = vector.broadcast %sub3A_1066 : i32 to vector<16xi32>
      %sub3A_1068 = arith.subi %add3A_1065, %sub3A_1067 : vector<16xi32>
      tpu.vector_store_idx %arg8[%sub3A_1068], %get3A_1059 masked %ge3A_1060 : memref<32784xf32, #tpu.memory_space<vmem>>[vector<16xi32>], vector<16xf32>, vector<16xi1>
      %all_reduce_population_count3A_1069 = tpu.all_reduce %ge3A_1060 {dim = 0 : i64, kind = #tpu.reduction_kind<sum>} : vector<16xi1> -> vector<16xi32>
      %add3A_1070 = arith.addi %add3A_1055, %all_reduce_population_count3A_1069 : vector<16xi32>
      %add3A_1071 = arith.constant 240 : i32
      %add3A_1072 = arith.addi %mul3A_845, %add3A_1071 : i32
      %get3A_1073 = arith.index_cast %add3A_1072 : i32 to index
      %get3A_1074 = tpu.vector_load %arg4[%get3A_1073] {strides = array<i32>} : memref<32768xf32, #tpu.memory_space<vmem>>, vector<16xf32>,
      %ge3A_1075 = arith.cmpf oge, %get3A_1074, %broadcast_in_dim3A_442 : vector<16xf32>
      %convert_element_type3A_1076 = arith.extui %ge3A_1075 : vector<16xi1> to vector<16xi32>
      %broadcast_in_dim3A_1077 = arith.constant true
      %broadcast_in_dim3A_1078 = vector.broadcast %broadcast_in_dim3A_1077 : i1 to vector<16xi1>
      %masked_cumsum3A_1079 = tpu.scan <sum>, %convert_element_type3A_1076 masked %broadcast_in_dim3A_1078 : vector<16xi32>, vector<16xi1> -> vector<16xi32>
      %add3A_1080 = arith.addi %add3A_1070, %masked_cumsum3A_1079 : vector<16xi32>
      %sub3A_1081 = arith.constant 1 : i32
      %sub3A_1082 = vector.broadcast %sub3A_1081 : i32 to vector<16xi32>
      %sub3A_1083 = arith.subi %add3A_1080, %sub3A_1082 : vector<16xi32>
      tpu.vector_store_idx %arg8[%sub3A_1083], %get3A_1074 masked %ge3A_1075 : memref<32784xf32, #tpu.memory_space<vmem>>[vector<16xi32>], vector<16xf32>, vector<16xi1>
      %all_reduce_population_count3A_1084 = tpu.all_reduce %ge3A_1075 {dim = 0 : i64, kind = #tpu.reduction_kind<sum>} : vector<16xi1> -> vector<16xi32>
      %add3A_1085 = arith.addi %add3A_1070, %all_reduce_population_count3A_1084 : vector<16xi32>
      scf.yield %add3A_1085 : vector<16xi32>
    }
    %add3A_584 = arith.addi %while3A_583, %iota3A : vector<16xi32>
    tpu.vector_store_idx %arg8[%add3A_584], %broadcast_in_dim3A_3 : memref<32784xf32, #tpu.memory_space<vmem>>[vector<16xi32>], vector<16xf32>,
    %slice3A_585 = vector.extract_strided_slice %while3A_583 {offsets = [0], sizes = [1], strides = [1]} : vector<16xi32> to vector<1xi32>
    %squeeze3A_586 = vector.extract %slice3A_585[0] : i32 from vector<1xi32>
    %add3A_587 = arith.constant 16 : i32
    %add3A_588 = arith.addi %squeeze3A_586, %add3A_587 : i32
    %sub3A_589 = arith.constant 1 : i32
    %sub3A_590 = arith.subi %add3A_588, %sub3A_589 : i32
    %jit3A_591 = arith.constant 16 : i32
    %div3A_592 = arith.divsi %sub3A_590, %jit3A_591 : i32
    %sign3A_593 = arith.constant 0 : i32
    %sign3A_594 = arith.cmpi sgt, %sub3A_590, %sign3A_593 : i32
    %sign3A_595 = arith.extui %sign3A_594 : i1 to i32
    %sign3A_596 = arith.constant 0 : i32
    %sign3A_597 = arith.cmpi slt, %sub3A_590, %sign3A_596 : i32
    %sign3A_598 = arith.extui %sign3A_597 : i1 to i32
    %sign3A_599 = arith.subi %sign3A_595, %sign3A_598 : i32
    %sign3A_600 = arith.constant 0 : i32
    %sign3A_601 = arith.cmpi sgt, %jit3A_591, %sign3A_600 : i32
    %sign3A_602 = arith.extui %sign3A_601 : i1 to i32
    %sign3A_603 = arith.constant 0 : i32
    %sign3A_604 = arith.cmpi slt, %jit3A_591, %sign3A_603 : i32
    %sign3A_605 = arith.extui %sign3A_604 : i1 to i32
    %sign3A_606 = arith.subi %sign3A_602, %sign3A_605 : i32
    %ne3A_607 = arith.cmpi ne, %sign3A_599, %sign3A_606 : i32
    %rem3A_608 = arith.remsi %sub3A_590, %jit3A_591 : i32
    %ne3A_609 = arith.constant 0 : i32
    %ne3A_610 = arith.cmpi ne, %rem3A_608, %ne3A_609 : i32
    %and3A_611 = arith.andi %ne3A_607, %ne3A_610 : i1
    %sub3A_612 = arith.constant 1 : i32
    %sub3A_613 = arith.subi %div3A_592, %sub3A_612 : i32
    %select_n3A_614 = arith.select %and3A_611, %sub3A_613, %div3A_592 : i32
    %while3A_615 = arith.constant 0 : i32
    %while3A_616 = arith.subi %select_n3A_614, %while3A_615 : i32
    %while3A_617 = arith.addi %while3A_615, %while3A_616 : i32
    %while3A_618 = arith.constant 1 : i32
    %while3A_619 = arith.divsi %while3A_616, %while3A_618 : i32
    %while3A_620 = arith.muli %while3A_619, %while3A_618 : i32
    %while3A_621 = arith.addi %while3A_615, %while3A_620 : i32
    %while3A_622 = arith.constant 1 : i32
    %while3A_623 = scf.for %while3A_838 = %while3A_615 to %while3A_621 step %while3A_622 iter_args(%while3A_839 = %broadcast_in_dim3A_3) -> (vector<16xf32>)  : i32 {
      %mul3A_840 = arith.constant 16 : i32
      %mul3A_841 = arith.muli %while3A_838, %mul3A_840 : i32
      %get3A_842 = arith.index_cast %mul3A_841 : i32 to index
      %get3A_843 = tpu.vector_load %arg8[%get3A_842] {strides = array<i32>} : memref<32784xf32, #tpu.memory_space<vmem>>, vector<16xf32>,
      %masked_sort3A_844 = arith.constant dense<true> : vector<16xi1>
      %masked_sort3A_845, %masked_sort3A_846, %masked_sort3A_847 = tpu.sort %get3A_843, %get3A_843 masked %masked_sort3A_844 {descending = true} : (vector<16xf32>, vector<16xf32>, vector<16xi1>) -> (vector<16xi1>, vector<16xf32>, vector<16xf32>)
      %rev3A = arith.constant 15 : i32
      %rev3A_848 = vector.broadcast %rev3A : i32 to vector<16xi32>
      %rev3A_849 = tpu.iota {dimensions = array<i32: 0>} : vector<16xi32>
      %rev3A_850 = arith.subi %rev3A_848, %rev3A_849 : vector<16xi32>
      %rev3A_851 = tpu.dynamic_gather %while3A_839[%rev3A_850] in [0] : vector<16xf32>, vector<16xi32> -> vector<16xf32>
      %max3A = arith.maximumf %masked_sort3A_846, %rev3A_851 : vector<16xf32>
      %masked_sort3A_852 = arith.constant dense<true> : vector<16xi1>
      %masked_sort3A_853, %masked_sort3A_854, %masked_sort3A_855 = tpu.sort %max3A, %max3A masked %masked_sort3A_852 {descending = true} : (vector<16xf32>, vector<16xf32>, vector<16xi1>) -> (vector<16xi1>, vector<16xf32>, vector<16xf32>)
      scf.yield %masked_sort3A_854 : vector<16xf32>
    }
    %while3A_624 = arith.constant 1 : i32
    %while3A_625 = scf.for %while3A_838 = %while3A_621 to %while3A_617 step %while3A_624 iter_args(%while3A_839 = %while3A_623) -> (vector<16xf32>)  : i32 {
      %mul3A_840 = arith.constant 16 : i32
      %mul3A_841 = arith.muli %while3A_838, %mul3A_840 : i32
      %get3A_842 = arith.index_cast %mul3A_841 : i32 to index
      %get3A_843 = tpu.vector_load %arg8[%get3A_842] {strides = array<i32>} : memref<32784xf32, #tpu.memory_space<vmem>>, vector<16xf32>,
      %masked_sort3A_844 = arith.constant dense<true> : vector<16xi1>
      %masked_sort3A_845, %masked_sort3A_846, %masked_sort3A_847 = tpu.sort %get3A_843, %get3A_843 masked %masked_sort3A_844 {descending = true} : (vector<16xf32>, vector<16xf32>, vector<16xi1>) -> (vector<16xi1>, vector<16xf32>, vector<16xf32>)
      %rev3A = arith.constant 15 : i32
      %rev3A_848 = vector.broadcast %rev3A : i32 to vector<16xi32>
      %rev3A_849 = tpu.iota {dimensions = array<i32: 0>} : vector<16xi32>
      %rev3A_850 = arith.subi %rev3A_848, %rev3A_849 : vector<16xi32>
      %rev3A_851 = tpu.dynamic_gather %while3A_839[%rev3A_850] in [0] : vector<16xf32>, vector<16xi32> -> vector<16xf32>
      %max3A = arith.maximumf %masked_sort3A_846, %rev3A_851 : vector<16xf32>
      %masked_sort3A_852 = arith.constant dense<true> : vector<16xi1>
      %masked_sort3A_853, %masked_sort3A_854, %masked_sort3A_855 = tpu.sort %max3A, %max3A masked %masked_sort3A_852 {descending = true} : (vector<16xf32>, vector<16xf32>, vector<16xi1>) -> (vector<16xi1>, vector<16xf32>, vector<16xf32>)
      scf.yield %masked_sort3A_854 : vector<16xf32>
    }
    %lt3A_626 = arith.constant 8 : i32
    %lt3A_627 = vector.broadcast %lt3A_626 : i32 to vector<16xi32>
    %lt3A_628 = arith.cmpi slt, %iota3A, %lt3A_627 : vector<16xi32>
    %swap3A_629 = arith.constant 16 : index
    %swap3A_630 = tpu.vector_load %arg9[%swap3A_629] masked %lt3A_628 {strides = array<i32>} : memref<48xf32, #tpu.memory_space<vmem>>, vector<16xf32>, vector<16xi1>
    tpu.vector_store %arg9[%swap3A_629], %while3A_625 masked %lt3A_628 {strides = array<i32>} : memref<48xf32, #tpu.memory_space<vmem>>, vector<16xf32>, vector<16xi1>
    %dma_wait3A_631 = arith.constant 0 : i32
    %dma_wait3A_632 = tpu.memref_slice %arg2[%add3A_425, %dma_wait3A_631] : memref<128x32768xf32, #tpu.memory_space<hbm>> -> memref<1x32768xf32, #tpu.memory_space<hbm>>
    %dma_wait3A_633 = tpu.memref_squeeze %dma_wait3A_632 : memref<1x32768xf32, #tpu.memory_space<hbm>> -> memref<32768xf32, #tpu.memory_space<hbm>>
    %dma_wait3A_634 = arith.constant 0 : i32
    %dma_wait3A_635 = tpu.memref_slice %arg2[%add3A_425, %dma_wait3A_634] : memref<128x32768xf32, #tpu.memory_space<hbm>> -> memref<1x32768xf32, #tpu.memory_space<hbm>>
    %dma_wait3A_636 = tpu.memref_squeeze %dma_wait3A_635 : memref<1x32768xf32, #tpu.memory_space<hbm>> -> memref<32768xf32, #tpu.memory_space<hbm>>
    tpu.wait_dma2 semaphore(%arg11 : memref<!tpu.dma_semaphore, #tpu.memory_space<semaphore_mem>>) src(%dma_wait3A_636 : memref<32768xf32, #tpu.memory_space<hbm>>) dst(%arg5 : memref<32768xf32, #tpu.memory_space<vmem>>)
    %parallel_loop3A_637 = arith.constant 0 : i32
    %parallel_loop3A_638 = arith.constant 128 : i32
    %parallel_loop3A_639 = arith.constant 1 : i32
    %parallel_loop3A_640 = scf.for %parallel_loop3A_838 = %parallel_loop3A_637 to %parallel_loop3A_638 step %parallel_loop3A_639 iter_args(%parallel_loop3A_839 = %broadcast_in_dim3A_3) -> (vector<16xf32>)  : i32 {
      %parallel_loop3A_840 = arith.constant 256 : i32
      %parallel_loop3A_841 = arith.muli %parallel_loop3A_838, %parallel_loop3A_840 : i32
      %parallel_loop3A_842 = arith.constant 0 : i32
      %parallel_loop3A_843 = arith.addi %parallel_loop3A_841, %parallel_loop3A_842 : i32
      %parallel_loop3A_844 = arith.index_cast %parallel_loop3A_843 : i32 to index
      %parallel_loop3A_845 = tpu.vector_load %arg5[%parallel_loop3A_844] {strides = array<i32>} : memref<32768xf32, #tpu.memory_space<vmem>>, vector<16xf32>,
      %parallel_loop3A_846 = arith.maximumf %broadcast_in_dim3A_3, %parallel_loop3A_845 : vector<16xf32>
      %parallel_loop3A_847 = arith.constant 16 : i32
      %parallel_loop3A_848 = arith.addi %parallel_loop3A_841, %parallel_loop3A_847 : i32
      %parallel_loop3A_849 = arith.index_cast %parallel_loop3A_848 : i32 to index
      %parallel_loop3A_850 = tpu.vector_load %arg5[%parallel_loop3A_849] {strides = array<i32>} : memref<32768xf32, #tpu.memory_space<vmem>>, vector<16xf32>,
      %parallel_loop3A_851 = arith.maximumf %broadcast_in_dim3A_3, %parallel_loop3A_850 : vector<16xf32>
      %parallel_loop3A_852 = arith.constant 32 : i32
      %parallel_loop3A_853 = arith.addi %parallel_loop3A_841, %parallel_loop3A_852 : i32
      %parallel_loop3A_854 = arith.index_cast %parallel_loop3A_853 : i32 to index
      %parallel_loop3A_855 = tpu.vector_load %arg5[%parallel_loop3A_854] {strides = array<i32>} : memref<32768xf32, #tpu.memory_space<vmem>>, vector<16xf32>,
      %parallel_loop3A_856 = arith.maximumf %broadcast_in_dim3A_3, %parallel_loop3A_855 : vector<16xf32>
      %parallel_loop3A_857 = arith.constant 48 : i32
      %parallel_loop3A_858 = arith.addi %parallel_loop3A_841, %parallel_loop3A_857 : i32
      %parallel_loop3A_859 = arith.index_cast %parallel_loop3A_858 : i32 to index
      %parallel_loop3A_860 = tpu.vector_load %arg5[%parallel_loop3A_859] {strides = array<i32>} : memref<32768xf32, #tpu.memory_space<vmem>>, vector<16xf32>,
      %parallel_loop3A_861 = arith.maximumf %broadcast_in_dim3A_3, %parallel_loop3A_860 : vector<16xf32>
      %parallel_loop3A_862 = arith.constant 64 : i32
      %parallel_loop3A_863 = arith.addi %parallel_loop3A_841, %parallel_loop3A_862 : i32
      %parallel_loop3A_864 = arith.index_cast %parallel_loop3A_863 : i32 to index
      %parallel_loop3A_865 = tpu.vector_load %arg5[%parallel_loop3A_864] {strides = array<i32>} : memref<32768xf32, #tpu.memory_space<vmem>>, vector<16xf32>,
      %parallel_loop3A_866 = arith.maximumf %parallel_loop3A_846, %parallel_loop3A_865 : vector<16xf32>
      %parallel_loop3A_867 = arith.constant 80 : i32
      %parallel_loop3A_868 = arith.addi %parallel_loop3A_841, %parallel_loop3A_867 : i32
      %parallel_loop3A_869 = arith.index_cast %parallel_loop3A_868 : i32 to index
      %parallel_loop3A_870 = tpu.vector_load %arg5[%parallel_loop3A_869] {strides = array<i32>} : memref<32768xf32, #tpu.memory_space<vmem>>, vector<16xf32>,
      %parallel_loop3A_871 = arith.maximumf %parallel_loop3A_851, %parallel_loop3A_870 : vector<16xf32>
      %parallel_loop3A_872 = arith.constant 96 : i32
      %parallel_loop3A_873 = arith.addi %parallel_loop3A_841, %parallel_loop3A_872 : i32
      %parallel_loop3A_874 = arith.index_cast %parallel_loop3A_873 : i32 to index
      %parallel_loop3A_875 = tpu.vector_load %arg5[%parallel_loop3A_874] {strides = array<i32>} : memref<32768xf32, #tpu.memory_space<vmem>>, vector<16xf32>,
      %parallel_loop3A_876 = arith.maximumf %parallel_loop3A_856, %parallel_loop3A_875 : vector<16xf32>
      %parallel_loop3A_877 = arith.constant 112 : i32
      %parallel_loop3A_878 = arith.addi %parallel_loop3A_841, %parallel_loop3A_877 : i32
      %parallel_loop3A_879 = arith.index_cast %parallel_loop3A_878 : i32 to index
      %parallel_loop3A_880 = tpu.vector_load %arg5[%parallel_loop3A_879] {strides = array<i32>} : memref<32768xf32, #tpu.memory_space<vmem>>, vector<16xf32>,
      %parallel_loop3A_881 = arith.maximumf %parallel_loop3A_861, %parallel_loop3A_880 : vector<16xf32>
      %parallel_loop3A_882 = arith.constant 128 : i32
      %parallel_loop3A_883 = arith.addi %parallel_loop3A_841, %parallel_loop3A_882 : i32
      %parallel_loop3A_884 = arith.index_cast %parallel_loop3A_883 : i32 to index
      %parallel_loop3A_885 = tpu.vector_load %arg5[%parallel_loop3A_884] {strides = array<i32>} : memref<32768xf32, #tpu.memory_space<vmem>>, vector<16xf32>,
      %parallel_loop3A_886 = arith.maximumf %parallel_loop3A_866, %parallel_loop3A_885 : vector<16xf32>
      %parallel_loop3A_887 = arith.constant 144 : i32
      %parallel_loop3A_888 = arith.addi %parallel_loop3A_841, %parallel_loop3A_887 : i32
      %parallel_loop3A_889 = arith.index_cast %parallel_loop3A_888 : i32 to index
      %parallel_loop3A_890 = tpu.vector_load %arg5[%parallel_loop3A_889] {strides = array<i32>} : memref<32768xf32, #tpu.memory_space<vmem>>, vector<16xf32>,
      %parallel_loop3A_891 = arith.maximumf %parallel_loop3A_871, %parallel_loop3A_890 : vector<16xf32>
      %parallel_loop3A_892 = arith.constant 160 : i32
      %parallel_loop3A_893 = arith.addi %parallel_loop3A_841, %parallel_loop3A_892 : i32
      %parallel_loop3A_894 = arith.index_cast %parallel_loop3A_893 : i32 to index
      %parallel_loop3A_895 = tpu.vector_load %arg5[%parallel_loop3A_894] {strides = array<i32>} : memref<32768xf32, #tpu.memory_space<vmem>>, vector<16xf32>,
      %parallel_loop3A_896 = arith.maximumf %parallel_loop3A_876, %parallel_loop3A_895 : vector<16xf32>
      %parallel_loop3A_897 = arith.constant 176 : i32
      %parallel_loop3A_898 = arith.addi %parallel_loop3A_841, %parallel_loop3A_897 : i32
      %parallel_loop3A_899 = arith.index_cast %parallel_loop3A_898 : i32 to index
      %parallel_loop3A_900 = tpu.vector_load %arg5[%parallel_loop3A_899] {strides = array<i32>} : memref<32768xf32, #tpu.memory_space<vmem>>, vector<16xf32>,
      %parallel_loop3A_901 = arith.maximumf %parallel_loop3A_881, %parallel_loop3A_900 : vector<16xf32>
      %parallel_loop3A_902 = arith.constant 192 : i32
      %parallel_loop3A_903 = arith.addi %parallel_loop3A_841, %parallel_loop3A_902 : i32
      %parallel_loop3A_904 = arith.index_cast %parallel_loop3A_903 : i32 to index
      %parallel_loop3A_905 = tpu.vector_load %arg5[%parallel_loop3A_904] {strides = array<i32>} : memref<32768xf32, #tpu.memory_space<vmem>>, vector<16xf32>,
      %parallel_loop3A_906 = arith.maximumf %parallel_loop3A_886, %parallel_loop3A_905 : vector<16xf32>
      %parallel_loop3A_907 = arith.constant 208 : i32
      %parallel_loop3A_908 = arith.addi %parallel_loop3A_841, %parallel_loop3A_907 : i32
      %parallel_loop3A_909 = arith.index_cast %parallel_loop3A_908 : i32 to index
      %parallel_loop3A_910 = tpu.vector_load %arg5[%parallel_loop3A_909] {strides = array<i32>} : memref<32768xf32, #tpu.memory_space<vmem>>, vector<16xf32>,
      %parallel_loop3A_911 = arith.maximumf %parallel_loop3A_891, %parallel_loop3A_910 : vector<16xf32>
      %parallel_loop3A_912 = arith.constant 224 : i32
      %parallel_loop3A_913 = arith.addi %parallel_loop3A_841, %parallel_loop3A_912 : i32
      %parallel_loop3A_914 = arith.index_cast %parallel_loop3A_913 : i32 to index
      %parallel_loop3A_915 = tpu.vector_load %arg5[%parallel_loop3A_914] {strides = array<i32>} : memref<32768xf32, #tpu.memory_space<vmem>>, vector<16xf32>,
      %parallel_loop3A_916 = arith.maximumf %parallel_loop3A_896, %parallel_loop3A_915 : vector<16xf32>
      %parallel_loop3A_917 = arith.constant 240 : i32
      %parallel_loop3A_918 = arith.addi %parallel_loop3A_841, %parallel_loop3A_917 : i32
      %parallel_loop3A_919 = arith.index_cast %parallel_loop3A_918 : i32 to index
      %parallel_loop3A_920 = tpu.vector_load %arg5[%parallel_loop3A_919] {strides = array<i32>} : memref<32768xf32, #tpu.memory_space<vmem>>, vector<16xf32>,
      %parallel_loop3A_921 = arith.maximumf %parallel_loop3A_901, %parallel_loop3A_920 : vector<16xf32>
      %parallel_loop3A_922 = arith.maximumf %parallel_loop3A_906, %parallel_loop3A_911 : vector<16xf32>
      %parallel_loop3A_923 = arith.maximumf %parallel_loop3A_916, %parallel_loop3A_921 : vector<16xf32>
      %parallel_loop3A_924 = arith.maximumf %parallel_loop3A_922, %parallel_loop3A_923 : vector<16xf32>
      %parallel_loop3A_925 = arith.constant true
      %parallel_loop3A_926 = vector.broadcast %parallel_loop3A_925 : i1 to vector<16xi1>
      %parallel_loop3A_927 = tpu.scan <max>, %parallel_loop3A_924 masked %parallel_loop3A_926 : vector<16xf32>, vector<16xi1> -> vector<16xf32>
      %parallel_loop3A_928 = vector.broadcast %parallel_loop3A_838 : i32 to vector<16xi32>
      %parallel_loop3A_929 = arith.constant 15 : i32
      %parallel_loop3A_930 = vector.broadcast %parallel_loop3A_929 : i32 to vector<16xi32>
      %parallel_loop3A_931 = arith.cmpi eq, %iota3A, %parallel_loop3A_930 : vector<16xi32>
      tpu.vector_store_idx %arg6[%parallel_loop3A_928], %parallel_loop3A_927 masked %parallel_loop3A_931 : memref<128xf32, #tpu.memory_space<vmem>>[vector<16xi32>], vector<16xf32>, vector<16xi1>
      %parallel_loop3A_932 = arith.maximumf %parallel_loop3A_839, %parallel_loop3A_924 : vector<16xf32>
      scf.yield %parallel_loop3A_932 : vector<16xf32>
    } {sc.loop_unroll_factor = 4 : i64, sc.parallel_access}
    %masked_sort3A_641 = arith.constant dense<true> : vector<16xi1>
    %masked_sort3A_642, %masked_sort3A_643, %masked_sort3A_644 = tpu.sort %parallel_loop3A_640, %parallel_loop3A_640 masked %masked_sort3A_641 {descending = true} : (vector<16xf32>, vector<16xf32>, vector<16xi1>) -> (vector<16xi1>, vector<16xf32>, vector<16xf32>)
    %slice3A_645 = vector.extract_strided_slice %masked_sort3A_643 {offsets = [7], sizes = [1], strides = [1]} : vector<16xf32> to vector<1xf32>
    %squeeze3A_646 = vector.extract %slice3A_645[0] : f32 from vector<1xf32>
    %broadcast_in_dim3A_647 = vector.broadcast %squeeze3A_646 : f32 to vector<16xf32>
    %get3A_648 = arith.constant 0 : index
    %get3A_649 = tpu.vector_load %arg6[%get3A_648] {strides = array<i32>} : memref<128xf32, #tpu.memory_space<vmem>>, vector<16xf32>,
    %ge3A_650 = arith.cmpf oge, %get3A_649, %broadcast_in_dim3A_647 : vector<16xf32>
    %convert_element_type3A_651 = arith.extui %ge3A_650 : vector<16xi1> to vector<16xi32>
    %broadcast_in_dim3A_652 = arith.constant true
    %broadcast_in_dim3A_653 = vector.broadcast %broadcast_in_dim3A_652 : i1 to vector<16xi1>
    %masked_cumsum3A_654 = tpu.scan <sum>, %convert_element_type3A_651 masked %broadcast_in_dim3A_653 : vector<16xi32>, vector<16xi1> -> vector<16xi32>
    %add3A_655 = arith.addi %broadcast_in_dim3A_5, %masked_cumsum3A_654 : vector<16xi32>
    %sub3A_656 = arith.constant 1 : i32
    %sub3A_657 = vector.broadcast %sub3A_656 : i32 to vector<16xi32>
    %sub3A_658 = arith.subi %add3A_655, %sub3A_657 : vector<16xi32>
    %add3A_659 = arith.constant 0 : i32
    %add3A_660 = vector.broadcast %add3A_659 : i32 to vector<16xi32>
    %add3A_661 = arith.addi %add3A_660, %iota3A : vector<16xi32>
    tpu.vector_store_idx %arg7[%sub3A_658], %add3A_661 masked %ge3A_650 : memref<144xi32, #tpu.memory_space<vmem>>[vector<16xi32>], vector<16xi32>, vector<16xi1>
    %all_reduce_population_count3A_662 = tpu.all_reduce %ge3A_650 {dim = 0 : i64, kind = #tpu.reduction_kind<sum>} : vector<16xi1> -> vector<16xi32>
    %add3A_663 = arith.addi %broadcast_in_dim3A_5, %all_reduce_population_count3A_662 : vector<16xi32>
    %get3A_664 = arith.constant 16 : index
    %get3A_665 = tpu.vector_load %arg6[%get3A_664] {strides = array<i32>} : memref<128xf32, #tpu.memory_space<vmem>>, vector<16xf32>,
    %ge3A_666 = arith.cmpf oge, %get3A_665, %broadcast_in_dim3A_647 : vector<16xf32>
    %convert_element_type3A_667 = arith.extui %ge3A_666 : vector<16xi1> to vector<16xi32>
    %broadcast_in_dim3A_668 = arith.constant true
    %broadcast_in_dim3A_669 = vector.broadcast %broadcast_in_dim3A_668 : i1 to vector<16xi1>
    %masked_cumsum3A_670 = tpu.scan <sum>, %convert_element_type3A_667 masked %broadcast_in_dim3A_669 : vector<16xi32>, vector<16xi1> -> vector<16xi32>
    %add3A_671 = arith.addi %add3A_663, %masked_cumsum3A_670 : vector<16xi32>
    %sub3A_672 = arith.constant 1 : i32
    %sub3A_673 = vector.broadcast %sub3A_672 : i32 to vector<16xi32>
    %sub3A_674 = arith.subi %add3A_671, %sub3A_673 : vector<16xi32>
    %add3A_675 = arith.constant 16 : i32
    %add3A_676 = vector.broadcast %add3A_675 : i32 to vector<16xi32>
    %add3A_677 = arith.addi %add3A_676, %iota3A : vector<16xi32>
    tpu.vector_store_idx %arg7[%sub3A_674], %add3A_677 masked %ge3A_666 : memref<144xi32, #tpu.memory_space<vmem>>[vector<16xi32>], vector<16xi32>, vector<16xi1>
    %all_reduce_population_count3A_678 = tpu.all_reduce %ge3A_666 {dim = 0 : i64, kind = #tpu.reduction_kind<sum>} : vector<16xi1> -> vector<16xi32>
    %add3A_679 = arith.addi %add3A_663, %all_reduce_population_count3A_678 : vector<16xi32>
    %get3A_680 = arith.constant 32 : index
    %get3A_681 = tpu.vector_load %arg6[%get3A_680] {strides = array<i32>} : memref<128xf32, #tpu.memory_space<vmem>>, vector<16xf32>,
    %ge3A_682 = arith.cmpf oge, %get3A_681, %broadcast_in_dim3A_647 : vector<16xf32>
    %convert_element_type3A_683 = arith.extui %ge3A_682 : vector<16xi1> to vector<16xi32>
    %broadcast_in_dim3A_684 = arith.constant true
    %broadcast_in_dim3A_685 = vector.broadcast %broadcast_in_dim3A_684 : i1 to vector<16xi1>
    %masked_cumsum3A_686 = tpu.scan <sum>, %convert_element_type3A_683 masked %broadcast_in_dim3A_685 : vector<16xi32>, vector<16xi1> -> vector<16xi32>
    %add3A_687 = arith.addi %add3A_679, %masked_cumsum3A_686 : vector<16xi32>
    %sub3A_688 = arith.constant 1 : i32
    %sub3A_689 = vector.broadcast %sub3A_688 : i32 to vector<16xi32>
    %sub3A_690 = arith.subi %add3A_687, %sub3A_689 : vector<16xi32>
    %add3A_691 = arith.constant 32 : i32
    %add3A_692 = vector.broadcast %add3A_691 : i32 to vector<16xi32>
    %add3A_693 = arith.addi %add3A_692, %iota3A : vector<16xi32>
    tpu.vector_store_idx %arg7[%sub3A_690], %add3A_693 masked %ge3A_682 : memref<144xi32, #tpu.memory_space<vmem>>[vector<16xi32>], vector<16xi32>, vector<16xi1>
    %all_reduce_population_count3A_694 = tpu.all_reduce %ge3A_682 {dim = 0 : i64, kind = #tpu.reduction_kind<sum>} : vector<16xi1> -> vector<16xi32>
    %add3A_695 = arith.addi %add3A_679, %all_reduce_population_count3A_694 : vector<16xi32>
    %get3A_696 = arith.constant 48 : index
    %get3A_697 = tpu.vector_load %arg6[%get3A_696] {strides = array<i32>} : memref<128xf32, #tpu.memory_space<vmem>>, vector<16xf32>,
    %ge3A_698 = arith.cmpf oge, %get3A_697, %broadcast_in_dim3A_647 : vector<16xf32>
    %convert_element_type3A_699 = arith.extui %ge3A_698 : vector<16xi1> to vector<16xi32>
    %broadcast_in_dim3A_700 = arith.constant true
    %broadcast_in_dim3A_701 = vector.broadcast %broadcast_in_dim3A_700 : i1 to vector<16xi1>
    %masked_cumsum3A_702 = tpu.scan <sum>, %convert_element_type3A_699 masked %broadcast_in_dim3A_701 : vector<16xi32>, vector<16xi1> -> vector<16xi32>
    %add3A_703 = arith.addi %add3A_695, %masked_cumsum3A_702 : vector<16xi32>
    %sub3A_704 = arith.constant 1 : i32
    %sub3A_705 = vector.broadcast %sub3A_704 : i32 to vector<16xi32>
    %sub3A_706 = arith.subi %add3A_703, %sub3A_705 : vector<16xi32>
    %add3A_707 = arith.constant 48 : i32
    %add3A_708 = vector.broadcast %add3A_707 : i32 to vector<16xi32>
    %add3A_709 = arith.addi %add3A_708, %iota3A : vector<16xi32>
    tpu.vector_store_idx %arg7[%sub3A_706], %add3A_709 masked %ge3A_698 : memref<144xi32, #tpu.memory_space<vmem>>[vector<16xi32>], vector<16xi32>, vector<16xi1>
    %all_reduce_population_count3A_710 = tpu.all_reduce %ge3A_698 {dim = 0 : i64, kind = #tpu.reduction_kind<sum>} : vector<16xi1> -> vector<16xi32>
    %add3A_711 = arith.addi %add3A_695, %all_reduce_population_count3A_710 : vector<16xi32>
    %get3A_712 = arith.constant 64 : index
    %get3A_713 = tpu.vector_load %arg6[%get3A_712] {strides = array<i32>} : memref<128xf32, #tpu.memory_space<vmem>>, vector<16xf32>,
    %ge3A_714 = arith.cmpf oge, %get3A_713, %broadcast_in_dim3A_647 : vector<16xf32>
    %convert_element_type3A_715 = arith.extui %ge3A_714 : vector<16xi1> to vector<16xi32>
    %broadcast_in_dim3A_716 = arith.constant true
    %broadcast_in_dim3A_717 = vector.broadcast %broadcast_in_dim3A_716 : i1 to vector<16xi1>
    %masked_cumsum3A_718 = tpu.scan <sum>, %convert_element_type3A_715 masked %broadcast_in_dim3A_717 : vector<16xi32>, vector<16xi1> -> vector<16xi32>
    %add3A_719 = arith.addi %add3A_711, %masked_cumsum3A_718 : vector<16xi32>
    %sub3A_720 = arith.constant 1 : i32
    %sub3A_721 = vector.broadcast %sub3A_720 : i32 to vector<16xi32>
    %sub3A_722 = arith.subi %add3A_719, %sub3A_721 : vector<16xi32>
    %add3A_723 = arith.constant 64 : i32
    %add3A_724 = vector.broadcast %add3A_723 : i32 to vector<16xi32>
    %add3A_725 = arith.addi %add3A_724, %iota3A : vector<16xi32>
    tpu.vector_store_idx %arg7[%sub3A_722], %add3A_725 masked %ge3A_714 : memref<144xi32, #tpu.memory_space<vmem>>[vector<16xi32>], vector<16xi32>, vector<16xi1>
    %all_reduce_population_count3A_726 = tpu.all_reduce %ge3A_714 {dim = 0 : i64, kind = #tpu.reduction_kind<sum>} : vector<16xi1> -> vector<16xi32>
    %add3A_727 = arith.addi %add3A_711, %all_reduce_population_count3A_726 : vector<16xi32>
    %get3A_728 = arith.constant 80 : index
    %get3A_729 = tpu.vector_load %arg6[%get3A_728] {strides = array<i32>} : memref<128xf32, #tpu.memory_space<vmem>>, vector<16xf32>,
    %ge3A_730 = arith.cmpf oge, %get3A_729, %broadcast_in_dim3A_647 : vector<16xf32>
    %convert_element_type3A_731 = arith.extui %ge3A_730 : vector<16xi1> to vector<16xi32>
    %broadcast_in_dim3A_732 = arith.constant true
    %broadcast_in_dim3A_733 = vector.broadcast %broadcast_in_dim3A_732 : i1 to vector<16xi1>
    %masked_cumsum3A_734 = tpu.scan <sum>, %convert_element_type3A_731 masked %broadcast_in_dim3A_733 : vector<16xi32>, vector<16xi1> -> vector<16xi32>
    %add3A_735 = arith.addi %add3A_727, %masked_cumsum3A_734 : vector<16xi32>
    %sub3A_736 = arith.constant 1 : i32
    %sub3A_737 = vector.broadcast %sub3A_736 : i32 to vector<16xi32>
    %sub3A_738 = arith.subi %add3A_735, %sub3A_737 : vector<16xi32>
    %add3A_739 = arith.constant 80 : i32
    %add3A_740 = vector.broadcast %add3A_739 : i32 to vector<16xi32>
    %add3A_741 = arith.addi %add3A_740, %iota3A : vector<16xi32>
    tpu.vector_store_idx %arg7[%sub3A_738], %add3A_741 masked %ge3A_730 : memref<144xi32, #tpu.memory_space<vmem>>[vector<16xi32>], vector<16xi32>, vector<16xi1>
    %all_reduce_population_count3A_742 = tpu.all_reduce %ge3A_730 {dim = 0 : i64, kind = #tpu.reduction_kind<sum>} : vector<16xi1> -> vector<16xi32>
    %add3A_743 = arith.addi %add3A_727, %all_reduce_population_count3A_742 : vector<16xi32>
    %get3A_744 = arith.constant 96 : index
    %get3A_745 = tpu.vector_load %arg6[%get3A_744] {strides = array<i32>} : memref<128xf32, #tpu.memory_space<vmem>>, vector<16xf32>,
    %ge3A_746 = arith.cmpf oge, %get3A_745, %broadcast_in_dim3A_647 : vector<16xf32>
    %convert_element_type3A_747 = arith.extui %ge3A_746 : vector<16xi1> to vector<16xi32>
    %broadcast_in_dim3A_748 = arith.constant true
    %broadcast_in_dim3A_749 = vector.broadcast %broadcast_in_dim3A_748 : i1 to vector<16xi1>
    %masked_cumsum3A_750 = tpu.scan <sum>, %convert_element_type3A_747 masked %broadcast_in_dim3A_749 : vector<16xi32>, vector<16xi1> -> vector<16xi32>
    %add3A_751 = arith.addi %add3A_743, %masked_cumsum3A_750 : vector<16xi32>
    %sub3A_752 = arith.constant 1 : i32
    %sub3A_753 = vector.broadcast %sub3A_752 : i32 to vector<16xi32>
    %sub3A_754 = arith.subi %add3A_751, %sub3A_753 : vector<16xi32>
    %add3A_755 = arith.constant 96 : i32
    %add3A_756 = vector.broadcast %add3A_755 : i32 to vector<16xi32>
    %add3A_757 = arith.addi %add3A_756, %iota3A : vector<16xi32>
    tpu.vector_store_idx %arg7[%sub3A_754], %add3A_757 masked %ge3A_746 : memref<144xi32, #tpu.memory_space<vmem>>[vector<16xi32>], vector<16xi32>, vector<16xi1>
    %all_reduce_population_count3A_758 = tpu.all_reduce %ge3A_746 {dim = 0 : i64, kind = #tpu.reduction_kind<sum>} : vector<16xi1> -> vector<16xi32>
    %add3A_759 = arith.addi %add3A_743, %all_reduce_population_count3A_758 : vector<16xi32>
    %get3A_760 = arith.constant 112 : index
    %get3A_761 = tpu.vector_load %arg6[%get3A_760] {strides = array<i32>} : memref<128xf32, #tpu.memory_space<vmem>>, vector<16xf32>,
    %ge3A_762 = arith.cmpf oge, %get3A_761, %broadcast_in_dim3A_647 : vector<16xf32>
    %convert_element_type3A_763 = arith.extui %ge3A_762 : vector<16xi1> to vector<16xi32>
    %broadcast_in_dim3A_764 = arith.constant true
    %broadcast_in_dim3A_765 = vector.broadcast %broadcast_in_dim3A_764 : i1 to vector<16xi1>
    %masked_cumsum3A_766 = tpu.scan <sum>, %convert_element_type3A_763 masked %broadcast_in_dim3A_765 : vector<16xi32>, vector<16xi1> -> vector<16xi32>
    %add3A_767 = arith.addi %add3A_759, %masked_cumsum3A_766 : vector<16xi32>
    %sub3A_768 = arith.constant 1 : i32
    %sub3A_769 = vector.broadcast %sub3A_768 : i32 to vector<16xi32>
    %sub3A_770 = arith.subi %add3A_767, %sub3A_769 : vector<16xi32>
    %add3A_771 = arith.constant 112 : i32
    %add3A_772 = vector.broadcast %add3A_771 : i32 to vector<16xi32>
    %add3A_773 = arith.addi %add3A_772, %iota3A : vector<16xi32>
    tpu.vector_store_idx %arg7[%sub3A_770], %add3A_773 masked %ge3A_762 : memref<144xi32, #tpu.memory_space<vmem>>[vector<16xi32>], vector<16xi32>, vector<16xi1>
    %all_reduce_population_count3A_774 = tpu.all_reduce %ge3A_762 {dim = 0 : i64, kind = #tpu.reduction_kind<sum>} : vector<16xi1> -> vector<16xi32>
    %add3A_775 = arith.addi %add3A_759, %all_reduce_population_count3A_774 : vector<16xi32>
    %slice3A_776 = vector.extract_strided_slice %add3A_775 {offsets = [0], sizes = [1], strides = [1]} : vector<16xi32> to vector<1xi32>
    %squeeze3A_777 = vector.extract %slice3A_776[0] : i32 from vector<1xi32>
    %while3A_778 = arith.constant 0 : i32
    %while3A_779 = arith.subi %squeeze3A_777, %while3A_778 : i32
    %while3A_780 = arith.addi %while3A_778, %while3A_779 : i32
    %while3A_781 = arith.constant 1 : i32
    %while3A_782 = arith.divsi %while3A_779, %while3A_781 : i32
    %while3A_783 = arith.muli %while3A_782, %while3A_781 : i32
    %while3A_784 = arith.addi %while3A_778, %while3A_783 : i32
    %while3A_785 = arith.constant 1 : i32
    %while3A_786 = scf.for %while3A_838 = %while3A_778 to %while3A_784 step %while3A_785 iter_args(%while3A_839 = %broadcast_in_dim3A_5) -> (vector<16xi32>)  : i32 {
      %get3A_840 = arith.index_cast %while3A_838 : i32 to index
      %get3A_841 = tpu.vector_load %arg7[%get3A_840] {strides = array<i32>} : memref<144xi32, #tpu.memory_space<vmem>>, vector<16xi32>,
      %slice3A_842 = vector.extract_strided_slice %get3A_841 {offsets = [0], sizes = [1], strides = [1]} : vector<16xi32> to vector<1xi32>
      %squeeze3A_843 = vector.extract %slice3A_842[0] : i32 from vector<1xi32>
      %mul3A_844 = arith.constant 256 : i32
      %mul3A_845 = arith.muli %squeeze3A_843, %mul3A_844 : i32
      %add3A_846 = arith.constant 0 : i32
      %add3A_847 = arith.addi %mul3A_845, %add3A_846 : i32
      %get3A_848 = arith.index_cast %add3A_847 : i32 to index
      %get3A_849 = tpu.vector_load %arg5[%get3A_848] {strides = array<i32>} : memref<32768xf32, #tpu.memory_space<vmem>>, vector<16xf32>,
      %ge3A_850 = arith.cmpf oge, %get3A_849, %broadcast_in_dim3A_647 : vector<16xf32>
      %convert_element_type3A_851 = arith.extui %ge3A_850 : vector<16xi1> to vector<16xi32>
      %broadcast_in_dim3A_852 = arith.constant true
      %broadcast_in_dim3A_853 = vector.broadcast %broadcast_in_dim3A_852 : i1 to vector<16xi1>
      %masked_cumsum3A_854 = tpu.scan <sum>, %convert_element_type3A_851 masked %broadcast_in_dim3A_853 : vector<16xi32>, vector<16xi1> -> vector<16xi32>
      %add3A_855 = arith.addi %while3A_839, %masked_cumsum3A_854 : vector<16xi32>
      %sub3A_856 = arith.constant 1 : i32
      %sub3A_857 = vector.broadcast %sub3A_856 : i32 to vector<16xi32>
      %sub3A_858 = arith.subi %add3A_855, %sub3A_857 : vector<16xi32>
      tpu.vector_store_idx %arg8[%sub3A_858], %get3A_849 masked %ge3A_850 : memref<32784xf32, #tpu.memory_space<vmem>>[vector<16xi32>], vector<16xf32>, vector<16xi1>
      %all_reduce_population_count3A_859 = tpu.all_reduce %ge3A_850 {dim = 0 : i64, kind = #tpu.reduction_kind<sum>} : vector<16xi1> -> vector<16xi32>
      %add3A_860 = arith.addi %while3A_839, %all_reduce_population_count3A_859 : vector<16xi32>
      %add3A_861 = arith.constant 16 : i32
      %add3A_862 = arith.addi %mul3A_845, %add3A_861 : i32
      %get3A_863 = arith.index_cast %add3A_862 : i32 to index
      %get3A_864 = tpu.vector_load %arg5[%get3A_863] {strides = array<i32>} : memref<32768xf32, #tpu.memory_space<vmem>>, vector<16xf32>,
      %ge3A_865 = arith.cmpf oge, %get3A_864, %broadcast_in_dim3A_647 : vector<16xf32>
      %convert_element_type3A_866 = arith.extui %ge3A_865 : vector<16xi1> to vector<16xi32>
      %broadcast_in_dim3A_867 = arith.constant true
      %broadcast_in_dim3A_868 = vector.broadcast %broadcast_in_dim3A_867 : i1 to vector<16xi1>
      %masked_cumsum3A_869 = tpu.scan <sum>, %convert_element_type3A_866 masked %broadcast_in_dim3A_868 : vector<16xi32>, vector<16xi1> -> vector<16xi32>
      %add3A_870 = arith.addi %add3A_860, %masked_cumsum3A_869 : vector<16xi32>
      %sub3A_871 = arith.constant 1 : i32
      %sub3A_872 = vector.broadcast %sub3A_871 : i32 to vector<16xi32>
      %sub3A_873 = arith.subi %add3A_870, %sub3A_872 : vector<16xi32>
      tpu.vector_store_idx %arg8[%sub3A_873], %get3A_864 masked %ge3A_865 : memref<32784xf32, #tpu.memory_space<vmem>>[vector<16xi32>], vector<16xf32>, vector<16xi1>
      %all_reduce_population_count3A_874 = tpu.all_reduce %ge3A_865 {dim = 0 : i64, kind = #tpu.reduction_kind<sum>} : vector<16xi1> -> vector<16xi32>
      %add3A_875 = arith.addi %add3A_860, %all_reduce_population_count3A_874 : vector<16xi32>
      %add3A_876 = arith.constant 32 : i32
      %add3A_877 = arith.addi %mul3A_845, %add3A_876 : i32
      %get3A_878 = arith.index_cast %add3A_877 : i32 to index
      %get3A_879 = tpu.vector_load %arg5[%get3A_878] {strides = array<i32>} : memref<32768xf32, #tpu.memory_space<vmem>>, vector<16xf32>,
      %ge3A_880 = arith.cmpf oge, %get3A_879, %broadcast_in_dim3A_647 : vector<16xf32>
      %convert_element_type3A_881 = arith.extui %ge3A_880 : vector<16xi1> to vector<16xi32>
      %broadcast_in_dim3A_882 = arith.constant true
      %broadcast_in_dim3A_883 = vector.broadcast %broadcast_in_dim3A_882 : i1 to vector<16xi1>
      %masked_cumsum3A_884 = tpu.scan <sum>, %convert_element_type3A_881 masked %broadcast_in_dim3A_883 : vector<16xi32>, vector<16xi1> -> vector<16xi32>
      %add3A_885 = arith.addi %add3A_875, %masked_cumsum3A_884 : vector<16xi32>
      %sub3A_886 = arith.constant 1 : i32
      %sub3A_887 = vector.broadcast %sub3A_886 : i32 to vector<16xi32>
      %sub3A_888 = arith.subi %add3A_885, %sub3A_887 : vector<16xi32>
      tpu.vector_store_idx %arg8[%sub3A_888], %get3A_879 masked %ge3A_880 : memref<32784xf32, #tpu.memory_space<vmem>>[vector<16xi32>], vector<16xf32>, vector<16xi1>
      %all_reduce_population_count3A_889 = tpu.all_reduce %ge3A_880 {dim = 0 : i64, kind = #tpu.reduction_kind<sum>} : vector<16xi1> -> vector<16xi32>
      %add3A_890 = arith.addi %add3A_875, %all_reduce_population_count3A_889 : vector<16xi32>
      %add3A_891 = arith.constant 48 : i32
      %add3A_892 = arith.addi %mul3A_845, %add3A_891 : i32
      %get3A_893 = arith.index_cast %add3A_892 : i32 to index
      %get3A_894 = tpu.vector_load %arg5[%get3A_893] {strides = array<i32>} : memref<32768xf32, #tpu.memory_space<vmem>>, vector<16xf32>,
      %ge3A_895 = arith.cmpf oge, %get3A_894, %broadcast_in_dim3A_647 : vector<16xf32>
      %convert_element_type3A_896 = arith.extui %ge3A_895 : vector<16xi1> to vector<16xi32>
      %broadcast_in_dim3A_897 = arith.constant true
      %broadcast_in_dim3A_898 = vector.broadcast %broadcast_in_dim3A_897 : i1 to vector<16xi1>
      %masked_cumsum3A_899 = tpu.scan <sum>, %convert_element_type3A_896 masked %broadcast_in_dim3A_898 : vector<16xi32>, vector<16xi1> -> vector<16xi32>
      %add3A_900 = arith.addi %add3A_890, %masked_cumsum3A_899 : vector<16xi32>
      %sub3A_901 = arith.constant 1 : i32
      %sub3A_902 = vector.broadcast %sub3A_901 : i32 to vector<16xi32>
      %sub3A_903 = arith.subi %add3A_900, %sub3A_902 : vector<16xi32>
      tpu.vector_store_idx %arg8[%sub3A_903], %get3A_894 masked %ge3A_895 : memref<32784xf32, #tpu.memory_space<vmem>>[vector<16xi32>], vector<16xf32>, vector<16xi1>
      %all_reduce_population_count3A_904 = tpu.all_reduce %ge3A_895 {dim = 0 : i64, kind = #tpu.reduction_kind<sum>} : vector<16xi1> -> vector<16xi32>
      %add3A_905 = arith.addi %add3A_890, %all_reduce_population_count3A_904 : vector<16xi32>
      %add3A_906 = arith.constant 64 : i32
      %add3A_907 = arith.addi %mul3A_845, %add3A_906 : i32
      %get3A_908 = arith.index_cast %add3A_907 : i32 to index
      %get3A_909 = tpu.vector_load %arg5[%get3A_908] {strides = array<i32>} : memref<32768xf32, #tpu.memory_space<vmem>>, vector<16xf32>,
      %ge3A_910 = arith.cmpf oge, %get3A_909, %broadcast_in_dim3A_647 : vector<16xf32>
      %convert_element_type3A_911 = arith.extui %ge3A_910 : vector<16xi1> to vector<16xi32>
      %broadcast_in_dim3A_912 = arith.constant true
      %broadcast_in_dim3A_913 = vector.broadcast %broadcast_in_dim3A_912 : i1 to vector<16xi1>
      %masked_cumsum3A_914 = tpu.scan <sum>, %convert_element_type3A_911 masked %broadcast_in_dim3A_913 : vector<16xi32>, vector<16xi1> -> vector<16xi32>
      %add3A_915 = arith.addi %add3A_905, %masked_cumsum3A_914 : vector<16xi32>
      %sub3A_916 = arith.constant 1 : i32
      %sub3A_917 = vector.broadcast %sub3A_916 : i32 to vector<16xi32>
      %sub3A_918 = arith.subi %add3A_915, %sub3A_917 : vector<16xi32>
      tpu.vector_store_idx %arg8[%sub3A_918], %get3A_909 masked %ge3A_910 : memref<32784xf32, #tpu.memory_space<vmem>>[vector<16xi32>], vector<16xf32>, vector<16xi1>
      %all_reduce_population_count3A_919 = tpu.all_reduce %ge3A_910 {dim = 0 : i64, kind = #tpu.reduction_kind<sum>} : vector<16xi1> -> vector<16xi32>
      %add3A_920 = arith.addi %add3A_905, %all_reduce_population_count3A_919 : vector<16xi32>
      %add3A_921 = arith.constant 80 : i32
      %add3A_922 = arith.addi %mul3A_845, %add3A_921 : i32
      %get3A_923 = arith.index_cast %add3A_922 : i32 to index
      %get3A_924 = tpu.vector_load %arg5[%get3A_923] {strides = array<i32>} : memref<32768xf32, #tpu.memory_space<vmem>>, vector<16xf32>,
      %ge3A_925 = arith.cmpf oge, %get3A_924, %broadcast_in_dim3A_647 : vector<16xf32>
      %convert_element_type3A_926 = arith.extui %ge3A_925 : vector<16xi1> to vector<16xi32>
      %broadcast_in_dim3A_927 = arith.constant true
      %broadcast_in_dim3A_928 = vector.broadcast %broadcast_in_dim3A_927 : i1 to vector<16xi1>
      %masked_cumsum3A_929 = tpu.scan <sum>, %convert_element_type3A_926 masked %broadcast_in_dim3A_928 : vector<16xi32>, vector<16xi1> -> vector<16xi32>
      %add3A_930 = arith.addi %add3A_920, %masked_cumsum3A_929 : vector<16xi32>
      %sub3A_931 = arith.constant 1 : i32
      %sub3A_932 = vector.broadcast %sub3A_931 : i32 to vector<16xi32>
      %sub3A_933 = arith.subi %add3A_930, %sub3A_932 : vector<16xi32>
      tpu.vector_store_idx %arg8[%sub3A_933], %get3A_924 masked %ge3A_925 : memref<32784xf32, #tpu.memory_space<vmem>>[vector<16xi32>], vector<16xf32>, vector<16xi1>
      %all_reduce_population_count3A_934 = tpu.all_reduce %ge3A_925 {dim = 0 : i64, kind = #tpu.reduction_kind<sum>} : vector<16xi1> -> vector<16xi32>
      %add3A_935 = arith.addi %add3A_920, %all_reduce_population_count3A_934 : vector<16xi32>
      %add3A_936 = arith.constant 96 : i32
      %add3A_937 = arith.addi %mul3A_845, %add3A_936 : i32
      %get3A_938 = arith.index_cast %add3A_937 : i32 to index
      %get3A_939 = tpu.vector_load %arg5[%get3A_938] {strides = array<i32>} : memref<32768xf32, #tpu.memory_space<vmem>>, vector<16xf32>,
      %ge3A_940 = arith.cmpf oge, %get3A_939, %broadcast_in_dim3A_647 : vector<16xf32>
      %convert_element_type3A_941 = arith.extui %ge3A_940 : vector<16xi1> to vector<16xi32>
      %broadcast_in_dim3A_942 = arith.constant true
      %broadcast_in_dim3A_943 = vector.broadcast %broadcast_in_dim3A_942 : i1 to vector<16xi1>
      %masked_cumsum3A_944 = tpu.scan <sum>, %convert_element_type3A_941 masked %broadcast_in_dim3A_943 : vector<16xi32>, vector<16xi1> -> vector<16xi32>
      %add3A_945 = arith.addi %add3A_935, %masked_cumsum3A_944 : vector<16xi32>
      %sub3A_946 = arith.constant 1 : i32
      %sub3A_947 = vector.broadcast %sub3A_946 : i32 to vector<16xi32>
      %sub3A_948 = arith.subi %add3A_945, %sub3A_947 : vector<16xi32>
      tpu.vector_store_idx %arg8[%sub3A_948], %get3A_939 masked %ge3A_940 : memref<32784xf32, #tpu.memory_space<vmem>>[vector<16xi32>], vector<16xf32>, vector<16xi1>
      %all_reduce_population_count3A_949 = tpu.all_reduce %ge3A_940 {dim = 0 : i64, kind = #tpu.reduction_kind<sum>} : vector<16xi1> -> vector<16xi32>
      %add3A_950 = arith.addi %add3A_935, %all_reduce_population_count3A_949 : vector<16xi32>
      %add3A_951 = arith.constant 112 : i32
      %add3A_952 = arith.addi %mul3A_845, %add3A_951 : i32
      %get3A_953 = arith.index_cast %add3A_952 : i32 to index
      %get3A_954 = tpu.vector_load %arg5[%get3A_953] {strides = array<i32>} : memref<32768xf32, #tpu.memory_space<vmem>>, vector<16xf32>,
      %ge3A_955 = arith.cmpf oge, %get3A_954, %broadcast_in_dim3A_647 : vector<16xf32>
      %convert_element_type3A_956 = arith.extui %ge3A_955 : vector<16xi1> to vector<16xi32>
      %broadcast_in_dim3A_957 = arith.constant true
      %broadcast_in_dim3A_958 = vector.broadcast %broadcast_in_dim3A_957 : i1 to vector<16xi1>
      %masked_cumsum3A_959 = tpu.scan <sum>, %convert_element_type3A_956 masked %broadcast_in_dim3A_958 : vector<16xi32>, vector<16xi1> -> vector<16xi32>
      %add3A_960 = arith.addi %add3A_950, %masked_cumsum3A_959 : vector<16xi32>
      %sub3A_961 = arith.constant 1 : i32
      %sub3A_962 = vector.broadcast %sub3A_961 : i32 to vector<16xi32>
      %sub3A_963 = arith.subi %add3A_960, %sub3A_962 : vector<16xi32>
      tpu.vector_store_idx %arg8[%sub3A_963], %get3A_954 masked %ge3A_955 : memref<32784xf32, #tpu.memory_space<vmem>>[vector<16xi32>], vector<16xf32>, vector<16xi1>
      %all_reduce_population_count3A_964 = tpu.all_reduce %ge3A_955 {dim = 0 : i64, kind = #tpu.reduction_kind<sum>} : vector<16xi1> -> vector<16xi32>
      %add3A_965 = arith.addi %add3A_950, %all_reduce_population_count3A_964 : vector<16xi32>
      %add3A_966 = arith.constant 128 : i32
      %add3A_967 = arith.addi %mul3A_845, %add3A_966 : i32
      %get3A_968 = arith.index_cast %add3A_967 : i32 to index
      %get3A_969 = tpu.vector_load %arg5[%get3A_968] {strides = array<i32>} : memref<32768xf32, #tpu.memory_space<vmem>>, vector<16xf32>,
      %ge3A_970 = arith.cmpf oge, %get3A_969, %broadcast_in_dim3A_647 : vector<16xf32>
      %convert_element_type3A_971 = arith.extui %ge3A_970 : vector<16xi1> to vector<16xi32>
      %broadcast_in_dim3A_972 = arith.constant true
      %broadcast_in_dim3A_973 = vector.broadcast %broadcast_in_dim3A_972 : i1 to vector<16xi1>
      %masked_cumsum3A_974 = tpu.scan <sum>, %convert_element_type3A_971 masked %broadcast_in_dim3A_973 : vector<16xi32>, vector<16xi1> -> vector<16xi32>
      %add3A_975 = arith.addi %add3A_965, %masked_cumsum3A_974 : vector<16xi32>
      %sub3A_976 = arith.constant 1 : i32
      %sub3A_977 = vector.broadcast %sub3A_976 : i32 to vector<16xi32>
      %sub3A_978 = arith.subi %add3A_975, %sub3A_977 : vector<16xi32>
      tpu.vector_store_idx %arg8[%sub3A_978], %get3A_969 masked %ge3A_970 : memref<32784xf32, #tpu.memory_space<vmem>>[vector<16xi32>], vector<16xf32>, vector<16xi1>
      %all_reduce_population_count3A_979 = tpu.all_reduce %ge3A_970 {dim = 0 : i64, kind = #tpu.reduction_kind<sum>} : vector<16xi1> -> vector<16xi32>
      %add3A_980 = arith.addi %add3A_965, %all_reduce_population_count3A_979 : vector<16xi32>
      %add3A_981 = arith.constant 144 : i32
      %add3A_982 = arith.addi %mul3A_845, %add3A_981 : i32
      %get3A_983 = arith.index_cast %add3A_982 : i32 to index
      %get3A_984 = tpu.vector_load %arg5[%get3A_983] {strides = array<i32>} : memref<32768xf32, #tpu.memory_space<vmem>>, vector<16xf32>,
      %ge3A_985 = arith.cmpf oge, %get3A_984, %broadcast_in_dim3A_647 : vector<16xf32>
      %convert_element_type3A_986 = arith.extui %ge3A_985 : vector<16xi1> to vector<16xi32>
      %broadcast_in_dim3A_987 = arith.constant true
      %broadcast_in_dim3A_988 = vector.broadcast %broadcast_in_dim3A_987 : i1 to vector<16xi1>
      %masked_cumsum3A_989 = tpu.scan <sum>, %convert_element_type3A_986 masked %broadcast_in_dim3A_988 : vector<16xi32>, vector<16xi1> -> vector<16xi32>
      %add3A_990 = arith.addi %add3A_980, %masked_cumsum3A_989 : vector<16xi32>
      %sub3A_991 = arith.constant 1 : i32
      %sub3A_992 = vector.broadcast %sub3A_991 : i32 to vector<16xi32>
      %sub3A_993 = arith.subi %add3A_990, %sub3A_992 : vector<16xi32>
      tpu.vector_store_idx %arg8[%sub3A_993], %get3A_984 masked %ge3A_985 : memref<32784xf32, #tpu.memory_space<vmem>>[vector<16xi32>], vector<16xf32>, vector<16xi1>
      %all_reduce_population_count3A_994 = tpu.all_reduce %ge3A_985 {dim = 0 : i64, kind = #tpu.reduction_kind<sum>} : vector<16xi1> -> vector<16xi32>
      %add3A_995 = arith.addi %add3A_980, %all_reduce_population_count3A_994 : vector<16xi32>
      %add3A_996 = arith.constant 160 : i32
      %add3A_997 = arith.addi %mul3A_845, %add3A_996 : i32
      %get3A_998 = arith.index_cast %add3A_997 : i32 to index
      %get3A_999 = tpu.vector_load %arg5[%get3A_998] {strides = array<i32>} : memref<32768xf32, #tpu.memory_space<vmem>>, vector<16xf32>,
      %ge3A_1000 = arith.cmpf oge, %get3A_999, %broadcast_in_dim3A_647 : vector<16xf32>
      %convert_element_type3A_1001 = arith.extui %ge3A_1000 : vector<16xi1> to vector<16xi32>
      %broadcast_in_dim3A_1002 = arith.constant true
      %broadcast_in_dim3A_1003 = vector.broadcast %broadcast_in_dim3A_1002 : i1 to vector<16xi1>
      %masked_cumsum3A_1004 = tpu.scan <sum>, %convert_element_type3A_1001 masked %broadcast_in_dim3A_1003 : vector<16xi32>, vector<16xi1> -> vector<16xi32>
      %add3A_1005 = arith.addi %add3A_995, %masked_cumsum3A_1004 : vector<16xi32>
      %sub3A_1006 = arith.constant 1 : i32
      %sub3A_1007 = vector.broadcast %sub3A_1006 : i32 to vector<16xi32>
      %sub3A_1008 = arith.subi %add3A_1005, %sub3A_1007 : vector<16xi32>
      tpu.vector_store_idx %arg8[%sub3A_1008], %get3A_999 masked %ge3A_1000 : memref<32784xf32, #tpu.memory_space<vmem>>[vector<16xi32>], vector<16xf32>, vector<16xi1>
      %all_reduce_population_count3A_1009 = tpu.all_reduce %ge3A_1000 {dim = 0 : i64, kind = #tpu.reduction_kind<sum>} : vector<16xi1> -> vector<16xi32>
      %add3A_1010 = arith.addi %add3A_995, %all_reduce_population_count3A_1009 : vector<16xi32>
      %add3A_1011 = arith.constant 176 : i32
      %add3A_1012 = arith.addi %mul3A_845, %add3A_1011 : i32
      %get3A_1013 = arith.index_cast %add3A_1012 : i32 to index
      %get3A_1014 = tpu.vector_load %arg5[%get3A_1013] {strides = array<i32>} : memref<32768xf32, #tpu.memory_space<vmem>>, vector<16xf32>,
      %ge3A_1015 = arith.cmpf oge, %get3A_1014, %broadcast_in_dim3A_647 : vector<16xf32>
      %convert_element_type3A_1016 = arith.extui %ge3A_1015 : vector<16xi1> to vector<16xi32>
      %broadcast_in_dim3A_1017 = arith.constant true
      %broadcast_in_dim3A_1018 = vector.broadcast %broadcast_in_dim3A_1017 : i1 to vector<16xi1>
      %masked_cumsum3A_1019 = tpu.scan <sum>, %convert_element_type3A_1016 masked %broadcast_in_dim3A_1018 : vector<16xi32>, vector<16xi1> -> vector<16xi32>
      %add3A_1020 = arith.addi %add3A_1010, %masked_cumsum3A_1019 : vector<16xi32>
      %sub3A_1021 = arith.constant 1 : i32
      %sub3A_1022 = vector.broadcast %sub3A_1021 : i32 to vector<16xi32>
      %sub3A_1023 = arith.subi %add3A_1020, %sub3A_1022 : vector<16xi32>
      tpu.vector_store_idx %arg8[%sub3A_1023], %get3A_1014 masked %ge3A_1015 : memref<32784xf32, #tpu.memory_space<vmem>>[vector<16xi32>], vector<16xf32>, vector<16xi1>
      %all_reduce_population_count3A_1024 = tpu.all_reduce %ge3A_1015 {dim = 0 : i64, kind = #tpu.reduction_kind<sum>} : vector<16xi1> -> vector<16xi32>
      %add3A_1025 = arith.addi %add3A_1010, %all_reduce_population_count3A_1024 : vector<16xi32>
      %add3A_1026 = arith.constant 192 : i32
      %add3A_1027 = arith.addi %mul3A_845, %add3A_1026 : i32
      %get3A_1028 = arith.index_cast %add3A_1027 : i32 to index
      %get3A_1029 = tpu.vector_load %arg5[%get3A_1028] {strides = array<i32>} : memref<32768xf32, #tpu.memory_space<vmem>>, vector<16xf32>,
      %ge3A_1030 = arith.cmpf oge, %get3A_1029, %broadcast_in_dim3A_647 : vector<16xf32>
      %convert_element_type3A_1031 = arith.extui %ge3A_1030 : vector<16xi1> to vector<16xi32>
      %broadcast_in_dim3A_1032 = arith.constant true
      %broadcast_in_dim3A_1033 = vector.broadcast %broadcast_in_dim3A_1032 : i1 to vector<16xi1>
      %masked_cumsum3A_1034 = tpu.scan <sum>, %convert_element_type3A_1031 masked %broadcast_in_dim3A_1033 : vector<16xi32>, vector<16xi1> -> vector<16xi32>
      %add3A_1035 = arith.addi %add3A_1025, %masked_cumsum3A_1034 : vector<16xi32>
      %sub3A_1036 = arith.constant 1 : i32
      %sub3A_1037 = vector.broadcast %sub3A_1036 : i32 to vector<16xi32>
      %sub3A_1038 = arith.subi %add3A_1035, %sub3A_1037 : vector<16xi32>
      tpu.vector_store_idx %arg8[%sub3A_1038], %get3A_1029 masked %ge3A_1030 : memref<32784xf32, #tpu.memory_space<vmem>>[vector<16xi32>], vector<16xf32>, vector<16xi1>
      %all_reduce_population_count3A_1039 = tpu.all_reduce %ge3A_1030 {dim = 0 : i64, kind = #tpu.reduction_kind<sum>} : vector<16xi1> -> vector<16xi32>
      %add3A_1040 = arith.addi %add3A_1025, %all_reduce_population_count3A_1039 : vector<16xi32>
      %add3A_1041 = arith.constant 208 : i32
      %add3A_1042 = arith.addi %mul3A_845, %add3A_1041 : i32
      %get3A_1043 = arith.index_cast %add3A_1042 : i32 to index
      %get3A_1044 = tpu.vector_load %arg5[%get3A_1043] {strides = array<i32>} : memref<32768xf32, #tpu.memory_space<vmem>>, vector<16xf32>,
      %ge3A_1045 = arith.cmpf oge, %get3A_1044, %broadcast_in_dim3A_647 : vector<16xf32>
      %convert_element_type3A_1046 = arith.extui %ge3A_1045 : vector<16xi1> to vector<16xi32>
      %broadcast_in_dim3A_1047 = arith.constant true
      %broadcast_in_dim3A_1048 = vector.broadcast %broadcast_in_dim3A_1047 : i1 to vector<16xi1>
      %masked_cumsum3A_1049 = tpu.scan <sum>, %convert_element_type3A_1046 masked %broadcast_in_dim3A_1048 : vector<16xi32>, vector<16xi1> -> vector<16xi32>
      %add3A_1050 = arith.addi %add3A_1040, %masked_cumsum3A_1049 : vector<16xi32>
      %sub3A_1051 = arith.constant 1 : i32
      %sub3A_1052 = vector.broadcast %sub3A_1051 : i32 to vector<16xi32>
      %sub3A_1053 = arith.subi %add3A_1050, %sub3A_1052 : vector<16xi32>
      tpu.vector_store_idx %arg8[%sub3A_1053], %get3A_1044 masked %ge3A_1045 : memref<32784xf32, #tpu.memory_space<vmem>>[vector<16xi32>], vector<16xf32>, vector<16xi1>
      %all_reduce_population_count3A_1054 = tpu.all_reduce %ge3A_1045 {dim = 0 : i64, kind = #tpu.reduction_kind<sum>} : vector<16xi1> -> vector<16xi32>
      %add3A_1055 = arith.addi %add3A_1040, %all_reduce_population_count3A_1054 : vector<16xi32>
      %add3A_1056 = arith.constant 224 : i32
      %add3A_1057 = arith.addi %mul3A_845, %add3A_1056 : i32
      %get3A_1058 = arith.index_cast %add3A_1057 : i32 to index
      %get3A_1059 = tpu.vector_load %arg5[%get3A_1058] {strides = array<i32>} : memref<32768xf32, #tpu.memory_space<vmem>>, vector<16xf32>,
      %ge3A_1060 = arith.cmpf oge, %get3A_1059, %broadcast_in_dim3A_647 : vector<16xf32>
      %convert_element_type3A_1061 = arith.extui %ge3A_1060 : vector<16xi1> to vector<16xi32>
      %broadcast_in_dim3A_1062 = arith.constant true
      %broadcast_in_dim3A_1063 = vector.broadcast %broadcast_in_dim3A_1062 : i1 to vector<16xi1>
      %masked_cumsum3A_1064 = tpu.scan <sum>, %convert_element_type3A_1061 masked %broadcast_in_dim3A_1063 : vector<16xi32>, vector<16xi1> -> vector<16xi32>
      %add3A_1065 = arith.addi %add3A_1055, %masked_cumsum3A_1064 : vector<16xi32>
      %sub3A_1066 = arith.constant 1 : i32
      %sub3A_1067 = vector.broadcast %sub3A_1066 : i32 to vector<16xi32>
      %sub3A_1068 = arith.subi %add3A_1065, %sub3A_1067 : vector<16xi32>
      tpu.vector_store_idx %arg8[%sub3A_1068], %get3A_1059 masked %ge3A_1060 : memref<32784xf32, #tpu.memory_space<vmem>>[vector<16xi32>], vector<16xf32>, vector<16xi1>
      %all_reduce_population_count3A_1069 = tpu.all_reduce %ge3A_1060 {dim = 0 : i64, kind = #tpu.reduction_kind<sum>} : vector<16xi1> -> vector<16xi32>
      %add3A_1070 = arith.addi %add3A_1055, %all_reduce_population_count3A_1069 : vector<16xi32>
      %add3A_1071 = arith.constant 240 : i32
      %add3A_1072 = arith.addi %mul3A_845, %add3A_1071 : i32
      %get3A_1073 = arith.index_cast %add3A_1072 : i32 to index
      %get3A_1074 = tpu.vector_load %arg5[%get3A_1073] {strides = array<i32>} : memref<32768xf32, #tpu.memory_space<vmem>>, vector<16xf32>,
      %ge3A_1075 = arith.cmpf oge, %get3A_1074, %broadcast_in_dim3A_647 : vector<16xf32>
      %convert_element_type3A_1076 = arith.extui %ge3A_1075 : vector<16xi1> to vector<16xi32>
      %broadcast_in_dim3A_1077 = arith.constant true
      %broadcast_in_dim3A_1078 = vector.broadcast %broadcast_in_dim3A_1077 : i1 to vector<16xi1>
      %masked_cumsum3A_1079 = tpu.scan <sum>, %convert_element_type3A_1076 masked %broadcast_in_dim3A_1078 : vector<16xi32>, vector<16xi1> -> vector<16xi32>
      %add3A_1080 = arith.addi %add3A_1070, %masked_cumsum3A_1079 : vector<16xi32>
      %sub3A_1081 = arith.constant 1 : i32
      %sub3A_1082 = vector.broadcast %sub3A_1081 : i32 to vector<16xi32>
      %sub3A_1083 = arith.subi %add3A_1080, %sub3A_1082 : vector<16xi32>
      tpu.vector_store_idx %arg8[%sub3A_1083], %get3A_1074 masked %ge3A_1075 : memref<32784xf32, #tpu.memory_space<vmem>>[vector<16xi32>], vector<16xf32>, vector<16xi1>
      %all_reduce_population_count3A_1084 = tpu.all_reduce %ge3A_1075 {dim = 0 : i64, kind = #tpu.reduction_kind<sum>} : vector<16xi1> -> vector<16xi32>
      %add3A_1085 = arith.addi %add3A_1070, %all_reduce_population_count3A_1084 : vector<16xi32>
      scf.yield %add3A_1085 : vector<16xi32>
    }
    %while3A_787 = arith.constant 1 : i32
    %while3A_788 = scf.for %while3A_838 = %while3A_784 to %while3A_780 step %while3A_787 iter_args(%while3A_839 = %while3A_786) -> (vector<16xi32>)  : i32 {
      %get3A_840 = arith.index_cast %while3A_838 : i32 to index
      %get3A_841 = tpu.vector_load %arg7[%get3A_840] {strides = array<i32>} : memref<144xi32, #tpu.memory_space<vmem>>, vector<16xi32>,
      %slice3A_842 = vector.extract_strided_slice %get3A_841 {offsets = [0], sizes = [1], strides = [1]} : vector<16xi32> to vector<1xi32>
      %squeeze3A_843 = vector.extract %slice3A_842[0] : i32 from vector<1xi32>
      %mul3A_844 = arith.constant 256 : i32
      %mul3A_845 = arith.muli %squeeze3A_843, %mul3A_844 : i32
      %add3A_846 = arith.constant 0 : i32
      %add3A_847 = arith.addi %mul3A_845, %add3A_846 : i32
      %get3A_848 = arith.index_cast %add3A_847 : i32 to index
      %get3A_849 = tpu.vector_load %arg5[%get3A_848] {strides = array<i32>} : memref<32768xf32, #tpu.memory_space<vmem>>, vector<16xf32>,
      %ge3A_850 = arith.cmpf oge, %get3A_849, %broadcast_in_dim3A_647 : vector<16xf32>
      %convert_element_type3A_851 = arith.extui %ge3A_850 : vector<16xi1> to vector<16xi32>
      %broadcast_in_dim3A_852 = arith.constant true
      %broadcast_in_dim3A_853 = vector.broadcast %broadcast_in_dim3A_852 : i1 to vector<16xi1>
      %masked_cumsum3A_854 = tpu.scan <sum>, %convert_element_type3A_851 masked %broadcast_in_dim3A_853 : vector<16xi32>, vector<16xi1> -> vector<16xi32>
      %add3A_855 = arith.addi %while3A_839, %masked_cumsum3A_854 : vector<16xi32>
      %sub3A_856 = arith.constant 1 : i32
      %sub3A_857 = vector.broadcast %sub3A_856 : i32 to vector<16xi32>
      %sub3A_858 = arith.subi %add3A_855, %sub3A_857 : vector<16xi32>
      tpu.vector_store_idx %arg8[%sub3A_858], %get3A_849 masked %ge3A_850 : memref<32784xf32, #tpu.memory_space<vmem>>[vector<16xi32>], vector<16xf32>, vector<16xi1>
      %all_reduce_population_count3A_859 = tpu.all_reduce %ge3A_850 {dim = 0 : i64, kind = #tpu.reduction_kind<sum>} : vector<16xi1> -> vector<16xi32>
      %add3A_860 = arith.addi %while3A_839, %all_reduce_population_count3A_859 : vector<16xi32>
      %add3A_861 = arith.constant 16 : i32
      %add3A_862 = arith.addi %mul3A_845, %add3A_861 : i32
      %get3A_863 = arith.index_cast %add3A_862 : i32 to index
      %get3A_864 = tpu.vector_load %arg5[%get3A_863] {strides = array<i32>} : memref<32768xf32, #tpu.memory_space<vmem>>, vector<16xf32>,
      %ge3A_865 = arith.cmpf oge, %get3A_864, %broadcast_in_dim3A_647 : vector<16xf32>
      %convert_element_type3A_866 = arith.extui %ge3A_865 : vector<16xi1> to vector<16xi32>
      %broadcast_in_dim3A_867 = arith.constant true
      %broadcast_in_dim3A_868 = vector.broadcast %broadcast_in_dim3A_867 : i1 to vector<16xi1>
      %masked_cumsum3A_869 = tpu.scan <sum>, %convert_element_type3A_866 masked %broadcast_in_dim3A_868 : vector<16xi32>, vector<16xi1> -> vector<16xi32>
      %add3A_870 = arith.addi %add3A_860, %masked_cumsum3A_869 : vector<16xi32>
      %sub3A_871 = arith.constant 1 : i32
      %sub3A_872 = vector.broadcast %sub3A_871 : i32 to vector<16xi32>
      %sub3A_873 = arith.subi %add3A_870, %sub3A_872 : vector<16xi32>
      tpu.vector_store_idx %arg8[%sub3A_873], %get3A_864 masked %ge3A_865 : memref<32784xf32, #tpu.memory_space<vmem>>[vector<16xi32>], vector<16xf32>, vector<16xi1>
      %all_reduce_population_count3A_874 = tpu.all_reduce %ge3A_865 {dim = 0 : i64, kind = #tpu.reduction_kind<sum>} : vector<16xi1> -> vector<16xi32>
      %add3A_875 = arith.addi %add3A_860, %all_reduce_population_count3A_874 : vector<16xi32>
      %add3A_876 = arith.constant 32 : i32
      %add3A_877 = arith.addi %mul3A_845, %add3A_876 : i32
      %get3A_878 = arith.index_cast %add3A_877 : i32 to index
      %get3A_879 = tpu.vector_load %arg5[%get3A_878] {strides = array<i32>} : memref<32768xf32, #tpu.memory_space<vmem>>, vector<16xf32>,
      %ge3A_880 = arith.cmpf oge, %get3A_879, %broadcast_in_dim3A_647 : vector<16xf32>
      %convert_element_type3A_881 = arith.extui %ge3A_880 : vector<16xi1> to vector<16xi32>
      %broadcast_in_dim3A_882 = arith.constant true
      %broadcast_in_dim3A_883 = vector.broadcast %broadcast_in_dim3A_882 : i1 to vector<16xi1>
      %masked_cumsum3A_884 = tpu.scan <sum>, %convert_element_type3A_881 masked %broadcast_in_dim3A_883 : vector<16xi32>, vector<16xi1> -> vector<16xi32>
      %add3A_885 = arith.addi %add3A_875, %masked_cumsum3A_884 : vector<16xi32>
      %sub3A_886 = arith.constant 1 : i32
      %sub3A_887 = vector.broadcast %sub3A_886 : i32 to vector<16xi32>
      %sub3A_888 = arith.subi %add3A_885, %sub3A_887 : vector<16xi32>
      tpu.vector_store_idx %arg8[%sub3A_888], %get3A_879 masked %ge3A_880 : memref<32784xf32, #tpu.memory_space<vmem>>[vector<16xi32>], vector<16xf32>, vector<16xi1>
      %all_reduce_population_count3A_889 = tpu.all_reduce %ge3A_880 {dim = 0 : i64, kind = #tpu.reduction_kind<sum>} : vector<16xi1> -> vector<16xi32>
      %add3A_890 = arith.addi %add3A_875, %all_reduce_population_count3A_889 : vector<16xi32>
      %add3A_891 = arith.constant 48 : i32
      %add3A_892 = arith.addi %mul3A_845, %add3A_891 : i32
      %get3A_893 = arith.index_cast %add3A_892 : i32 to index
      %get3A_894 = tpu.vector_load %arg5[%get3A_893] {strides = array<i32>} : memref<32768xf32, #tpu.memory_space<vmem>>, vector<16xf32>,
      %ge3A_895 = arith.cmpf oge, %get3A_894, %broadcast_in_dim3A_647 : vector<16xf32>
      %convert_element_type3A_896 = arith.extui %ge3A_895 : vector<16xi1> to vector<16xi32>
      %broadcast_in_dim3A_897 = arith.constant true
      %broadcast_in_dim3A_898 = vector.broadcast %broadcast_in_dim3A_897 : i1 to vector<16xi1>
      %masked_cumsum3A_899 = tpu.scan <sum>, %convert_element_type3A_896 masked %broadcast_in_dim3A_898 : vector<16xi32>, vector<16xi1> -> vector<16xi32>
      %add3A_900 = arith.addi %add3A_890, %masked_cumsum3A_899 : vector<16xi32>
      %sub3A_901 = arith.constant 1 : i32
      %sub3A_902 = vector.broadcast %sub3A_901 : i32 to vector<16xi32>
      %sub3A_903 = arith.subi %add3A_900, %sub3A_902 : vector<16xi32>
      tpu.vector_store_idx %arg8[%sub3A_903], %get3A_894 masked %ge3A_895 : memref<32784xf32, #tpu.memory_space<vmem>>[vector<16xi32>], vector<16xf32>, vector<16xi1>
      %all_reduce_population_count3A_904 = tpu.all_reduce %ge3A_895 {dim = 0 : i64, kind = #tpu.reduction_kind<sum>} : vector<16xi1> -> vector<16xi32>
      %add3A_905 = arith.addi %add3A_890, %all_reduce_population_count3A_904 : vector<16xi32>
      %add3A_906 = arith.constant 64 : i32
      %add3A_907 = arith.addi %mul3A_845, %add3A_906 : i32
      %get3A_908 = arith.index_cast %add3A_907 : i32 to index
      %get3A_909 = tpu.vector_load %arg5[%get3A_908] {strides = array<i32>} : memref<32768xf32, #tpu.memory_space<vmem>>, vector<16xf32>,
      %ge3A_910 = arith.cmpf oge, %get3A_909, %broadcast_in_dim3A_647 : vector<16xf32>
      %convert_element_type3A_911 = arith.extui %ge3A_910 : vector<16xi1> to vector<16xi32>
      %broadcast_in_dim3A_912 = arith.constant true
      %broadcast_in_dim3A_913 = vector.broadcast %broadcast_in_dim3A_912 : i1 to vector<16xi1>
      %masked_cumsum3A_914 = tpu.scan <sum>, %convert_element_type3A_911 masked %broadcast_in_dim3A_913 : vector<16xi32>, vector<16xi1> -> vector<16xi32>
      %add3A_915 = arith.addi %add3A_905, %masked_cumsum3A_914 : vector<16xi32>
      %sub3A_916 = arith.constant 1 : i32
      %sub3A_917 = vector.broadcast %sub3A_916 : i32 to vector<16xi32>
      %sub3A_918 = arith.subi %add3A_915, %sub3A_917 : vector<16xi32>
      tpu.vector_store_idx %arg8[%sub3A_918], %get3A_909 masked %ge3A_910 : memref<32784xf32, #tpu.memory_space<vmem>>[vector<16xi32>], vector<16xf32>, vector<16xi1>
      %all_reduce_population_count3A_919 = tpu.all_reduce %ge3A_910 {dim = 0 : i64, kind = #tpu.reduction_kind<sum>} : vector<16xi1> -> vector<16xi32>
      %add3A_920 = arith.addi %add3A_905, %all_reduce_population_count3A_919 : vector<16xi32>
      %add3A_921 = arith.constant 80 : i32
      %add3A_922 = arith.addi %mul3A_845, %add3A_921 : i32
      %get3A_923 = arith.index_cast %add3A_922 : i32 to index
      %get3A_924 = tpu.vector_load %arg5[%get3A_923] {strides = array<i32>} : memref<32768xf32, #tpu.memory_space<vmem>>, vector<16xf32>,
      %ge3A_925 = arith.cmpf oge, %get3A_924, %broadcast_in_dim3A_647 : vector<16xf32>
      %convert_element_type3A_926 = arith.extui %ge3A_925 : vector<16xi1> to vector<16xi32>
      %broadcast_in_dim3A_927 = arith.constant true
      %broadcast_in_dim3A_928 = vector.broadcast %broadcast_in_dim3A_927 : i1 to vector<16xi1>
      %masked_cumsum3A_929 = tpu.scan <sum>, %convert_element_type3A_926 masked %broadcast_in_dim3A_928 : vector<16xi32>, vector<16xi1> -> vector<16xi32>
      %add3A_930 = arith.addi %add3A_920, %masked_cumsum3A_929 : vector<16xi32>
      %sub3A_931 = arith.constant 1 : i32
      %sub3A_932 = vector.broadcast %sub3A_931 : i32 to vector<16xi32>
      %sub3A_933 = arith.subi %add3A_930, %sub3A_932 : vector<16xi32>
      tpu.vector_store_idx %arg8[%sub3A_933], %get3A_924 masked %ge3A_925 : memref<32784xf32, #tpu.memory_space<vmem>>[vector<16xi32>], vector<16xf32>, vector<16xi1>
      %all_reduce_population_count3A_934 = tpu.all_reduce %ge3A_925 {dim = 0 : i64, kind = #tpu.reduction_kind<sum>} : vector<16xi1> -> vector<16xi32>
      %add3A_935 = arith.addi %add3A_920, %all_reduce_population_count3A_934 : vector<16xi32>
      %add3A_936 = arith.constant 96 : i32
      %add3A_937 = arith.addi %mul3A_845, %add3A_936 : i32
      %get3A_938 = arith.index_cast %add3A_937 : i32 to index
      %get3A_939 = tpu.vector_load %arg5[%get3A_938] {strides = array<i32>} : memref<32768xf32, #tpu.memory_space<vmem>>, vector<16xf32>,
      %ge3A_940 = arith.cmpf oge, %get3A_939, %broadcast_in_dim3A_647 : vector<16xf32>
      %convert_element_type3A_941 = arith.extui %ge3A_940 : vector<16xi1> to vector<16xi32>
      %broadcast_in_dim3A_942 = arith.constant true
      %broadcast_in_dim3A_943 = vector.broadcast %broadcast_in_dim3A_942 : i1 to vector<16xi1>
      %masked_cumsum3A_944 = tpu.scan <sum>, %convert_element_type3A_941 masked %broadcast_in_dim3A_943 : vector<16xi32>, vector<16xi1> -> vector<16xi32>
      %add3A_945 = arith.addi %add3A_935, %masked_cumsum3A_944 : vector<16xi32>
      %sub3A_946 = arith.constant 1 : i32
      %sub3A_947 = vector.broadcast %sub3A_946 : i32 to vector<16xi32>
      %sub3A_948 = arith.subi %add3A_945, %sub3A_947 : vector<16xi32>
      tpu.vector_store_idx %arg8[%sub3A_948], %get3A_939 masked %ge3A_940 : memref<32784xf32, #tpu.memory_space<vmem>>[vector<16xi32>], vector<16xf32>, vector<16xi1>
      %all_reduce_population_count3A_949 = tpu.all_reduce %ge3A_940 {dim = 0 : i64, kind = #tpu.reduction_kind<sum>} : vector<16xi1> -> vector<16xi32>
      %add3A_950 = arith.addi %add3A_935, %all_reduce_population_count3A_949 : vector<16xi32>
      %add3A_951 = arith.constant 112 : i32
      %add3A_952 = arith.addi %mul3A_845, %add3A_951 : i32
      %get3A_953 = arith.index_cast %add3A_952 : i32 to index
      %get3A_954 = tpu.vector_load %arg5[%get3A_953] {strides = array<i32>} : memref<32768xf32, #tpu.memory_space<vmem>>, vector<16xf32>,
      %ge3A_955 = arith.cmpf oge, %get3A_954, %broadcast_in_dim3A_647 : vector<16xf32>
      %convert_element_type3A_956 = arith.extui %ge3A_955 : vector<16xi1> to vector<16xi32>
      %broadcast_in_dim3A_957 = arith.constant true
      %broadcast_in_dim3A_958 = vector.broadcast %broadcast_in_dim3A_957 : i1 to vector<16xi1>
      %masked_cumsum3A_959 = tpu.scan <sum>, %convert_element_type3A_956 masked %broadcast_in_dim3A_958 : vector<16xi32>, vector<16xi1> -> vector<16xi32>
      %add3A_960 = arith.addi %add3A_950, %masked_cumsum3A_959 : vector<16xi32>
      %sub3A_961 = arith.constant 1 : i32
      %sub3A_962 = vector.broadcast %sub3A_961 : i32 to vector<16xi32>
      %sub3A_963 = arith.subi %add3A_960, %sub3A_962 : vector<16xi32>
      tpu.vector_store_idx %arg8[%sub3A_963], %get3A_954 masked %ge3A_955 : memref<32784xf32, #tpu.memory_space<vmem>>[vector<16xi32>], vector<16xf32>, vector<16xi1>
      %all_reduce_population_count3A_964 = tpu.all_reduce %ge3A_955 {dim = 0 : i64, kind = #tpu.reduction_kind<sum>} : vector<16xi1> -> vector<16xi32>
      %add3A_965 = arith.addi %add3A_950, %all_reduce_population_count3A_964 : vector<16xi32>
      %add3A_966 = arith.constant 128 : i32
      %add3A_967 = arith.addi %mul3A_845, %add3A_966 : i32
      %get3A_968 = arith.index_cast %add3A_967 : i32 to index
      %get3A_969 = tpu.vector_load %arg5[%get3A_968] {strides = array<i32>} : memref<32768xf32, #tpu.memory_space<vmem>>, vector<16xf32>,
      %ge3A_970 = arith.cmpf oge, %get3A_969, %broadcast_in_dim3A_647 : vector<16xf32>
      %convert_element_type3A_971 = arith.extui %ge3A_970 : vector<16xi1> to vector<16xi32>
      %broadcast_in_dim3A_972 = arith.constant true
      %broadcast_in_dim3A_973 = vector.broadcast %broadcast_in_dim3A_972 : i1 to vector<16xi1>
      %masked_cumsum3A_974 = tpu.scan <sum>, %convert_element_type3A_971 masked %broadcast_in_dim3A_973 : vector<16xi32>, vector<16xi1> -> vector<16xi32>
      %add3A_975 = arith.addi %add3A_965, %masked_cumsum3A_974 : vector<16xi32>
      %sub3A_976 = arith.constant 1 : i32
      %sub3A_977 = vector.broadcast %sub3A_976 : i32 to vector<16xi32>
      %sub3A_978 = arith.subi %add3A_975, %sub3A_977 : vector<16xi32>
      tpu.vector_store_idx %arg8[%sub3A_978], %get3A_969 masked %ge3A_970 : memref<32784xf32, #tpu.memory_space<vmem>>[vector<16xi32>], vector<16xf32>, vector<16xi1>
      %all_reduce_population_count3A_979 = tpu.all_reduce %ge3A_970 {dim = 0 : i64, kind = #tpu.reduction_kind<sum>} : vector<16xi1> -> vector<16xi32>
      %add3A_980 = arith.addi %add3A_965, %all_reduce_population_count3A_979 : vector<16xi32>
      %add3A_981 = arith.constant 144 : i32
      %add3A_982 = arith.addi %mul3A_845, %add3A_981 : i32
      %get3A_983 = arith.index_cast %add3A_982 : i32 to index
      %get3A_984 = tpu.vector_load %arg5[%get3A_983] {strides = array<i32>} : memref<32768xf32, #tpu.memory_space<vmem>>, vector<16xf32>,
      %ge3A_985 = arith.cmpf oge, %get3A_984, %broadcast_in_dim3A_647 : vector<16xf32>
      %convert_element_type3A_986 = arith.extui %ge3A_985 : vector<16xi1> to vector<16xi32>
      %broadcast_in_dim3A_987 = arith.constant true
      %broadcast_in_dim3A_988 = vector.broadcast %broadcast_in_dim3A_987 : i1 to vector<16xi1>
      %masked_cumsum3A_989 = tpu.scan <sum>, %convert_element_type3A_986 masked %broadcast_in_dim3A_988 : vector<16xi32>, vector<16xi1> -> vector<16xi32>
      %add3A_990 = arith.addi %add3A_980, %masked_cumsum3A_989 : vector<16xi32>
      %sub3A_991 = arith.constant 1 : i32
      %sub3A_992 = vector.broadcast %sub3A_991 : i32 to vector<16xi32>
      %sub3A_993 = arith.subi %add3A_990, %sub3A_992 : vector<16xi32>
      tpu.vector_store_idx %arg8[%sub3A_993], %get3A_984 masked %ge3A_985 : memref<32784xf32, #tpu.memory_space<vmem>>[vector<16xi32>], vector<16xf32>, vector<16xi1>
      %all_reduce_population_count3A_994 = tpu.all_reduce %ge3A_985 {dim = 0 : i64, kind = #tpu.reduction_kind<sum>} : vector<16xi1> -> vector<16xi32>
      %add3A_995 = arith.addi %add3A_980, %all_reduce_population_count3A_994 : vector<16xi32>
      %add3A_996 = arith.constant 160 : i32
      %add3A_997 = arith.addi %mul3A_845, %add3A_996 : i32
      %get3A_998 = arith.index_cast %add3A_997 : i32 to index
      %get3A_999 = tpu.vector_load %arg5[%get3A_998] {strides = array<i32>} : memref<32768xf32, #tpu.memory_space<vmem>>, vector<16xf32>,
      %ge3A_1000 = arith.cmpf oge, %get3A_999, %broadcast_in_dim3A_647 : vector<16xf32>
      %convert_element_type3A_1001 = arith.extui %ge3A_1000 : vector<16xi1> to vector<16xi32>
      %broadcast_in_dim3A_1002 = arith.constant true
      %broadcast_in_dim3A_1003 = vector.broadcast %broadcast_in_dim3A_1002 : i1 to vector<16xi1>
      %masked_cumsum3A_1004 = tpu.scan <sum>, %convert_element_type3A_1001 masked %broadcast_in_dim3A_1003 : vector<16xi32>, vector<16xi1> -> vector<16xi32>
      %add3A_1005 = arith.addi %add3A_995, %masked_cumsum3A_1004 : vector<16xi32>
      %sub3A_1006 = arith.constant 1 : i32
      %sub3A_1007 = vector.broadcast %sub3A_1006 : i32 to vector<16xi32>
      %sub3A_1008 = arith.subi %add3A_1005, %sub3A_1007 : vector<16xi32>
      tpu.vector_store_idx %arg8[%sub3A_1008], %get3A_999 masked %ge3A_1000 : memref<32784xf32, #tpu.memory_space<vmem>>[vector<16xi32>], vector<16xf32>, vector<16xi1>
      %all_reduce_population_count3A_1009 = tpu.all_reduce %ge3A_1000 {dim = 0 : i64, kind = #tpu.reduction_kind<sum>} : vector<16xi1> -> vector<16xi32>
      %add3A_1010 = arith.addi %add3A_995, %all_reduce_population_count3A_1009 : vector<16xi32>
      %add3A_1011 = arith.constant 176 : i32
      %add3A_1012 = arith.addi %mul3A_845, %add3A_1011 : i32
      %get3A_1013 = arith.index_cast %add3A_1012 : i32 to index
      %get3A_1014 = tpu.vector_load %arg5[%get3A_1013] {strides = array<i32>} : memref<32768xf32, #tpu.memory_space<vmem>>, vector<16xf32>,
      %ge3A_1015 = arith.cmpf oge, %get3A_1014, %broadcast_in_dim3A_647 : vector<16xf32>
      %convert_element_type3A_1016 = arith.extui %ge3A_1015 : vector<16xi1> to vector<16xi32>
      %broadcast_in_dim3A_1017 = arith.constant true
      %broadcast_in_dim3A_1018 = vector.broadcast %broadcast_in_dim3A_1017 : i1 to vector<16xi1>
      %masked_cumsum3A_1019 = tpu.scan <sum>, %convert_element_type3A_1016 masked %broadcast_in_dim3A_1018 : vector<16xi32>, vector<16xi1> -> vector<16xi32>
      %add3A_1020 = arith.addi %add3A_1010, %masked_cumsum3A_1019 : vector<16xi32>
      %sub3A_1021 = arith.constant 1 : i32
      %sub3A_1022 = vector.broadcast %sub3A_1021 : i32 to vector<16xi32>
      %sub3A_1023 = arith.subi %add3A_1020, %sub3A_1022 : vector<16xi32>
      tpu.vector_store_idx %arg8[%sub3A_1023], %get3A_1014 masked %ge3A_1015 : memref<32784xf32, #tpu.memory_space<vmem>>[vector<16xi32>], vector<16xf32>, vector<16xi1>
      %all_reduce_population_count3A_1024 = tpu.all_reduce %ge3A_1015 {dim = 0 : i64, kind = #tpu.reduction_kind<sum>} : vector<16xi1> -> vector<16xi32>
      %add3A_1025 = arith.addi %add3A_1010, %all_reduce_population_count3A_1024 : vector<16xi32>
      %add3A_1026 = arith.constant 192 : i32
      %add3A_1027 = arith.addi %mul3A_845, %add3A_1026 : i32
      %get3A_1028 = arith.index_cast %add3A_1027 : i32 to index
      %get3A_1029 = tpu.vector_load %arg5[%get3A_1028] {strides = array<i32>} : memref<32768xf32, #tpu.memory_space<vmem>>, vector<16xf32>,
      %ge3A_1030 = arith.cmpf oge, %get3A_1029, %broadcast_in_dim3A_647 : vector<16xf32>
      %convert_element_type3A_1031 = arith.extui %ge3A_1030 : vector<16xi1> to vector<16xi32>
      %broadcast_in_dim3A_1032 = arith.constant true
      %broadcast_in_dim3A_1033 = vector.broadcast %broadcast_in_dim3A_1032 : i1 to vector<16xi1>
      %masked_cumsum3A_1034 = tpu.scan <sum>, %convert_element_type3A_1031 masked %broadcast_in_dim3A_1033 : vector<16xi32>, vector<16xi1> -> vector<16xi32>
      %add3A_1035 = arith.addi %add3A_1025, %masked_cumsum3A_1034 : vector<16xi32>
      %sub3A_1036 = arith.constant 1 : i32
      %sub3A_1037 = vector.broadcast %sub3A_1036 : i32 to vector<16xi32>
      %sub3A_1038 = arith.subi %add3A_1035, %sub3A_1037 : vector<16xi32>
      tpu.vector_store_idx %arg8[%sub3A_1038], %get3A_1029 masked %ge3A_1030 : memref<32784xf32, #tpu.memory_space<vmem>>[vector<16xi32>], vector<16xf32>, vector<16xi1>
      %all_reduce_population_count3A_1039 = tpu.all_reduce %ge3A_1030 {dim = 0 : i64, kind = #tpu.reduction_kind<sum>} : vector<16xi1> -> vector<16xi32>
      %add3A_1040 = arith.addi %add3A_1025, %all_reduce_population_count3A_1039 : vector<16xi32>
      %add3A_1041 = arith.constant 208 : i32
      %add3A_1042 = arith.addi %mul3A_845, %add3A_1041 : i32
      %get3A_1043 = arith.index_cast %add3A_1042 : i32 to index
      %get3A_1044 = tpu.vector_load %arg5[%get3A_1043] {strides = array<i32>} : memref<32768xf32, #tpu.memory_space<vmem>>, vector<16xf32>,
      %ge3A_1045 = arith.cmpf oge, %get3A_1044, %broadcast_in_dim3A_647 : vector<16xf32>
      %convert_element_type3A_1046 = arith.extui %ge3A_1045 : vector<16xi1> to vector<16xi32>
      %broadcast_in_dim3A_1047 = arith.constant true
      %broadcast_in_dim3A_1048 = vector.broadcast %broadcast_in_dim3A_1047 : i1 to vector<16xi1>
      %masked_cumsum3A_1049 = tpu.scan <sum>, %convert_element_type3A_1046 masked %broadcast_in_dim3A_1048 : vector<16xi32>, vector<16xi1> -> vector<16xi32>
      %add3A_1050 = arith.addi %add3A_1040, %masked_cumsum3A_1049 : vector<16xi32>
      %sub3A_1051 = arith.constant 1 : i32
      %sub3A_1052 = vector.broadcast %sub3A_1051 : i32 to vector<16xi32>
      %sub3A_1053 = arith.subi %add3A_1050, %sub3A_1052 : vector<16xi32>
      tpu.vector_store_idx %arg8[%sub3A_1053], %get3A_1044 masked %ge3A_1045 : memref<32784xf32, #tpu.memory_space<vmem>>[vector<16xi32>], vector<16xf32>, vector<16xi1>
      %all_reduce_population_count3A_1054 = tpu.all_reduce %ge3A_1045 {dim = 0 : i64, kind = #tpu.reduction_kind<sum>} : vector<16xi1> -> vector<16xi32>
      %add3A_1055 = arith.addi %add3A_1040, %all_reduce_population_count3A_1054 : vector<16xi32>
      %add3A_1056 = arith.constant 224 : i32
      %add3A_1057 = arith.addi %mul3A_845, %add3A_1056 : i32
      %get3A_1058 = arith.index_cast %add3A_1057 : i32 to index
      %get3A_1059 = tpu.vector_load %arg5[%get3A_1058] {strides = array<i32>} : memref<32768xf32, #tpu.memory_space<vmem>>, vector<16xf32>,
      %ge3A_1060 = arith.cmpf oge, %get3A_1059, %broadcast_in_dim3A_647 : vector<16xf32>
      %convert_element_type3A_1061 = arith.extui %ge3A_1060 : vector<16xi1> to vector<16xi32>
      %broadcast_in_dim3A_1062 = arith.constant true
      %broadcast_in_dim3A_1063 = vector.broadcast %broadcast_in_dim3A_1062 : i1 to vector<16xi1>
      %masked_cumsum3A_1064 = tpu.scan <sum>, %convert_element_type3A_1061 masked %broadcast_in_dim3A_1063 : vector<16xi32>, vector<16xi1> -> vector<16xi32>
      %add3A_1065 = arith.addi %add3A_1055, %masked_cumsum3A_1064 : vector<16xi32>
      %sub3A_1066 = arith.constant 1 : i32
      %sub3A_1067 = vector.broadcast %sub3A_1066 : i32 to vector<16xi32>
      %sub3A_1068 = arith.subi %add3A_1065, %sub3A_1067 : vector<16xi32>
      tpu.vector_store_idx %arg8[%sub3A_1068], %get3A_1059 masked %ge3A_1060 : memref<32784xf32, #tpu.memory_space<vmem>>[vector<16xi32>], vector<16xf32>, vector<16xi1>
      %all_reduce_population_count3A_1069 = tpu.all_reduce %ge3A_1060 {dim = 0 : i64, kind = #tpu.reduction_kind<sum>} : vector<16xi1> -> vector<16xi32>
      %add3A_1070 = arith.addi %add3A_1055, %all_reduce_population_count3A_1069 : vector<16xi32>
      %add3A_1071 = arith.constant 240 : i32
      %add3A_1072 = arith.addi %mul3A_845, %add3A_1071 : i32
      %get3A_1073 = arith.index_cast %add3A_1072 : i32 to index
      %get3A_1074 = tpu.vector_load %arg5[%get3A_1073] {strides = array<i32>} : memref<32768xf32, #tpu.memory_space<vmem>>, vector<16xf32>,
      %ge3A_1075 = arith.cmpf oge, %get3A_1074, %broadcast_in_dim3A_647 : vector<16xf32>
      %convert_element_type3A_1076 = arith.extui %ge3A_1075 : vector<16xi1> to vector<16xi32>
      %broadcast_in_dim3A_1077 = arith.constant true
      %broadcast_in_dim3A_1078 = vector.broadcast %broadcast_in_dim3A_1077 : i1 to vector<16xi1>
      %masked_cumsum3A_1079 = tpu.scan <sum>, %convert_element_type3A_1076 masked %broadcast_in_dim3A_1078 : vector<16xi32>, vector<16xi1> -> vector<16xi32>
      %add3A_1080 = arith.addi %add3A_1070, %masked_cumsum3A_1079 : vector<16xi32>
      %sub3A_1081 = arith.constant 1 : i32
      %sub3A_1082 = vector.broadcast %sub3A_1081 : i32 to vector<16xi32>
      %sub3A_1083 = arith.subi %add3A_1080, %sub3A_1082 : vector<16xi32>
      tpu.vector_store_idx %arg8[%sub3A_1083], %get3A_1074 masked %ge3A_1075 : memref<32784xf32, #tpu.memory_space<vmem>>[vector<16xi32>], vector<16xf32>, vector<16xi1>
      %all_reduce_population_count3A_1084 = tpu.all_reduce %ge3A_1075 {dim = 0 : i64, kind = #tpu.reduction_kind<sum>} : vector<16xi1> -> vector<16xi32>
      %add3A_1085 = arith.addi %add3A_1070, %all_reduce_population_count3A_1084 : vector<16xi32>
      scf.yield %add3A_1085 : vector<16xi32>
    }
    %add3A_789 = arith.addi %while3A_788, %iota3A : vector<16xi32>
    tpu.vector_store_idx %arg8[%add3A_789], %broadcast_in_dim3A_3 : memref<32784xf32, #tpu.memory_space<vmem>>[vector<16xi32>], vector<16xf32>,
    %slice3A_790 = vector.extract_strided_slice %while3A_788 {offsets = [0], sizes = [1], strides = [1]} : vector<16xi32> to vector<1xi32>
    %squeeze3A_791 = vector.extract %slice3A_790[0] : i32 from vector<1xi32>
    %add3A_792 = arith.constant 16 : i32
    %add3A_793 = arith.addi %squeeze3A_791, %add3A_792 : i32
    %sub3A_794 = arith.constant 1 : i32
    %sub3A_795 = arith.subi %add3A_793, %sub3A_794 : i32
    %jit3A_796 = arith.constant 16 : i32
    %div3A_797 = arith.divsi %sub3A_795, %jit3A_796 : i32
    %sign3A_798 = arith.constant 0 : i32
    %sign3A_799 = arith.cmpi sgt, %sub3A_795, %sign3A_798 : i32
    %sign3A_800 = arith.extui %sign3A_799 : i1 to i32
    %sign3A_801 = arith.constant 0 : i32
    %sign3A_802 = arith.cmpi slt, %sub3A_795, %sign3A_801 : i32
    %sign3A_803 = arith.extui %sign3A_802 : i1 to i32
    %sign3A_804 = arith.subi %sign3A_800, %sign3A_803 : i32
    %sign3A_805 = arith.constant 0 : i32
    %sign3A_806 = arith.cmpi sgt, %jit3A_796, %sign3A_805 : i32
    %sign3A_807 = arith.extui %sign3A_806 : i1 to i32
    %sign3A_808 = arith.constant 0 : i32
    %sign3A_809 = arith.cmpi slt, %jit3A_796, %sign3A_808 : i32
    %sign3A_810 = arith.extui %sign3A_809 : i1 to i32
    %sign3A_811 = arith.subi %sign3A_807, %sign3A_810 : i32
    %ne3A_812 = arith.cmpi ne, %sign3A_804, %sign3A_811 : i32
    %rem3A_813 = arith.remsi %sub3A_795, %jit3A_796 : i32
    %ne3A_814 = arith.constant 0 : i32
    %ne3A_815 = arith.cmpi ne, %rem3A_813, %ne3A_814 : i32
    %and3A_816 = arith.andi %ne3A_812, %ne3A_815 : i1
    %sub3A_817 = arith.constant 1 : i32
    %sub3A_818 = arith.subi %div3A_797, %sub3A_817 : i32
    %select_n3A_819 = arith.select %and3A_816, %sub3A_818, %div3A_797 : i32
    %while3A_820 = arith.constant 0 : i32
    %while3A_821 = arith.subi %select_n3A_819, %while3A_820 : i32
    %while3A_822 = arith.addi %while3A_820, %while3A_821 : i32
    %while3A_823 = arith.constant 1 : i32
    %while3A_824 = arith.divsi %while3A_821, %while3A_823 : i32
    %while3A_825 = arith.muli %while3A_824, %while3A_823 : i32
    %while3A_826 = arith.addi %while3A_820, %while3A_825 : i32
    %while3A_827 = arith.constant 1 : i32
    %while3A_828 = scf.for %while3A_838 = %while3A_820 to %while3A_826 step %while3A_827 iter_args(%while3A_839 = %broadcast_in_dim3A_3) -> (vector<16xf32>)  : i32 {
      %mul3A_840 = arith.constant 16 : i32
      %mul3A_841 = arith.muli %while3A_838, %mul3A_840 : i32
      %get3A_842 = arith.index_cast %mul3A_841 : i32 to index
      %get3A_843 = tpu.vector_load %arg8[%get3A_842] {strides = array<i32>} : memref<32784xf32, #tpu.memory_space<vmem>>, vector<16xf32>,
      %masked_sort3A_844 = arith.constant dense<true> : vector<16xi1>
      %masked_sort3A_845, %masked_sort3A_846, %masked_sort3A_847 = tpu.sort %get3A_843, %get3A_843 masked %masked_sort3A_844 {descending = true} : (vector<16xf32>, vector<16xf32>, vector<16xi1>) -> (vector<16xi1>, vector<16xf32>, vector<16xf32>)
      %rev3A = arith.constant 15 : i32
      %rev3A_848 = vector.broadcast %rev3A : i32 to vector<16xi32>
      %rev3A_849 = tpu.iota {dimensions = array<i32: 0>} : vector<16xi32>
      %rev3A_850 = arith.subi %rev3A_848, %rev3A_849 : vector<16xi32>
      %rev3A_851 = tpu.dynamic_gather %while3A_839[%rev3A_850] in [0] : vector<16xf32>, vector<16xi32> -> vector<16xf32>
      %max3A = arith.maximumf %masked_sort3A_846, %rev3A_851 : vector<16xf32>
      %masked_sort3A_852 = arith.constant dense<true> : vector<16xi1>
      %masked_sort3A_853, %masked_sort3A_854, %masked_sort3A_855 = tpu.sort %max3A, %max3A masked %masked_sort3A_852 {descending = true} : (vector<16xf32>, vector<16xf32>, vector<16xi1>) -> (vector<16xi1>, vector<16xf32>, vector<16xf32>)
      scf.yield %masked_sort3A_854 : vector<16xf32>
    }
    %while3A_829 = arith.constant 1 : i32
    %while3A_830 = scf.for %while3A_838 = %while3A_826 to %while3A_822 step %while3A_829 iter_args(%while3A_839 = %while3A_828) -> (vector<16xf32>)  : i32 {
      %mul3A_840 = arith.constant 16 : i32
      %mul3A_841 = arith.muli %while3A_838, %mul3A_840 : i32
      %get3A_842 = arith.index_cast %mul3A_841 : i32 to index
      %get3A_843 = tpu.vector_load %arg8[%get3A_842] {strides = array<i32>} : memref<32784xf32, #tpu.memory_space<vmem>>, vector<16xf32>,
      %masked_sort3A_844 = arith.constant dense<true> : vector<16xi1>
      %masked_sort3A_845, %masked_sort3A_846, %masked_sort3A_847 = tpu.sort %get3A_843, %get3A_843 masked %masked_sort3A_844 {descending = true} : (vector<16xf32>, vector<16xf32>, vector<16xi1>) -> (vector<16xi1>, vector<16xf32>, vector<16xf32>)
      %rev3A = arith.constant 15 : i32
      %rev3A_848 = vector.broadcast %rev3A : i32 to vector<16xi32>
      %rev3A_849 = tpu.iota {dimensions = array<i32: 0>} : vector<16xi32>
      %rev3A_850 = arith.subi %rev3A_848, %rev3A_849 : vector<16xi32>
      %rev3A_851 = tpu.dynamic_gather %while3A_839[%rev3A_850] in [0] : vector<16xf32>, vector<16xi32> -> vector<16xf32>
      %max3A = arith.maximumf %masked_sort3A_846, %rev3A_851 : vector<16xf32>
      %masked_sort3A_852 = arith.constant dense<true> : vector<16xi1>
      %masked_sort3A_853, %masked_sort3A_854, %masked_sort3A_855 = tpu.sort %max3A, %max3A masked %masked_sort3A_852 {descending = true} : (vector<16xf32>, vector<16xf32>, vector<16xi1>) -> (vector<16xi1>, vector<16xf32>, vector<16xf32>)
      scf.yield %masked_sort3A_854 : vector<16xf32>
    }
    %lt3A_831 = arith.constant 8 : i32
    %lt3A_832 = vector.broadcast %lt3A_831 : i32 to vector<16xi32>
    %lt3A_833 = arith.cmpi slt, %iota3A, %lt3A_832 : vector<16xi32>
    %swap3A_834 = arith.constant 24 : index
    %swap3A_835 = tpu.vector_load %arg9[%swap3A_834] masked %lt3A_833 {strides = array<i32>} : memref<48xf32, #tpu.memory_space<vmem>>, vector<16xf32>, vector<16xi1>
    tpu.vector_store %arg9[%swap3A_834], %while3A_830 masked %lt3A_833 {strides = array<i32>} : memref<48xf32, #tpu.memory_space<vmem>>, vector<16xf32>, vector<16xi1>
    %mul3A_836 = arith.constant 8 : i32
    %mul3A_837 = arith.muli %mul3A_2, %mul3A_836 : i32
    "tpu.region"() ({
      %run_scoped3A = tpu.sem_alloc : memref<!tpu.dma_semaphore, #tpu.memory_space<semaphore_mem>>
      %dma_start3A_838 = arith.constant 0 : i32
      %dma_start3A_839 = tpu.memref_slice %arg9[%dma_start3A_838] : memref<48xf32, #tpu.memory_space<vmem>> -> memref<32xf32, #tpu.memory_space<vmem>>
      %dma_start3A_840 = tpu.memref_slice %arg3[%mul3A_837] : memref<1024xf32, #tpu.memory_space<hbm>> -> memref<32xf32, #tpu.memory_space<hbm>>
      %dma_start3A_841 = tpu.memref_slice %arg3[%mul3A_837] : memref<1024xf32, #tpu.memory_space<hbm>> -> memref<32xf32, #tpu.memory_space<hbm>>
      %dma_start3A_842 = arith.constant 0 : i32
      %dma_start3A_843 = tpu.memref_slice %arg9[%dma_start3A_842] : memref<48xf32, #tpu.memory_space<vmem>> -> memref<32xf32, #tpu.memory_space<vmem>>
      tpu.enqueue_dma source(%dma_start3A_843 : memref<32xf32, #tpu.memory_space<vmem>>) target(%dma_start3A_841 : memref<32xf32, #tpu.memory_space<hbm>>) target_semaphore(%run_scoped3A : memref<!tpu.dma_semaphore, #tpu.memory_space<semaphore_mem>>)
      %dma_wait3A_844 = arith.constant 0 : i32
      %dma_wait3A_845 = tpu.memref_slice %arg9[%dma_wait3A_844] : memref<48xf32, #tpu.memory_space<vmem>> -> memref<32xf32, #tpu.memory_space<vmem>>
      %dma_wait3A_846 = tpu.memref_slice %arg3[%mul3A_837] : memref<1024xf32, #tpu.memory_space<hbm>> -> memref<32xf32, #tpu.memory_space<hbm>>
      %dma_wait3A_847 = tpu.memref_slice %arg3[%mul3A_837] : memref<1024xf32, #tpu.memory_space<hbm>> -> memref<32xf32, #tpu.memory_space<hbm>>
      %dma_wait3A_848 = arith.constant 0 : i32
      %dma_wait3A_849 = tpu.memref_slice %arg9[%dma_wait3A_848] : memref<48xf32, #tpu.memory_space<vmem>> -> memref<32xf32, #tpu.memory_space<vmem>>
      tpu.wait_dma2 semaphore(%run_scoped3A : memref<!tpu.dma_semaphore, #tpu.memory_space<semaphore_mem>>) src(%dma_wait3A_849 : memref<32xf32, #tpu.memory_space<vmem>>) dst(%dma_wait3A_847 : memref<32xf32, #tpu.memory_space<hbm>>)
      tpu.yield
    }) : () -> ()
    return
  }
}

</mosaic_0001>

<sc_bundles>
// kernel: kernel.3.cloned.1.call-start
scs
__scs_entry_jumppad:
0x0: {  	(pc) =	sbr.rel $0x88, $3  }
0x1: {  	(tag) =	ssettag $0x0;
	lr =	simm.s32 $0x1  }
0x2: {  	[smem:$0x3FA0] =	sst lr;
	_ =	strace $0xD0000000  }
0x3: {  	_ = 	snop  }
0x4: {  	_ = 	snop  }
0x5: {  	_ = 	snop  }
0x6: {  	_ = 	snop  }
0x7: {  	_ = 	snop  }
__scs_overlays_trampoline_lowered:
0x8: {  	[smem:$0x3FAF] =	sst s0  }
0x9: {  	[smem:$0x3FB0] =	sst s1  }
0xa: {  	[smem:$0x3FB1] =	sst s2  }
0xb: {  	[smem:$0x3FB2] =	sst s3  }
0xc: {  	[smem:$0x3FB3] =	sst s4  }
0xd: {  	[smem:$0x3FB4] =	sst s5  }
0xe: {  	[smem:$0x3FB5] =	sst s6  }
0xf: {  	[smem:$0x3FB6] =	sst s7  }
0x10: {  	[smem:$0x3FB7] =	sst s8  }
0x11: {  	[smem:$0x3FB8] =	sst s9;
	s0 =	simm.s32 @!p0 $0x0  }
0x12: {  	s1 =	sld [smem:$0x3F9E];
	s0 =	simm.s32 @p0 $0x1  }
0x13: {  	[smem:$0x3FB9] =	sst s0;
	s0 =	simm.s32 @!p1 $0x0  }
0x14: {  	s2 =	sld [smem:$0x3F9D];
	s0 =	simm.s32 @p1 $0x1  }
0x15: {  	[smem:$0x3FBA] =	sst s0;
	s0 =	simm.s32 @!p2 $0x0  }
0x16: {  	s3 =	sld [smem:$0x3FDB];
	s0 =	simm.s32 @p2 $0x1  }
0x17: {  	s4 =	simm.s32 $0x1BF5;
	[smem:$0x3FBC] =	sst s0  }
0x18: {  	s0 =	sld [smem:$0x3F9F];
	_ =	swait.ge [sflag:s4], $0x0  }
0x19: {  	s7 =	sld [smem:$0x3FA0]  }
0x1a: {  	s8 =	sadd.s32 $0xFFFFE003, lr  }
0x1b: {  	s9 =	sadd.s32 $0xFFFFFEF7, lr;
	s5 =	simm.s32 $0xFFFFFFFF;
	p2 =	slt.u32 s8, $0xFFFFF086  }
0x1c: {  	p1 =	slt.u32 s9, $0xF7A;
	s5 =	simm.s32 @!p2 $0x0  }
0x1d: {  	s5 =	simm.s32 @p1 $0x1;
	p0 =	seq.s32 s7, s2  }
0x1e: {  	s7 =	smul.u32 @!p0 $0xF7A, s2;
	p2 =	seq.s32 @!p0 s5, $0x0  }
0x1f: {  	s9 =	smul.u32 $0xF7A, s1;
	s8 =	simm.s32 @!p0 $0x1BF5;
	p2 =	por !p2, p0  }
0x20: {  	[sflag:s8] =	ssyncset.s32 @!p0 $0xFFFFF086;
	s6 =	sadd.s32 @!p0 s3, s7;
	s7 =	simm.s32 @!p0 $0x108  }
0x21: {  	s3 =	sadd.s32 s3, s9;
	s6 =	sadd.s32 @!p0 $0x88, s6;
	s7 =	simm.s32 @p2 $0x1082  }
0x22: {  	[simem:s7], [sflag:s8] =	dma.local @!p0 [hbm:s6], $0xF7A  }
0x23: {  	s9 =	sor.u32 $0xD0000000, s2;
	s6 =	simm.s32 $0x108;
	_ =	swait.ge @!p0 [sflag:s8], $0x0  }
0x24: {  	s3 =	sadd.s32 $0x88, s3;
	s6 =	simm.s32 @!p1 $0x1082;
	[sflag:s4] =	ssyncset.s32 $0xFFFFF086  }
0x25: {  	[simem:s6], [sflag:s4] =	dma.local [hbm:s3], $0xF7A  }
0x26: {  	[smem:$0x3FA0] =	sst s1;
	(tag) =	ssettag s2;
	_ =	strace s9  }
0x27: {  	s1 =	sld [smem:$0x3FB0]  }
0x28: {  	s2 =	sld [smem:$0x3FB1]  }
0x29: {  	s4 =	sld [smem:$0x3FB3]  }
0x2a: {  	p0 =	seq.s32 s5, $0x0;
	s5 =	sld [smem:$0x3FB4]  }
0x2b: {  	s6 =	sld [smem:$0x3FB5]  }
0x2c: {  	s7 =	sld [smem:$0x3FB6]  }
0x2d: {  	s3 =	simm.s32 $0x108;
	s8 =	sld [smem:$0x3FB7]  }
0x2e: {  	s3 =	simm.s32 @!p0 $0x1082;
	s9 =	sld [smem:$0x3FB8]  }
0x2f: {  	lr =	sadd.s32 s0, s3;
	s0 =	sld [smem:$0x3FAF]  }
0x30: {  	s3 =	sld [smem:$0x3FB2]  }
0x31: {  	[smem:$0x3FBB] =	sst s10  }
0x32: {  	s10 =	sld [smem:$0x3FB9];
	_ =	sdelay $0x3  }
0x33: {  	p0 =	seq.s32 s10, $0x1;
	s10 =	sld [smem:$0x3FBB];
	_ =	sdelay $0x3  }
0x34: {  	[smem:$0x3FBB] =	sst s10  }
0x35: {  	s10 =	sld [smem:$0x3FBA];
	_ =	sdelay $0x3  }
0x36: {  	p1 =	seq.s32 s10, $0x1;
	s10 =	sld [smem:$0x3FBB];
	_ =	sdelay $0x3  }
0x37: {  	[smem:$0x3FBB] =	sst s10  }
0x38: {  	s10 =	sld [smem:$0x3FBC]  }
0x39: {  	_ = 	snop;
	(pc) =	sbr.ind lr, $3  }
0x3a: {  	_ = 	snop  }
0x3b: {  	_ = 	snop  }
0x3c: {  	p2 =	seq.s32 s10, $0x1;
	s10 =	sld [smem:$0x3FBB]  }
0x3d: {  	_ =	shalt  }
0x3e: {  	_ =	shalt  }
0x3f: {  	_ =	shalt  }
0x40: {  	_ =	shalt  }
0x41: {  	_ =	shalt  }
0x42: {  	_ =	shalt  }
0x43: {  	_ =	shalt  }
0x44: {  	_ =	shalt  }
0x45: {  	_ =	shalt  }
0x46: {  	_ =	shalt  }
0x47: {  	_ =	shalt  }
0x48: {  	_ =	shalt  }
0x49: {  	_ =	shalt  }
0x4a: {  	_ =	shalt  }
0x4b: {  	_ =	shalt  }
0x4c: {  	_ =	shalt  }
0x4d: {  	_ =	shalt  }
0x4e: {  	_ =	shalt  }
0x4f: {  	_ =	shalt  }
0x50: {  	_ =	shalt  }
0x51: {  	_ =	shalt  }
0x52: {  	_ =	shalt  }
0x53: {  	_ =	shalt  }
0x54: {  	_ =	shalt  }
0x55: {  	_ =	shalt  }
0x56: {  	_ =	shalt  }
0x57: {  	_ =	shalt  }
0x58: {  	_ =	shalt  }
0x59: {  	_ =	shalt  }
0x5a: {  	_ =	shalt  }
0x5b: {  	_ =	shalt  }
0x5c: {  	_ =	shalt  }
0x5d: {  	_ =	shalt  }
0x5e: {  	_ =	shalt  }
0x5f: {  	_ =	shalt  }
0x60: {  	_ =	shalt  }
0x61: {  	_ =	shalt  }
0x62: {  	_ =	shalt  }
0x63: {  	_ =	shalt  }
0x64: {  	_ =	shalt  }
0x65: {  	_ =	shalt  }
0x66: {  	_ =	shalt  }
0x67: {  	_ =	shalt  }
0x68: {  	_ =	shalt  }
0x69: {  	_ =	shalt  }
0x6a: {  	_ =	shalt  }
0x6b: {  	_ =	shalt  }
0x6c: {  	_ =	shalt  }
0x6d: {  	_ =	shalt  }
0x6e: {  	_ =	shalt  }
0x6f: {  	_ =	shalt  }
0x70: {  	_ =	shalt  }
0x71: {  	_ =	shalt  }
0x72: {  	_ =	shalt  }
0x73: {  	_ =	shalt  }
0x74: {  	_ =	shalt  }
0x75: {  	_ =	shalt  }
0x76: {  	_ =	shalt  }
0x77: {  	_ =	shalt  }
0x78: {  	_ =	shalt  }
0x79: {  	_ =	shalt  }
0x7a: {  	_ =	shalt  }
0x7b: {  	_ =	shalt  }
0x7c: {  	_ =	shalt  }
0x7d: {  	_ =	shalt  }
0x7e: {  	_ =	shalt  }
0x7f: {  	_ =	shalt  }
0x80: {  	_ =	shalt  }
0x81: {  	_ =	shalt  }
0x82: {  	_ =	shalt  }
0x83: {  	_ =	shalt  }
0x84: {  	_ =	shalt  }
0x85: {  	_ =	shalt  }
0x86: {  	_ =	shalt  }
0x87: {  	_ =	shalt  }
.Lfunc_end0:
.L_simem_size_0:
called_computation_lowered:
.L_overlay_start_0:
0x88: {  	s2 =	sld [smem:$0x3FD9]  }
0x89: {  	s3 =	sld [smem:$0x3FFE];
	_ =	sdelay $0x1  }
0x8a: {  	s1 =	srdreg.scid  }
0x8b: {  	s0 =	sand.u32 $0x1, s1  }
0x8c: {  	s18 =	sshll.u32 s0, $0xA;
	s2 =	sadd.s32 s3, s2  }
0x8d: {  	s2 =	sadd.s32 s2, s18  }
0x8e: {  	[smem:$0x3FC7] =	sst s2  }
0x8f: {  	_ = 	snop  }
0x90: {  	s2 =	sld [smem:$0x3FC9]  }
0x91: {  	s19 =	sld [smem:$0x3FD0];
	(tm) =	ssettm $0x1  }
0x92: {  	s4 =	sld [smem:$0x3FFB];
	_ =	sdelay $0x3  }
0x93: {  	_ =	strace s4  }
0x94: {  	s4 =	sld [smem:$0x3FFC];
	_ =	sdelay $0x3  }
0x95: {  	_ =	strace s4  }
0x96: {  	s4 =	sld [smem:$0x3FFD];
	_ =	sdelay $0x3  }
0x97: {  	_ =	strace s4  }
0x98: {  	_ =	strace $0x8FFFFFFF  }
0x99: {  	s20 =	sld [smem:$0x3FDB];
	_ =	sdelay $0x1  }
0x9a: {  	s5 =	simm.s32 $_scs_section_size  }
0x9b: {  	s6 =	simm.s32 $_size__tile_overlayer_lowered;
	s7 =	simm.s32 $_tile_overlayer_lowered  }
0x9c: {  	s23 =	simm.s32 $0x1BFF;
	s22 =	sshll.u32 s7, $0x1;
	s4 =	sadd.s32 s5, s20  }
0x9d: {  	s8 =	simm.s32 $0x0;
	s21 =	sshll.u32 s6, $0x1;
	s6 =	sadd.s32 s22, s4  }
0x9e: {  	[timem:s8], [sflag:s23] =	dma.local [hbm:s6], s21  }
0x9f: {  	_ =	swait.ge [sflag:s23], s21  }
0xa0: {  	s5 =	ssub.s32 $0x0, s21;
	[sflag:s23] =	ssyncset.done $0x0  }
0xa1: {  	[sflag:s23] =	ssyncadd.s32 s5;
	_ =	sdelay $0x1  }
0xa2: {  	s24 =	simm.s32 $0x1B8B  }
0xa3: {  	_ =	swait.ge [sflag:s24], $0x1  }
0xa4: {  	[sflag:s24] =	ssyncset.done $0x0  }
0xa5: {  	s25 =	simm.s32 $0x1B8E;
	[sflag:s24] =	ssyncadd.s32 $0xFFFFFFFF  }
0xa6: {  	s26 =	simm.s32 $execute0_lowered;
	[smem:$0x3FD2] =	sst s25  }
0xa7: {  	s5 =	sshll.u32 s26, $0x1;
	_ =	strace $0x80000046;
	[dreg:$0x1] =	wrdreg $0xFFFFFFFF  }
0xa8: {  	s28 =	simm.s32 $_size_execute0_lowered;
	s4 =	sadd.s32 s4, s5;
	[dreg:$0x0] =	wrdreg $0x0  }
0xa9: {  	s5 =	sshll.u32 s28, $0x1;
	[dreg:$0x2] =	wrdreg s4  }
0xaa: {  	[dreg:$0x3] =	wrdreg s5  }
0xab: {  	[dreg:$0x4] =	wrdreg $0xC0  }
0xac: {  	_ =	task [dreg:s8], $0x5FFFF  }
0xad: {  	[dreg:$0x1] =	wrdreg $0xFFFFFFFF  }
0xae: {  	[dreg:$0x0] =	wrdreg $0x60  }
0xaf: {  	[dreg:$0x2] =	wrdreg s2  }
0xb0: {  	[dreg:$0x3] =	wrdreg s19  }
0xb1: {  	[dreg:$0x4] =	wrdreg $0x9  }
0xb2: {  	_ =	task.clear_ibuf [dreg:s8], $0x5FFFF;
	_ =	strace $0x90000046  }
0xb3: {  	s29 =	simm.s32 $0x9;
	_ =	strace $0x80000048  }
0xb4: {  	_ =	swait.ge [sflag:s29], $0x1  }
0xb5: {  	[sflag:s29] =	ssyncadd.s32 $0xFFFFFFFF  }
0xb6: {  	_ =	strace $0x90000048  }
0xb7: {  	_ =	sfence  }
0xb8: {  	s30 =	sld [smem:$0x0];
	_ =	sdelay $0x2  }
0xb9: {  	s31 =	sshll.u32 s1, $0xD;
	s1 =	sshrl.u32 s1, $0x2  }
0xba: {  	s3 =	sand.u32 $0x4000, s31;
	s1 =	sadd.s32 s1, s30  }
0xbb: {  	s0 =	sor.u32 s3, s0;
	s1 =	sshll.u32 s1, $0x11  }
0xbc: {  	s0 =	sor.u32 s1, s0  }
0xbd: {  	s0 =	sadd.s32 $0x8F2B, s0  }
0xbe: {  	[sflag:s0] =	ssyncadd.remote.s32 $0x1  }
0xbf: {  	_ =	sfence.sel $0xFFFF  }
0xc0: {  	[dreg:$0x0] =	wrdreg $0xFFFFFFFF;
	(pc) =	sbr.abs _section_cstart, $3  }
0xc1: {  	[dreg:$0x1] =	wrdreg $0xFFFFFFFF  }
0xc2: {  	_ =	task.clear_ibuf [dreg:s8], $0x2FFFF;
	_ =	strace $0x9FFFFFFF  }
0xc3: {  	(tm) =	ssettm $0x7FFFFFFF  }
tec
execute0_lowered:
.L_overlay_start_1:
0x0: {  	(tag) =	ssettag $0x1  }
0x1: {  	s3 =	rddreg [dreg:$0x0]  }
0x2: {  	s7 =	rddreg [dreg:$0x1]  }
0x3: {  	s0 =	rddreg [dreg:$0x2];
	s4 =	srdreg.scid;
	s2 =	simm.s32 $0x0  }
0x4: {  	s1 =	stileid.u32;
	s11 =	simm.s32 $0x1;
	s12 =	simm.s32 $0x8000  }
0x5: {  	s13 =	simm.s32 $0x10000;
	s14 =	simm.s32 $0x10180;
	s15 =	simm.s32 $0x18200  }
0x6: {  	s16 =	simm.s32 $0x2;
	s17 =	simm.s32 $0x18208;
	s18 =	simm.s32 $0x18210  }
0x7: {  	v6 =	vlaneseq.u32;
	s19 =	simm.s32 $0x18218;
	s20 =	simm.s32 $0x3;
	s21 =	simm.s32 $0x0  }
0x8: {  	s6 =	sand.u32 $0x1, s4;
	s8 =	sshll.u32 s1, $0xF;
	[smem:$0x7FF] =	sst s2;
	v0 =	vor.u32 $0x20, v6  }
0x9: {  	s10 =	sshll.u32 s1, $0x3;
	s4 =	ssub.s32 $0x2, s6;
	_ =	strace $0x80000047;
	[tilespmem:$0x1FFA0] =	vst v0;
	v0 =	vor.u32 $0x30, v6  }
.Ltmp0:
0xa: {  	s5 =	sshll.u32 s6, $0x6;
	s31 =	sshll.u32 s6, $0x2;
	[tilespmem:$0x1FFB0] =	vst v0;
	v0 =	vor.u32 $0x40, v6;
	(pc) =	sbr.rel .LBB2_1-.Ltmp0, $4  }
0xb: {  	s9 =	sshrl.u32 s4, $0x1;
	s5 =	sor.u32 s5, s8;
	s7 =	sadd.s32 s7, s31;
	[tilespmem:$0x1FFC0] =	vst v0;
	v0 =	vor.u32 $0x50, v6  }
0xc: {  	s30 =	ssub.s32 s4, s9;
	s3 =	sadd.s32 s3, s5;
	s7 =	sadd.s32 s10, s7;
	[tilespmem:$0x1FFD0] =	vst v0;
	v0 =	vor.u32 $0x60, v6  }
0xd: {  	s9 =	simm.s32 $0x80;
	s10 =	simm.s32 $0x400;
	s4 =	sadd.s32 $0x10, s3;
	[tilespmem:$0x1FFE0] =	vst v0;
	v0 =	vor.u32 $0x70, v6  }
0xe: {  	vm0 =	vcmask $0x3F3C;
	v1 =	vimm.s32 $0x0;
	v8 =	vor.u32 $0x10, v6;
	s5 =	sadd.s32 $0x20, s3;
	s6 =	sadd.s32 $0x30, s3;
	s8 =	smax.u32 s30, $0x1;
	[tilespmem:$0x1FFF0] =	vst v0  }
.LBB2_37:
0xf: {  	_ = 	snop  }
.LBB2_40:
0x10: {  	v2, _, _ =	vpop @p0 (xrf1)  }
0x11: {  	v2 =	vmax.f32 @p0 v2, v13  }
0x12: {  	(xrf1) =	vsort.dscd.msk.f32 @p0 $0xffff, v2, v2;
	_ =	sdelay $0x2  }
0x13: {  	(xrf1) =	vsort.dscd.msk.f32 $0xffff, v11, v11;
	_ =	sdelay $0xa  }
0x14: {  	v3 =	vadd.s32 $0xF, v10;
	v2, _, _ =	vpop @p0 (xrf1)  }
0x15: {  	v2 =	vpsel p0, v2, v9  }
0x16: {  	v2 =	vperm.xlane v2, v3  }
0x17: {  	v3, _, _ =	vpop (xrf1)  }
0x18: {  	v2 =	vmax.f32 v3, v2  }
0x19: {  	(xrf1) =	vsort.dscd.msk.f32 $0xffff, v2, v2;
	_ =	sdelay $0xd  }
0x1a: {  	v9, _, _ =	vpop (xrf1)  }
.LBB2_41:
0x1b: {  	s21 =	sadd.s32 $0x1, s21  }
0x1c: {  	p0 =	sne.s32 s21, s8  }
.Ltmp1:
0x1d: {  	[tilespmem:s19+$0x0] =	vst.msk $0xff, v9;
	(pc) =	sbr.rel @!p0 .LBB2_42-.Ltmp1, $4  }
0x1e: {  	[hbm4b:s7+s2] =	stream.linear.scatter [tilespmem:s15], [sflag:$0x3], $0x20, $0x38;
	[tilespmem:$0x18280] =	vst v63  }
0x1f: {  	_ =	swait.ge [sflag:s20], $0x20  }
0x20: {  	[sflag:s20] =	ssyncset.done $0x0  }
0x21: {  	[sflag:s20] =	ssyncadd.s32 $0xFFFFFFE0  }
.LBB2_1:
0x22: {  	[tilespmem:s2], [sflag:$0x1] =	stream.strided.gather [hbm4b:s3+s9], $0x8000, s10, s9, $0x38;
	[tilespmem:$0x18280] =	vst v63  }
0x23: {  	_ =	swait.ge [sflag:s11], $0x8000  }
0x24: {  	[sflag:s11] =	ssyncset.done $0x0  }
0x25: {  	s22 =	simm.s32 $0x200;
	[sflag:s11] =	ssyncadd.s32 $0xFFFF8000  }
0x26: {  	[tilespmem:s12], [sflag:$0x2] =	stream.strided.gather [hbm4b:s4+s9], $0x8000, s10, s9, $0x38;
	[tilespmem:$0x18280] =	vst v63  }
0x27: {  	v9 =	vld [tilespmem:s22+$0xFFFFFEC0]  }
0x28: {  	v11 =	vld [tilespmem:s22+$0xFFFFFED0]  }
0x29: {  	v10 =	vld [tilespmem:s22+$0xFFFFFEE0]  }
0x2a: {  	v12 =	vld [tilespmem:s22+$0xFFFFFEF0]  }
0x2b: {  	v13 =	vld [tilespmem:s22+$0xFFFFFFC0]  }
0x2c: {  	v14 =	vld [tilespmem:s22+$0xFFFFFFD0]  }
0x2d: {  	v15 =	vld [tilespmem:s22+$0xFFFFFFE0]  }
0x2e: {  	v16 =	vld [tilespmem:s22+$0xFFFFFFF0]  }
0x2f: {  	v17 =	vld [tilespmem:s22+$0xC0]  }
0x30: {  	v18 =	vld [tilespmem:s22+$0xD0]  }
0x31: {  	v19 =	vld [tilespmem:s22+$0xE0]  }
0x32: {  	v22 =	vld [tilespmem:s22+$0xFFFFFE80]  }
0x33: {  	v23 =	vld [tilespmem:s22+$0xFFFFFE90]  }
0x34: {  	v25 =	vld [tilespmem:s22+$0xFFFFFEA0]  }
0x35: {  	v24 =	vld [tilespmem:s22+$0xFFFFFEB0]  }
0x36: {  	v26 =	vld [tilespmem:s22+$0xFFFFFF80]  }
0x37: {  	v28 =	vld [tilespmem:s22+$0xFFFFFF90]  }
0x38: {  	v29 =	vld [tilespmem:s22+$0xFFFFFFA0]  }
0x39: {  	v31 =	vld [tilespmem:s22+$0xFFFFFFB0]  }
0x3a: {  	v32 =	vld [tilespmem:s22+$0x80]  }
0x3b: {  	v30 =	vld [tilespmem:s22+$0x90]  }
0x3c: {  	v27 =	vld [tilespmem:s22+$0xFFFFFE00]  }
0x3d: {  	v34 =	vld [tilespmem:s22+$0xFFFFFE10]  }
0x3e: {  	v35 =	vld [tilespmem:s22+$0xFFFFFE20]  }
0x3f: {  	v36 =	vld [tilespmem:s22+$0xFFFFFE30]  }
0x40: {  	v33 =	vld [tilespmem:s22+$0xFFFFFE40]  }
0x41: {  	v38 =	vld [tilespmem:s22+$0xFFFFFE50]  }
0x42: {  	v39 =	vld [tilespmem:s22+$0xFFFFFE60]  }
0x43: {  	v40 =	vld [tilespmem:s22+$0xFFFFFE70]  }
0x44: {  	v41 =	vld [tilespmem:s22+$0xFFFFFF00]  }
0x45: {  	v42 =	vld [tilespmem:s22+$0xFFFFFF10]  }
0x46: {  	v43 =	vld [tilespmem:s22+$0xFFFFFF20]  }
0x47: {  	v48 =	vld [tilespmem:s22+$0xFFFFFF30]  }
0x48: {  	v46 =	vld [tilespmem:s22+$0xFFFFFF40]  }
0x49: {  	v47 =	vld [tilespmem:s22+$0xFFFFFF50]  }
0x4a: {  	v49 =	vld [tilespmem:s22+$0xFFFFFF60]  }
0x4b: {  	v50 =	vld [tilespmem:s22+$0xFFFFFF70]  }
0x4c: {  	v51 =	vld [tilespmem:s22+$0x0]  }
0x4d: {  	v52 =	vld [tilespmem:s22+$0x10]  }
0x4e: {  	v53 =	vld [tilespmem:s22+$0x20]  }
0x4f: {  	v54 =	vld [tilespmem:s22+$0x30]  }
0x50: {  	v55 =	vld [tilespmem:s22+$0x40]  }
0x51: {  	v56 =	vld [tilespmem:s22+$0x50]  }
0x52: {  	v57 =	vld [tilespmem:s22+$0x60]  }
0x53: {  	v58 =	vld [tilespmem:s22+$0x70]  }
0x54: {  	v59 =	vld [tilespmem:s22+$0x100]  }
0x55: {  	v60 =	vld [tilespmem:s22+$0x110]  }
0x56: {  	v61 =	vld [tilespmem:s22+$0x120]  }
0x57: {  	v62 =	vld [tilespmem:s22+$0x130]  }
0x58: {  	v21 =	vmov s2;
	v63 =	vld [tilespmem:s22+$0x140]  }
0x59: {  	v20 =	vimm.f32 $-Inf;
	s23 =	simm.s32 $0x1;
	s24 =	simm.s32 $0x2;
	v21 =	vand.u32 $0xFFFFFFFC, v21;
	v2 =	vld [tilespmem:s22+$0x150]  }
0x5a: {  	v44 =	vmov s23;
	v45 =	vmov s24;
	v21 =	vbroadcast v21, $0x0;
	v3 =	vld [tilespmem:s22+$0x160]  }
0x5b: {  	v4 =	vld [tilespmem:s22+$0x170];
	v37 =	vmax.f32 v27, v33;
	v33 =	vand.u32 $0xFFFFFFFD, v44;
	v27 =	vand.u32 $0xFFFFFFFE, v45  }
0x5c: {  	v44 =	vmax.f32 v34, v38;
	v45 =	vmax.f32 v35, v39;
	v39 =	vmax.f32 v36, v40;
	v34 =	vld [tilespmem:s22+$0xA0]  }
0x5d: {  	v46 =	vmax.f32 v41, v46;
	v47 =	vmax.f32 v42, v47;
	v40 =	vmax.f32 v43, v49;
	v35 =	vld [tilespmem:s22+$0xB0]  }
0x5e: {  	v48 =	vmax.f32 v48, v50;
	v49 =	vmax.f32 v51, v55;
	v41 =	vmax.f32 v52, v56;
	v36 =	vld [tilespmem:s22+$0x180]  }
0x5f: {  	v50 =	vmax.f32 v53, v57;
	v51 =	vmax.f32 v54, v58;
	v42 =	vmax.f32 v59, v63;
	v43 =	vld [tilespmem:s22+$0x190]  }
0x60: {  	s24 =	simm.s32 $0x4;
	s23 =	simm.s32 $0x0;
	v52 =	vmax.f32 v60, v2;
	v53 =	vmax.f32 v61, v3;
	v38 =	vmax.f32 v62, v4;
	v54 =	vld [tilespmem:s22+$0x1A0]  }
.LBB2_2:
0x61: {  	p0 =	slt.u32 s24, $0x7C;
	v2 =	vmax.f32 v37, v22;
	v3 =	vmax.f32 v44, v23;
	v4 =	vmax.f32 v45, v25;
	v22 =	vld [tilespmem:s22+$0x1B0]  }
0x62: {  	v23 =	vmax.f32 v39, v24;
	v24 =	vmax.f32 v46, v26;
	v25 =	vmax.f32 v47, v28;
	v26 =	vld [tilespmem:s22+$0xF0]  }
0x63: {  	v28 =	vmax.f32 v40, v29;
	v29 =	vmax.f32 v48, v31;
	v31 =	vmax.f32 v49, v32;
	v32 =	vld [tilespmem:s22+$0x1C0]  }
0x64: {  	v30 =	vmax.f32 v41, v30;
	v34 =	vmax.f32 v50, v34;
	v35 =	vmax.f32 v51, v35;
	v37 =	vld [tilespmem:s22+$0x1D0]  }
0x65: {  	v36 =	vmax.f32 v42, v36;
	v39 =	vmax.f32 v52, v43;
	v40 =	vmax.f32 v53, v54;
	v41 =	vld [tilespmem:s22+$0x1E0]  }
0x66: {  	v2 =	vmax.f32 v2, v9;
	v3 =	vmax.f32 v3, v11;
	v22 =	vmax.f32 v38, v22;
	v38 =	vld [tilespmem:s22+$0x1F0];
	s22 =	sadd.s32 $0x400, s22  }
0x67: {  	v4 =	vmax.f32 v4, v10;
	v23 =	vmax.f32 v23, v12;
	v24 =	vmax.f32 v24, v13;
	v9 =	vld [tilespmem:s22+$0xFFFFFEC0]  }
0x68: {  	v25 =	vmax.f32 v25, v14;
	v15 =	vmax.f32 v28, v15;
	v16 =	vmax.f32 v29, v16;
	v11 =	vld [tilespmem:s22+$0xFFFFFED0]  }
0x69: {  	v17 =	vmax.f32 v31, v17;
	v18 =	vmax.f32 v30, v18;
	v19 =	vmax.f32 v34, v19;
	v10 =	vld [tilespmem:s22+$0xFFFFFEE0]  }
0x6a: {  	v26 =	vmax.f32 v35, v26;
	v28 =	vmax.f32 v36, v32;
	v29 =	vmax.f32 v39, v37;
	v12 =	vld [tilespmem:s22+$0xFFFFFEF0]  }
0x6b: {  	v2 =	vmax.f32 v2, v3;
	v3 =	vmax.f32 v40, v41;
	v13 =	vld [tilespmem:s22+$0xFFFFFFC0];
	v22 =	vmax.f32 v22, v38  }
0x6c: {  	v4 =	vmax.f32 v4, v23;
	v23 =	vmax.f32 v24, v25;
	v24 =	vmax.f32 v15, v16;
	v14 =	vld [tilespmem:s22+$0xFFFFFFD0]  }
0x6d: {  	v2 =	vmax.f32 v2, v4;
	v4 =	vmax.f32 v17, v18;
	v18 =	vmax.f32 v19, v26;
	v15 =	vld [tilespmem:s22+$0xFFFFFFE0]  }
0x6e: {  	v19 =	vmax.f32 v20, v2;
	v20 =	vmax.f32 v23, v24;
	v23 =	vmax.f32 v28, v29;
	v16 =	vld [tilespmem:s22+$0xFFFFFFF0];
	(xrf0) =	vmax.scan.msk.f32 $0xffff, v2  }
0x6f: {  	v4 =	vmax.f32 v4, v18;
	v3 =	vmax.f32 v3, v22;
	v2 =	vmax.f32 v19, v20;
	v17 =	vld [tilespmem:s22+$0xC0];
	(xrf0) =	vmax.scan.msk.f32 $0xffff, v20  }
0x70: {  	v28 =	vbroadcast v33, $0x0;
	v3 =	vmax.f32 v23, v3;
	v2 =	vmax.f32 v2, v4;
	v18 =	vld [tilespmem:s22+$0xD0];
	(xrf0) =	vmax.scan.msk.f32 $0xffff, v4  }
0x71: {  	v4 =	vbroadcast v27, $0x0;
	v20 =	vmax.f32 v2, v3;
	v19 =	vld [tilespmem:s22+$0xE0];
	(xrf0) =	vmax.scan.msk.f32 $0xffff, v3  }
0x72: {  	s25 =	sadd.s32 $0x3, s23;
	s23 =	smov.u32 s24;
	v22 =	vld [tilespmem:s22+$0xFFFFFE80]  }
0x73: {  	v2 =	vmov s25;
	v23 =	vld [tilespmem:s22+$0xFFFFFE90]  }
0x74: {  	v25 =	vld [tilespmem:s22+$0xFFFFFEA0];
	v3, _, _ =	vpop (xrf0)  }
0x75: {  	v24 =	vld [tilespmem:s22+$0xFFFFFEB0];
	[tilespmem:v21+s13+$0x0] =	vst.idx.msk vm0, v3;
	v3, _, _ =	vpop (xrf0)  }
0x76: {  	v26 =	vld [tilespmem:s22+$0xFFFFFF80];
	[tilespmem:v28+s13+$0x0] =	vst.idx.msk vm0, v3;
	v3, _, _ =	vpop (xrf0)  }
0x77: {  	v28 =	vld [tilespmem:s22+$0xFFFFFF90];
	[tilespmem:v4+s13+$0x0] =	vst.idx.msk vm0, v3;
	v3, _, _ =	vpop (xrf0)  }
0x78: {  	v29 =	vld [tilespmem:s22+$0xFFFFFFA0];
	[tilespmem:v2+s13+$0x0] =	vst.idx.msk vm0, v3  }
0x79: {  	v31 =	vld [tilespmem:s22+$0xFFFFFFB0]  }
0x7a: {  	v32 =	vld [tilespmem:s22+$0x80]  }
0x7b: {  	v30 =	vld [tilespmem:s22+$0x90]  }
0x7c: {  	v2 =	vld [tilespmem:s22+$0xFFFFFE00]  }
0x7d: {  	v3 =	vld [tilespmem:s22+$0xFFFFFE10]  }
0x7e: {  	v4 =	vld [tilespmem:s22+$0xFFFFFE20]  }
0x7f: {  	v34 =	vld [tilespmem:s22+$0xFFFFFE30]  }
0x80: {  	v27 =	vld [tilespmem:s22+$0xFFFFFE40]  }
0x81: {  	v35 =	vld [tilespmem:s22+$0xFFFFFE50]  }
0x82: {  	v36 =	vld [tilespmem:s22+$0xFFFFFE60]  }
0x83: {  	v38 =	vld [tilespmem:s22+$0xFFFFFE70]  }
0x84: {  	v40 =	vld [tilespmem:s22+$0xFFFFFF00]  }
0x85: {  	v41 =	vld [tilespmem:s22+$0xFFFFFF10]  }
0x86: {  	v42 =	vld [tilespmem:s22+$0xFFFFFF20]  }
0x87: {  	v43 =	vld [tilespmem:s22+$0xFFFFFF30]  }
0x88: {  	v46 =	vld [tilespmem:s22+$0xFFFFFF40]  }
0x89: {  	v47 =	vld [tilespmem:s22+$0xFFFFFF50]  }
0x8a: {  	v48 =	vld [tilespmem:s22+$0xFFFFFF60]  }
0x8b: {  	v49 =	vld [tilespmem:s22+$0xFFFFFF70]  }
0x8c: {  	v50 =	vld [tilespmem:s22+$0x0]  }
0x8d: {  	v51 =	vld [tilespmem:s22+$0x10]  }
0x8e: {  	v52 =	vld [tilespmem:s22+$0x20]  }
0x8f: {  	v53 =	vld [tilespmem:s22+$0x30]  }
0x90: {  	v54 =	vld [tilespmem:s22+$0x40]  }
0x91: {  	v55 =	vld [tilespmem:s22+$0x50]  }
0x92: {  	v56 =	vld [tilespmem:s22+$0x60]  }
0x93: {  	v57 =	vld [tilespmem:s22+$0x70]  }
0x94: {  	v58 =	vld [tilespmem:s22+$0x100]  }
0x95: {  	v59 =	vld [tilespmem:s22+$0x110]  }
0x96: {  	v60 =	vld [tilespmem:s22+$0x120]  }
0x97: {  	v61 =	vld [tilespmem:s22+$0x130]  }
0x98: {  	v21 =	vmov s24;
	v62 =	vld [tilespmem:s22+$0x140]  }
0x99: {  	s26 =	sadd.s32 $0x2, s24;
	s25 =	sadd.s32 $0x1, s24;
	v21 =	vand.u32 $0xFFFFFFFC, v21;
	v63 =	vld [tilespmem:s22+$0x150]  }
0x9a: {  	v39 =	vmov s26;
	v33 =	vmov s25;
	v21 =	vbroadcast v21, $0x0;
	v5 =	vld [tilespmem:s22+$0x160]  }
0x9b: {  	v33 =	vand.u32 $0xFFFFFFFD, v33;
	v37 =	vmax.f32 v2, v27;
	v27 =	vand.u32 $0xFFFFFFFE, v39;
	v2 =	vld [tilespmem:s22+$0x170]  }
.Ltmp2:
0x9c: {  	v44 =	vmax.f32 v3, v35;
	v45 =	vmax.f32 v4, v36;
	v39 =	vmax.f32 v34, v38;
	v34 =	vld [tilespmem:s22+$0xA0];
	(pc) =	sbr.rel @p0 .LBB2_2-.Ltmp2, $4  }
0x9d: {  	v46 =	vmax.f32 v40, v46;
	v47 =	vmax.f32 v41, v47;
	v40 =	vmax.f32 v42, v48;
	v35 =	vld [tilespmem:s22+$0xB0]  }
0x9e: {  	v48 =	vmax.f32 v43, v49;
	v49 =	vmax.f32 v50, v54;
	v41 =	vmax.f32 v51, v55;
	v36 =	vld [tilespmem:s22+$0x180]  }
0x9f: {  	v50 =	vmax.f32 v52, v56;
	v51 =	vmax.f32 v53, v57;
	v42 =	vmax.f32 v58, v62;
	v43 =	vld [tilespmem:s22+$0x190]  }
0xa0: {  	s24 =	sadd.s32 $0x4, s24;
	v52 =	vmax.f32 v59, v63;
	v53 =	vmax.f32 v60, v5;
	v38 =	vmax.f32 v61, v2;
	v54 =	vld [tilespmem:s22+$0x1A0]  }
0xa1: {  	v2 =	vmax.f32 v37, v22;
	v3 =	vmax.f32 v44, v23;
	v4 =	vmax.f32 v45, v25  }
0xa2: {  	v60 =	vmax.f32 v39, v24;
	v61 =	vmax.f32 v46, v26;
	v62 =	vmax.f32 v47, v28  }
0xa3: {  	v44 =	vmax.f32 v40, v29;
	v45 =	vmax.f32 v48, v31;
	v46 =	vmax.f32 v49, v32  }
0xa4: {  	v5 =	vld [tilespmem:s22+$0x1B0];
	v30 =	vmax.f32 v41, v30;
	v48 =	vmax.f32 v50, v34;
	v49 =	vmax.f32 v51, v35  }
0xa5: {  	v63 =	vld [tilespmem:s22+$0xF0];
	v2 =	vmax.f32 v2, v9;
	v3 =	vmax.f32 v3, v11;
	v4 =	vmax.f32 v4, v10  }
0xa6: {  	v47 =	vld [tilespmem:s22+$0x1C0];
	v10 =	vmax.f32 v60, v12;
	v11 =	vmax.f32 v61, v13;
	v55 =	vmax.f32 v44, v15  }
0xa7: {  	v50 =	vld [tilespmem:s22+$0x1D0];
	v56 =	vmax.f32 v45, v16;
	v57 =	vmax.f32 v46, v17;
	v58 =	vmax.f32 v30, v18  }
0xa8: {  	v9 =	vld [tilespmem:s22+$0x1F0];
	v59 =	vmax.f32 v48, v19;
	v36 =	vmax.f32 v42, v36;
	v2 =	vmax.f32 v2, v3  }
0xa9: {  	v4 =	vmax.f32 v4, v10;
	v51 =	vmax.f32 v52, v43;
	v52 =	vmax.f32 v53, v54;
	v53 =	vld [tilespmem:s22+$0x1E0]  }
0xaa: {  	v10 =	vmax.f32 v55, v56;
	v2 =	vmax.f32 v2, v4;
	v4 =	vmax.f32 v57, v58  }
0xab: {  	v54 =	vmax.f32 v62, v14;
	v5 =	vmax.f32 v38, v5;
	v60 =	vmax.f32 v49, v63  }
0xac: {  	v61 =	vmax.f32 v36, v47;
	v62 =	vmax.f32 v51, v50;
	v63 =	vmax.f32 v20, v2  }
0xad: {  	v5 =	vmax.f32 v5, v9;
	v9 =	vmax.f32 v11, v54;
	v11 =	vmax.f32 v59, v60  }
0xae: {  	v9 =	vmax.f32 v9, v10;
	v10 =	vmax.f32 v61, v62;
	v3 =	vmax.f32 v52, v53  }
0xaf: {  	v4 =	vmax.f32 v4, v11;
	v12 =	vmax.f32 v63, v9;
	v3 =	vmax.f32 v3, v5  }
0xb0: {  	v5 =	vmax.f32 v12, v4;
	v3 =	vmax.f32 v10, v3  }
0xb1: {  	v5 =	vmax.f32 v5, v3  }
0xb2: {  	(xrf1) =	vsort.dscd.msk.f32 $0xffff, v5, v5  }
0xb3: {  	(xrf0) =	vmax.scan.msk.f32 $0xffff, v2  }
0xb4: {  	(xrf0) =	vmax.scan.msk.f32 $0xffff, v9  }
0xb5: {  	v2 =	vbroadcast v33, $0x0;
	(xrf0) =	vmax.scan.msk.f32 $0xffff, v4  }
0xb6: {  	v4 =	vbroadcast v27, $0x0;
	(xrf0) =	vmax.scan.msk.f32 $0xffff, v3  }
0xb7: {  	s31 =	sadd.s32 $0x3, s23  }
0xb8: {  	v3 =	vmov s31  }
0xb9: {  	v5, _, _ =	vpop (xrf0)  }
0xba: {  	[tilespmem:v21+s13+$0x0] =	vst.idx.msk vm0, v5;
	v5, _, _ =	vpop (xrf0)  }
0xbb: {  	[tilespmem:v2+s13+$0x0] =	vst.idx.msk vm0, v5;
	v2, _, _ =	vpop (xrf0)  }
0xbc: {  	[tilespmem:v4+s13+$0x0] =	vst.idx.msk vm0, v2;
	v2, _, _ =	vpop (xrf0)  }
0xbd: {  	[tilespmem:v3+s13+$0x0] =	vst.idx.msk vm0, v2  }
0xbe: {  	v2 =	vld [tilespmem:$0x10000];
	_ =	sdelay $0x1  }
0xbf: {  	v3, _, _ =	vpop (xrf1)  }
0xc0: {  	v9 =	vbroadcast v3, $0x7;
	_ =	sdelay $0x1  }
0xc1: {  	vm1 =	vge.f32 v2, v9  }
0xc2: {  	v2 =	vsel vm1, $0x1, v1  }
0xc3: {  	(xrf0) =	vadd.scan.msk.s32 $0xffff, v2;
	_ =	sdelay $0x5  }
0xc4: {  	v2, _, _ =	vpop (xrf0)  }
0xc5: {  	v2 =	vadd.s32 $0xFFFFFFFF, v2;
	_ =	sdelay $0x3  }
0xc6: {  	s22 =	simm.s32 $0x10080  }
0xc7: {  	[tilespmem:v2+s22+$0x0] =	vst.idx.msk vm1, v6  }
0xc8: {  	v2 =	vld [tilespmem:$0x10010];
	_ =	sdelay $0x4  }
0xc9: {  	vm2 =	vge.f32 v2, v9  }
0xca: {  	v2 =	vsel vm2, $0x1, v1  }
0xcb: {  	(xrf0) =	vadd.scan.msk.s32 $0xffff, v2;
	_ =	sdelay $0x4  }
0xcc: {  	v2 =	vmpcnt.ones.xlane vm1  }
0xcd: {  	v3, _, _ =	vpop (xrf0)  }
0xce: {  	v3 =	vadd.s32 v3, v2  }
0xcf: {  	v3 =	vadd.s32 $0xFFFFFFFF, v3;
	_ =	sdelay $0x4  }
0xd0: {  	[tilespmem:v3+s22+$0x0] =	vst.idx.msk vm2, v8  }
0xd1: {  	v3 =	vld [tilespmem:$0x10020];
	_ =	sdelay $0x4  }
0xd2: {  	vm1 =	vge.f32 v3, v9  }
0xd3: {  	v3 =	vsel vm1, $0x1, v1  }
0xd4: {  	(xrf0) =	vadd.scan.msk.s32 $0xffff, v3;
	_ =	sdelay $0x1  }
0xd5: {  	v3 =	vmpcnt.ones.xlane vm2;
	_ =	sdelay $0x3  }
0xd6: {  	v2 =	vadd.s32 v2, v3;
	v3, _, _ =	vpop (xrf0)  }
0xd7: {  	v3 =	vadd.s32 v3, v2  }
0xd8: {  	v0 =	vld [tilespmem:$0x1FFA0];
	v3 =	vadd.s32 $0xFFFFFFFF, v3;
	_ =	sdelay $0x4  }
0xd9: {  	[tilespmem:v3+s22+$0x0] =	vst.idx.msk vm1, v0  }
0xda: {  	v3 =	vld [tilespmem:$0x10030];
	_ =	sdelay $0x4  }
0xdb: {  	vm2 =	vge.f32 v3, v9  }
0xdc: {  	v3 =	vsel vm2, $0x1, v1  }
0xdd: {  	(xrf0) =	vadd.scan.msk.s32 $0xffff, v3;
	_ =	sdelay $0x1  }
0xde: {  	v3 =	vmpcnt.ones.xlane vm1;
	_ =	sdelay $0x3  }
0xdf: {  	v2 =	vadd.s32 v2, v3;
	v3, _, _ =	vpop (xrf0)  }
0xe0: {  	v3 =	vadd.s32 v3, v2  }
0xe1: {  	v0 =	vld [tilespmem:$0x1FFB0];
	v3 =	vadd.s32 $0xFFFFFFFF, v3;
	_ =	sdelay $0x4  }
0xe2: {  	[tilespmem:v3+s22+$0x0] =	vst.idx.msk vm2, v0  }
0xe3: {  	v3 =	vld [tilespmem:$0x10040];
	_ =	sdelay $0x4  }
0xe4: {  	vm1 =	vge.f32 v3, v9  }
0xe5: {  	v3 =	vsel vm1, $0x1, v1  }
0xe6: {  	(xrf0) =	vadd.scan.msk.s32 $0xffff, v3;
	_ =	sdelay $0x1  }
0xe7: {  	v3 =	vmpcnt.ones.xlane vm2;
	_ =	sdelay $0x3  }
0xe8: {  	v2 =	vadd.s32 v2, v3;
	v3, _, _ =	vpop (xrf0)  }
0xe9: {  	v3 =	vadd.s32 v3, v2  }
0xea: {  	v0 =	vld [tilespmem:$0x1FFC0];
	v3 =	vadd.s32 $0xFFFFFFFF, v3;
	_ =	sdelay $0x4  }
0xeb: {  	[tilespmem:v3+s22+$0x0] =	vst.idx.msk vm1, v0  }
0xec: {  	v3 =	vld [tilespmem:$0x10050];
	_ =	sdelay $0x4  }
0xed: {  	vm2 =	vge.f32 v3, v9  }
0xee: {  	v3 =	vsel vm2, $0x1, v1  }
0xef: {  	(xrf0) =	vadd.scan.msk.s32 $0xffff, v3;
	_ =	sdelay $0x1  }
0xf0: {  	v3 =	vmpcnt.ones.xlane vm1;
	_ =	sdelay $0x3  }
0xf1: {  	v2 =	vadd.s32 v2, v3;
	v3, _, _ =	vpop (xrf0)  }
0xf2: {  	v3 =	vadd.s32 v3, v2  }
0xf3: {  	v0 =	vld [tilespmem:$0x1FFD0];
	v3 =	vadd.s32 $0xFFFFFFFF, v3;
	_ =	sdelay $0x4  }
0xf4: {  	[tilespmem:v3+s22+$0x0] =	vst.idx.msk vm2, v0  }
0xf5: {  	v3 =	vld [tilespmem:$0x10060];
	_ =	sdelay $0x4  }
0xf6: {  	vm1 =	vge.f32 v3, v9  }
0xf7: {  	v3 =	vsel vm1, $0x1, v1  }
0xf8: {  	(xrf0) =	vadd.scan.msk.s32 $0xffff, v3;
	_ =	sdelay $0x1  }
0xf9: {  	v3 =	vmpcnt.ones.xlane vm2;
	_ =	sdelay $0x3  }
0xfa: {  	v2 =	vadd.s32 v2, v3;
	v3, _, _ =	vpop (xrf0)  }
0xfb: {  	v3 =	vadd.s32 v3, v2  }
0xfc: {  	v0 =	vld [tilespmem:$0x1FFE0];
	v3 =	vadd.s32 $0xFFFFFFFF, v3;
	_ =	sdelay $0x4  }
0xfd: {  	[tilespmem:v3+s22+$0x0] =	vst.idx.msk vm1, v0  }
0xfe: {  	v3 =	vld [tilespmem:$0x10070];
	_ =	sdelay $0x4  }
0xff: {  	v4 =	vmpcnt.ones.xlane vm1;
	vm1 =	vge.f32 v3, v9  }
0x100: {  	v3 =	vmpcnt.ones.xlane vm1  }
0x101: {  	v2 =	vadd.s32 v2, v4  }
0x102: {  	v3 =	vadd.s32 v2, v3  }
0x103: {  	(v2sf) =	vpush v3, $0x0;
	_ =	sdelay $0x6  }
0x104: {  	v3 =	vsel vm1, $0x1, v1  }
0x105: {  	(xrf0) =	vadd.scan.msk.s32 $0xffff, v3;
	_ =	sdelay $0x5  }
0x106: {  	v3, _, _ =	vpop (xrf0)  }
0x107: {  	v2 =	vadd.s32 v3, v2;
	s23 =	spop (v2sf)  }
0x108: {  	v0 =	vld [tilespmem:$0x1FFF0];
	v2 =	vadd.s32 $0xFFFFFFFF, v2;
	p0 =	slt.s32 s23, $0x1  }
.Ltmp3:
0x109: {  	_ = 	snop;
	(pc) =	sbr.rel @p0 .LBB2_5-.Ltmp3, $2  }
0x10a: {  	_ =	sdelay $0x2  }
0x10b: {  	v10 =	vimm.s32 $0x0;
	[tilespmem:v2+s22+$0x0] =	vst.idx.msk vm1, v0  }
.LBB2_4:
0x10c: {  	v2 =	vld [tilespmem:s22+$0x0];
	_ =	sdelay $0x4  }
0x10d: {  	(v2sf) =	vpush v2, $0x0;
	_ =	sdelay $0xe  }
0x10e: {  	s24 =	spop (v2sf)  }
0x10f: {  	s24 =	sshll.u32 s24, $0xA  }
0x110: {  	s24 =	sshra.s32 s24, $0x2  }
0x111: {  	v2 =	vld [tilespmem:s24+$0x0];
	_ =	sdelay $0x4  }
0x112: {  	vm1 =	vge.f32 v2, v9  }
0x113: {  	v3 =	vsel vm1, $0x1, v1  }
0x114: {  	(xrf0) =	vadd.scan.msk.s32 $0xffff, v3;
	_ =	sdelay $0x5  }
0x115: {  	v3, _, _ =	vpop (xrf0)  }
0x116: {  	v3 =	vadd.s32 v3, v10  }
0x117: {  	v3 =	vadd.s32 $0xFFFFFFFF, v3;
	_ =	sdelay $0x4  }
0x118: {  	[tilespmem:v3+s14+$0x0] =	vst.idx.msk vm1, v2  }
0x119: {  	v2 =	vld [tilespmem:s24+$0x10];
	_ =	sdelay $0x4  }
0x11a: {  	vm2 =	vge.f32 v2, v9  }
0x11b: {  	v3 =	vsel vm2, $0x1, v1  }
0x11c: {  	(xrf0) =	vadd.scan.msk.s32 $0xffff, v3;
	_ =	sdelay $0x3  }
0x11d: {  	v3 =	vmpcnt.ones.xlane vm1;
	_ =	sdelay $0x1  }
0x11e: {  	v3 =	vadd.s32 v10, v3;
	v4, _, _ =	vpop (xrf0)  }
0x11f: {  	v4 =	vadd.s32 v4, v3  }
0x120: {  	v4 =	vadd.s32 $0xFFFFFFFF, v4;
	_ =	sdelay $0x4  }
0x121: {  	[tilespmem:v4+s14+$0x0] =	vst.idx.msk vm2, v2  }
0x122: {  	v2 =	vld [tilespmem:s24+$0x20];
	_ =	sdelay $0x4  }
0x123: {  	vm1 =	vge.f32 v2, v9  }
0x124: {  	v4 =	vsel vm1, $0x1, v1  }
0x125: {  	(xrf0) =	vadd.scan.msk.s32 $0xffff, v4;
	_ =	sdelay $0x1  }
0x126: {  	v4 =	vmpcnt.ones.xlane vm2;
	_ =	sdelay $0x3  }
0x127: {  	v3 =	vadd.s32 v3, v4;
	v4, _, _ =	vpop (xrf0)  }
0x128: {  	v4 =	vadd.s32 v4, v3  }
0x129: {  	v4 =	vadd.s32 $0xFFFFFFFF, v4;
	_ =	sdelay $0x4  }
0x12a: {  	[tilespmem:v4+s14+$0x0] =	vst.idx.msk vm1, v2  }
0x12b: {  	v2 =	vld [tilespmem:s24+$0x30];
	_ =	sdelay $0x4  }
0x12c: {  	vm2 =	vge.f32 v2, v9  }
0x12d: {  	v4 =	vsel vm2, $0x1, v1  }
0x12e: {  	(xrf0) =	vadd.scan.msk.s32 $0xffff, v4;
	_ =	sdelay $0x1  }
0x12f: {  	v4 =	vmpcnt.ones.xlane vm1;
	_ =	sdelay $0x3  }
0x130: {  	v3 =	vadd.s32 v3, v4;
	v4, _, _ =	vpop (xrf0)  }
0x131: {  	v4 =	vadd.s32 v4, v3  }
0x132: {  	v4 =	vadd.s32 $0xFFFFFFFF, v4;
	_ =	sdelay $0x4  }
0x133: {  	[tilespmem:v4+s14+$0x0] =	vst.idx.msk vm2, v2  }
0x134: {  	v2 =	vld [tilespmem:s24+$0x40];
	_ =	sdelay $0x4  }
0x135: {  	vm1 =	vge.f32 v2, v9  }
0x136: {  	v4 =	vsel vm1, $0x1, v1  }
0x137: {  	(xrf0) =	vadd.scan.msk.s32 $0xffff, v4;
	_ =	sdelay $0x1  }
0x138: {  	v4 =	vmpcnt.ones.xlane vm2;
	_ =	sdelay $0x3  }
0x139: {  	v3 =	vadd.s32 v3, v4;
	v4, _, _ =	vpop (xrf0)  }
0x13a: {  	v4 =	vadd.s32 v4, v3  }
0x13b: {  	v4 =	vadd.s32 $0xFFFFFFFF, v4;
	_ =	sdelay $0x4  }
0x13c: {  	[tilespmem:v4+s14+$0x0] =	vst.idx.msk vm1, v2  }
0x13d: {  	v2 =	vld [tilespmem:s24+$0x50];
	_ =	sdelay $0x4  }
0x13e: {  	vm2 =	vge.f32 v2, v9  }
0x13f: {  	v4 =	vsel vm2, $0x1, v1  }
0x140: {  	(xrf0) =	vadd.scan.msk.s32 $0xffff, v4;
	_ =	sdelay $0x1  }
0x141: {  	v4 =	vmpcnt.ones.xlane vm1;
	_ =	sdelay $0x3  }
0x142: {  	v3 =	vadd.s32 v3, v4;
	v4, _, _ =	vpop (xrf0)  }
0x143: {  	v4 =	vadd.s32 v4, v3  }
0x144: {  	v4 =	vadd.s32 $0xFFFFFFFF, v4;
	_ =	sdelay $0x4  }
0x145: {  	[tilespmem:v4+s14+$0x0] =	vst.idx.msk vm2, v2  }
0x146: {  	v2 =	vld [tilespmem:s24+$0x60];
	_ =	sdelay $0x4  }
0x147: {  	vm1 =	vge.f32 v2, v9  }
0x148: {  	v4 =	vsel vm1, $0x1, v1  }
0x149: {  	(xrf0) =	vadd.scan.msk.s32 $0xffff, v4;
	_ =	sdelay $0x1  }
0x14a: {  	v4 =	vmpcnt.ones.xlane vm2;
	_ =	sdelay $0x3  }
0x14b: {  	v3 =	vadd.s32 v3, v4;
	v4, _, _ =	vpop (xrf0)  }
0x14c: {  	v4 =	vadd.s32 v4, v3  }
0x14d: {  	v4 =	vadd.s32 $0xFFFFFFFF, v4;
	_ =	sdelay $0x4  }
0x14e: {  	[tilespmem:v4+s14+$0x0] =	vst.idx.msk vm1, v2  }
0x14f: {  	v2 =	vld [tilespmem:s24+$0x70];
	_ =	sdelay $0x4  }
0x150: {  	vm2 =	vge.f32 v2, v9  }
0x151: {  	v4 =	vsel vm2, $0x1, v1  }
0x152: {  	(xrf0) =	vadd.scan.msk.s32 $0xffff, v4;
	_ =	sdelay $0x1  }
0x153: {  	v4 =	vmpcnt.ones.xlane vm1;
	_ =	sdelay $0x3  }
0x154: {  	v3 =	vadd.s32 v3, v4;
	v4, _, _ =	vpop (xrf0)  }
0x155: {  	v4 =	vadd.s32 v4, v3  }
0x156: {  	v4 =	vadd.s32 $0xFFFFFFFF, v4;
	_ =	sdelay $0x4  }
0x157: {  	[tilespmem:v4+s14+$0x0] =	vst.idx.msk vm2, v2  }
0x158: {  	v2 =	vld [tilespmem:s24+$0x80];
	_ =	sdelay $0x4  }
0x159: {  	vm1 =	vge.f32 v2, v9  }
0x15a: {  	v4 =	vsel vm1, $0x1, v1  }
0x15b: {  	(xrf0) =	vadd.scan.msk.s32 $0xffff, v4;
	_ =	sdelay $0x1  }
0x15c: {  	v4 =	vmpcnt.ones.xlane vm2;
	_ =	sdelay $0x3  }
0x15d: {  	v3 =	vadd.s32 v3, v4;
	v4, _, _ =	vpop (xrf0)  }
0x15e: {  	v4 =	vadd.s32 v4, v3  }
0x15f: {  	v4 =	vadd.s32 $0xFFFFFFFF, v4;
	_ =	sdelay $0x4  }
0x160: {  	[tilespmem:v4+s14+$0x0] =	vst.idx.msk vm1, v2  }
0x161: {  	v2 =	vld [tilespmem:s24+$0x90];
	_ =	sdelay $0x4  }
0x162: {  	vm2 =	vge.f32 v2, v9  }
0x163: {  	v4 =	vsel vm2, $0x1, v1  }
0x164: {  	(xrf0) =	vadd.scan.msk.s32 $0xffff, v4;
	_ =	sdelay $0x1  }
0x165: {  	v4 =	vmpcnt.ones.xlane vm1;
	_ =	sdelay $0x3  }
0x166: {  	v3 =	vadd.s32 v3, v4;
	v4, _, _ =	vpop (xrf0)  }
0x167: {  	v4 =	vadd.s32 v4, v3  }
0x168: {  	v4 =	vadd.s32 $0xFFFFFFFF, v4;
	_ =	sdelay $0x4  }
0x169: {  	[tilespmem:v4+s14+$0x0] =	vst.idx.msk vm2, v2  }
0x16a: {  	v2 =	vld [tilespmem:s24+$0xA0];
	_ =	sdelay $0x4  }
0x16b: {  	vm1 =	vge.f32 v2, v9  }
0x16c: {  	v4 =	vsel vm1, $0x1, v1  }
0x16d: {  	(xrf0) =	vadd.scan.msk.s32 $0xffff, v4;
	_ =	sdelay $0x1  }
0x16e: {  	v4 =	vmpcnt.ones.xlane vm2;
	_ =	sdelay $0x3  }
0x16f: {  	v3 =	vadd.s32 v3, v4;
	v4, _, _ =	vpop (xrf0)  }
0x170: {  	v4 =	vadd.s32 v4, v3  }
0x171: {  	v4 =	vadd.s32 $0xFFFFFFFF, v4;
	_ =	sdelay $0x4  }
0x172: {  	[tilespmem:v4+s14+$0x0] =	vst.idx.msk vm1, v2  }
0x173: {  	v2 =	vld [tilespmem:s24+$0xB0];
	_ =	sdelay $0x4  }
0x174: {  	vm2 =	vge.f32 v2, v9  }
0x175: {  	v4 =	vsel vm2, $0x1, v1  }
0x176: {  	(xrf0) =	vadd.scan.msk.s32 $0xffff, v4;
	_ =	sdelay $0x1  }
0x177: {  	v4 =	vmpcnt.ones.xlane vm1;
	_ =	sdelay $0x3  }
0x178: {  	v3 =	vadd.s32 v3, v4;
	v4, _, _ =	vpop (xrf0)  }
0x179: {  	v4 =	vadd.s32 v4, v3  }
0x17a: {  	v4 =	vadd.s32 $0xFFFFFFFF, v4;
	_ =	sdelay $0x4  }
0x17b: {  	[tilespmem:v4+s14+$0x0] =	vst.idx.msk vm2, v2  }
0x17c: {  	v2 =	vld [tilespmem:s24+$0xC0];
	_ =	sdelay $0x4  }
0x17d: {  	vm1 =	vge.f32 v2, v9  }
0x17e: {  	v4 =	vsel vm1, $0x1, v1  }
0x17f: {  	(xrf0) =	vadd.scan.msk.s32 $0xffff, v4;
	_ =	sdelay $0x1  }
0x180: {  	v4 =	vmpcnt.ones.xlane vm2;
	_ =	sdelay $0x3  }
0x181: {  	v3 =	vadd.s32 v3, v4;
	v4, _, _ =	vpop (xrf0)  }
0x182: {  	v4 =	vadd.s32 v4, v3  }
0x183: {  	v4 =	vadd.s32 $0xFFFFFFFF, v4;
	_ =	sdelay $0x4  }
0x184: {  	[tilespmem:v4+s14+$0x0] =	vst.idx.msk vm1, v2  }
0x185: {  	v2 =	vld [tilespmem:s24+$0xD0];
	_ =	sdelay $0x4  }
0x186: {  	vm2 =	vge.f32 v2, v9  }
0x187: {  	v4 =	vsel vm2, $0x1, v1  }
0x188: {  	(xrf0) =	vadd.scan.msk.s32 $0xffff, v4;
	_ =	sdelay $0x1  }
0x189: {  	v4 =	vmpcnt.ones.xlane vm1;
	_ =	sdelay $0x3  }
0x18a: {  	v3 =	vadd.s32 v3, v4;
	v4, _, _ =	vpop (xrf0)  }
0x18b: {  	v4 =	vadd.s32 v4, v3  }
0x18c: {  	v4 =	vadd.s32 $0xFFFFFFFF, v4;
	_ =	sdelay $0x4  }
0x18d: {  	[tilespmem:v4+s14+$0x0] =	vst.idx.msk vm2, v2  }
0x18e: {  	v2 =	vld [tilespmem:s24+$0xE0];
	_ =	sdelay $0x4  }
0x18f: {  	vm1 =	vge.f32 v2, v9  }
0x190: {  	v4 =	vsel vm1, $0x1, v1  }
0x191: {  	(xrf0) =	vadd.scan.msk.s32 $0xffff, v4;
	_ =	sdelay $0x1  }
0x192: {  	v4 =	vmpcnt.ones.xlane vm2;
	_ =	sdelay $0x3  }
0x193: {  	v3 =	vadd.s32 v3, v4;
	v4, _, _ =	vpop (xrf0)  }
0x194: {  	v4 =	vadd.s32 v4, v3  }
0x195: {  	v4 =	vadd.s32 $0xFFFFFFFF, v4;
	_ =	sdelay $0x4  }
0x196: {  	[tilespmem:v4+s14+$0x0] =	vst.idx.msk vm1, v2  }
0x197: {  	v2 =	vld [tilespmem:s24+$0xF0];
	_ =	sdelay $0x4  }
0x198: {  	vm2 =	vge.f32 v2, v9  }
0x199: {  	v4 =	vsel vm2, $0x1, v1  }
0x19a: {  	(xrf0) =	vadd.scan.msk.s32 $0xffff, v4;
	_ =	sdelay $0x1  }
0x19b: {  	v4 =	vmpcnt.ones.xlane vm1;
	_ =	sdelay $0x3  }
0x19c: {  	v3 =	vadd.s32 v3, v4;
	v4, _, _ =	vpop (xrf0)  }
0x19d: {  	v4 =	vadd.s32 v4, v3  }
0x19e: {  	p0 =	sne.s32 s23, $0x1;
	v4 =	vadd.s32 $0xFFFFFFFF, v4  }
.Ltmp4:
0x19f: {  	_ = 	snop;
	(pc) =	sbr.rel @p0 .LBB2_4-.Ltmp4, $3  }
0x1a0: {  	_ = 	snop  }
0x1a1: {  	v5 =	vmpcnt.ones.xlane vm2;
	_ =	sdelay $0x1  }
0x1a2: {  	s22 =	sadd.s32 $0x1, s22;
	s23 =	sadd.s32 $0xFFFFFFFF, s23;
	v10 =	vadd.s32 v3, v5;
	[tilespmem:v4+s14+$0x0] =	vst.idx.msk vm2, v2  }
.LBB2_5:
0x1a3: {  	(v2sf) =	vpush v10, $0x0;
	_ =	sdelay $0xe  }
0x1a4: {  	s22 =	spop (v2sf)  }
0x1a5: {  	s22 =	sadd.s32 $0xF, s22  }
0x1a6: {  	s23 =	sand.u32 $0xF, s22  }
0x1a7: {  	s24 =	sshra.s32 s22, $0x1F;
	p0 =	slt.s32 s22, $0x1;
	p1 =	sne.s32 s23, $0x0  }
0x1a8: {  	s31 =	sshrl.u32 s24, $0x1C;
	p0 =	por !p0, !p1  }
0x1a9: {  	s23 =	simm.s32 $0x1;
	s22 =	sadd.s32 s31, s22;
	p0 =	por !p0, !p0  }
0x1aa: {  	s22 =	sshra.s32 s22, $0x4;
	s23 =	simm.s32 @!p0 $0x0  }
0x1ab: {  	s23 =	ssub.s32 s22, s23  }
0x1ac: {  	v2 =	vadd.s32 v6, v10;
	p0 =	slt.s32 s23, $0x1  }
.Ltmp5:
0x1ad: {  	_ = 	snop;
	(pc) =	sbr.rel @p0 .LBB2_11-.Ltmp5, $3  }
0x1ae: {  	_ =	sdelay $0x1  }
0x1af: {  	v9 =	vimm.f32 $-Inf;
	s22 =	simm.s32 $0x10180  }
0x1b0: {  	v10 =	vimm.f32 $-Inf;
	[tilespmem:v2+s22+$0x0] =	vst.idx.msk $0xffff, v9  }
0x1b1: {  	p1 =	sne.s32 s23, $0x1  }
.Ltmp6:
0x1b2: {  	_ = 	snop;
	(pc) =	sbr.rel @!p1 .LBB2_7-.Ltmp6, $2  }
0x1b3: {  	_ =	sdelay $0x2  }
0x1b4: {  	v10 =	vld [tilespmem:s22+$0x0];
	s23 =	sadd.s32 $0xFFFFFFFF, s23;
	p0 =	por $0x0, $0x0  }
0x1b5: {  	_ =	sdelay $0x3  }
0x1b6: {  	(xrf1) =	vsort.dscd.msk.f32 $0xffff, v10, v10;
	_ =	sdelay $0x7  }
0x1b7: {  	p1 =	sne.s32 s23, $0x1  }
.Ltmp7:
0x1b8: {  	_ = 	snop;
	(pc) =	sbr.rel @!p1 .LBB2_10-.Ltmp7, $3  }
0x1b9: {  	v2 =	vmul.u32 $0xFFFFFFFF, v6;
	_ =	sdelay $0x1  }
0x1ba: {  	s22 =	sadd.s32 $0x10, s22;
	v11 =	vadd.s32 $0xF, v2  }
0x1bb: {  	s23 =	sadd.s32 $0xFFFFFFFF, s23;
	p0 =	por $0x1, $0x1;
	v12 =	vperm.xlane v9, v11;
	v10 =	vld [tilespmem:s22+$0x0]  }
.LBB2_9:
0x1bc: {  	p1 =	sne.s32 s23, $0x1;
	v2, _, _ =	vpop (xrf1)  }
0x1bd: {  	v2 =	vmax.f32 v2, v12  }
0x1be: {  	(xrf1) =	vsort.dscd.msk.f32 $0xffff, v2, v2;
	_ =	sdelay $0x1  }
0x1bf: {  	(xrf1) =	vsort.dscd.msk.f32 $0xffff, v10, v10;
	_ =	sdelay $0x8  }
.Ltmp8:
0x1c0: {  	(pc) =	sbr.rel @p1 .LBB2_9-.Ltmp8, $3  }
0x1c1: {  	_ =	sdelay $0x1  }
0x1c2: {  	s22 =	sadd.s32 $0x10, s22;
	v2, _, _ =	vpop (xrf1)  }
0x1c3: {  	s23 =	sadd.s32 $0xFFFFFFFF, s23;
	v10 =	vld [tilespmem:s22+$0x0];
	v12 =	vperm.xlane v2, v11  }
.LBB2_10:
0x1c4: {  	v2, _, _ =	vpop @p0 (xrf1)  }
0x1c5: {  	v2 =	vmax.f32 @p0 v2, v12  }
0x1c6: {  	(xrf1) =	vsort.dscd.msk.f32 @p0 $0xffff, v2, v2;
	_ =	sdelay $0x3  }
0x1c7: {  	(xrf1) =	vsort.dscd.msk.f32 $0xffff, v10, v10;
	_ =	sdelay $0x9  }
0x1c8: {  	v2 =	vmul.u32 $0xFFFFFFFF, v6;
	v3, _, _ =	vpop @p0 (xrf1)  }
0x1c9: {  	v3 =	vpsel p0, v3, v9  }
0x1ca: {  	v2 =	vadd.s32 $0xF, v2  }
0x1cb: {  	v2 =	vperm.xlane v3, v2  }
0x1cc: {  	v3, _, _ =	vpop (xrf1)  }
0x1cd: {  	v2 =	vmax.f32 v3, v2  }
0x1ce: {  	(xrf1) =	vsort.dscd.msk.f32 $0xffff, v2, v2;
	_ =	sdelay $0xd  }
0x1cf: {  	v10, _, _ =	vpop (xrf1)  }
.LBB2_11:
0x1d0: {  	[tilespmem:s15+$0x0] =	vst.msk $0xff, v10  }
0x1d1: {  	_ =	swait.ge [sflag:s16], $0x8000  }
0x1d2: {  	[sflag:s16] =	ssyncset.done $0x0  }
0x1d3: {  	s22 =	simm.s32 $0x0;
	s23 =	simm.s32 $0x8200;
	[sflag:s16] =	ssyncadd.s32 $0xFFFF8000  }
0x1d4: {  	[tilespmem:s22], [sflag:$0x1] =	stream.strided.gather [hbm4b:s5+s9], $0x8000, s10, s9, $0x38;
	[tilespmem:$0x18280] =	vst v63  }
0x1d5: {  	v10 =	vld [tilespmem:s23+$0xFFFFFEC0]  }
0x1d6: {  	v12 =	vld [tilespmem:s23+$0xFFFFFED0]  }
0x1d7: {  	v11 =	vld [tilespmem:s23+$0xFFFFFEE0]  }
0x1d8: {  	v13 =	vld [tilespmem:s23+$0xFFFFFEF0]  }
0x1d9: {  	v14 =	vld [tilespmem:s23+$0xFFFFFFC0]  }
0x1da: {  	v15 =	vld [tilespmem:s23+$0xFFFFFFD0]  }
0x1db: {  	v16 =	vld [tilespmem:s23+$0xFFFFFFE0]  }
0x1dc: {  	v17 =	vld [tilespmem:s23+$0xFFFFFFF0]  }
0x1dd: {  	v18 =	vld [tilespmem:s23+$0xC0]  }
0x1de: {  	v19 =	vld [tilespmem:s23+$0xD0]  }
0x1df: {  	v20 =	vld [tilespmem:s23+$0xE0]  }
0x1e0: {  	v22 =	vld [tilespmem:s23+$0xFFFFFE80]  }
0x1e1: {  	v23 =	vld [tilespmem:s23+$0xFFFFFE90]  }
0x1e2: {  	v25 =	vld [tilespmem:s23+$0xFFFFFEA0]  }
0x1e3: {  	v24 =	vld [tilespmem:s23+$0xFFFFFEB0]  }
0x1e4: {  	v26 =	vld [tilespmem:s23+$0xFFFFFF80]  }
0x1e5: {  	v28 =	vld [tilespmem:s23+$0xFFFFFF90]  }
0x1e6: {  	v29 =	vld [tilespmem:s23+$0xFFFFFFA0]  }
0x1e7: {  	v31 =	vld [tilespmem:s23+$0xFFFFFFB0]  }
0x1e8: {  	v32 =	vld [tilespmem:s23+$0x80]  }
0x1e9: {  	v30 =	vld [tilespmem:s23+$0x90]  }
0x1ea: {  	v2 =	vld [tilespmem:s23+$0xFFFFFE00]  }
0x1eb: {  	v3 =	vld [tilespmem:s23+$0xFFFFFE10]  }
0x1ec: {  	v4 =	vld [tilespmem:s23+$0xFFFFFE20]  }
0x1ed: {  	v5 =	vld [tilespmem:s23+$0xFFFFFE30]  }
0x1ee: {  	v27 =	vld [tilespmem:s23+$0xFFFFFE40]  }
0x1ef: {  	v34 =	vld [tilespmem:s23+$0xFFFFFE50]  }
0x1f0: {  	v35 =	vld [tilespmem:s23+$0xFFFFFE60]  }
0x1f1: {  	v36 =	vld [tilespmem:s23+$0xFFFFFE70]  }
0x1f2: {  	v38 =	vld [tilespmem:s23+$0xFFFFFF00]  }
0x1f3: {  	v40 =	vld [tilespmem:s23+$0xFFFFFF10]  }
0x1f4: {  	v41 =	vld [tilespmem:s23+$0xFFFFFF20]  }
0x1f5: {  	v42 =	vld [tilespmem:s23+$0xFFFFFF30]  }
0x1f6: {  	v43 =	vld [tilespmem:s23+$0xFFFFFF40]  }
0x1f7: {  	v47 =	vld [tilespmem:s23+$0xFFFFFF50]  }
0x1f8: {  	v48 =	vld [tilespmem:s23+$0xFFFFFF60]  }
0x1f9: {  	v49 =	vld [tilespmem:s23+$0xFFFFFF70]  }
0x1fa: {  	v50 =	vld [tilespmem:s23+$0x0]  }
0x1fb: {  	v51 =	vld [tilespmem:s23+$0x10]  }
0x1fc: {  	v52 =	vld [tilespmem:s23+$0x20]  }
0x1fd: {  	v53 =	vld [tilespmem:s23+$0x30]  }
0x1fe: {  	v54 =	vld [tilespmem:s23+$0x40]  }
0x1ff: {  	v55 =	vld [tilespmem:s23+$0x50]  }
0x200: {  	v56 =	vld [tilespmem:s23+$0x60]  }
0x201: {  	v57 =	vld [tilespmem:s23+$0x70]  }
0x202: {  	v58 =	vld [tilespmem:s23+$0x100]  }
0x203: {  	v59 =	vld [tilespmem:s23+$0x110]  }
0x204: {  	v60 =	vld [tilespmem:s23+$0x120]  }
0x205: {  	v61 =	vld [tilespmem:s23+$0x130]  }
0x206: {  	s24 =	simm.s32 $0x1;
	v62 =	vld [tilespmem:s23+$0x140]  }
0x207: {  	s25 =	simm.s32 $0x2;
	v21 =	vmov s22;
	v33 =	vmov s24;
	v63 =	vld [tilespmem:s23+$0x150]  }
0x208: {  	v39 =	vmov s25;
	v21 =	vand.u32 $0xFFFFFFFC, v21;
	v33 =	vand.u32 $0xFFFFFFFD, v33;
	v6 =	vld [tilespmem:s23+$0x160]  }
0x209: {  	v21 =	vbroadcast v21, $0x0;
	v37 =	vmax.f32 v2, v27;
	v27 =	vand.u32 $0xFFFFFFFE, v39;
	v2 =	vld [tilespmem:s23+$0x170]  }
0x20a: {  	v44 =	vmax.f32 v3, v34;
	v45 =	vmax.f32 v4, v35;
	v39 =	vmax.f32 v5, v36;
	v34 =	vld [tilespmem:s23+$0xA0]  }
0x20b: {  	v46 =	vmax.f32 v38, v43;
	v47 =	vmax.f32 v40, v47;
	v40 =	vmax.f32 v41, v48;
	v35 =	vld [tilespmem:s23+$0xB0]  }
0x20c: {  	v48 =	vmax.f32 v42, v49;
	v49 =	vmax.f32 v50, v54;
	v41 =	vmax.f32 v51, v55;
	v36 =	vld [tilespmem:s23+$0x180]  }
0x20d: {  	v50 =	vmax.f32 v52, v56;
	v51 =	vmax.f32 v53, v57;
	v42 =	vmax.f32 v58, v62;
	v43 =	vld [tilespmem:s23+$0x190]  }
0x20e: {  	s24 =	simm.s32 $0x4;
	v52 =	vmax.f32 v59, v63;
	v53 =	vmax.f32 v60, v6;
	v54 =	vld [tilespmem:s23+$0x1A0];
	v38 =	vmax.f32 v61, v2  }
.LBB2_12:
0x20f: {  	p0 =	slt.u32 s24, $0x7C;
	v2 =	vmax.f32 v37, v22;
	v3 =	vmax.f32 v44, v23;
	v4 =	vmax.f32 v45, v25;
	v5 =	vld [tilespmem:s23+$0x1B0]  }
0x210: {  	v6 =	vmax.f32 v39, v24;
	v22 =	vmax.f32 v46, v26;
	v23 =	vmax.f32 v47, v28;
	v24 =	vld [tilespmem:s23+$0xF0]  }
0x211: {  	v25 =	vmax.f32 v40, v29;
	v26 =	vmax.f32 v48, v31;
	v28 =	vmax.f32 v49, v32;
	v29 =	vld [tilespmem:s23+$0x1C0]  }
0x212: {  	v30 =	vmax.f32 v41, v30;
	v31 =	vmax.f32 v50, v34;
	v32 =	vmax.f32 v51, v35;
	v34 =	vld [tilespmem:s23+$0x1D0]  }
0x213: {  	v35 =	vmax.f32 v42, v36;
	v36 =	vmax.f32 v52, v43;
	v37 =	vmax.f32 v53, v54;
	v39 =	vld [tilespmem:s23+$0x1E0]  }
0x214: {  	v2 =	vmax.f32 v2, v10;
	v3 =	vmax.f32 v3, v12;
	v5 =	vmax.f32 v38, v5;
	v38 =	vld [tilespmem:s23+$0x1F0];
	s23 =	sadd.s32 $0x400, s23  }
0x215: {  	v4 =	vmax.f32 v4, v11;
	v6 =	vmax.f32 v6, v13;
	v22 =	vmax.f32 v22, v14;
	v10 =	vld [tilespmem:s23+$0xFFFFFEC0]  }
0x216: {  	v23 =	vmax.f32 v23, v15;
	v16 =	vmax.f32 v25, v16;
	v17 =	vmax.f32 v26, v17;
	v12 =	vld [tilespmem:s23+$0xFFFFFED0]  }
0x217: {  	v18 =	vmax.f32 v28, v18;
	v19 =	vmax.f32 v30, v19;
	v20 =	vmax.f32 v31, v20;
	v11 =	vld [tilespmem:s23+$0xFFFFFEE0]  }
0x218: {  	v24 =	vmax.f32 v32, v24;
	v25 =	vmax.f32 v35, v29;
	v26 =	vmax.f32 v36, v34;
	v13 =	vld [tilespmem:s23+$0xFFFFFEF0]  }
0x219: {  	v2 =	vmax.f32 v2, v3;
	v3 =	vmax.f32 v37, v39;
	v14 =	vld [tilespmem:s23+$0xFFFFFFC0];
	v5 =	vmax.f32 v5, v38  }
0x21a: {  	v4 =	vmax.f32 v4, v6;
	v6 =	vmax.f32 v22, v23;
	v22 =	vmax.f32 v16, v17;
	v15 =	vld [tilespmem:s23+$0xFFFFFFD0]  }
0x21b: {  	v2 =	vmax.f32 v2, v4;
	v4 =	vmax.f32 v18, v19;
	v19 =	vmax.f32 v20, v24;
	v16 =	vld [tilespmem:s23+$0xFFFFFFE0]  }
0x21c: {  	v6 =	vmax.f32 v6, v22;
	v9 =	vmax.f32 v9, v2;
	v20 =	vmax.f32 v25, v26;
	v17 =	vld [tilespmem:s23+$0xFFFFFFF0];
	(xrf0) =	vmax.scan.msk.f32 $0xffff, v2  }
0x21d: {  	v4 =	vmax.f32 v4, v19;
	v3 =	vmax.f32 v3, v5;
	v2 =	vmax.f32 v9, v6;
	v18 =	vld [tilespmem:s23+$0xC0];
	(xrf0) =	vmax.scan.msk.f32 $0xffff, v6  }
0x21e: {  	v5 =	vbroadcast v33, $0x0;
	v3 =	vmax.f32 v20, v3;
	v2 =	vmax.f32 v2, v4;
	v19 =	vld [tilespmem:s23+$0xD0];
	(xrf0) =	vmax.scan.msk.f32 $0xffff, v4  }
0x21f: {  	v4 =	vbroadcast v27, $0x0;
	v9 =	vmax.f32 v2, v3;
	v20 =	vld [tilespmem:s23+$0xE0];
	(xrf0) =	vmax.scan.msk.f32 $0xffff, v3  }
0x220: {  	s25 =	sadd.s32 $0x3, s22;
	s22 =	smov.u32 s24;
	v22 =	vld [tilespmem:s23+$0xFFFFFE80]  }
0x221: {  	v2 =	vmov s25;
	v23 =	vld [tilespmem:s23+$0xFFFFFE90]  }
0x222: {  	v25 =	vld [tilespmem:s23+$0xFFFFFEA0];
	v3, _, _ =	vpop (xrf0)  }
0x223: {  	v24 =	vld [tilespmem:s23+$0xFFFFFEB0];
	[tilespmem:v21+s13+$0x0] =	vst.idx.msk vm0, v3;
	v3, _, _ =	vpop (xrf0)  }
0x224: {  	v26 =	vld [tilespmem:s23+$0xFFFFFF80];
	[tilespmem:v5+s13+$0x0] =	vst.idx.msk vm0, v3;
	v3, _, _ =	vpop (xrf0)  }
0x225: {  	v28 =	vld [tilespmem:s23+$0xFFFFFF90];
	[tilespmem:v4+s13+$0x0] =	vst.idx.msk vm0, v3;
	v3, _, _ =	vpop (xrf0)  }
0x226: {  	v29 =	vld [tilespmem:s23+$0xFFFFFFA0];
	[tilespmem:v2+s13+$0x0] =	vst.idx.msk vm0, v3  }
0x227: {  	v31 =	vld [tilespmem:s23+$0xFFFFFFB0]  }
0x228: {  	v32 =	vld [tilespmem:s23+$0x80]  }
0x229: {  	v30 =	vld [tilespmem:s23+$0x90]  }
0x22a: {  	v2 =	vld [tilespmem:s23+$0xFFFFFE00]  }
0x22b: {  	v3 =	vld [tilespmem:s23+$0xFFFFFE10]  }
0x22c: {  	v4 =	vld [tilespmem:s23+$0xFFFFFE20]  }
0x22d: {  	v5 =	vld [tilespmem:s23+$0xFFFFFE30]  }
0x22e: {  	v6 =	vld [tilespmem:s23+$0xFFFFFE40]  }
0x22f: {  	v34 =	vld [tilespmem:s23+$0xFFFFFE50]  }
0x230: {  	v35 =	vld [tilespmem:s23+$0xFFFFFE60]  }
0x231: {  	v36 =	vld [tilespmem:s23+$0xFFFFFE70]  }
0x232: {  	v38 =	vld [tilespmem:s23+$0xFFFFFF00]  }
0x233: {  	v40 =	vld [tilespmem:s23+$0xFFFFFF10]  }
0x234: {  	v41 =	vld [tilespmem:s23+$0xFFFFFF20]  }
0x235: {  	v42 =	vld [tilespmem:s23+$0xFFFFFF30]  }
0x236: {  	v43 =	vld [tilespmem:s23+$0xFFFFFF40]  }
0x237: {  	v47 =	vld [tilespmem:s23+$0xFFFFFF50]  }
0x238: {  	v48 =	vld [tilespmem:s23+$0xFFFFFF60]  }
0x239: {  	v49 =	vld [tilespmem:s23+$0xFFFFFF70]  }
0x23a: {  	v50 =	vld [tilespmem:s23+$0x0]  }
0x23b: {  	v51 =	vld [tilespmem:s23+$0x10]  }
0x23c: {  	v52 =	vld [tilespmem:s23+$0x20]  }
0x23d: {  	v53 =	vld [tilespmem:s23+$0x30]  }
0x23e: {  	v54 =	vld [tilespmem:s23+$0x40]  }
0x23f: {  	v55 =	vld [tilespmem:s23+$0x50]  }
0x240: {  	v56 =	vld [tilespmem:s23+$0x60]  }
0x241: {  	v57 =	vld [tilespmem:s23+$0x70]  }
0x242: {  	v58 =	vld [tilespmem:s23+$0x100]  }
0x243: {  	v59 =	vld [tilespmem:s23+$0x110]  }
0x244: {  	v60 =	vld [tilespmem:s23+$0x120]  }
0x245: {  	v61 =	vld [tilespmem:s23+$0x130]  }
0x246: {  	v21 =	vmov s24;
	v62 =	vld [tilespmem:s23+$0x140]  }
0x247: {  	s26 =	sadd.s32 $0x2, s24;
	s25 =	sadd.s32 $0x1, s24;
	v21 =	vand.u32 $0xFFFFFFFC, v21;
	v63 =	vld [tilespmem:s23+$0x150]  }
0x248: {  	v39 =	vmov s26;
	v27 =	vmov s25;
	v21 =	vbroadcast v21, $0x0;
	v7 =	vld [tilespmem:s23+$0x160]  }
0x249: {  	v33 =	vand.u32 $0xFFFFFFFD, v27;
	v27 =	vand.u32 $0xFFFFFFFE, v39;
	v37 =	vmax.f32 v2, v6;
	v2 =	vld [tilespmem:s23+$0x170]  }
.Ltmp9:
0x24a: {  	v44 =	vmax.f32 v3, v34;
	v45 =	vmax.f32 v4, v35;
	v39 =	vmax.f32 v5, v36;
	v34 =	vld [tilespmem:s23+$0xA0];
	(pc) =	sbr.rel @p0 .LBB2_12-.Ltmp9, $4  }
0x24b: {  	v46 =	vmax.f32 v38, v43;
	v47 =	vmax.f32 v40, v47;
	v40 =	vmax.f32 v41, v48;
	v35 =	vld [tilespmem:s23+$0xB0]  }
0x24c: {  	v48 =	vmax.f32 v42, v49;
	v49 =	vmax.f32 v50, v54;
	v41 =	vmax.f32 v51, v55;
	v36 =	vld [tilespmem:s23+$0x180]  }
0x24d: {  	v50 =	vmax.f32 v52, v56;
	v51 =	vmax.f32 v53, v57;
	v42 =	vmax.f32 v58, v62;
	v43 =	vld [tilespmem:s23+$0x190]  }
0x24e: {  	s24 =	sadd.s32 $0x4, s24;
	v52 =	vmax.f32 v59, v63;
	v53 =	vmax.f32 v60, v7;
	v38 =	vmax.f32 v61, v2;
	v54 =	vld [tilespmem:s23+$0x1A0]  }
0x24f: {  	v2 =	vmax.f32 v37, v22;
	v3 =	vmax.f32 v44, v23;
	v4 =	vmax.f32 v45, v25  }
0x250: {  	v6 =	vmax.f32 v39, v24;
	v7 =	vmax.f32 v46, v26;
	v56 =	vmax.f32 v47, v28  }
0x251: {  	v58 =	vmax.f32 v40, v29;
	v59 =	vmax.f32 v48, v31;
	v60 =	vmax.f32 v49, v32  }
0x252: {  	v5 =	vld [tilespmem:s23+$0x1B0];
	v62 =	vmax.f32 v41, v30;
	v63 =	vmax.f32 v50, v34;
	v40 =	vmax.f32 v51, v35  }
0x253: {  	v57 =	vld [tilespmem:s23+$0xF0];
	v2 =	vmax.f32 v2, v10;
	v3 =	vmax.f32 v3, v12;
	v4 =	vmax.f32 v4, v11  }
0x254: {  	v61 =	vld [tilespmem:s23+$0x1C0];
	v6 =	vmax.f32 v6, v13;
	v7 =	vmax.f32 v7, v14;
	v11 =	vmax.f32 v56, v15  }
0x255: {  	v41 =	vld [tilespmem:s23+$0x1D0];
	v46 =	vmax.f32 v58, v16;
	v47 =	vmax.f32 v59, v17;
	v48 =	vmax.f32 v60, v18  }
0x256: {  	v45 =	vld [tilespmem:s23+$0x1E0];
	v49 =	vmax.f32 v62, v19;
	v50 =	vmax.f32 v63, v20;
	v42 =	vmax.f32 v42, v36  }
0x257: {  	v10 =	vld [tilespmem:s23+$0x1F0];
	v2 =	vmax.f32 v2, v3;
	v4 =	vmax.f32 v4, v6;
	v6 =	vmax.f32 v7, v11  }
0x258: {  	v7 =	vmax.f32 v46, v47;
	v43 =	vmax.f32 v52, v43;
	v2 =	vmax.f32 v2, v4  }
0x259: {  	v6 =	vmax.f32 v6, v7;
	v44 =	vmax.f32 v53, v54;
	v54 =	vmax.f32 v48, v49  }
0x25a: {  	v9 =	vmax.f32 v9, v2;
	v5 =	vmax.f32 v38, v5;
	v51 =	vmax.f32 v40, v57  }
0x25b: {  	v52 =	vmax.f32 v42, v61;
	v53 =	vmax.f32 v43, v41;
	v3 =	vmax.f32 v44, v45  }
0x25c: {  	v9 =	vmax.f32 v9, v6;
	v5 =	vmax.f32 v5, v10;
	v10 =	vmax.f32 v50, v51  }
0x25d: {  	v7 =	vmax.f32 v52, v53;
	v4 =	vmax.f32 v54, v10;
	v3 =	vmax.f32 v3, v5  }
0x25e: {  	v55 =	vmax.f32 v9, v4;
	v3 =	vmax.f32 v7, v3  }
0x25f: {  	v5 =	vmax.f32 v55, v3  }
0x260: {  	(xrf1) =	vsort.dscd.msk.f32 $0xffff, v5, v5  }
0x261: {  	(xrf0) =	vmax.scan.msk.f32 $0xffff, v2  }
0x262: {  	(xrf0) =	vmax.scan.msk.f32 $0xffff, v6  }
0x263: {  	v2 =	vbroadcast v33, $0x0;
	(xrf0) =	vmax.scan.msk.f32 $0xffff, v4  }
0x264: {  	v56 =	vbroadcast v27, $0x0;
	(xrf0) =	vmax.scan.msk.f32 $0xffff, v3  }
0x265: {  	s22 =	sadd.s32 $0x3, s22  }
0x266: {  	v3 =	vmov s22  }
0x267: {  	v57, _, _ =	vpop (xrf0)  }
0x268: {  	[tilespmem:v21+s13+$0x0] =	vst.idx.msk vm0, v57;
	v58, _, _ =	vpop (xrf0)  }
0x269: {  	[tilespmem:v2+s13+$0x0] =	vst.idx.msk vm0, v58;
	v2, _, _ =	vpop (xrf0)  }
0x26a: {  	[tilespmem:v56+s13+$0x0] =	vst.idx.msk vm0, v2;
	v2, _, _ =	vpop (xrf0)  }
0x26b: {  	[tilespmem:v3+s13+$0x0] =	vst.idx.msk vm0, v2  }
0x26c: {  	v2 =	vld [tilespmem:$0x10000];
	_ =	sdelay $0x1  }
0x26d: {  	v3, _, _ =	vpop (xrf1)  }
0x26e: {  	v9 =	vbroadcast v3, $0x7;
	_ =	sdelay $0x1  }
0x26f: {  	vm1 =	vge.f32 v2, v9  }
0x270: {  	v2 =	vsel vm1, $0x1, v1  }
0x271: {  	(xrf0) =	vadd.scan.msk.s32 $0xffff, v2;
	_ =	sdelay $0x5  }
0x272: {  	v2, _, _ =	vpop (xrf0)  }
0x273: {  	v2 =	vadd.s32 $0xFFFFFFFF, v2;
	_ =	sdelay $0x3  }
0x274: {  	v0 =	vlaneseq.u32;
	s22 =	simm.s32 $0x10080  }
0x275: {  	[tilespmem:v2+s22+$0x0] =	vst.idx.msk vm1, v0  }
0x276: {  	v2 =	vld [tilespmem:$0x10010];
	_ =	sdelay $0x4  }
0x277: {  	vm2 =	vge.f32 v2, v9  }
0x278: {  	v2 =	vsel vm2, $0x1, v1  }
0x279: {  	(xrf0) =	vadd.scan.msk.s32 $0xffff, v2;
	_ =	sdelay $0x4  }
0x27a: {  	v2 =	vmpcnt.ones.xlane vm1  }
0x27b: {  	v3, _, _ =	vpop (xrf0)  }
0x27c: {  	v3 =	vadd.s32 v3, v2  }
0x27d: {  	v3 =	vadd.s32 $0xFFFFFFFF, v3;
	_ =	sdelay $0x4  }
0x27e: {  	[tilespmem:v3+s22+$0x0] =	vst.idx.msk vm2, v8  }
0x27f: {  	v3 =	vld [tilespmem:$0x10020];
	_ =	sdelay $0x4  }
0x280: {  	vm1 =	vge.f32 v3, v9  }
0x281: {  	v3 =	vsel vm1, $0x1, v1  }
0x282: {  	(xrf0) =	vadd.scan.msk.s32 $0xffff, v3;
	_ =	sdelay $0x1  }
0x283: {  	v3 =	vmpcnt.ones.xlane vm2;
	_ =	sdelay $0x3  }
0x284: {  	v2 =	vadd.s32 v2, v3;
	v3, _, _ =	vpop (xrf0)  }
0x285: {  	v3 =	vadd.s32 v3, v2  }
0x286: {  	v4 =	vld [tilespmem:$0x1FFA0];
	v3 =	vadd.s32 $0xFFFFFFFF, v3;
	_ =	sdelay $0x4  }
0x287: {  	[tilespmem:v3+s22+$0x0] =	vst.idx.msk vm1, v4  }
0x288: {  	v3 =	vld [tilespmem:$0x10030];
	_ =	sdelay $0x4  }
0x289: {  	vm2 =	vge.f32 v3, v9  }
0x28a: {  	v3 =	vsel vm2, $0x1, v1  }
0x28b: {  	(xrf0) =	vadd.scan.msk.s32 $0xffff, v3;
	_ =	sdelay $0x1  }
0x28c: {  	v3 =	vmpcnt.ones.xlane vm1;
	_ =	sdelay $0x3  }
0x28d: {  	v2 =	vadd.s32 v2, v3;
	v3, _, _ =	vpop (xrf0)  }
0x28e: {  	v3 =	vadd.s32 v3, v2  }
0x28f: {  	v59 =	vld [tilespmem:$0x1FFB0];
	v3 =	vadd.s32 $0xFFFFFFFF, v3;
	_ =	sdelay $0x4  }
0x290: {  	[tilespmem:v3+s22+$0x0] =	vst.idx.msk vm2, v59  }
0x291: {  	v3 =	vld [tilespmem:$0x10040];
	_ =	sdelay $0x4  }
0x292: {  	vm1 =	vge.f32 v3, v9  }
0x293: {  	v3 =	vsel vm1, $0x1, v1  }
0x294: {  	(xrf0) =	vadd.scan.msk.s32 $0xffff, v3;
	_ =	sdelay $0x1  }
0x295: {  	v3 =	vmpcnt.ones.xlane vm2;
	_ =	sdelay $0x3  }
0x296: {  	v2 =	vadd.s32 v2, v3;
	v3, _, _ =	vpop (xrf0)  }
0x297: {  	v3 =	vadd.s32 v3, v2  }
0x298: {  	v60 =	vld [tilespmem:$0x1FFC0];
	v3 =	vadd.s32 $0xFFFFFFFF, v3;
	_ =	sdelay $0x4  }
0x299: {  	[tilespmem:v3+s22+$0x0] =	vst.idx.msk vm1, v60  }
0x29a: {  	v3 =	vld [tilespmem:$0x10050];
	_ =	sdelay $0x4  }
0x29b: {  	vm2 =	vge.f32 v3, v9  }
0x29c: {  	v3 =	vsel vm2, $0x1, v1  }
0x29d: {  	(xrf0) =	vadd.scan.msk.s32 $0xffff, v3;
	_ =	sdelay $0x1  }
0x29e: {  	v3 =	vmpcnt.ones.xlane vm1;
	_ =	sdelay $0x3  }
0x29f: {  	v2 =	vadd.s32 v2, v3;
	v3, _, _ =	vpop (xrf0)  }
0x2a0: {  	v3 =	vadd.s32 v3, v2  }
0x2a1: {  	v61 =	vld [tilespmem:$0x1FFD0];
	v3 =	vadd.s32 $0xFFFFFFFF, v3;
	_ =	sdelay $0x4  }
0x2a2: {  	[tilespmem:v3+s22+$0x0] =	vst.idx.msk vm2, v61  }
0x2a3: {  	v3 =	vld [tilespmem:$0x10060];
	_ =	sdelay $0x4  }
0x2a4: {  	vm1 =	vge.f32 v3, v9  }
0x2a5: {  	v3 =	vsel vm1, $0x1, v1  }
0x2a6: {  	(xrf0) =	vadd.scan.msk.s32 $0xffff, v3;
	_ =	sdelay $0x1  }
0x2a7: {  	v3 =	vmpcnt.ones.xlane vm2;
	_ =	sdelay $0x3  }
0x2a8: {  	v2 =	vadd.s32 v2, v3;
	v3, _, _ =	vpop (xrf0)  }
0x2a9: {  	v3 =	vadd.s32 v3, v2  }
0x2aa: {  	v62 =	vld [tilespmem:$0x1FFE0];
	v3 =	vadd.s32 $0xFFFFFFFF, v3;
	_ =	sdelay $0x4  }
0x2ab: {  	[tilespmem:v3+s22+$0x0] =	vst.idx.msk vm1, v62  }
0x2ac: {  	v3 =	vld [tilespmem:$0x10070];
	_ =	sdelay $0x4  }
0x2ad: {  	v63 =	vmpcnt.ones.xlane vm1;
	vm1 =	vge.f32 v3, v9  }
0x2ae: {  	v3 =	vmpcnt.ones.xlane vm1  }
0x2af: {  	v2 =	vadd.s32 v2, v63  }
0x2b0: {  	v3 =	vadd.s32 v2, v3  }
0x2b1: {  	(v2sf) =	vpush v3, $0x0;
	_ =	sdelay $0x6  }
0x2b2: {  	v3 =	vsel vm1, $0x1, v1  }
0x2b3: {  	(xrf0) =	vadd.scan.msk.s32 $0xffff, v3;
	_ =	sdelay $0x5  }
0x2b4: {  	v3, _, _ =	vpop (xrf0)  }
0x2b5: {  	v2 =	vadd.s32 v3, v2;
	s23 =	spop (v2sf)  }
0x2b6: {  	v3 =	vld [tilespmem:$0x1FFF0];
	v2 =	vadd.s32 $0xFFFFFFFF, v2;
	p0 =	slt.s32 s23, $0x1  }
.Ltmp10:
0x2b7: {  	_ = 	snop;
	(pc) =	sbr.rel @p0 .LBB2_15-.Ltmp10, $2  }
0x2b8: {  	_ =	sdelay $0x2  }
0x2b9: {  	v10 =	vimm.s32 $0x0;
	[tilespmem:v2+s22+$0x0] =	vst.idx.msk vm1, v3  }
.LBB2_14:
0x2ba: {  	v2 =	vld [tilespmem:s22+$0x0];
	_ =	sdelay $0x4  }
0x2bb: {  	(v2sf) =	vpush v2, $0x0;
	_ =	sdelay $0xe  }
0x2bc: {  	s24 =	spop (v2sf)  }
0x2bd: {  	s24 =	sshll.u32 s24, $0xA  }
0x2be: {  	s24 =	sshra.s32 s24, $0x2  }
0x2bf: {  	v2 =	vld [tilespmem:s24+$0x8000];
	_ =	sdelay $0x4  }
0x2c0: {  	vm1 =	vge.f32 v2, v9  }
0x2c1: {  	v3 =	vsel vm1, $0x1, v1  }
0x2c2: {  	(xrf0) =	vadd.scan.msk.s32 $0xffff, v3;
	_ =	sdelay $0x5  }
0x2c3: {  	v3, _, _ =	vpop (xrf0)  }
0x2c4: {  	v3 =	vadd.s32 v3, v10  }
0x2c5: {  	v3 =	vadd.s32 $0xFFFFFFFF, v3;
	_ =	sdelay $0x4  }
0x2c6: {  	[tilespmem:v3+s14+$0x0] =	vst.idx.msk vm1, v2  }
0x2c7: {  	v2 =	vld [tilespmem:s24+$0x8010];
	_ =	sdelay $0x4  }
0x2c8: {  	vm2 =	vge.f32 v2, v9  }
0x2c9: {  	v3 =	vsel vm2, $0x1, v1  }
0x2ca: {  	(xrf0) =	vadd.scan.msk.s32 $0xffff, v3;
	_ =	sdelay $0x3  }
0x2cb: {  	v3 =	vmpcnt.ones.xlane vm1;
	_ =	sdelay $0x1  }
0x2cc: {  	v3 =	vadd.s32 v10, v3;
	v4, _, _ =	vpop (xrf0)  }
0x2cd: {  	v4 =	vadd.s32 v4, v3  }
0x2ce: {  	v4 =	vadd.s32 $0xFFFFFFFF, v4;
	_ =	sdelay $0x4  }
0x2cf: {  	[tilespmem:v4+s14+$0x0] =	vst.idx.msk vm2, v2  }
0x2d0: {  	v2 =	vld [tilespmem:s24+$0x8020];
	_ =	sdelay $0x4  }
0x2d1: {  	vm1 =	vge.f32 v2, v9  }
0x2d2: {  	v22 =	vsel vm1, $0x1, v1  }
0x2d3: {  	(xrf0) =	vadd.scan.msk.s32 $0xffff, v22;
	_ =	sdelay $0x3  }
0x2d4: {  	v23 =	vmpcnt.ones.xlane vm2;
	_ =	sdelay $0x1  }
0x2d5: {  	v3 =	vadd.s32 v3, v23;
	v24, _, _ =	vpop (xrf0)  }
0x2d6: {  	v4 =	vadd.s32 v24, v3  }
0x2d7: {  	v4 =	vadd.s32 $0xFFFFFFFF, v4;
	_ =	sdelay $0x4  }
0x2d8: {  	[tilespmem:v4+s14+$0x0] =	vst.idx.msk vm1, v2  }
0x2d9: {  	v2 =	vld [tilespmem:s24+$0x8030];
	_ =	sdelay $0x4  }
0x2da: {  	vm2 =	vge.f32 v2, v9  }
0x2db: {  	v25 =	vsel vm2, $0x1, v1  }
0x2dc: {  	(xrf0) =	vadd.scan.msk.s32 $0xffff, v25;
	_ =	sdelay $0x3  }
0x2dd: {  	v26 =	vmpcnt.ones.xlane vm1;
	_ =	sdelay $0x1  }
0x2de: {  	v3 =	vadd.s32 v3, v26;
	v27, _, _ =	vpop (xrf0)  }
0x2df: {  	v4 =	vadd.s32 v27, v3  }
0x2e0: {  	v4 =	vadd.s32 $0xFFFFFFFF, v4;
	_ =	sdelay $0x4  }
0x2e1: {  	[tilespmem:v4+s14+$0x0] =	vst.idx.msk vm2, v2  }
0x2e2: {  	v2 =	vld [tilespmem:s24+$0x8040];
	_ =	sdelay $0x4  }
0x2e3: {  	vm1 =	vge.f32 v2, v9  }
0x2e4: {  	v28 =	vsel vm1, $0x1, v1  }
0x2e5: {  	(xrf0) =	vadd.scan.msk.s32 $0xffff, v28;
	_ =	sdelay $0x3  }
0x2e6: {  	v29 =	vmpcnt.ones.xlane vm2;
	_ =	sdelay $0x1  }
0x2e7: {  	v3 =	vadd.s32 v3, v29;
	v30, _, _ =	vpop (xrf0)  }
0x2e8: {  	v4 =	vadd.s32 v30, v3  }
0x2e9: {  	v4 =	vadd.s32 $0xFFFFFFFF, v4;
	_ =	sdelay $0x4  }
0x2ea: {  	[tilespmem:v4+s14+$0x0] =	vst.idx.msk vm1, v2  }
0x2eb: {  	v2 =	vld [tilespmem:s24+$0x8050];
	_ =	sdelay $0x4  }
0x2ec: {  	vm2 =	vge.f32 v2, v9  }
0x2ed: {  	v31 =	vsel vm2, $0x1, v1  }
0x2ee: {  	(xrf0) =	vadd.scan.msk.s32 $0xffff, v31;
	_ =	sdelay $0x3  }
0x2ef: {  	v32 =	vmpcnt.ones.xlane vm1;
	_ =	sdelay $0x1  }
0x2f0: {  	v3 =	vadd.s32 v3, v32;
	v33, _, _ =	vpop (xrf0)  }
0x2f1: {  	v4 =	vadd.s32 v33, v3  }
0x2f2: {  	v4 =	vadd.s32 $0xFFFFFFFF, v4;
	_ =	sdelay $0x4  }
0x2f3: {  	[tilespmem:v4+s14+$0x0] =	vst.idx.msk vm2, v2  }
0x2f4: {  	v2 =	vld [tilespmem:s24+$0x8060];
	_ =	sdelay $0x4  }
0x2f5: {  	vm1 =	vge.f32 v2, v9  }
0x2f6: {  	v34 =	vsel vm1, $0x1, v1  }
0x2f7: {  	(xrf0) =	vadd.scan.msk.s32 $0xffff, v34;
	_ =	sdelay $0x3  }
0x2f8: {  	v35 =	vmpcnt.ones.xlane vm2;
	_ =	sdelay $0x1  }
0x2f9: {  	v3 =	vadd.s32 v3, v35;
	v36, _, _ =	vpop (xrf0)  }
0x2fa: {  	v4 =	vadd.s32 v36, v3  }
0x2fb: {  	v4 =	vadd.s32 $0xFFFFFFFF, v4;
	_ =	sdelay $0x4  }
0x2fc: {  	[tilespmem:v4+s14+$0x0] =	vst.idx.msk vm1, v2  }
0x2fd: {  	v2 =	vld [tilespmem:s24+$0x8070];
	_ =	sdelay $0x4  }
0x2fe: {  	vm2 =	vge.f32 v2, v9  }
0x2ff: {  	v37 =	vsel vm2, $0x1, v1  }
0x300: {  	(xrf0) =	vadd.scan.msk.s32 $0xffff, v37;
	_ =	sdelay $0x3  }
0x301: {  	v38 =	vmpcnt.ones.xlane vm1;
	_ =	sdelay $0x1  }
0x302: {  	v3 =	vadd.s32 v3, v38;
	v39, _, _ =	vpop (xrf0)  }
0x303: {  	v4 =	vadd.s32 v39, v3  }
0x304: {  	v4 =	vadd.s32 $0xFFFFFFFF, v4;
	_ =	sdelay $0x4  }
0x305: {  	[tilespmem:v4+s14+$0x0] =	vst.idx.msk vm2, v2  }
0x306: {  	v2 =	vld [tilespmem:s24+$0x8080];
	_ =	sdelay $0x4  }
0x307: {  	vm1 =	vge.f32 v2, v9  }
0x308: {  	v40 =	vsel vm1, $0x1, v1  }
0x309: {  	(xrf0) =	vadd.scan.msk.s32 $0xffff, v40;
	_ =	sdelay $0x3  }
0x30a: {  	v41 =	vmpcnt.ones.xlane vm2;
	_ =	sdelay $0x1  }
0x30b: {  	v3 =	vadd.s32 v3, v41;
	v42, _, _ =	vpop (xrf0)  }
0x30c: {  	v4 =	vadd.s32 v42, v3  }
0x30d: {  	v4 =	vadd.s32 $0xFFFFFFFF, v4;
	_ =	sdelay $0x4  }
0x30e: {  	[tilespmem:v4+s14+$0x0] =	vst.idx.msk vm1, v2  }
0x30f: {  	v2 =	vld [tilespmem:s24+$0x8090];
	_ =	sdelay $0x4  }
0x310: {  	vm2 =	vge.f32 v2, v9  }
0x311: {  	v43 =	vsel vm2, $0x1, v1  }
0x312: {  	(xrf0) =	vadd.scan.msk.s32 $0xffff, v43;
	_ =	sdelay $0x3  }
0x313: {  	v44 =	vmpcnt.ones.xlane vm1;
	_ =	sdelay $0x1  }
0x314: {  	v3 =	vadd.s32 v3, v44;
	v45, _, _ =	vpop (xrf0)  }
0x315: {  	v4 =	vadd.s32 v45, v3  }
0x316: {  	v4 =	vadd.s32 $0xFFFFFFFF, v4;
	_ =	sdelay $0x4  }
0x317: {  	[tilespmem:v4+s14+$0x0] =	vst.idx.msk vm2, v2  }
0x318: {  	v2 =	vld [tilespmem:s24+$0x80A0];
	_ =	sdelay $0x4  }
0x319: {  	vm1 =	vge.f32 v2, v9  }
0x31a: {  	v46 =	vsel vm1, $0x1, v1  }
0x31b: {  	(xrf0) =	vadd.scan.msk.s32 $0xffff, v46;
	_ =	sdelay $0x3  }
0x31c: {  	v47 =	vmpcnt.ones.xlane vm2;
	_ =	sdelay $0x1  }
0x31d: {  	v3 =	vadd.s32 v3, v47;
	v48, _, _ =	vpop (xrf0)  }
0x31e: {  	v4 =	vadd.s32 v48, v3  }
0x31f: {  	v4 =	vadd.s32 $0xFFFFFFFF, v4;
	_ =	sdelay $0x4  }
0x320: {  	[tilespmem:v4+s14+$0x0] =	vst.idx.msk vm1, v2  }
0x321: {  	v2 =	vld [tilespmem:s24+$0x80B0];
	_ =	sdelay $0x4  }
0x322: {  	vm2 =	vge.f32 v2, v9  }
0x323: {  	v49 =	vsel vm2, $0x1, v1  }
0x324: {  	(xrf0) =	vadd.scan.msk.s32 $0xffff, v49;
	_ =	sdelay $0x3  }
0x325: {  	v50 =	vmpcnt.ones.xlane vm1;
	_ =	sdelay $0x1  }
0x326: {  	v3 =	vadd.s32 v3, v50;
	v51, _, _ =	vpop (xrf0)  }
0x327: {  	v4 =	vadd.s32 v51, v3  }
0x328: {  	v4 =	vadd.s32 $0xFFFFFFFF, v4;
	_ =	sdelay $0x4  }
0x329: {  	[tilespmem:v4+s14+$0x0] =	vst.idx.msk vm2, v2  }
0x32a: {  	v2 =	vld [tilespmem:s24+$0x80C0];
	_ =	sdelay $0x4  }
0x32b: {  	vm1 =	vge.f32 v2, v9  }
0x32c: {  	v52 =	vsel vm1, $0x1, v1  }
0x32d: {  	(xrf0) =	vadd.scan.msk.s32 $0xffff, v52;
	_ =	sdelay $0x3  }
0x32e: {  	v53 =	vmpcnt.ones.xlane vm2;
	_ =	sdelay $0x1  }
0x32f: {  	v3 =	vadd.s32 v3, v53;
	v54, _, _ =	vpop (xrf0)  }
0x330: {  	v4 =	vadd.s32 v54, v3  }
0x331: {  	v4 =	vadd.s32 $0xFFFFFFFF, v4;
	_ =	sdelay $0x4  }
0x332: {  	[tilespmem:v4+s14+$0x0] =	vst.idx.msk vm1, v2  }
0x333: {  	v2 =	vld [tilespmem:s24+$0x80D0];
	_ =	sdelay $0x4  }
0x334: {  	vm2 =	vge.f32 v2, v9  }
0x335: {  	v55 =	vsel vm2, $0x1, v1  }
0x336: {  	(xrf0) =	vadd.scan.msk.s32 $0xffff, v55;
	_ =	sdelay $0x3  }
0x337: {  	v56 =	vmpcnt.ones.xlane vm1;
	_ =	sdelay $0x1  }
0x338: {  	v3 =	vadd.s32 v3, v56;
	v57, _, _ =	vpop (xrf0)  }
0x339: {  	v4 =	vadd.s32 v57, v3  }
0x33a: {  	v4 =	vadd.s32 $0xFFFFFFFF, v4;
	_ =	sdelay $0x4  }
0x33b: {  	[tilespmem:v4+s14+$0x0] =	vst.idx.msk vm2, v2  }
0x33c: {  	v2 =	vld [tilespmem:s24+$0x80E0];
	_ =	sdelay $0x4  }
0x33d: {  	vm1 =	vge.f32 v2, v9  }
0x33e: {  	v58 =	vsel vm1, $0x1, v1  }
0x33f: {  	(xrf0) =	vadd.scan.msk.s32 $0xffff, v58;
	_ =	sdelay $0x3  }
0x340: {  	v59 =	vmpcnt.ones.xlane vm2;
	_ =	sdelay $0x1  }
0x341: {  	v3 =	vadd.s32 v3, v59;
	v60, _, _ =	vpop (xrf0)  }
0x342: {  	v4 =	vadd.s32 v60, v3  }
0x343: {  	v4 =	vadd.s32 $0xFFFFFFFF, v4;
	_ =	sdelay $0x4  }
0x344: {  	[tilespmem:v4+s14+$0x0] =	vst.idx.msk vm1, v2  }
0x345: {  	v2 =	vld [tilespmem:s24+$0x80F0];
	_ =	sdelay $0x4  }
0x346: {  	vm2 =	vge.f32 v2, v9  }
0x347: {  	v61 =	vsel vm2, $0x1, v1  }
0x348: {  	(xrf0) =	vadd.scan.msk.s32 $0xffff, v61;
	_ =	sdelay $0x3  }
0x349: {  	v62 =	vmpcnt.ones.xlane vm1;
	_ =	sdelay $0x1  }
0x34a: {  	v3 =	vadd.s32 v3, v62;
	v63, _, _ =	vpop (xrf0)  }
0x34b: {  	v4 =	vadd.s32 v63, v3  }
0x34c: {  	p0 =	sne.s32 s23, $0x1;
	v4 =	vadd.s32 $0xFFFFFFFF, v4  }
.Ltmp11:
0x34d: {  	_ = 	snop;
	(pc) =	sbr.rel @p0 .LBB2_14-.Ltmp11, $3  }
0x34e: {  	_ = 	snop  }
0x34f: {  	v5 =	vmpcnt.ones.xlane vm2;
	_ =	sdelay $0x1  }
0x350: {  	s22 =	sadd.s32 $0x1, s22;
	s23 =	sadd.s32 $0xFFFFFFFF, s23;
	v10 =	vadd.s32 v3, v5;
	[tilespmem:v4+s14+$0x0] =	vst.idx.msk vm2, v2  }
.LBB2_15:
0x351: {  	(v2sf) =	vpush v10, $0x0;
	_ =	sdelay $0xe  }
0x352: {  	s22 =	spop (v2sf)  }
0x353: {  	s22 =	sadd.s32 $0xF, s22  }
0x354: {  	s23 =	sand.u32 $0xF, s22  }
0x355: {  	s24 =	sshra.s32 s22, $0x1F;
	p0 =	slt.s32 s22, $0x1;
	p1 =	sne.s32 s23, $0x0  }
0x356: {  	s31 =	sshrl.u32 s24, $0x1C;
	p0 =	por !p0, !p1  }
0x357: {  	s23 =	simm.s32 $0x1;
	s22 =	sadd.s32 s31, s22;
	p0 =	por !p0, !p0  }
0x358: {  	s22 =	sshra.s32 s22, $0x4;
	s23 =	simm.s32 @!p0 $0x0  }
0x359: {  	s23 =	ssub.s32 s22, s23  }
0x35a: {  	v2 =	vadd.s32 v0, v10;
	p0 =	slt.s32 s23, $0x1  }
.Ltmp12:
0x35b: {  	_ = 	snop;
	(pc) =	sbr.rel @p0 .LBB2_21-.Ltmp12, $3  }
0x35c: {  	_ =	sdelay $0x1  }
0x35d: {  	v9 =	vimm.f32 $-Inf;
	s22 =	simm.s32 $0x10180  }
0x35e: {  	v10 =	vimm.f32 $-Inf;
	[tilespmem:v2+s22+$0x0] =	vst.idx.msk $0xffff, v9  }
0x35f: {  	p1 =	sne.s32 s23, $0x1  }
.Ltmp13:
0x360: {  	_ = 	snop;
	(pc) =	sbr.rel @!p1 .LBB2_17-.Ltmp13, $2  }
0x361: {  	_ =	sdelay $0x2  }
0x362: {  	v10 =	vld [tilespmem:s22+$0x0];
	s23 =	sadd.s32 $0xFFFFFFFF, s23;
	p0 =	por $0x0, $0x0  }
0x363: {  	_ =	sdelay $0x3  }
0x364: {  	(xrf1) =	vsort.dscd.msk.f32 $0xffff, v10, v10;
	_ =	sdelay $0x7  }
0x365: {  	p1 =	sne.s32 s23, $0x1  }
.Ltmp14:
0x366: {  	_ = 	snop;
	(pc) =	sbr.rel @!p1 .LBB2_20-.Ltmp14, $3  }
0x367: {  	v2 =	vmul.u32 $0xFFFFFFFF, v0;
	_ =	sdelay $0x1  }
0x368: {  	s22 =	sadd.s32 $0x10, s22;
	v11 =	vadd.s32 $0xF, v2  }
0x369: {  	s23 =	sadd.s32 $0xFFFFFFFF, s23;
	p0 =	por $0x1, $0x1;
	v12 =	vperm.xlane v9, v11;
	v10 =	vld [tilespmem:s22+$0x0]  }
.LBB2_19:
0x36a: {  	p1 =	sne.s32 s23, $0x1;
	v2, _, _ =	vpop (xrf1)  }
0x36b: {  	v2 =	vmax.f32 v2, v12  }
0x36c: {  	(xrf1) =	vsort.dscd.msk.f32 $0xffff, v2, v2;
	_ =	sdelay $0x1  }
0x36d: {  	(xrf1) =	vsort.dscd.msk.f32 $0xffff, v10, v10;
	_ =	sdelay $0x8  }
.Ltmp15:
0x36e: {  	(pc) =	sbr.rel @p1 .LBB2_19-.Ltmp15, $3  }
0x36f: {  	_ =	sdelay $0x1  }
0x370: {  	s22 =	sadd.s32 $0x10, s22;
	v2, _, _ =	vpop (xrf1)  }
0x371: {  	s23 =	sadd.s32 $0xFFFFFFFF, s23;
	v10 =	vld [tilespmem:s22+$0x0];
	v12 =	vperm.xlane v2, v11  }
.LBB2_20:
0x372: {  	v2, _, _ =	vpop @p0 (xrf1)  }
0x373: {  	v2 =	vmax.f32 @p0 v2, v12  }
0x374: {  	(xrf1) =	vsort.dscd.msk.f32 @p0 $0xffff, v2, v2;
	_ =	sdelay $0x3  }
0x375: {  	(xrf1) =	vsort.dscd.msk.f32 $0xffff, v10, v10;
	_ =	sdelay $0x9  }
0x376: {  	v2 =	vmul.u32 $0xFFFFFFFF, v0;
	v3, _, _ =	vpop @p0 (xrf1)  }
0x377: {  	v3 =	vpsel p0, v3, v9  }
0x378: {  	v2 =	vadd.s32 $0xF, v2  }
0x379: {  	v2 =	vperm.xlane v3, v2  }
0x37a: {  	v3, _, _ =	vpop (xrf1)  }
0x37b: {  	v2 =	vmax.f32 v3, v2  }
0x37c: {  	(xrf1) =	vsort.dscd.msk.f32 $0xffff, v2, v2;
	_ =	sdelay $0xd  }
0x37d: {  	v10, _, _ =	vpop (xrf1)  }
.LBB2_21:
0x37e: {  	[tilespmem:s17+$0x0] =	vst.msk $0xff, v10  }
0x37f: {  	_ =	swait.ge [sflag:s11], $0x8000  }
0x380: {  	[sflag:s11] =	ssyncset.done $0x0  }
0x381: {  	s22 =	simm.s32 $0x200;
	[sflag:s11] =	ssyncadd.s32 $0xFFFF8000  }
0x382: {  	[tilespmem:s12], [sflag:$0x2] =	stream.strided.gather [hbm4b:s6+s9], $0x8000, s10, s9, $0x38;
	[tilespmem:$0x18280] =	vst v63  }
0x383: {  	v10 =	vld [tilespmem:s22+$0xFFFFFEC0]  }
0x384: {  	v12 =	vld [tilespmem:s22+$0xFFFFFED0]  }
0x385: {  	v11 =	vld [tilespmem:s22+$0xFFFFFEE0]  }
0x386: {  	v13 =	vld [tilespmem:s22+$0xFFFFFEF0]  }
0x387: {  	v14 =	vld [tilespmem:s22+$0xFFFFFFC0]  }
0x388: {  	v15 =	vld [tilespmem:s22+$0xFFFFFFD0]  }
0x389: {  	v16 =	vld [tilespmem:s22+$0xFFFFFFE0]  }
0x38a: {  	v17 =	vld [tilespmem:s22+$0xFFFFFFF0]  }
0x38b: {  	v18 =	vld [tilespmem:s22+$0xC0]  }
0x38c: {  	v19 =	vld [tilespmem:s22+$0xD0]  }
0x38d: {  	v20 =	vld [tilespmem:s22+$0xE0]  }
0x38e: {  	v22 =	vld [tilespmem:s22+$0xFFFFFE80]  }
0x38f: {  	v23 =	vld [tilespmem:s22+$0xFFFFFE90]  }
0x390: {  	v25 =	vld [tilespmem:s22+$0xFFFFFEA0]  }
0x391: {  	v24 =	vld [tilespmem:s22+$0xFFFFFEB0]  }
0x392: {  	v26 =	vld [tilespmem:s22+$0xFFFFFF80]  }
0x393: {  	v28 =	vld [tilespmem:s22+$0xFFFFFF90]  }
0x394: {  	v29 =	vld [tilespmem:s22+$0xFFFFFFA0]  }
0x395: {  	v31 =	vld [tilespmem:s22+$0xFFFFFFB0]  }
0x396: {  	v32 =	vld [tilespmem:s22+$0x80]  }
0x397: {  	v30 =	vld [tilespmem:s22+$0x90]  }
0x398: {  	v2 =	vld [tilespmem:s22+$0xFFFFFE00]  }
0x399: {  	v3 =	vld [tilespmem:s22+$0xFFFFFE10]  }
0x39a: {  	v4 =	vld [tilespmem:s22+$0xFFFFFE20]  }
0x39b: {  	v5 =	vld [tilespmem:s22+$0xFFFFFE30]  }
0x39c: {  	v6 =	vld [tilespmem:s22+$0xFFFFFE40]  }
0x39d: {  	v7 =	vld [tilespmem:s22+$0xFFFFFE50]  }
0x39e: {  	v34 =	vld [tilespmem:s22+$0xFFFFFE60]  }
0x39f: {  	v35 =	vld [tilespmem:s22+$0xFFFFFE70]  }
0x3a0: {  	v36 =	vld [tilespmem:s22+$0xFFFFFF00]  }
0x3a1: {  	v38 =	vld [tilespmem:s22+$0xFFFFFF10]  }
0x3a2: {  	v40 =	vld [tilespmem:s22+$0xFFFFFF20]  }
0x3a3: {  	v41 =	vld [tilespmem:s22+$0xFFFFFF30]  }
0x3a4: {  	v42 =	vld [tilespmem:s22+$0xFFFFFF40]  }
0x3a5: {  	v43 =	vld [tilespmem:s22+$0xFFFFFF50]  }
0x3a6: {  	v48 =	vld [tilespmem:s22+$0xFFFFFF60]  }
0x3a7: {  	v49 =	vld [tilespmem:s22+$0xFFFFFF70]  }
0x3a8: {  	v50 =	vld [tilespmem:s22+$0x0]  }
0x3a9: {  	v51 =	vld [tilespmem:s22+$0x10]  }
0x3aa: {  	v52 =	vld [tilespmem:s22+$0x20]  }
0x3ab: {  	v53 =	vld [tilespmem:s22+$0x30]  }
0x3ac: {  	v54 =	vld [tilespmem:s22+$0x40]  }
0x3ad: {  	v55 =	vld [tilespmem:s22+$0x50]  }
0x3ae: {  	v56 =	vld [tilespmem:s22+$0x60]  }
0x3af: {  	v57 =	vld [tilespmem:s22+$0x70]  }
0x3b0: {  	v58 =	vld [tilespmem:s22+$0x100]  }
0x3b1: {  	v59 =	vld [tilespmem:s22+$0x110]  }
0x3b2: {  	v60 =	vld [tilespmem:s22+$0x120]  }
0x3b3: {  	v61 =	vld [tilespmem:s22+$0x130]  }
0x3b4: {  	s23 =	simm.s32 $0x0;
	s24 =	simm.s32 $0x1;
	v62 =	vld [tilespmem:s22+$0x140]  }
0x3b5: {  	s25 =	simm.s32 $0x2;
	v21 =	vmov s23;
	v27 =	vmov s24;
	v63 =	vld [tilespmem:s22+$0x150]  }
0x3b6: {  	v0 =	vmovc v8;
	v39 =	vmov s25;
	v21 =	vand.u32 $0xFFFFFFFC, v21;
	v33 =	vand.u32 $0xFFFFFFFD, v27;
	v8 =	vld [tilespmem:s22+$0x160]  }
0x3b7: {  	v27 =	vand.u32 $0xFFFFFFFE, v39;
	v21 =	vbroadcast v21, $0x0;
	v37 =	vmax.f32 v2, v6;
	v2 =	vld [tilespmem:s22+$0x170]  }
0x3b8: {  	v44 =	vmax.f32 v3, v7;
	v45 =	vmax.f32 v4, v34;
	v39 =	vmax.f32 v5, v35;
	v34 =	vld [tilespmem:s22+$0xA0]  }
0x3b9: {  	v46 =	vmax.f32 v36, v42;
	v47 =	vmax.f32 v38, v43;
	v40 =	vmax.f32 v40, v48;
	v35 =	vld [tilespmem:s22+$0xB0]  }
0x3ba: {  	v48 =	vmax.f32 v41, v49;
	v49 =	vmax.f32 v50, v54;
	v41 =	vmax.f32 v51, v55;
	v36 =	vld [tilespmem:s22+$0x180]  }
0x3bb: {  	v50 =	vmax.f32 v52, v56;
	v51 =	vmax.f32 v53, v57;
	v42 =	vmax.f32 v58, v62;
	v43 =	vld [tilespmem:s22+$0x190]  }
0x3bc: {  	s24 =	simm.s32 $0x4;
	v52 =	vmax.f32 v59, v63;
	v53 =	vmax.f32 v60, v8;
	v54 =	vld [tilespmem:s22+$0x1A0];
	v38 =	vmax.f32 v61, v2  }
.LBB2_22:
0x3bd: {  	p0 =	slt.u32 s24, $0x7C;
	v2 =	vmax.f32 v37, v22;
	v3 =	vmax.f32 v44, v23;
	v4 =	vmax.f32 v45, v25;
	v5 =	vld [tilespmem:s22+$0x1B0]  }
0x3be: {  	v6 =	vmax.f32 v39, v24;
	v7 =	vmax.f32 v46, v26;
	v8 =	vmax.f32 v47, v28;
	v22 =	vld [tilespmem:s22+$0xF0]  }
0x3bf: {  	v23 =	vmax.f32 v40, v29;
	v24 =	vmax.f32 v48, v31;
	v25 =	vmax.f32 v49, v32;
	v26 =	vld [tilespmem:s22+$0x1C0]  }
0x3c0: {  	v28 =	vmax.f32 v41, v30;
	v29 =	vmax.f32 v50, v34;
	v30 =	vmax.f32 v51, v35;
	v31 =	vld [tilespmem:s22+$0x1D0]  }
0x3c1: {  	v32 =	vmax.f32 v42, v36;
	v34 =	vmax.f32 v52, v43;
	v35 =	vmax.f32 v53, v54;
	v36 =	vld [tilespmem:s22+$0x1E0]  }
0x3c2: {  	v2 =	vmax.f32 v2, v10;
	v3 =	vmax.f32 v3, v12;
	v5 =	vmax.f32 v38, v5;
	v37 =	vld [tilespmem:s22+$0x1F0];
	s22 =	sadd.s32 $0x400, s22  }
0x3c3: {  	v4 =	vmax.f32 v4, v11;
	v6 =	vmax.f32 v6, v13;
	v7 =	vmax.f32 v7, v14;
	v10 =	vld [tilespmem:s22+$0xFFFFFEC0]  }
0x3c4: {  	v8 =	vmax.f32 v8, v15;
	v16 =	vmax.f32 v23, v16;
	v17 =	vmax.f32 v24, v17;
	v12 =	vld [tilespmem:s22+$0xFFFFFED0]  }
0x3c5: {  	v18 =	vmax.f32 v25, v18;
	v19 =	vmax.f32 v28, v19;
	v20 =	vmax.f32 v29, v20;
	v11 =	vld [tilespmem:s22+$0xFFFFFEE0]  }
0x3c6: {  	v22 =	vmax.f32 v30, v22;
	v23 =	vmax.f32 v32, v26;
	v24 =	vmax.f32 v34, v31;
	v13 =	vld [tilespmem:s22+$0xFFFFFEF0]  }
0x3c7: {  	v2 =	vmax.f32 v2, v3;
	v3 =	vmax.f32 v35, v36;
	v14 =	vld [tilespmem:s22+$0xFFFFFFC0];
	v5 =	vmax.f32 v5, v37  }
0x3c8: {  	v4 =	vmax.f32 v4, v6;
	v6 =	vmax.f32 v7, v8;
	v7 =	vmax.f32 v16, v17;
	v15 =	vld [tilespmem:s22+$0xFFFFFFD0]  }
0x3c9: {  	v2 =	vmax.f32 v2, v4;
	v4 =	vmax.f32 v18, v19;
	v8 =	vmax.f32 v20, v22;
	v16 =	vld [tilespmem:s22+$0xFFFFFFE0]  }
0x3ca: {  	v6 =	vmax.f32 v6, v7;
	v9 =	vmax.f32 v9, v2;
	v7 =	vmax.f32 v23, v24;
	v17 =	vld [tilespmem:s22+$0xFFFFFFF0];
	(xrf0) =	vmax.scan.msk.f32 $0xffff, v2  }
0x3cb: {  	v4 =	vmax.f32 v4, v8;
	v3 =	vmax.f32 v3, v5;
	v2 =	vmax.f32 v9, v6;
	v18 =	vld [tilespmem:s22+$0xC0];
	(xrf0) =	vmax.scan.msk.f32 $0xffff, v6  }
0x3cc: {  	v5 =	vbroadcast v33, $0x0;
	v3 =	vmax.f32 v7, v3;
	v2 =	vmax.f32 v2, v4;
	v19 =	vld [tilespmem:s22+$0xD0];
	(xrf0) =	vmax.scan.msk.f32 $0xffff, v4  }
0x3cd: {  	v4 =	vbroadcast v27, $0x0;
	v9 =	vmax.f32 v2, v3;
	v20 =	vld [tilespmem:s22+$0xE0];
	(xrf0) =	vmax.scan.msk.f32 $0xffff, v3  }
0x3ce: {  	s25 =	sadd.s32 $0x3, s23;
	s23 =	smov.u32 s24;
	v22 =	vld [tilespmem:s22+$0xFFFFFE80]  }
0x3cf: {  	v2 =	vmov s25;
	v23 =	vld [tilespmem:s22+$0xFFFFFE90]  }
0x3d0: {  	v25 =	vld [tilespmem:s22+$0xFFFFFEA0];
	v3, _, _ =	vpop (xrf0)  }
0x3d1: {  	v24 =	vld [tilespmem:s22+$0xFFFFFEB0];
	[tilespmem:v21+s13+$0x0] =	vst.idx.msk vm0, v3;
	v3, _, _ =	vpop (xrf0)  }
0x3d2: {  	v26 =	vld [tilespmem:s22+$0xFFFFFF80];
	[tilespmem:v5+s13+$0x0] =	vst.idx.msk vm0, v3;
	v3, _, _ =	vpop (xrf0)  }
0x3d3: {  	v28 =	vld [tilespmem:s22+$0xFFFFFF90];
	[tilespmem:v4+s13+$0x0] =	vst.idx.msk vm0, v3;
	v3, _, _ =	vpop (xrf0)  }
0x3d4: {  	v29 =	vld [tilespmem:s22+$0xFFFFFFA0];
	[tilespmem:v2+s13+$0x0] =	vst.idx.msk vm0, v3  }
0x3d5: {  	v31 =	vld [tilespmem:s22+$0xFFFFFFB0]  }
0x3d6: {  	v32 =	vld [tilespmem:s22+$0x80]  }
0x3d7: {  	v30 =	vld [tilespmem:s22+$0x90]  }
0x3d8: {  	v2 =	vld [tilespmem:s22+$0xFFFFFE00]  }
0x3d9: {  	v3 =	vld [tilespmem:s22+$0xFFFFFE10]  }
0x3da: {  	v4 =	vld [tilespmem:s22+$0xFFFFFE20]  }
0x3db: {  	v5 =	vld [tilespmem:s22+$0xFFFFFE30]  }
0x3dc: {  	v6 =	vld [tilespmem:s22+$0xFFFFFE40]  }
0x3dd: {  	v7 =	vld [tilespmem:s22+$0xFFFFFE50]  }
0x3de: {  	v8 =	vld [tilespmem:s22+$0xFFFFFE60]  }
0x3df: {  	v34 =	vld [tilespmem:s22+$0xFFFFFE70]  }
0x3e0: {  	v35 =	vld [tilespmem:s22+$0xFFFFFF00]  }
0x3e1: {  	v36 =	vld [tilespmem:s22+$0xFFFFFF10]  }
0x3e2: {  	v38 =	vld [tilespmem:s22+$0xFFFFFF20]  }
0x3e3: {  	v41 =	vld [tilespmem:s22+$0xFFFFFF30]  }
0x3e4: {  	v40 =	vld [tilespmem:s22+$0xFFFFFF40]  }
0x3e5: {  	v42 =	vld [tilespmem:s22+$0xFFFFFF50]  }
0x3e6: {  	v43 =	vld [tilespmem:s22+$0xFFFFFF60]  }
0x3e7: {  	v48 =	vld [tilespmem:s22+$0xFFFFFF70]  }
0x3e8: {  	v49 =	vld [tilespmem:s22+$0x0]  }
0x3e9: {  	v50 =	vld [tilespmem:s22+$0x10]  }
0x3ea: {  	v51 =	vld [tilespmem:s22+$0x20]  }
0x3eb: {  	v52 =	vld [tilespmem:s22+$0x30]  }
0x3ec: {  	v53 =	vld [tilespmem:s22+$0x40]  }
0x3ed: {  	v54 =	vld [tilespmem:s22+$0x50]  }
0x3ee: {  	v55 =	vld [tilespmem:s22+$0x60]  }
0x3ef: {  	v56 =	vld [tilespmem:s22+$0x70]  }
0x3f0: {  	v57 =	vld [tilespmem:s22+$0x100]  }
0x3f1: {  	v58 =	vld [tilespmem:s22+$0x110]  }
0x3f2: {  	v59 =	vld [tilespmem:s22+$0x120]  }
0x3f3: {  	v60 =	vld [tilespmem:s22+$0x130]  }
0x3f4: {  	v21 =	vmov s24;
	v61 =	vld [tilespmem:s22+$0x140]  }
0x3f5: {  	s26 =	sadd.s32 $0x2, s24;
	s25 =	sadd.s32 $0x1, s24;
	v21 =	vand.u32 $0xFFFFFFFC, v21;
	v62 =	vld [tilespmem:s22+$0x150]  }
0x3f6: {  	v39 =	vmov s26;
	v27 =	vmov s25;
	v21 =	vbroadcast v21, $0x0;
	v63 =	vld [tilespmem:s22+$0x160]  }
0x3f7: {  	v33 =	vand.u32 $0xFFFFFFFD, v27;
	v27 =	vand.u32 $0xFFFFFFFE, v39;
	v37 =	vmax.f32 v2, v6;
	v2 =	vld [tilespmem:s22+$0x170]  }
.Ltmp16:
0x3f8: {  	v44 =	vmax.f32 v3, v7;
	v45 =	vmax.f32 v4, v8;
	v39 =	vmax.f32 v5, v34;
	v34 =	vld [tilespmem:s22+$0xA0];
	(pc) =	sbr.rel @p0 .LBB2_22-.Ltmp16, $4  }
0x3f9: {  	v46 =	vmax.f32 v35, v40;
	v47 =	vmax.f32 v36, v42;
	v40 =	vmax.f32 v38, v43;
	v35 =	vld [tilespmem:s22+$0xB0]  }
0x3fa: {  	v48 =	vmax.f32 v41, v48;
	v49 =	vmax.f32 v49, v53;
	v41 =	vmax.f32 v50, v54;
	v36 =	vld [tilespmem:s22+$0x180]  }
0x3fb: {  	v50 =	vmax.f32 v51, v55;
	v51 =	vmax.f32 v52, v56;
	v42 =	vmax.f32 v57, v61;
	v43 =	vld [tilespmem:s22+$0x190]  }
0x3fc: {  	s24 =	sadd.s32 $0x4, s24;
	v52 =	vmax.f32 v58, v62;
	v53 =	vmax.f32 v59, v63;
	v38 =	vmax.f32 v60, v2;
	v54 =	vld [tilespmem:s22+$0x1A0]  }
0x3fd: {  	v2 =	vmax.f32 v37, v22;
	v3 =	vmax.f32 v44, v23;
	v4 =	vmax.f32 v45, v25  }
0x3fe: {  	v6 =	vmax.f32 v39, v24;
	v7 =	vmax.f32 v46, v26;
	v8 =	vmax.f32 v47, v28  }
0x3ff: {  	v40 =	vmax.f32 v40, v29;
	v44 =	vmax.f32 v48, v31;
	v45 =	vmax.f32 v49, v32  }
0x400: {  	v5 =	vld [tilespmem:s22+$0x1B0];
	v47 =	vmax.f32 v41, v30;
	v48 =	vmax.f32 v50, v34;
	v49 =	vmax.f32 v51, v35  }
0x401: {  	v63 =	vld [tilespmem:s22+$0xF0];
	v2 =	vmax.f32 v2, v10;
	v3 =	vmax.f32 v3, v12;
	v4 =	vmax.f32 v4, v11  }
0x402: {  	v46 =	vld [tilespmem:s22+$0x1C0];
	v6 =	vmax.f32 v6, v13;
	v7 =	vmax.f32 v7, v14;
	v8 =	vmax.f32 v8, v15  }
0x403: {  	v50 =	vld [tilespmem:s22+$0x1D0];
	v11 =	vmax.f32 v40, v16;
	v57 =	vmax.f32 v44, v17;
	v58 =	vmax.f32 v45, v18  }
0x404: {  	v56 =	vld [tilespmem:s22+$0x1E0];
	v59 =	vmax.f32 v47, v19;
	v60 =	vmax.f32 v48, v20;
	v51 =	vmax.f32 v42, v36  }
0x405: {  	v10 =	vld [tilespmem:s22+$0x1F0];
	v2 =	vmax.f32 v2, v3;
	v4 =	vmax.f32 v4, v6;
	v6 =	vmax.f32 v7, v8  }
0x406: {  	v7 =	vmax.f32 v11, v57;
	v52 =	vmax.f32 v52, v43;
	v2 =	vmax.f32 v2, v4  }
0x407: {  	v4 =	vmax.f32 v58, v59;
	v6 =	vmax.f32 v6, v7;
	v55 =	vmax.f32 v53, v54  }
0x408: {  	v9 =	vmax.f32 v9, v2;
	v5 =	vmax.f32 v38, v5;
	v61 =	vmax.f32 v49, v63  }
0x409: {  	v62 =	vmax.f32 v51, v46;
	v63 =	vmax.f32 v52, v50;
	v3 =	vmax.f32 v55, v56  }
0x40a: {  	v9 =	vmax.f32 v9, v6;
	v5 =	vmax.f32 v5, v10;
	v8 =	vmax.f32 v60, v61  }
0x40b: {  	v7 =	vmax.f32 v62, v63;
	v4 =	vmax.f32 v4, v8;
	v3 =	vmax.f32 v3, v5  }
0x40c: {  	v5 =	vmax.f32 v9, v4;
	v3 =	vmax.f32 v7, v3  }
0x40d: {  	v5 =	vmax.f32 v5, v3  }
0x40e: {  	(xrf1) =	vsort.dscd.msk.f32 $0xffff, v5, v5  }
0x40f: {  	(xrf0) =	vmax.scan.msk.f32 $0xffff, v2  }
0x410: {  	(xrf0) =	vmax.scan.msk.f32 $0xffff, v6  }
0x411: {  	v2 =	vbroadcast v33, $0x0;
	(xrf0) =	vmax.scan.msk.f32 $0xffff, v4  }
0x412: {  	v4 =	vbroadcast v27, $0x0;
	(xrf0) =	vmax.scan.msk.f32 $0xffff, v3  }
0x413: {  	s31 =	sadd.s32 $0x3, s23  }
0x414: {  	v3 =	vmov s31  }
0x415: {  	v5, _, _ =	vpop (xrf0)  }
0x416: {  	[tilespmem:v21+s13+$0x0] =	vst.idx.msk vm0, v5;
	v5, _, _ =	vpop (xrf0)  }
0x417: {  	[tilespmem:v2+s13+$0x0] =	vst.idx.msk vm0, v5;
	v2, _, _ =	vpop (xrf0)  }
0x418: {  	[tilespmem:v4+s13+$0x0] =	vst.idx.msk vm0, v2;
	v2, _, _ =	vpop (xrf0)  }
0x419: {  	[tilespmem:v3+s13+$0x0] =	vst.idx.msk vm0, v2  }
0x41a: {  	v2 =	vld [tilespmem:$0x10000];
	_ =	sdelay $0x1  }
0x41b: {  	v3, _, _ =	vpop (xrf1)  }
0x41c: {  	v9 =	vbroadcast v3, $0x7;
	_ =	sdelay $0x1  }
0x41d: {  	vm1 =	vge.f32 v2, v9  }
0x41e: {  	v2 =	vsel vm1, $0x1, v1  }
0x41f: {  	(xrf0) =	vadd.scan.msk.s32 $0xffff, v2;
	_ =	sdelay $0x5  }
0x420: {  	v2, _, _ =	vpop (xrf0)  }
0x421: {  	v2 =	vadd.s32 $0xFFFFFFFF, v2;
	_ =	sdelay $0x3  }
0x422: {  	s22 =	simm.s32 $0x10080;
	v6 =	vlaneseq.u32  }
0x423: {  	[tilespmem:v2+s22+$0x0] =	vst.idx.msk vm1, v6  }
0x424: {  	v2 =	vld [tilespmem:$0x10010];
	_ =	sdelay $0x4  }
0x425: {  	vm2 =	vge.f32 v2, v9  }
0x426: {  	v2 =	vsel vm2, $0x1, v1  }
0x427: {  	(xrf0) =	vadd.scan.msk.s32 $0xffff, v2;
	_ =	sdelay $0x4  }
0x428: {  	v2 =	vmpcnt.ones.xlane vm1  }
0x429: {  	v3, _, _ =	vpop (xrf0)  }
0x42a: {  	v3 =	vadd.s32 v3, v2  }
0x42b: {  	v3 =	vadd.s32 $0xFFFFFFFF, v3;
	_ =	sdelay $0x4  }
0x42c: {  	[tilespmem:v3+s22+$0x0] =	vst.idx.msk vm2, v0  }
0x42d: {  	v3 =	vld [tilespmem:$0x10020];
	_ =	sdelay $0x4  }
0x42e: {  	vm1 =	vge.f32 v3, v9  }
0x42f: {  	v3 =	vsel vm1, $0x1, v1  }
0x430: {  	(xrf0) =	vadd.scan.msk.s32 $0xffff, v3;
	_ =	sdelay $0x1  }
0x431: {  	v3 =	vmpcnt.ones.xlane vm2;
	_ =	sdelay $0x3  }
0x432: {  	v2 =	vadd.s32 v2, v3;
	v3, _, _ =	vpop (xrf0)  }
0x433: {  	v3 =	vadd.s32 v3, v2  }
0x434: {  	v4 =	vld [tilespmem:$0x1FFA0];
	v3 =	vadd.s32 $0xFFFFFFFF, v3;
	_ =	sdelay $0x4  }
0x435: {  	[tilespmem:v3+s22+$0x0] =	vst.idx.msk vm1, v4  }
0x436: {  	v3 =	vld [tilespmem:$0x10030];
	_ =	sdelay $0x4  }
0x437: {  	vm2 =	vge.f32 v3, v9  }
0x438: {  	v3 =	vsel vm2, $0x1, v1  }
0x439: {  	(xrf0) =	vadd.scan.msk.s32 $0xffff, v3;
	_ =	sdelay $0x1  }
0x43a: {  	v3 =	vmpcnt.ones.xlane vm1;
	_ =	sdelay $0x3  }
0x43b: {  	v2 =	vadd.s32 v2, v3;
	v3, _, _ =	vpop (xrf0)  }
0x43c: {  	v3 =	vadd.s32 v3, v2  }
0x43d: {  	v4 =	vld [tilespmem:$0x1FFB0];
	v3 =	vadd.s32 $0xFFFFFFFF, v3;
	_ =	sdelay $0x4  }
0x43e: {  	[tilespmem:v3+s22+$0x0] =	vst.idx.msk vm2, v4  }
0x43f: {  	v3 =	vld [tilespmem:$0x10040];
	_ =	sdelay $0x4  }
0x440: {  	vm1 =	vge.f32 v3, v9  }
0x441: {  	v3 =	vsel vm1, $0x1, v1  }
0x442: {  	(xrf0) =	vadd.scan.msk.s32 $0xffff, v3;
	_ =	sdelay $0x1  }
0x443: {  	v3 =	vmpcnt.ones.xlane vm2;
	_ =	sdelay $0x3  }
0x444: {  	v2 =	vadd.s32 v2, v3;
	v3, _, _ =	vpop (xrf0)  }
0x445: {  	v3 =	vadd.s32 v3, v2  }
0x446: {  	v4 =	vld [tilespmem:$0x1FFC0];
	v3 =	vadd.s32 $0xFFFFFFFF, v3;
	_ =	sdelay $0x4  }
0x447: {  	[tilespmem:v3+s22+$0x0] =	vst.idx.msk vm1, v4  }
0x448: {  	v3 =	vld [tilespmem:$0x10050];
	_ =	sdelay $0x4  }
0x449: {  	vm2 =	vge.f32 v3, v9  }
0x44a: {  	v3 =	vsel vm2, $0x1, v1  }
0x44b: {  	(xrf0) =	vadd.scan.msk.s32 $0xffff, v3;
	_ =	sdelay $0x1  }
0x44c: {  	v3 =	vmpcnt.ones.xlane vm1;
	_ =	sdelay $0x3  }
0x44d: {  	v2 =	vadd.s32 v2, v3;
	v3, _, _ =	vpop (xrf0)  }
0x44e: {  	v3 =	vadd.s32 v3, v2  }
0x44f: {  	v4 =	vld [tilespmem:$0x1FFD0];
	v3 =	vadd.s32 $0xFFFFFFFF, v3;
	_ =	sdelay $0x4  }
0x450: {  	[tilespmem:v3+s22+$0x0] =	vst.idx.msk vm2, v4  }
0x451: {  	v3 =	vld [tilespmem:$0x10060];
	_ =	sdelay $0x4  }
0x452: {  	vm1 =	vge.f32 v3, v9  }
0x453: {  	v3 =	vsel vm1, $0x1, v1  }
0x454: {  	(xrf0) =	vadd.scan.msk.s32 $0xffff, v3;
	_ =	sdelay $0x1  }
0x455: {  	v3 =	vmpcnt.ones.xlane vm2;
	_ =	sdelay $0x3  }
0x456: {  	v2 =	vadd.s32 v2, v3;
	v3, _, _ =	vpop (xrf0)  }
0x457: {  	v3 =	vadd.s32 v3, v2  }
0x458: {  	v4 =	vld [tilespmem:$0x1FFE0];
	v3 =	vadd.s32 $0xFFFFFFFF, v3;
	_ =	sdelay $0x4  }
0x459: {  	[tilespmem:v3+s22+$0x0] =	vst.idx.msk vm1, v4  }
0x45a: {  	v3 =	vld [tilespmem:$0x10070];
	_ =	sdelay $0x4  }
0x45b: {  	v4 =	vmpcnt.ones.xlane vm1;
	vm1 =	vge.f32 v3, v9  }
0x45c: {  	v3 =	vmpcnt.ones.xlane vm1  }
0x45d: {  	v2 =	vadd.s32 v2, v4  }
0x45e: {  	v3 =	vadd.s32 v2, v3  }
0x45f: {  	(v2sf) =	vpush v3, $0x0;
	_ =	sdelay $0x6  }
0x460: {  	v3 =	vsel vm1, $0x1, v1  }
0x461: {  	(xrf0) =	vadd.scan.msk.s32 $0xffff, v3;
	_ =	sdelay $0x5  }
0x462: {  	v3, _, _ =	vpop (xrf0)  }
0x463: {  	v2 =	vadd.s32 v3, v2;
	s23 =	spop (v2sf)  }
0x464: {  	v3 =	vld [tilespmem:$0x1FFF0];
	v2 =	vadd.s32 $0xFFFFFFFF, v2;
	p0 =	slt.s32 s23, $0x1  }
.Ltmp17:
0x465: {  	_ = 	snop;
	(pc) =	sbr.rel @p0 .LBB2_25-.Ltmp17, $2  }
0x466: {  	_ =	sdelay $0x2  }
0x467: {  	v10 =	vimm.s32 $0x0;
	[tilespmem:v2+s22+$0x0] =	vst.idx.msk vm1, v3  }
.LBB2_24:
0x468: {  	v2 =	vld [tilespmem:s22+$0x0];
	_ =	sdelay $0x4  }
0x469: {  	(v2sf) =	vpush v2, $0x0;
	_ =	sdelay $0xe  }
0x46a: {  	s24 =	spop (v2sf)  }
0x46b: {  	s24 =	sshll.u32 s24, $0xA  }
0x46c: {  	s24 =	sshra.s32 s24, $0x2  }
0x46d: {  	v2 =	vld [tilespmem:s24+$0x0];
	_ =	sdelay $0x4  }
0x46e: {  	vm1 =	vge.f32 v2, v9  }
0x46f: {  	v3 =	vsel vm1, $0x1, v1  }
0x470: {  	(xrf0) =	vadd.scan.msk.s32 $0xffff, v3;
	_ =	sdelay $0x5  }
0x471: {  	v3, _, _ =	vpop (xrf0)  }
0x472: {  	v3 =	vadd.s32 v3, v10  }
0x473: {  	v3 =	vadd.s32 $0xFFFFFFFF, v3;
	_ =	sdelay $0x4  }
0x474: {  	[tilespmem:v3+s14+$0x0] =	vst.idx.msk vm1, v2  }
0x475: {  	v2 =	vld [tilespmem:s24+$0x10];
	_ =	sdelay $0x4  }
0x476: {  	vm2 =	vge.f32 v2, v9  }
0x477: {  	v3 =	vsel vm2, $0x1, v1  }
0x478: {  	(xrf0) =	vadd.scan.msk.s32 $0xffff, v3;
	_ =	sdelay $0x3  }
0x479: {  	v3 =	vmpcnt.ones.xlane vm1;
	_ =	sdelay $0x1  }
0x47a: {  	v3 =	vadd.s32 v10, v3;
	v4, _, _ =	vpop (xrf0)  }
0x47b: {  	v4 =	vadd.s32 v4, v3  }
0x47c: {  	v4 =	vadd.s32 $0xFFFFFFFF, v4;
	_ =	sdelay $0x4  }
0x47d: {  	[tilespmem:v4+s14+$0x0] =	vst.idx.msk vm2, v2  }
0x47e: {  	v2 =	vld [tilespmem:s24+$0x20];
	_ =	sdelay $0x4  }
0x47f: {  	vm1 =	vge.f32 v2, v9  }
0x480: {  	v4 =	vsel vm1, $0x1, v1  }
0x481: {  	(xrf0) =	vadd.scan.msk.s32 $0xffff, v4;
	_ =	sdelay $0x1  }
0x482: {  	v4 =	vmpcnt.ones.xlane vm2;
	_ =	sdelay $0x3  }
0x483: {  	v3 =	vadd.s32 v3, v4;
	v4, _, _ =	vpop (xrf0)  }
0x484: {  	v4 =	vadd.s32 v4, v3  }
0x485: {  	v4 =	vadd.s32 $0xFFFFFFFF, v4;
	_ =	sdelay $0x4  }
0x486: {  	[tilespmem:v4+s14+$0x0] =	vst.idx.msk vm1, v2  }
0x487: {  	v2 =	vld [tilespmem:s24+$0x30];
	_ =	sdelay $0x4  }
0x488: {  	vm2 =	vge.f32 v2, v9  }
0x489: {  	v4 =	vsel vm2, $0x1, v1  }
0x48a: {  	(xrf0) =	vadd.scan.msk.s32 $0xffff, v4;
	_ =	sdelay $0x1  }
0x48b: {  	v4 =	vmpcnt.ones.xlane vm1;
	_ =	sdelay $0x3  }
0x48c: {  	v3 =	vadd.s32 v3, v4;
	v4, _, _ =	vpop (xrf0)  }
0x48d: {  	v4 =	vadd.s32 v4, v3  }
0x48e: {  	v4 =	vadd.s32 $0xFFFFFFFF, v4;
	_ =	sdelay $0x4  }
0x48f: {  	[tilespmem:v4+s14+$0x0] =	vst.idx.msk vm2, v2  }
0x490: {  	v2 =	vld [tilespmem:s24+$0x40];
	_ =	sdelay $0x4  }
0x491: {  	vm1 =	vge.f32 v2, v9  }
0x492: {  	v4 =	vsel vm1, $0x1, v1  }
0x493: {  	(xrf0) =	vadd.scan.msk.s32 $0xffff, v4;
	_ =	sdelay $0x1  }
0x494: {  	v4 =	vmpcnt.ones.xlane vm2;
	_ =	sdelay $0x3  }
0x495: {  	v3 =	vadd.s32 v3, v4;
	v4, _, _ =	vpop (xrf0)  }
0x496: {  	v4 =	vadd.s32 v4, v3  }
0x497: {  	v4 =	vadd.s32 $0xFFFFFFFF, v4;
	_ =	sdelay $0x4  }
0x498: {  	[tilespmem:v4+s14+$0x0] =	vst.idx.msk vm1, v2  }
0x499: {  	v2 =	vld [tilespmem:s24+$0x50];
	_ =	sdelay $0x4  }
0x49a: {  	vm2 =	vge.f32 v2, v9  }
0x49b: {  	v4 =	vsel vm2, $0x1, v1  }
0x49c: {  	(xrf0) =	vadd.scan.msk.s32 $0xffff, v4;
	_ =	sdelay $0x1  }
0x49d: {  	v4 =	vmpcnt.ones.xlane vm1;
	_ =	sdelay $0x3  }
0x49e: {  	v3 =	vadd.s32 v3, v4;
	v4, _, _ =	vpop (xrf0)  }
0x49f: {  	v4 =	vadd.s32 v4, v3  }
0x4a0: {  	v4 =	vadd.s32 $0xFFFFFFFF, v4;
	_ =	sdelay $0x4  }
0x4a1: {  	[tilespmem:v4+s14+$0x0] =	vst.idx.msk vm2, v2  }
0x4a2: {  	v2 =	vld [tilespmem:s24+$0x60];
	_ =	sdelay $0x4  }
0x4a3: {  	vm1 =	vge.f32 v2, v9  }
0x4a4: {  	v4 =	vsel vm1, $0x1, v1  }
0x4a5: {  	(xrf0) =	vadd.scan.msk.s32 $0xffff, v4;
	_ =	sdelay $0x1  }
0x4a6: {  	v4 =	vmpcnt.ones.xlane vm2;
	_ =	sdelay $0x3  }
0x4a7: {  	v3 =	vadd.s32 v3, v4;
	v4, _, _ =	vpop (xrf0)  }
0x4a8: {  	v4 =	vadd.s32 v4, v3  }
0x4a9: {  	v4 =	vadd.s32 $0xFFFFFFFF, v4;
	_ =	sdelay $0x4  }
0x4aa: {  	[tilespmem:v4+s14+$0x0] =	vst.idx.msk vm1, v2  }
0x4ab: {  	v2 =	vld [tilespmem:s24+$0x70];
	_ =	sdelay $0x4  }
0x4ac: {  	vm2 =	vge.f32 v2, v9  }
0x4ad: {  	v4 =	vsel vm2, $0x1, v1  }
0x4ae: {  	(xrf0) =	vadd.scan.msk.s32 $0xffff, v4;
	_ =	sdelay $0x1  }
0x4af: {  	v4 =	vmpcnt.ones.xlane vm1;
	_ =	sdelay $0x3  }
0x4b0: {  	v3 =	vadd.s32 v3, v4;
	v4, _, _ =	vpop (xrf0)  }
0x4b1: {  	v4 =	vadd.s32 v4, v3  }
0x4b2: {  	v4 =	vadd.s32 $0xFFFFFFFF, v4;
	_ =	sdelay $0x4  }
0x4b3: {  	[tilespmem:v4+s14+$0x0] =	vst.idx.msk vm2, v2  }
0x4b4: {  	v2 =	vld [tilespmem:s24+$0x80];
	_ =	sdelay $0x4  }
0x4b5: {  	vm1 =	vge.f32 v2, v9  }
0x4b6: {  	v4 =	vsel vm1, $0x1, v1  }
0x4b7: {  	(xrf0) =	vadd.scan.msk.s32 $0xffff, v4;
	_ =	sdelay $0x1  }
0x4b8: {  	v4 =	vmpcnt.ones.xlane vm2;
	_ =	sdelay $0x3  }
0x4b9: {  	v3 =	vadd.s32 v3, v4;
	v4, _, _ =	vpop (xrf0)  }
0x4ba: {  	v4 =	vadd.s32 v4, v3  }
0x4bb: {  	v4 =	vadd.s32 $0xFFFFFFFF, v4;
	_ =	sdelay $0x4  }
0x4bc: {  	[tilespmem:v4+s14+$0x0] =	vst.idx.msk vm1, v2  }
0x4bd: {  	v2 =	vld [tilespmem:s24+$0x90];
	_ =	sdelay $0x4  }
0x4be: {  	vm2 =	vge.f32 v2, v9  }
0x4bf: {  	v4 =	vsel vm2, $0x1, v1  }
0x4c0: {  	(xrf0) =	vadd.scan.msk.s32 $0xffff, v4;
	_ =	sdelay $0x1  }
0x4c1: {  	v4 =	vmpcnt.ones.xlane vm1;
	_ =	sdelay $0x3  }
0x4c2: {  	v3 =	vadd.s32 v3, v4;
	v4, _, _ =	vpop (xrf0)  }
0x4c3: {  	v4 =	vadd.s32 v4, v3  }
0x4c4: {  	v4 =	vadd.s32 $0xFFFFFFFF, v4;
	_ =	sdelay $0x4  }
0x4c5: {  	[tilespmem:v4+s14+$0x0] =	vst.idx.msk vm2, v2  }
0x4c6: {  	v2 =	vld [tilespmem:s24+$0xA0];
	_ =	sdelay $0x4  }
0x4c7: {  	vm1 =	vge.f32 v2, v9  }
0x4c8: {  	v4 =	vsel vm1, $0x1, v1  }
0x4c9: {  	(xrf0) =	vadd.scan.msk.s32 $0xffff, v4;
	_ =	sdelay $0x1  }
0x4ca: {  	v4 =	vmpcnt.ones.xlane vm2;
	_ =	sdelay $0x3  }
0x4cb: {  	v3 =	vadd.s32 v3, v4;
	v4, _, _ =	vpop (xrf0)  }
0x4cc: {  	v4 =	vadd.s32 v4, v3  }
0x4cd: {  	v4 =	vadd.s32 $0xFFFFFFFF, v4;
	_ =	sdelay $0x4  }
0x4ce: {  	[tilespmem:v4+s14+$0x0] =	vst.idx.msk vm1, v2  }
0x4cf: {  	v2 =	vld [tilespmem:s24+$0xB0];
	_ =	sdelay $0x4  }
0x4d0: {  	vm2 =	vge.f32 v2, v9  }
0x4d1: {  	v4 =	vsel vm2, $0x1, v1  }
0x4d2: {  	(xrf0) =	vadd.scan.msk.s32 $0xffff, v4;
	_ =	sdelay $0x1  }
0x4d3: {  	v4 =	vmpcnt.ones.xlane vm1;
	_ =	sdelay $0x3  }
0x4d4: {  	v3 =	vadd.s32 v3, v4;
	v4, _, _ =	vpop (xrf0)  }
0x4d5: {  	v4 =	vadd.s32 v4, v3  }
0x4d6: {  	v4 =	vadd.s32 $0xFFFFFFFF, v4;
	_ =	sdelay $0x4  }
0x4d7: {  	[tilespmem:v4+s14+$0x0] =	vst.idx.msk vm2, v2  }
0x4d8: {  	v2 =	vld [tilespmem:s24+$0xC0];
	_ =	sdelay $0x4  }
0x4d9: {  	vm1 =	vge.f32 v2, v9  }
0x4da: {  	v4 =	vsel vm1, $0x1, v1  }
0x4db: {  	(xrf0) =	vadd.scan.msk.s32 $0xffff, v4;
	_ =	sdelay $0x1  }
0x4dc: {  	v4 =	vmpcnt.ones.xlane vm2;
	_ =	sdelay $0x3  }
0x4dd: {  	v3 =	vadd.s32 v3, v4;
	v4, _, _ =	vpop (xrf0)  }
0x4de: {  	v4 =	vadd.s32 v4, v3  }
0x4df: {  	v4 =	vadd.s32 $0xFFFFFFFF, v4;
	_ =	sdelay $0x4  }
0x4e0: {  	[tilespmem:v4+s14+$0x0] =	vst.idx.msk vm1, v2  }
0x4e1: {  	v2 =	vld [tilespmem:s24+$0xD0];
	_ =	sdelay $0x4  }
0x4e2: {  	vm2 =	vge.f32 v2, v9  }
0x4e3: {  	v4 =	vsel vm2, $0x1, v1  }
0x4e4: {  	(xrf0) =	vadd.scan.msk.s32 $0xffff, v4;
	_ =	sdelay $0x1  }
0x4e5: {  	v4 =	vmpcnt.ones.xlane vm1;
	_ =	sdelay $0x3  }
0x4e6: {  	v3 =	vadd.s32 v3, v4;
	v4, _, _ =	vpop (xrf0)  }
0x4e7: {  	v4 =	vadd.s32 v4, v3  }
0x4e8: {  	v4 =	vadd.s32 $0xFFFFFFFF, v4;
	_ =	sdelay $0x4  }
0x4e9: {  	[tilespmem:v4+s14+$0x0] =	vst.idx.msk vm2, v2  }
0x4ea: {  	v2 =	vld [tilespmem:s24+$0xE0];
	_ =	sdelay $0x4  }
0x4eb: {  	vm1 =	vge.f32 v2, v9  }
0x4ec: {  	v4 =	vsel vm1, $0x1, v1  }
0x4ed: {  	(xrf0) =	vadd.scan.msk.s32 $0xffff, v4;
	_ =	sdelay $0x1  }
0x4ee: {  	v4 =	vmpcnt.ones.xlane vm2;
	_ =	sdelay $0x3  }
0x4ef: {  	v3 =	vadd.s32 v3, v4;
	v4, _, _ =	vpop (xrf0)  }
0x4f0: {  	v4 =	vadd.s32 v4, v3  }
0x4f1: {  	v4 =	vadd.s32 $0xFFFFFFFF, v4;
	_ =	sdelay $0x4  }
0x4f2: {  	[tilespmem:v4+s14+$0x0] =	vst.idx.msk vm1, v2  }
0x4f3: {  	v2 =	vld [tilespmem:s24+$0xF0];
	_ =	sdelay $0x4  }
0x4f4: {  	vm2 =	vge.f32 v2, v9  }
0x4f5: {  	v4 =	vsel vm2, $0x1, v1  }
0x4f6: {  	(xrf0) =	vadd.scan.msk.s32 $0xffff, v4;
	_ =	sdelay $0x1  }
0x4f7: {  	v4 =	vmpcnt.ones.xlane vm1;
	_ =	sdelay $0x3  }
0x4f8: {  	v3 =	vadd.s32 v3, v4;
	v4, _, _ =	vpop (xrf0)  }
0x4f9: {  	v4 =	vadd.s32 v4, v3  }
0x4fa: {  	p0 =	sne.s32 s23, $0x1;
	v4 =	vadd.s32 $0xFFFFFFFF, v4  }
.Ltmp18:
0x4fb: {  	_ = 	snop;
	(pc) =	sbr.rel @p0 .LBB2_24-.Ltmp18, $3  }
0x4fc: {  	_ = 	snop  }
0x4fd: {  	v5 =	vmpcnt.ones.xlane vm2;
	_ =	sdelay $0x1  }
0x4fe: {  	s22 =	sadd.s32 $0x1, s22;
	s23 =	sadd.s32 $0xFFFFFFFF, s23;
	v10 =	vadd.s32 v3, v5;
	[tilespmem:v4+s14+$0x0] =	vst.idx.msk vm2, v2  }
.LBB2_25:
0x4ff: {  	(v2sf) =	vpush v10, $0x0;
	_ =	sdelay $0xe  }
0x500: {  	s22 =	spop (v2sf)  }
0x501: {  	s22 =	sadd.s32 $0xF, s22  }
0x502: {  	s23 =	sand.u32 $0xF, s22  }
0x503: {  	s24 =	sshra.s32 s22, $0x1F;
	p0 =	slt.s32 s22, $0x1;
	p1 =	sne.s32 s23, $0x0  }
0x504: {  	s31 =	sshrl.u32 s24, $0x1C;
	p0 =	por !p0, !p1  }
0x505: {  	s23 =	simm.s32 $0x1;
	s22 =	sadd.s32 s31, s22;
	p0 =	por !p0, !p0  }
0x506: {  	s22 =	sshra.s32 s22, $0x4;
	s23 =	simm.s32 @!p0 $0x0  }
0x507: {  	s23 =	ssub.s32 s22, s23  }
0x508: {  	v2 =	vadd.s32 v6, v10;
	p0 =	slt.s32 s23, $0x1  }
.Ltmp19:
0x509: {  	_ = 	snop;
	(pc) =	sbr.rel @p0 .LBB2_31-.Ltmp19, $3  }
0x50a: {  	_ =	sdelay $0x1  }
0x50b: {  	v9 =	vimm.f32 $-Inf;
	s22 =	simm.s32 $0x10180  }
0x50c: {  	v10 =	vimm.f32 $-Inf;
	[tilespmem:v2+s22+$0x0] =	vst.idx.msk $0xffff, v9  }
0x50d: {  	p1 =	sne.s32 s23, $0x1  }
.Ltmp20:
0x50e: {  	_ = 	snop;
	(pc) =	sbr.rel @!p1 .LBB2_27-.Ltmp20, $2  }
0x50f: {  	_ =	sdelay $0x2  }
0x510: {  	v10 =	vld [tilespmem:s22+$0x0];
	s23 =	sadd.s32 $0xFFFFFFFF, s23;
	p0 =	por $0x0, $0x0  }
0x511: {  	_ =	sdelay $0x3  }
0x512: {  	(xrf1) =	vsort.dscd.msk.f32 $0xffff, v10, v10;
	_ =	sdelay $0x7  }
0x513: {  	p1 =	sne.s32 s23, $0x1  }
.Ltmp21:
0x514: {  	_ = 	snop;
	(pc) =	sbr.rel @!p1 .LBB2_30-.Ltmp21, $3  }
0x515: {  	v2 =	vmul.u32 $0xFFFFFFFF, v6;
	_ =	sdelay $0x1  }
0x516: {  	s22 =	sadd.s32 $0x10, s22;
	v11 =	vadd.s32 $0xF, v2  }
0x517: {  	s23 =	sadd.s32 $0xFFFFFFFF, s23;
	p0 =	por $0x1, $0x1;
	v12 =	vperm.xlane v9, v11;
	v10 =	vld [tilespmem:s22+$0x0]  }
.LBB2_29:
0x518: {  	p1 =	sne.s32 s23, $0x1;
	v2, _, _ =	vpop (xrf1)  }
0x519: {  	v2 =	vmax.f32 v2, v12  }
0x51a: {  	(xrf1) =	vsort.dscd.msk.f32 $0xffff, v2, v2;
	_ =	sdelay $0x1  }
0x51b: {  	(xrf1) =	vsort.dscd.msk.f32 $0xffff, v10, v10;
	_ =	sdelay $0x8  }
.Ltmp22:
0x51c: {  	(pc) =	sbr.rel @p1 .LBB2_29-.Ltmp22, $3  }
0x51d: {  	_ =	sdelay $0x1  }
0x51e: {  	s22 =	sadd.s32 $0x10, s22;
	v2, _, _ =	vpop (xrf1)  }
0x51f: {  	s23 =	sadd.s32 $0xFFFFFFFF, s23;
	v10 =	vld [tilespmem:s22+$0x0];
	v12 =	vperm.xlane v2, v11  }
.LBB2_30:
0x520: {  	v2, _, _ =	vpop @p0 (xrf1)  }
0x521: {  	v2 =	vmax.f32 @p0 v2, v12  }
0x522: {  	(xrf1) =	vsort.dscd.msk.f32 @p0 $0xffff, v2, v2;
	_ =	sdelay $0x3  }
0x523: {  	(xrf1) =	vsort.dscd.msk.f32 $0xffff, v10, v10;
	_ =	sdelay $0x9  }
0x524: {  	v2 =	vmul.u32 $0xFFFFFFFF, v6;
	v3, _, _ =	vpop @p0 (xrf1)  }
0x525: {  	v3 =	vpsel p0, v3, v9  }
0x526: {  	v2 =	vadd.s32 $0xF, v2  }
0x527: {  	v2 =	vperm.xlane v3, v2  }
0x528: {  	v3, _, _ =	vpop (xrf1)  }
0x529: {  	v2 =	vmax.f32 v3, v2  }
0x52a: {  	(xrf1) =	vsort.dscd.msk.f32 $0xffff, v2, v2;
	_ =	sdelay $0xd  }
0x52b: {  	v10, _, _ =	vpop (xrf1)  }
.LBB2_31:
0x52c: {  	[tilespmem:s18+$0x0] =	vst.msk $0xff, v10  }
0x52d: {  	_ =	swait.ge [sflag:s16], $0x8000  }
0x52e: {  	[sflag:s16] =	ssyncset.done $0x0  }
0x52f: {  	s22 =	simm.s32 $0x8200;
	[sflag:s16] =	ssyncadd.s32 $0xFFFF8000  }
0x530: {  	v10 =	vld [tilespmem:s22+$0xFFFFFEC0]  }
0x531: {  	v12 =	vld [tilespmem:s22+$0xFFFFFED0]  }
0x532: {  	v11 =	vld [tilespmem:s22+$0xFFFFFEE0]  }
0x533: {  	v13 =	vld [tilespmem:s22+$0xFFFFFEF0]  }
0x534: {  	v14 =	vld [tilespmem:s22+$0xFFFFFFC0]  }
0x535: {  	v15 =	vld [tilespmem:s22+$0xFFFFFFD0]  }
0x536: {  	v16 =	vld [tilespmem:s22+$0xFFFFFFE0]  }
0x537: {  	v17 =	vld [tilespmem:s22+$0xFFFFFFF0]  }
0x538: {  	v18 =	vld [tilespmem:s22+$0xC0]  }
0x539: {  	v19 =	vld [tilespmem:s22+$0xD0]  }
0x53a: {  	v20 =	vld [tilespmem:s22+$0xE0]  }
0x53b: {  	v22 =	vld [tilespmem:s22+$0xFFFFFE80]  }
0x53c: {  	v23 =	vld [tilespmem:s22+$0xFFFFFE90]  }
0x53d: {  	v25 =	vld [tilespmem:s22+$0xFFFFFEA0]  }
0x53e: {  	v24 =	vld [tilespmem:s22+$0xFFFFFEB0]  }
0x53f: {  	v26 =	vld [tilespmem:s22+$0xFFFFFF80]  }
0x540: {  	v28 =	vld [tilespmem:s22+$0xFFFFFF90]  }
0x541: {  	v29 =	vld [tilespmem:s22+$0xFFFFFFA0]  }
0x542: {  	v31 =	vld [tilespmem:s22+$0xFFFFFFB0]  }
0x543: {  	v32 =	vld [tilespmem:s22+$0x80]  }
0x544: {  	v30 =	vld [tilespmem:s22+$0x90]  }
0x545: {  	v2 =	vld [tilespmem:s22+$0xFFFFFE00]  }
0x546: {  	v3 =	vld [tilespmem:s22+$0xFFFFFE10]  }
0x547: {  	v4 =	vld [tilespmem:s22+$0xFFFFFE20]  }
0x548: {  	v5 =	vld [tilespmem:s22+$0xFFFFFE30]  }
0x549: {  	v6 =	vld [tilespmem:s22+$0xFFFFFE40]  }
0x54a: {  	v7 =	vld [tilespmem:s22+$0xFFFFFE50]  }
0x54b: {  	v8 =	vld [tilespmem:s22+$0xFFFFFE60]  }
0x54c: {  	v34 =	vld [tilespmem:s22+$0xFFFFFE70]  }
0x54d: {  	v35 =	vld [tilespmem:s22+$0xFFFFFF00]  }
0x54e: {  	v36 =	vld [tilespmem:s22+$0xFFFFFF10]  }
0x54f: {  	v38 =	vld [tilespmem:s22+$0xFFFFFF20]  }
0x550: {  	v41 =	vld [tilespmem:s22+$0xFFFFFF30]  }
0x551: {  	v40 =	vld [tilespmem:s22+$0xFFFFFF40]  }
0x552: {  	v42 =	vld [tilespmem:s22+$0xFFFFFF50]  }
0x553: {  	v43 =	vld [tilespmem:s22+$0xFFFFFF60]  }
0x554: {  	v48 =	vld [tilespmem:s22+$0xFFFFFF70]  }
0x555: {  	v49 =	vld [tilespmem:s22+$0x0]  }
0x556: {  	v50 =	vld [tilespmem:s22+$0x10]  }
0x557: {  	v51 =	vld [tilespmem:s22+$0x20]  }
0x558: {  	v52 =	vld [tilespmem:s22+$0x30]  }
0x559: {  	v53 =	vld [tilespmem:s22+$0x40]  }
0x55a: {  	v54 =	vld [tilespmem:s22+$0x50]  }
0x55b: {  	v55 =	vld [tilespmem:s22+$0x60]  }
0x55c: {  	v56 =	vld [tilespmem:s22+$0x70]  }
0x55d: {  	v57 =	vld [tilespmem:s22+$0x100]  }
0x55e: {  	v58 =	vld [tilespmem:s22+$0x110]  }
0x55f: {  	v59 =	vld [tilespmem:s22+$0x120]  }
0x560: {  	v60 =	vld [tilespmem:s22+$0x130]  }
0x561: {  	s23 =	simm.s32 $0x0;
	s24 =	simm.s32 $0x1;
	v61 =	vld [tilespmem:s22+$0x140]  }
0x562: {  	s25 =	simm.s32 $0x2;
	v21 =	vmov s23;
	v27 =	vmov s24;
	v62 =	vld [tilespmem:s22+$0x150]  }
0x563: {  	v39 =	vmov s25;
	v21 =	vand.u32 $0xFFFFFFFC, v21;
	v33 =	vand.u32 $0xFFFFFFFD, v27;
	v63 =	vld [tilespmem:s22+$0x160]  }
0x564: {  	v27 =	vand.u32 $0xFFFFFFFE, v39;
	v21 =	vbroadcast v21, $0x0;
	v37 =	vmax.f32 v2, v6;
	v2 =	vld [tilespmem:s22+$0x170]  }
0x565: {  	v44 =	vmax.f32 v3, v7;
	v45 =	vmax.f32 v4, v8;
	v39 =	vmax.f32 v5, v34;
	v34 =	vld [tilespmem:s22+$0xA0]  }
0x566: {  	v46 =	vmax.f32 v35, v40;
	v47 =	vmax.f32 v36, v42;
	v40 =	vmax.f32 v38, v43;
	v35 =	vld [tilespmem:s22+$0xB0]  }
0x567: {  	v48 =	vmax.f32 v41, v48;
	v49 =	vmax.f32 v49, v53;
	v41 =	vmax.f32 v50, v54;
	v36 =	vld [tilespmem:s22+$0x180]  }
0x568: {  	v50 =	vmax.f32 v51, v55;
	v51 =	vmax.f32 v52, v56;
	v42 =	vmax.f32 v57, v61;
	v43 =	vld [tilespmem:s22+$0x190]  }
0x569: {  	s24 =	simm.s32 $0x4;
	v52 =	vmax.f32 v58, v62;
	v53 =	vmax.f32 v59, v63;
	v54 =	vld [tilespmem:s22+$0x1A0];
	v38 =	vmax.f32 v60, v2  }
.LBB2_32:
0x56a: {  	p0 =	slt.u32 s24, $0x7C;
	v2 =	vmax.f32 v37, v22;
	v3 =	vmax.f32 v44, v23;
	v4 =	vmax.f32 v45, v25;
	v5 =	vld [tilespmem:s22+$0x1B0]  }
0x56b: {  	v6 =	vmax.f32 v39, v24;
	v7 =	vmax.f32 v46, v26;
	v8 =	vmax.f32 v47, v28;
	v22 =	vld [tilespmem:s22+$0xF0]  }
0x56c: {  	v23 =	vmax.f32 v40, v29;
	v24 =	vmax.f32 v48, v31;
	v25 =	vmax.f32 v49, v32;
	v26 =	vld [tilespmem:s22+$0x1C0]  }
0x56d: {  	v28 =	vmax.f32 v41, v30;
	v29 =	vmax.f32 v50, v34;
	v30 =	vmax.f32 v51, v35;
	v31 =	vld [tilespmem:s22+$0x1D0]  }
0x56e: {  	v32 =	vmax.f32 v42, v36;
	v34 =	vmax.f32 v52, v43;
	v35 =	vmax.f32 v53, v54;
	v36 =	vld [tilespmem:s22+$0x1E0]  }
0x56f: {  	v2 =	vmax.f32 v2, v10;
	v3 =	vmax.f32 v3, v12;
	v5 =	vmax.f32 v38, v5;
	v37 =	vld [tilespmem:s22+$0x1F0];
	s22 =	sadd.s32 $0x400, s22  }
0x570: {  	v4 =	vmax.f32 v4, v11;
	v6 =	vmax.f32 v6, v13;
	v7 =	vmax.f32 v7, v14;
	v10 =	vld [tilespmem:s22+$0xFFFFFEC0]  }
0x571: {  	v8 =	vmax.f32 v8, v15;
	v16 =	vmax.f32 v23, v16;
	v17 =	vmax.f32 v24, v17;
	v12 =	vld [tilespmem:s22+$0xFFFFFED0]  }
0x572: {  	v18 =	vmax.f32 v25, v18;
	v19 =	vmax.f32 v28, v19;
	v20 =	vmax.f32 v29, v20;
	v11 =	vld [tilespmem:s22+$0xFFFFFEE0]  }
0x573: {  	v22 =	vmax.f32 v30, v22;
	v23 =	vmax.f32 v32, v26;
	v24 =	vmax.f32 v34, v31;
	v13 =	vld [tilespmem:s22+$0xFFFFFEF0]  }
0x574: {  	v2 =	vmax.f32 v2, v3;
	v3 =	vmax.f32 v35, v36;
	v14 =	vld [tilespmem:s22+$0xFFFFFFC0];
	v5 =	vmax.f32 v5, v37  }
0x575: {  	v4 =	vmax.f32 v4, v6;
	v6 =	vmax.f32 v7, v8;
	v7 =	vmax.f32 v16, v17;
	v15 =	vld [tilespmem:s22+$0xFFFFFFD0]  }
0x576: {  	v2 =	vmax.f32 v2, v4;
	v4 =	vmax.f32 v18, v19;
	v8 =	vmax.f32 v20, v22;
	v16 =	vld [tilespmem:s22+$0xFFFFFFE0]  }
0x577: {  	v6 =	vmax.f32 v6, v7;
	v9 =	vmax.f32 v9, v2;
	v7 =	vmax.f32 v23, v24;
	v17 =	vld [tilespmem:s22+$0xFFFFFFF0];
	(xrf0) =	vmax.scan.msk.f32 $0xffff, v2  }
0x578: {  	v4 =	vmax.f32 v4, v8;
	v3 =	vmax.f32 v3, v5;
	v2 =	vmax.f32 v9, v6;
	v18 =	vld [tilespmem:s22+$0xC0];
	(xrf0) =	vmax.scan.msk.f32 $0xffff, v6  }
0x579: {  	v5 =	vbroadcast v33, $0x0;
	v3 =	vmax.f32 v7, v3;
	v2 =	vmax.f32 v2, v4;
	v19 =	vld [tilespmem:s22+$0xD0];
	(xrf0) =	vmax.scan.msk.f32 $0xffff, v4  }
0x57a: {  	v4 =	vbroadcast v27, $0x0;
	v9 =	vmax.f32 v2, v3;
	v20 =	vld [tilespmem:s22+$0xE0];
	(xrf0) =	vmax.scan.msk.f32 $0xffff, v3  }
0x57b: {  	s25 =	sadd.s32 $0x3, s23;
	s23 =	smov.u32 s24;
	v22 =	vld [tilespmem:s22+$0xFFFFFE80]  }
0x57c: {  	v2 =	vmov s25;
	v23 =	vld [tilespmem:s22+$0xFFFFFE90]  }
0x57d: {  	v25 =	vld [tilespmem:s22+$0xFFFFFEA0];
	v3, _, _ =	vpop (xrf0)  }
0x57e: {  	v24 =	vld [tilespmem:s22+$0xFFFFFEB0];
	[tilespmem:v21+s13+$0x0] =	vst.idx.msk vm0, v3;
	v3, _, _ =	vpop (xrf0)  }
0x57f: {  	v26 =	vld [tilespmem:s22+$0xFFFFFF80];
	[tilespmem:v5+s13+$0x0] =	vst.idx.msk vm0, v3;
	v3, _, _ =	vpop (xrf0)  }
0x580: {  	v28 =	vld [tilespmem:s22+$0xFFFFFF90];
	[tilespmem:v4+s13+$0x0] =	vst.idx.msk vm0, v3;
	v3, _, _ =	vpop (xrf0)  }
0x581: {  	v29 =	vld [tilespmem:s22+$0xFFFFFFA0];
	[tilespmem:v2+s13+$0x0] =	vst.idx.msk vm0, v3  }
0x582: {  	v31 =	vld [tilespmem:s22+$0xFFFFFFB0]  }
0x583: {  	v32 =	vld [tilespmem:s22+$0x80]  }
0x584: {  	v30 =	vld [tilespmem:s22+$0x90]  }
0x585: {  	v2 =	vld [tilespmem:s22+$0xFFFFFE00]  }
0x586: {  	v3 =	vld [tilespmem:s22+$0xFFFFFE10]  }
0x587: {  	v4 =	vld [tilespmem:s22+$0xFFFFFE20]  }
0x588: {  	v5 =	vld [tilespmem:s22+$0xFFFFFE30]  }
0x589: {  	v6 =	vld [tilespmem:s22+$0xFFFFFE40]  }
0x58a: {  	v7 =	vld [tilespmem:s22+$0xFFFFFE50]  }
0x58b: {  	v8 =	vld [tilespmem:s22+$0xFFFFFE60]  }
0x58c: {  	v34 =	vld [tilespmem:s22+$0xFFFFFE70]  }
0x58d: {  	v35 =	vld [tilespmem:s22+$0xFFFFFF00]  }
0x58e: {  	v36 =	vld [tilespmem:s22+$0xFFFFFF10]  }
0x58f: {  	v38 =	vld [tilespmem:s22+$0xFFFFFF20]  }
0x590: {  	v41 =	vld [tilespmem:s22+$0xFFFFFF30]  }
0x591: {  	v40 =	vld [tilespmem:s22+$0xFFFFFF40]  }
0x592: {  	v42 =	vld [tilespmem:s22+$0xFFFFFF50]  }
0x593: {  	v43 =	vld [tilespmem:s22+$0xFFFFFF60]  }
0x594: {  	v48 =	vld [tilespmem:s22+$0xFFFFFF70]  }
0x595: {  	v49 =	vld [tilespmem:s22+$0x0]  }
0x596: {  	v50 =	vld [tilespmem:s22+$0x10]  }
0x597: {  	v51 =	vld [tilespmem:s22+$0x20]  }
0x598: {  	v52 =	vld [tilespmem:s22+$0x30]  }
0x599: {  	v53 =	vld [tilespmem:s22+$0x40]  }
0x59a: {  	v54 =	vld [tilespmem:s22+$0x50]  }
0x59b: {  	v55 =	vld [tilespmem:s22+$0x60]  }
0x59c: {  	v56 =	vld [tilespmem:s22+$0x70]  }
0x59d: {  	v57 =	vld [tilespmem:s22+$0x100]  }
0x59e: {  	v58 =	vld [tilespmem:s22+$0x110]  }
0x59f: {  	v59 =	vld [tilespmem:s22+$0x120]  }
0x5a0: {  	v60 =	vld [tilespmem:s22+$0x130]  }
0x5a1: {  	v21 =	vmov s24;
	v61 =	vld [tilespmem:s22+$0x140]  }
0x5a2: {  	s26 =	sadd.s32 $0x2, s24;
	s25 =	sadd.s32 $0x1, s24;
	v21 =	vand.u32 $0xFFFFFFFC, v21;
	v62 =	vld [tilespmem:s22+$0x150]  }
0x5a3: {  	v39 =	vmov s26;
	v27 =	vmov s25;
	v21 =	vbroadcast v21, $0x0;
	v63 =	vld [tilespmem:s22+$0x160]  }
0x5a4: {  	v33 =	vand.u32 $0xFFFFFFFD, v27;
	v27 =	vand.u32 $0xFFFFFFFE, v39;
	v37 =	vmax.f32 v2, v6;
	v2 =	vld [tilespmem:s22+$0x170]  }
.Ltmp23:
0x5a5: {  	v44 =	vmax.f32 v3, v7;
	v45 =	vmax.f32 v4, v8;
	v39 =	vmax.f32 v5, v34;
	v34 =	vld [tilespmem:s22+$0xA0];
	(pc) =	sbr.rel @p0 .LBB2_32-.Ltmp23, $4  }
0x5a6: {  	v46 =	vmax.f32 v35, v40;
	v47 =	vmax.f32 v36, v42;
	v40 =	vmax.f32 v38, v43;
	v35 =	vld [tilespmem:s22+$0xB0]  }
0x5a7: {  	v48 =	vmax.f32 v41, v48;
	v49 =	vmax.f32 v49, v53;
	v41 =	vmax.f32 v50, v54;
	v36 =	vld [tilespmem:s22+$0x180]  }
0x5a8: {  	v50 =	vmax.f32 v51, v55;
	v51 =	vmax.f32 v52, v56;
	v42 =	vmax.f32 v57, v61;
	v43 =	vld [tilespmem:s22+$0x190]  }
0x5a9: {  	s24 =	sadd.s32 $0x4, s24;
	v52 =	vmax.f32 v58, v62;
	v53 =	vmax.f32 v59, v63;
	v38 =	vmax.f32 v60, v2;
	v54 =	vld [tilespmem:s22+$0x1A0]  }
0x5aa: {  	v2 =	vmax.f32 v37, v22;
	v3 =	vmax.f32 v44, v23;
	v4 =	vmax.f32 v45, v25  }
0x5ab: {  	v6 =	vmax.f32 v39, v24;
	v7 =	vmax.f32 v46, v26;
	v8 =	vmax.f32 v47, v28  }
0x5ac: {  	v40 =	vmax.f32 v40, v29;
	v44 =	vmax.f32 v48, v31;
	v45 =	vmax.f32 v49, v32  }
0x5ad: {  	v5 =	vld [tilespmem:s22+$0x1B0];
	v47 =	vmax.f32 v41, v30;
	v48 =	vmax.f32 v50, v34;
	v49 =	vmax.f32 v51, v35  }
0x5ae: {  	v63 =	vld [tilespmem:s22+$0xF0];
	v2 =	vmax.f32 v2, v10;
	v3 =	vmax.f32 v3, v12;
	v4 =	vmax.f32 v4, v11  }
0x5af: {  	v46 =	vld [tilespmem:s22+$0x1C0];
	v6 =	vmax.f32 v6, v13;
	v7 =	vmax.f32 v7, v14;
	v8 =	vmax.f32 v8, v15  }
0x5b0: {  	v50 =	vld [tilespmem:s22+$0x1D0];
	v11 =	vmax.f32 v40, v16;
	v57 =	vmax.f32 v44, v17;
	v58 =	vmax.f32 v45, v18  }
0x5b1: {  	v56 =	vld [tilespmem:s22+$0x1E0];
	v59 =	vmax.f32 v47, v19;
	v60 =	vmax.f32 v48, v20;
	v51 =	vmax.f32 v42, v36  }
0x5b2: {  	v10 =	vld [tilespmem:s22+$0x1F0];
	v2 =	vmax.f32 v2, v3;
	v4 =	vmax.f32 v4, v6;
	v6 =	vmax.f32 v7, v8  }
0x5b3: {  	v7 =	vmax.f32 v11, v57;
	v52 =	vmax.f32 v52, v43;
	v2 =	vmax.f32 v2, v4  }
0x5b4: {  	v4 =	vmax.f32 v58, v59;
	v6 =	vmax.f32 v6, v7;
	v55 =	vmax.f32 v53, v54  }
0x5b5: {  	v9 =	vmax.f32 v9, v2;
	v5 =	vmax.f32 v38, v5;
	v61 =	vmax.f32 v49, v63  }
0x5b6: {  	v62 =	vmax.f32 v51, v46;
	v63 =	vmax.f32 v52, v50;
	v3 =	vmax.f32 v55, v56  }
0x5b7: {  	v9 =	vmax.f32 v9, v6;
	v5 =	vmax.f32 v5, v10;
	v8 =	vmax.f32 v60, v61  }
0x5b8: {  	v7 =	vmax.f32 v62, v63;
	v4 =	vmax.f32 v4, v8;
	v3 =	vmax.f32 v3, v5  }
0x5b9: {  	v5 =	vmax.f32 v9, v4;
	v3 =	vmax.f32 v7, v3  }
0x5ba: {  	v5 =	vmax.f32 v5, v3  }
0x5bb: {  	(xrf1) =	vsort.dscd.msk.f32 $0xffff, v5, v5  }
0x5bc: {  	(xrf0) =	vmax.scan.msk.f32 $0xffff, v2  }
0x5bd: {  	(xrf0) =	vmax.scan.msk.f32 $0xffff, v6  }
0x5be: {  	v2 =	vbroadcast v33, $0x0;
	(xrf0) =	vmax.scan.msk.f32 $0xffff, v4  }
0x5bf: {  	v4 =	vbroadcast v27, $0x0;
	(xrf0) =	vmax.scan.msk.f32 $0xffff, v3  }
0x5c0: {  	s31 =	sadd.s32 $0x3, s23  }
0x5c1: {  	v3 =	vmov s31  }
0x5c2: {  	v5, _, _ =	vpop (xrf0)  }
0x5c3: {  	[tilespmem:v21+s13+$0x0] =	vst.idx.msk vm0, v5;
	v5, _, _ =	vpop (xrf0)  }
0x5c4: {  	[tilespmem:v2+s13+$0x0] =	vst.idx.msk vm0, v5;
	v2, _, _ =	vpop (xrf0)  }
0x5c5: {  	[tilespmem:v4+s13+$0x0] =	vst.idx.msk vm0, v2;
	v2, _, _ =	vpop (xrf0)  }
0x5c6: {  	[tilespmem:v3+s13+$0x0] =	vst.idx.msk vm0, v2  }
0x5c7: {  	v2 =	vld [tilespmem:$0x10000];
	_ =	sdelay $0x1  }
0x5c8: {  	v3, _, _ =	vpop (xrf1)  }
0x5c9: {  	v9 =	vbroadcast v3, $0x7;
	_ =	sdelay $0x1  }
0x5ca: {  	vm1 =	vge.f32 v2, v9  }
0x5cb: {  	v2 =	vsel vm1, $0x1, v1  }
0x5cc: {  	(xrf0) =	vadd.scan.msk.s32 $0xffff, v2;
	_ =	sdelay $0x5  }
0x5cd: {  	v2, _, _ =	vpop (xrf0)  }
0x5ce: {  	v2 =	vadd.s32 $0xFFFFFFFF, v2;
	_ =	sdelay $0x3  }
0x5cf: {  	s22 =	simm.s32 $0x10080;
	v6 =	vlaneseq.u32  }
0x5d0: {  	[tilespmem:v2+s22+$0x0] =	vst.idx.msk vm1, v6  }
0x5d1: {  	v2 =	vld [tilespmem:$0x10010];
	_ =	sdelay $0x4  }
0x5d2: {  	vm2 =	vge.f32 v2, v9  }
0x5d3: {  	v2 =	vsel vm2, $0x1, v1  }
0x5d4: {  	(xrf0) =	vadd.scan.msk.s32 $0xffff, v2;
	_ =	sdelay $0x4  }
0x5d5: {  	v2 =	vmpcnt.ones.xlane vm1  }
0x5d6: {  	v3, _, _ =	vpop (xrf0)  }
0x5d7: {  	v3 =	vadd.s32 v3, v2  }
0x5d8: {  	v3 =	vadd.s32 $0xFFFFFFFF, v3;
	_ =	sdelay $0x4  }
0x5d9: {  	[tilespmem:v3+s22+$0x0] =	vst.idx.msk vm2, v0  }
0x5da: {  	v3 =	vld [tilespmem:$0x10020];
	_ =	sdelay $0x4  }
0x5db: {  	vm1 =	vge.f32 v3, v9  }
0x5dc: {  	v3 =	vsel vm1, $0x1, v1  }
0x5dd: {  	(xrf0) =	vadd.scan.msk.s32 $0xffff, v3;
	_ =	sdelay $0x1  }
0x5de: {  	v3 =	vmpcnt.ones.xlane vm2;
	_ =	sdelay $0x3  }
0x5df: {  	v2 =	vadd.s32 v2, v3;
	v3, _, _ =	vpop (xrf0)  }
0x5e0: {  	v3 =	vadd.s32 v3, v2  }
0x5e1: {  	v8 =	vmov v0;
	v0 =	vld [tilespmem:$0x1FFA0];
	v3 =	vadd.s32 $0xFFFFFFFF, v3;
	_ =	sdelay $0x4  }
0x5e2: {  	[tilespmem:v3+s22+$0x0] =	vst.idx.msk vm1, v0  }
0x5e3: {  	v3 =	vld [tilespmem:$0x10030];
	_ =	sdelay $0x4  }
0x5e4: {  	vm2 =	vge.f32 v3, v9  }
0x5e5: {  	v3 =	vsel vm2, $0x1, v1  }
0x5e6: {  	(xrf0) =	vadd.scan.msk.s32 $0xffff, v3;
	_ =	sdelay $0x1  }
0x5e7: {  	v3 =	vmpcnt.ones.xlane vm1;
	_ =	sdelay $0x3  }
0x5e8: {  	v2 =	vadd.s32 v2, v3;
	v3, _, _ =	vpop (xrf0)  }
0x5e9: {  	v3 =	vadd.s32 v3, v2  }
0x5ea: {  	v0 =	vld [tilespmem:$0x1FFB0];
	v3 =	vadd.s32 $0xFFFFFFFF, v3;
	_ =	sdelay $0x4  }
0x5eb: {  	[tilespmem:v3+s22+$0x0] =	vst.idx.msk vm2, v0  }
0x5ec: {  	v3 =	vld [tilespmem:$0x10040];
	_ =	sdelay $0x4  }
0x5ed: {  	vm1 =	vge.f32 v3, v9  }
0x5ee: {  	v3 =	vsel vm1, $0x1, v1  }
0x5ef: {  	(xrf0) =	vadd.scan.msk.s32 $0xffff, v3;
	_ =	sdelay $0x1  }
0x5f0: {  	v3 =	vmpcnt.ones.xlane vm2;
	_ =	sdelay $0x3  }
0x5f1: {  	v2 =	vadd.s32 v2, v3;
	v3, _, _ =	vpop (xrf0)  }
0x5f2: {  	v3 =	vadd.s32 v3, v2  }
0x5f3: {  	v0 =	vld [tilespmem:$0x1FFC0];
	v3 =	vadd.s32 $0xFFFFFFFF, v3;
	_ =	sdelay $0x4  }
0x5f4: {  	[tilespmem:v3+s22+$0x0] =	vst.idx.msk vm1, v0  }
0x5f5: {  	v3 =	vld [tilespmem:$0x10050];
	_ =	sdelay $0x4  }
0x5f6: {  	vm2 =	vge.f32 v3, v9  }
0x5f7: {  	v3 =	vsel vm2, $0x1, v1  }
0x5f8: {  	(xrf0) =	vadd.scan.msk.s32 $0xffff, v3;
	_ =	sdelay $0x1  }
0x5f9: {  	v3 =	vmpcnt.ones.xlane vm1;
	_ =	sdelay $0x3  }
0x5fa: {  	v2 =	vadd.s32 v2, v3;
	v3, _, _ =	vpop (xrf0)  }
0x5fb: {  	v3 =	vadd.s32 v3, v2  }
0x5fc: {  	v0 =	vld [tilespmem:$0x1FFD0];
	v3 =	vadd.s32 $0xFFFFFFFF, v3;
	_ =	sdelay $0x4  }
0x5fd: {  	[tilespmem:v3+s22+$0x0] =	vst.idx.msk vm2, v0  }
0x5fe: {  	v3 =	vld [tilespmem:$0x10060];
	_ =	sdelay $0x4  }
0x5ff: {  	vm1 =	vge.f32 v3, v9  }
0x600: {  	v3 =	vsel vm1, $0x1, v1  }
0x601: {  	(xrf0) =	vadd.scan.msk.s32 $0xffff, v3;
	_ =	sdelay $0x1  }
0x602: {  	v3 =	vmpcnt.ones.xlane vm2;
	_ =	sdelay $0x3  }
0x603: {  	v2 =	vadd.s32 v2, v3;
	v3, _, _ =	vpop (xrf0)  }
0x604: {  	v3 =	vadd.s32 v3, v2  }
0x605: {  	v0 =	vld [tilespmem:$0x1FFE0];
	v3 =	vadd.s32 $0xFFFFFFFF, v3;
	_ =	sdelay $0x4  }
0x606: {  	[tilespmem:v3+s22+$0x0] =	vst.idx.msk vm1, v0  }
0x607: {  	v3 =	vld [tilespmem:$0x10070];
	_ =	sdelay $0x4  }
0x608: {  	v4 =	vmpcnt.ones.xlane vm1;
	vm1 =	vge.f32 v3, v9  }
0x609: {  	v3 =	vmpcnt.ones.xlane vm1  }
0x60a: {  	v2 =	vadd.s32 v2, v4  }
0x60b: {  	v3 =	vadd.s32 v2, v3  }
0x60c: {  	(v2sf) =	vpush v3, $0x0;
	_ =	sdelay $0x6  }
0x60d: {  	v3 =	vsel vm1, $0x1, v1  }
0x60e: {  	(xrf0) =	vadd.scan.msk.s32 $0xffff, v3;
	_ =	sdelay $0x5  }
0x60f: {  	v3, _, _ =	vpop (xrf0)  }
0x610: {  	v2 =	vadd.s32 v3, v2;
	s23 =	spop (v2sf)  }
0x611: {  	v0 =	vld [tilespmem:$0x1FFF0];
	v2 =	vadd.s32 $0xFFFFFFFF, v2;
	p0 =	slt.s32 s23, $0x1  }
.Ltmp24:
0x612: {  	_ = 	snop;
	(pc) =	sbr.rel @p0 .LBB2_35-.Ltmp24, $2  }
0x613: {  	_ =	sdelay $0x2  }
0x614: {  	v10 =	vimm.s32 $0x0;
	[tilespmem:v2+s22+$0x0] =	vst.idx.msk vm1, v0  }
.LBB2_34:
0x615: {  	v2 =	vld [tilespmem:s22+$0x0];
	_ =	sdelay $0x4  }
0x616: {  	(v2sf) =	vpush v2, $0x0;
	_ =	sdelay $0xe  }
0x617: {  	s24 =	spop (v2sf)  }
0x618: {  	s24 =	sshll.u32 s24, $0xA  }
0x619: {  	s24 =	sshra.s32 s24, $0x2  }
0x61a: {  	v2 =	vld [tilespmem:s24+$0x8000];
	_ =	sdelay $0x4  }
0x61b: {  	vm1 =	vge.f32 v2, v9  }
0x61c: {  	v3 =	vsel vm1, $0x1, v1  }
0x61d: {  	(xrf0) =	vadd.scan.msk.s32 $0xffff, v3;
	_ =	sdelay $0x5  }
0x61e: {  	v3, _, _ =	vpop (xrf0)  }
0x61f: {  	v3 =	vadd.s32 v3, v10  }
0x620: {  	v3 =	vadd.s32 $0xFFFFFFFF, v3;
	_ =	sdelay $0x4  }
0x621: {  	[tilespmem:v3+s14+$0x0] =	vst.idx.msk vm1, v2  }
0x622: {  	v2 =	vld [tilespmem:s24+$0x8010];
	_ =	sdelay $0x4  }
0x623: {  	vm2 =	vge.f32 v2, v9  }
0x624: {  	v3 =	vsel vm2, $0x1, v1  }
0x625: {  	(xrf0) =	vadd.scan.msk.s32 $0xffff, v3;
	_ =	sdelay $0x3  }
0x626: {  	v3 =	vmpcnt.ones.xlane vm1;
	_ =	sdelay $0x1  }
0x627: {  	v3 =	vadd.s32 v10, v3;
	v4, _, _ =	vpop (xrf0)  }
0x628: {  	v4 =	vadd.s32 v4, v3  }
0x629: {  	v4 =	vadd.s32 $0xFFFFFFFF, v4;
	_ =	sdelay $0x4  }
0x62a: {  	[tilespmem:v4+s14+$0x0] =	vst.idx.msk vm2, v2  }
0x62b: {  	v2 =	vld [tilespmem:s24+$0x8020];
	_ =	sdelay $0x4  }
0x62c: {  	vm1 =	vge.f32 v2, v9  }
0x62d: {  	v4 =	vsel vm1, $0x1, v1  }
0x62e: {  	(xrf0) =	vadd.scan.msk.s32 $0xffff, v4;
	_ =	sdelay $0x1  }
0x62f: {  	v4 =	vmpcnt.ones.xlane vm2;
	_ =	sdelay $0x3  }
0x630: {  	v3 =	vadd.s32 v3, v4;
	v4, _, _ =	vpop (xrf0)  }
0x631: {  	v4 =	vadd.s32 v4, v3  }
0x632: {  	v4 =	vadd.s32 $0xFFFFFFFF, v4;
	_ =	sdelay $0x4  }
0x633: {  	[tilespmem:v4+s14+$0x0] =	vst.idx.msk vm1, v2  }
0x634: {  	v2 =	vld [tilespmem:s24+$0x8030];
	_ =	sdelay $0x4  }
0x635: {  	vm2 =	vge.f32 v2, v9  }
0x636: {  	v4 =	vsel vm2, $0x1, v1  }
0x637: {  	(xrf0) =	vadd.scan.msk.s32 $0xffff, v4;
	_ =	sdelay $0x1  }
0x638: {  	v4 =	vmpcnt.ones.xlane vm1;
	_ =	sdelay $0x3  }
0x639: {  	v3 =	vadd.s32 v3, v4;
	v4, _, _ =	vpop (xrf0)  }
0x63a: {  	v4 =	vadd.s32 v4, v3  }
0x63b: {  	v4 =	vadd.s32 $0xFFFFFFFF, v4;
	_ =	sdelay $0x4  }
0x63c: {  	[tilespmem:v4+s14+$0x0] =	vst.idx.msk vm2, v2  }
0x63d: {  	v2 =	vld [tilespmem:s24+$0x8040];
	_ =	sdelay $0x4  }
0x63e: {  	vm1 =	vge.f32 v2, v9  }
0x63f: {  	v4 =	vsel vm1, $0x1, v1  }
0x640: {  	(xrf0) =	vadd.scan.msk.s32 $0xffff, v4;
	_ =	sdelay $0x1  }
0x641: {  	v4 =	vmpcnt.ones.xlane vm2;
	_ =	sdelay $0x3  }
0x642: {  	v3 =	vadd.s32 v3, v4;
	v4, _, _ =	vpop (xrf0)  }
0x643: {  	v4 =	vadd.s32 v4, v3  }
0x644: {  	v4 =	vadd.s32 $0xFFFFFFFF, v4;
	_ =	sdelay $0x4  }
0x645: {  	[tilespmem:v4+s14+$0x0] =	vst.idx.msk vm1, v2  }
0x646: {  	v2 =	vld [tilespmem:s24+$0x8050];
	_ =	sdelay $0x4  }
0x647: {  	vm2 =	vge.f32 v2, v9  }
0x648: {  	v4 =	vsel vm2, $0x1, v1  }
0x649: {  	(xrf0) =	vadd.scan.msk.s32 $0xffff, v4;
	_ =	sdelay $0x1  }
0x64a: {  	v4 =	vmpcnt.ones.xlane vm1;
	_ =	sdelay $0x3  }
0x64b: {  	v3 =	vadd.s32 v3, v4;
	v4, _, _ =	vpop (xrf0)  }
0x64c: {  	v4 =	vadd.s32 v4, v3  }
0x64d: {  	v4 =	vadd.s32 $0xFFFFFFFF, v4;
	_ =	sdelay $0x4  }
0x64e: {  	[tilespmem:v4+s14+$0x0] =	vst.idx.msk vm2, v2  }
0x64f: {  	v2 =	vld [tilespmem:s24+$0x8060];
	_ =	sdelay $0x4  }
0x650: {  	vm1 =	vge.f32 v2, v9  }
0x651: {  	v4 =	vsel vm1, $0x1, v1  }
0x652: {  	(xrf0) =	vadd.scan.msk.s32 $0xffff, v4;
	_ =	sdelay $0x1  }
0x653: {  	v4 =	vmpcnt.ones.xlane vm2;
	_ =	sdelay $0x3  }
0x654: {  	v3 =	vadd.s32 v3, v4;
	v4, _, _ =	vpop (xrf0)  }
0x655: {  	v4 =	vadd.s32 v4, v3  }
0x656: {  	v4 =	vadd.s32 $0xFFFFFFFF, v4;
	_ =	sdelay $0x4  }
0x657: {  	[tilespmem:v4+s14+$0x0] =	vst.idx.msk vm1, v2  }
0x658: {  	v2 =	vld [tilespmem:s24+$0x8070];
	_ =	sdelay $0x4  }
0x659: {  	vm2 =	vge.f32 v2, v9  }
0x65a: {  	v4 =	vsel vm2, $0x1, v1  }
0x65b: {  	(xrf0) =	vadd.scan.msk.s32 $0xffff, v4;
	_ =	sdelay $0x1  }
0x65c: {  	v4 =	vmpcnt.ones.xlane vm1;
	_ =	sdelay $0x3  }
0x65d: {  	v3 =	vadd.s32 v3, v4;
	v4, _, _ =	vpop (xrf0)  }
0x65e: {  	v4 =	vadd.s32 v4, v3  }
0x65f: {  	v4 =	vadd.s32 $0xFFFFFFFF, v4;
	_ =	sdelay $0x4  }
0x660: {  	[tilespmem:v4+s14+$0x0] =	vst.idx.msk vm2, v2  }
0x661: {  	v2 =	vld [tilespmem:s24+$0x8080];
	_ =	sdelay $0x4  }
0x662: {  	vm1 =	vge.f32 v2, v9  }
0x663: {  	v4 =	vsel vm1, $0x1, v1  }
0x664: {  	(xrf0) =	vadd.scan.msk.s32 $0xffff, v4;
	_ =	sdelay $0x1  }
0x665: {  	v4 =	vmpcnt.ones.xlane vm2;
	_ =	sdelay $0x3  }
0x666: {  	v3 =	vadd.s32 v3, v4;
	v4, _, _ =	vpop (xrf0)  }
0x667: {  	v4 =	vadd.s32 v4, v3  }
0x668: {  	v4 =	vadd.s32 $0xFFFFFFFF, v4;
	_ =	sdelay $0x4  }
0x669: {  	[tilespmem:v4+s14+$0x0] =	vst.idx.msk vm1, v2  }
0x66a: {  	v2 =	vld [tilespmem:s24+$0x8090];
	_ =	sdelay $0x4  }
0x66b: {  	vm2 =	vge.f32 v2, v9  }
0x66c: {  	v4 =	vsel vm2, $0x1, v1  }
0x66d: {  	(xrf0) =	vadd.scan.msk.s32 $0xffff, v4;
	_ =	sdelay $0x1  }
0x66e: {  	v4 =	vmpcnt.ones.xlane vm1;
	_ =	sdelay $0x3  }
0x66f: {  	v3 =	vadd.s32 v3, v4;
	v4, _, _ =	vpop (xrf0)  }
0x670: {  	v4 =	vadd.s32 v4, v3  }
0x671: {  	v4 =	vadd.s32 $0xFFFFFFFF, v4;
	_ =	sdelay $0x4  }
0x672: {  	[tilespmem:v4+s14+$0x0] =	vst.idx.msk vm2, v2  }
0x673: {  	v2 =	vld [tilespmem:s24+$0x80A0];
	_ =	sdelay $0x4  }
0x674: {  	vm1 =	vge.f32 v2, v9  }
0x675: {  	v4 =	vsel vm1, $0x1, v1  }
0x676: {  	(xrf0) =	vadd.scan.msk.s32 $0xffff, v4;
	_ =	sdelay $0x1  }
0x677: {  	v4 =	vmpcnt.ones.xlane vm2;
	_ =	sdelay $0x3  }
0x678: {  	v3 =	vadd.s32 v3, v4;
	v4, _, _ =	vpop (xrf0)  }
0x679: {  	v4 =	vadd.s32 v4, v3  }
0x67a: {  	v4 =	vadd.s32 $0xFFFFFFFF, v4;
	_ =	sdelay $0x4  }
0x67b: {  	[tilespmem:v4+s14+$0x0] =	vst.idx.msk vm1, v2  }
0x67c: {  	v2 =	vld [tilespmem:s24+$0x80B0];
	_ =	sdelay $0x4  }
0x67d: {  	vm2 =	vge.f32 v2, v9  }
0x67e: {  	v4 =	vsel vm2, $0x1, v1  }
0x67f: {  	(xrf0) =	vadd.scan.msk.s32 $0xffff, v4;
	_ =	sdelay $0x1  }
0x680: {  	v4 =	vmpcnt.ones.xlane vm1;
	_ =	sdelay $0x3  }
0x681: {  	v3 =	vadd.s32 v3, v4;
	v4, _, _ =	vpop (xrf0)  }
0x682: {  	v4 =	vadd.s32 v4, v3  }
0x683: {  	v4 =	vadd.s32 $0xFFFFFFFF, v4;
	_ =	sdelay $0x4  }
0x684: {  	[tilespmem:v4+s14+$0x0] =	vst.idx.msk vm2, v2  }
0x685: {  	v2 =	vld [tilespmem:s24+$0x80C0];
	_ =	sdelay $0x4  }
0x686: {  	vm1 =	vge.f32 v2, v9  }
0x687: {  	v4 =	vsel vm1, $0x1, v1  }
0x688: {  	(xrf0) =	vadd.scan.msk.s32 $0xffff, v4;
	_ =	sdelay $0x1  }
0x689: {  	v4 =	vmpcnt.ones.xlane vm2;
	_ =	sdelay $0x3  }
0x68a: {  	v3 =	vadd.s32 v3, v4;
	v4, _, _ =	vpop (xrf0)  }
0x68b: {  	v4 =	vadd.s32 v4, v3  }
0x68c: {  	v4 =	vadd.s32 $0xFFFFFFFF, v4;
	_ =	sdelay $0x4  }
0x68d: {  	[tilespmem:v4+s14+$0x0] =	vst.idx.msk vm1, v2  }
0x68e: {  	v2 =	vld [tilespmem:s24+$0x80D0];
	_ =	sdelay $0x4  }
0x68f: {  	vm2 =	vge.f32 v2, v9  }
0x690: {  	v4 =	vsel vm2, $0x1, v1  }
0x691: {  	(xrf0) =	vadd.scan.msk.s32 $0xffff, v4;
	_ =	sdelay $0x1  }
0x692: {  	v4 =	vmpcnt.ones.xlane vm1;
	_ =	sdelay $0x3  }
0x693: {  	v3 =	vadd.s32 v3, v4;
	v4, _, _ =	vpop (xrf0)  }
0x694: {  	v4 =	vadd.s32 v4, v3  }
0x695: {  	v4 =	vadd.s32 $0xFFFFFFFF, v4;
	_ =	sdelay $0x4  }
0x696: {  	[tilespmem:v4+s14+$0x0] =	vst.idx.msk vm2, v2  }
0x697: {  	v2 =	vld [tilespmem:s24+$0x80E0];
	_ =	sdelay $0x4  }
0x698: {  	vm1 =	vge.f32 v2, v9  }
0x699: {  	v4 =	vsel vm1, $0x1, v1  }
0x69a: {  	(xrf0) =	vadd.scan.msk.s32 $0xffff, v4;
	_ =	sdelay $0x1  }
0x69b: {  	v4 =	vmpcnt.ones.xlane vm2;
	_ =	sdelay $0x3  }
0x69c: {  	v3 =	vadd.s32 v3, v4;
	v4, _, _ =	vpop (xrf0)  }
0x69d: {  	v4 =	vadd.s32 v4, v3  }
0x69e: {  	v4 =	vadd.s32 $0xFFFFFFFF, v4;
	_ =	sdelay $0x4  }
0x69f: {  	[tilespmem:v4+s14+$0x0] =	vst.idx.msk vm1, v2  }
0x6a0: {  	v2 =	vld [tilespmem:s24+$0x80F0];
	_ =	sdelay $0x4  }
0x6a1: {  	vm2 =	vge.f32 v2, v9  }
0x6a2: {  	v4 =	vsel vm2, $0x1, v1  }
0x6a3: {  	(xrf0) =	vadd.scan.msk.s32 $0xffff, v4;
	_ =	sdelay $0x1  }
0x6a4: {  	v4 =	vmpcnt.ones.xlane vm1;
	_ =	sdelay $0x3  }
0x6a5: {  	v3 =	vadd.s32 v3, v4;
	v4, _, _ =	vpop (xrf0)  }
0x6a6: {  	v4 =	vadd.s32 v4, v3  }
0x6a7: {  	p0 =	sne.s32 s23, $0x1;
	v4 =	vadd.s32 $0xFFFFFFFF, v4  }
.Ltmp25:
0x6a8: {  	_ = 	snop;
	(pc) =	sbr.rel @p0 .LBB2_34-.Ltmp25, $3  }
0x6a9: {  	_ = 	snop  }
0x6aa: {  	v5 =	vmpcnt.ones.xlane vm2;
	_ =	sdelay $0x1  }
0x6ab: {  	s22 =	sadd.s32 $0x1, s22;
	s23 =	sadd.s32 $0xFFFFFFFF, s23;
	v10 =	vadd.s32 v3, v5;
	[tilespmem:v4+s14+$0x0] =	vst.idx.msk vm2, v2  }
.LBB2_35:
0x6ac: {  	(v2sf) =	vpush v10, $0x0;
	_ =	sdelay $0xe  }
0x6ad: {  	s22 =	spop (v2sf)  }
0x6ae: {  	s22 =	sadd.s32 $0xF, s22  }
0x6af: {  	s23 =	sand.u32 $0xF, s22  }
0x6b0: {  	s24 =	sshra.s32 s22, $0x1F;
	p0 =	slt.s32 s22, $0x1;
	p1 =	sne.s32 s23, $0x0  }
0x6b1: {  	s31 =	sshrl.u32 s24, $0x1C;
	p0 =	por !p0, !p1  }
0x6b2: {  	s23 =	simm.s32 $0x1;
	s22 =	sadd.s32 s31, s22;
	p0 =	por !p0, !p0  }
0x6b3: {  	s22 =	sshra.s32 s22, $0x4;
	s23 =	simm.s32 @!p0 $0x0  }
0x6b4: {  	s23 =	ssub.s32 s22, s23  }
0x6b5: {  	v2 =	vadd.s32 v6, v10;
	p0 =	slt.s32 s23, $0x1  }
.Ltmp26:
0x6b6: {  	_ = 	snop;
	(pc) =	sbr.rel @p0 .LBB2_41-.Ltmp26, $3  }
0x6b7: {  	_ =	sdelay $0x1  }
0x6b8: {  	v9 =	vimm.f32 $-Inf;
	s22 =	simm.s32 $0x10180  }
0x6b9: {  	[tilespmem:v2+s22+$0x0] =	vst.idx.msk $0xffff, v9  }
0x6ba: {  	p1 =	sne.s32 s23, $0x1  }
.Ltmp27:
0x6bb: {  	_ = 	snop;
	(pc) =	sbr.rel @!p1 .LBB2_37-.Ltmp27, $2  }
0x6bc: {  	_ =	sdelay $0x2  }
0x6bd: {  	v11 =	vld [tilespmem:s22+$0x0];
	s23 =	sadd.s32 $0xFFFFFFFF, s23;
	p0 =	por $0x0, $0x0;
	v10 =	vmul.u32 $0xFFFFFFFF, v6  }
0x6be: {  	_ =	sdelay $0x3  }
0x6bf: {  	(xrf1) =	vsort.dscd.msk.f32 $0xffff, v11, v11;
	_ =	sdelay $0x7  }
0x6c0: {  	p1 =	sne.s32 s23, $0x1  }
.Ltmp28:
0x6c1: {  	_ = 	snop;
	(pc) =	sbr.rel @!p1 .LBB2_40-.Ltmp28, $3  }
0x6c2: {  	_ =	sdelay $0x1  }
0x6c3: {  	s22 =	sadd.s32 $0x10, s22;
	v12 =	vadd.s32 $0xF, v10  }
0x6c4: {  	s23 =	sadd.s32 $0xFFFFFFFF, s23;
	p0 =	por $0x1, $0x1;
	v13 =	vperm.xlane v9, v12;
	v11 =	vld [tilespmem:s22+$0x0]  }
.LBB2_39:
0x6c5: {  	p1 =	sne.s32 s23, $0x1;
	v2, _, _ =	vpop (xrf1)  }
0x6c6: {  	v2 =	vmax.f32 v2, v13  }
0x6c7: {  	(xrf1) =	vsort.dscd.msk.f32 $0xffff, v2, v2;
	_ =	sdelay $0x1  }
0x6c8: {  	(xrf1) =	vsort.dscd.msk.f32 $0xffff, v11, v11;
	_ =	sdelay $0x8  }
.Ltmp29:
0x6c9: {  	(pc) =	sbr.rel @p1 .LBB2_39-.Ltmp29, $3  }
0x6ca: {  	_ =	sdelay $0x1  }
0x6cb: {  	s22 =	sadd.s32 $0x10, s22;
	v2, _, _ =	vpop (xrf1)  }
0x6cc: {  	s23 =	sadd.s32 $0xFFFFFFFF, s23;
	v11 =	vld [tilespmem:s22+$0x0];
	v13 =	vperm.xlane v2, v12  }
.Ltmp30:
0x6cd: {  	_ = 	snop;
	(pc) =	sbr.rel .LBB2_40-.Ltmp30, $1  }
0x6ce: {  	_ =	sdelay $0x3  }
.LBB2_7:
.Ltmp31:
0x6cf: {  	(pc) =	sbr.rel .LBB2_10-.Ltmp31, $2  }
0x6d0: {  	_ =	sdelay $0x2  }
0x6d1: {  	_ = 	snop  }
.LBB2_17:
.Ltmp32:
0x6d2: {  	(pc) =	sbr.rel .LBB2_20-.Ltmp32, $2  }
0x6d3: {  	_ =	sdelay $0x2  }
0x6d4: {  	_ = 	snop  }
.LBB2_27:
.Ltmp33:
0x6d5: {  	(pc) =	sbr.rel .LBB2_30-.Ltmp33, $2  }
0x6d6: {  	_ =	sdelay $0x2  }
0x6d7: {  	_ = 	snop  }
.LBB2_42:
0x6d8: {  	_ =	sfence.sel $0x180000  }
0x6d9: {  	[bflag:$0x0] =	sbarrier.arrive $0xFFFF  }
0x6da: {  	p0 =	sne.s32 s1, $0x0;
	_ =	strace $0x90000047  }
0x6db: {  	s0 =	sadd.s32 @!p0 $0x100000, s0;
	[bflag:$0x2] =	sbarrier.arrive $0xFFFF  }
0x6dc: {  	[sflag:s0] =	ssyncadd.tile.s32 @!p0 $0x1;
	_ =	shalt  }
.Lfunc_end2:
_tile_overlayer_lowered:
.L_overlay_start_2:
0x6dd: {  	(tag) =	ssettag $0x2  }
0x6de: {  	s0 =	rddreg [dreg:$0x0];
	s2 =	stileid.u32  }
0x6df: {  	s1 =	rddreg [dreg:$0x1];
	p0 =	sne.s32 s2, $0x0  }
0x6e0: {  	s3 =	rddreg [dreg:$0x2];
	[bflag:$0x3] =	sbarrier.arrive $0xFFFF;
	s2 =	simm.s32 @!p0 $0x1C03  }
0x6e1: {  	[timem:s3], [sflag:s2] =	dma.local @!p0 [hbm:s0], s1  }
0x6e2: {  	s0 =	simm.s32 @!p0 $0x3  }
0x6e3: {  	_ =	swait.ge @!p0 [sflag:s0], s1  }
0x6e4: {  	s1 =	ssub.s32 @!p0 $0x0, s1;
	[sflag:s0] =	ssyncset.done @!p0 $0x0  }
0x6e5: {  	[sflag:s0] =	ssyncadd.s32 @!p0 s1  }
0x6e6: {  	[bflag:$0x3] =	sbarrier.arrive $0xFFFF  }
0x6e7: {  	_ =	shalt  }

</sc_bundles>
